<compile_context>
chip_gen: v7x
topology: tpu7x:2x2x1
jax: 0.10.2.dev20260603
libtpu: 0.0.44.dev20260713+nightly
codegen_flags: <defaults>
</compile_context>

<pallas_src>
import functools
import math

import jax
import jax.numpy as jnp
from jax import lax
from jax.experimental import pallas as pl
from jax.experimental.pallas import tpu as pltpu
from jax.experimental.pallas import tpu_sc as plsc

N = 10000
E = 640000
D_IN = 128
H = 128
OUT = 768
VOCAB = 1000
G = 16
EPS = 1e-5

NC = 2
NS = 16
NW = NC * NS
CH = 128

E_PAD = 663552
EPW = E_PAD // NW
NCHUNK = EPW // CH

NID_PAD = 12288
ROWS_PER_W = NID_PAD // NW

ACC_ROWS = 10112
RPT = ACC_ROWS // NS
DUMMY = N

def _sc_mesh():
    return plsc.VectorSubcoreMesh(
        core_axis_name="c", subcore_axis_name="s",
        num_cores=NC, num_subcores=NS)


@functools.cache
def _get_sc_pre():
    return functools.partial(
        pl.kernel,
        out_type=(
            jax.ShapeDtypeStruct((NID_PAD, H), jnp.float32),
            jax.ShapeDtypeStruct((NC, ACC_ROWS, H), jnp.float32),
        ),
        mesh=_sc_mesh(),
        scratch_types=[
            pltpu.VMEM((CH,), jnp.int32),
            pltpu.VMEM((CH,), jnp.int32),
            pltpu.VMEM((CH,), jnp.int32),
            pltpu.VMEM((CH, H), jnp.float32),
            pltpu.VMEM_SHARED((ACC_ROWS, H), jnp.float32),
            pltpu.SemaphoreType.DMA,
            pltpu.SemaphoreType.DMA,
            pltpu.SemaphoreType.DMA,
        ],
    )(_sc_pre_body)


def _sc_pre_body(ids_hbm, dst_hbm, oh_hbm, z_hbm, emb_hbm,
                 embrows_hbm, deg_hbm,
                 di0, di1, ei_v, buf_v, acc_s, egsem, ds0, ds1):
    didx = [di0, di1]
    dsem = [ds0, ds1]
    ci = lax.axis_index("c")
    si = lax.axis_index("s")
    w = si * NC + ci
    row0 = si * RPT

    pltpu.sync_copy(z_hbm, buf_v)
    for k in range(4):
        pltpu.sync_copy(buf_v, acc_s.at[pl.ds(row0 + k * CH, CH)])
    pltpu.sync_copy(buf_v.at[pl.ds(0, RPT - 4 * CH)],
                    acc_s.at[pl.ds(row0 + 4 * CH, RPT - 4 * CH)])

    gbase = w * ROWS_PER_W
    for k in range(ROWS_PER_W // CH):
        b = gbase + k * CH
        pltpu.sync_copy(ids_hbm.at[pl.ds(b, CH)], ei_v)
        pltpu.async_copy(emb_hbm.at[ei_v], buf_v, egsem).wait()
        pltpu.sync_copy(buf_v, embrows_hbm.at[pl.ds(b, CH)])

    pltpu.sync_copy(oh_hbm, buf_v)
    plsc.subcore_barrier()

    ebase = w * EPW
    pltpu.sync_copy(dst_hbm.at[pl.ds(ebase, CH)], didx[0])

    def body(c0, carry):
        for bb in range(2):
            c = c0 * 2 + bb
            pltpu.async_copy(buf_v, acc_s.at[didx[bb]], dsem[bb], add=True)

            @pl.when(c + 1 < NCHUNK)
            def _():
                bq = (bb + 1) % 2

                @pl.when(c >= 1)
                def _():
                    pltpu.make_async_copy(buf_v, acc_s.at[didx[bq]],
                                          dsem[bq]).wait()

                pltpu.sync_copy(dst_hbm.at[pl.ds(ebase + (c + 1) * CH, CH)],
                                didx[bq])
        return carry

    lax.fori_loop(0, NCHUNK // 2, body, 0)
    for b in ((NCHUNK - 2) % 2, (NCHUNK - 1) % 2):
        pltpu.make_async_copy(buf_v, acc_s.at[didx[b]], dsem[b]).wait()

    plsc.subcore_barrier()
    for k in range(4):
        r = row0 + k * CH
        pltpu.sync_copy(acc_s.at[pl.ds(r, CH)], deg_hbm.at[ci, pl.ds(r, CH)])
    r = row0 + 4 * CH
    pltpu.sync_copy(acc_s.at[pl.ds(r, RPT - 4 * CH)],
                    deg_hbm.at[ci, pl.ds(r, RPT - 4 * CH)])


@functools.cache
def _get_sc_spmm():
    return functools.partial(
        pl.kernel,
        out_type=jax.ShapeDtypeStruct((NC, ACC_ROWS, H), jnp.float32),
        mesh=_sc_mesh(),
        scratch_types=(
            [pltpu.VMEM((CH,), jnp.int32)] * 3 +
            [pltpu.VMEM((CH,), jnp.int32)] * 3 +
            [pltpu.VMEM((CH, H), jnp.float32)] * 3 +
            [pltpu.VMEM_SHARED((ACC_ROWS, H), jnp.float32)] +
            [pltpu.SemaphoreType.DMA] * 12
        ),
    )(_sc_spmm_body)


def _sc_spmm_body(src_hbm, dst_hbm, z_hbm, table_hbm, parts_hbm, *refs):
    sidx = list(refs[0:3])
    didx = list(refs[3:6])
    rows = list(refs[6:9])
    acc_s = refs[9]
    isem = list(refs[10:13])
    jsem = list(refs[13:16])
    gsem = list(refs[16:19])
    ssem = list(refs[19:22])
    ci = lax.axis_index("c")
    si = lax.axis_index("s")
    w = si * NC + ci
    row0 = si * RPT

    pltpu.sync_copy(z_hbm, rows[0])
    for k in range(4):
        pltpu.sync_copy(rows[0], acc_s.at[pl.ds(row0 + k * CH, CH)])
    pltpu.sync_copy(rows[0].at[pl.ds(0, RPT - 4 * CH)],
                    acc_s.at[pl.ds(row0 + 4 * CH, RPT - 4 * CH)])

    plsc.subcore_barrier()

    ebase = w * EPW

    def fetch(c, b):
        da = pltpu.async_copy(src_hbm.at[pl.ds(ebase + c * CH, CH)], sidx[b],
                              isem[b])
        db = pltpu.async_copy(dst_hbm.at[pl.ds(ebase + c * CH, CH)], didx[b],
                              jsem[b])
        da.wait()
        db.wait()
        pltpu.async_copy(table_hbm.at[sidx[b]], rows[b], gsem[b])

    fetch(0, 0)
    fetch(1, 1)

    def body(c0, carry):
        for bb in range(3):
            c = c0 * 3 + bb
            pltpu.make_async_copy(table_hbm.at[sidx[bb]], rows[bb],
                                  gsem[bb]).wait()
            pltpu.async_copy(rows[bb], acc_s.at[didx[bb]], ssem[bb], add=True)

            @pl.when(c + 2 < NCHUNK)
            def _():
                bq = (bb + 2) % 3

                @pl.when(c >= 1)
                def _():
                    pltpu.make_async_copy(rows[bq], acc_s.at[didx[bq]],
                                          ssem[bq]).wait()

                fetch(c + 2, bq)
        return carry

    lax.fori_loop(0, NCHUNK // 3, body, 0)
    for b in ((NCHUNK - 3) % 3, (NCHUNK - 2) % 3, (NCHUNK - 1) % 3):
        pltpu.make_async_copy(rows[b], acc_s.at[didx[b]], ssem[b]).wait()

    plsc.subcore_barrier()
    for k in range(4):
        r = row0 + k * CH
        pltpu.sync_copy(acc_s.at[pl.ds(r, CH)], parts_hbm.at[ci, pl.ds(r, CH)])
    r = row0 + 4 * CH
    pltpu.sync_copy(acc_s.at[pl.ds(r, RPT - 4 * CH)],
                    parts_hbm.at[ci, pl.ds(r, RPT - 4 * CH)])


_BLK = 2000


def _dot(a, b):
    return lax.dot_general(a, b, (((1,), (0,)), ((), ())),
                           precision=lax.Precision.HIGHEST,
                           preferred_element_type=jnp.float32)


def _dis_of(d_r):
    return lax.rsqrt(1.0 + d_r[...])


def _tc_proj_body(x_r, wp_r, bp_r, t_r):
    t_r[...] = _dot(x_r[...], wp_r[...]) + bp_r[...]


def _tc_init_body(t_r, er_r, d_r, w0_r, h_r, hwp_r):
    dis = _dis_of(d_r)
    h = t_r[...] + er_r[...]
    h_r[...] = h
    hwp_r[...] = _dot(h, w0_r[...]) * dis


def _tc_layer_body(h_r, hwp_r, p0_r, p1_r, d_r, r_r, rb_r, sc_r, sh_r,
                   wn_r, h2_r, hwp2_r):
    dis = _dis_of(d_r)
    s = p0_r[...] + p1_r[...] + hwp_r[...]
    z = jnp.maximum(dis * s * sc_r[...] + sh_r[...], 0.0)
    h2 = _dot(h_r[...], r_r[...]) + rb_r[...] + z
    h2_r[...] = h2
    hwp2_r[...] = _dot(h2, wn_r[...]) * dis


def _tc_pool_body(h_r, hwp_r, p0_r, p1_r, d_r, r_r, rb_r, sc_r, sh_r,
                  b_r, wout_r, bout_r, lng_r, lnb_r, out_r,
                  sums, maxs, cnts):
    i = pl.program_id(0)

    @pl.when(i == 0)
    def _init():
        sums[...] = jnp.zeros_like(sums)
        cnts[...] = jnp.zeros_like(cnts)
        maxs[...] = jnp.full_like(maxs, -jnp.inf)

    dis = _dis_of(d_r)
    s = p0_r[...] + p1_r[...] + hwp_r[...]
    z = jnp.maximum(dis * s * sc_r[...] + sh_r[...], 0.0)
    h = _dot(h_r[...], r_r[...]) + rb_r[...] + z

    b = b_r[...]
    oh = (b == lax.broadcasted_iota(jnp.int32, (1, G), 1)).astype(jnp.float32)
    contract = (((0,), (0,)), ((), ()))
    sums[...] += lax.dot_general(oh, h, contract,
                                 precision=lax.Precision.HIGHEST,
                                 preferred_element_type=jnp.float32)
    cnts[...] += lax.dot_general(oh, jnp.ones_like(h), contract,
                                 precision=lax.Precision.HIGHEST,
                                 preferred_element_type=jnp.float32)
    blockmax = jnp.concatenate(
        [jnp.max(jnp.where(b == g, h, -jnp.inf), axis=0, keepdims=True)
         for g in range(G)], axis=0)
    maxs[...] = jnp.maximum(maxs[...], blockmax)

    @pl.when(i == pl.num_programs(0) - 1)
    def _fin():
        mean = sums[...] / jnp.maximum(cnts[...], 1.0)
        ge = jnp.concatenate([mean, maxs[...]], axis=1)
        y = _dot(ge, wout_r[...]) + bout_r[...]
        y = jnp.maximum(y, 0.0)
        mu = jnp.mean(y, axis=1, keepdims=True)
        var = jnp.mean((y - mu) ** 2, axis=1, keepdims=True)
        out_r[...] = (y - mu) * lax.rsqrt(var + EPS) * lng_r[...] + lnb_r[...]


def _row_spec(cols):
    return pl.BlockSpec((_BLK, cols), lambda i: (i, 0))


def _full_spec(rows, cols):
    return pl.BlockSpec((rows, cols), lambda i: (0, 0))


def _tc_proj(x, Wp, bp):
    return pl.pallas_call(
        _tc_proj_body,
        grid=(N // _BLK,),
        in_specs=[_row_spec(H), _full_spec(D_IN, H), _full_spec(1, H)],
        out_specs=[_row_spec(H)],
        out_shape=[jax.ShapeDtypeStruct((N, H), jnp.float32)],
    )(x, Wp, bp)[0]


def _tc_init(t, embrows, dcol, W0):
    return pl.pallas_call(
        _tc_init_body,
        grid=(N // _BLK,),
        in_specs=[_row_spec(H), _row_spec(H), _row_spec(1),
                  _full_spec(H, H)],
        out_specs=[_row_spec(H), _row_spec(H)],
        out_shape=[jax.ShapeDtypeStruct((N, H), jnp.float32)] * 2,
    )(t, embrows, dcol, W0)


def _tc_layer(h, hwp, p0, p1, dcol, R, rb, scale, shift, Wn):
    return pl.pallas_call(
        _tc_layer_body,
        grid=(N // _BLK,),
        in_specs=[_row_spec(H)] * 4 + [_row_spec(1)] +
                 [_full_spec(H, H), _full_spec(1, H), _full_spec(1, H),
                  _full_spec(1, H), _full_spec(H, H)],
        out_specs=[_row_spec(H), _row_spec(H)],
        out_shape=[jax.ShapeDtypeStruct((N, H), jnp.float32)] * 2,
    )(h, hwp, p0, p1, dcol, R, rb, scale, shift, Wn)


def _tc_pool(h, hwp, p0, p1, dcol, R, rb, scale, shift,
             batch2d, Wout, bout, ln_g, ln_b):
    return pl.pallas_call(
        _tc_pool_body,
        grid=(N // _BLK,),
        in_specs=[_row_spec(H)] * 4 + [_row_spec(1)] +
                 [_full_spec(H, H), _full_spec(1, H), _full_spec(1, H),
                  _full_spec(1, H)] +
                 [_row_spec(1),
                  _full_spec(2 * H, OUT), _full_spec(1, OUT),
                  _full_spec(1, OUT), _full_spec(1, OUT)],
        out_specs=[_full_spec(G, OUT)],
        out_shape=[jax.ShapeDtypeStruct((G, OUT), jnp.float32)],
        scratch_shapes=[pltpu.VMEM((G, H), jnp.float32),
                        pltpu.VMEM((G, H), jnp.float32),
                        pltpu.VMEM((G, H), jnp.float32)],
    )(h, hwp, p0, p1, dcol, R, rb, scale, shift,
      batch2d, Wout, bout, ln_g, ln_b)[0]


def kernel(x, node_ids, edge_index, batch, emb, Wp, bp,
           W0, b0, G0, B0, R0, rb0,
           W1, b1, G1, B1, R1, rb1,
           W2, b2, G2, B2, R2, rb2,
           Wout, bout, ln_g, ln_b):
    f32 = jnp.float32
    src = edge_index[0].astype(jnp.int32)
    dst = edge_index[1].astype(jnp.int32)
    pad_i = jnp.arange(E_PAD - E, dtype=jnp.int32)
    src_p = jnp.concatenate([src, pad_i % N])
    dst_p = jnp.concatenate([dst, DUMMY + pad_i % (ACC_ROWS - N)])
    ids_p = jnp.concatenate(
        [node_ids.astype(jnp.int32), jnp.zeros((NID_PAD - N,), jnp.int32)])

    ohH = jnp.concatenate(
        [jnp.ones((CH, 1), f32), jnp.zeros((CH, H - 1), f32)], axis=1)
    zH = jnp.zeros((CH, H), f32)

    cbn = 1.0 / math.sqrt(1.0 + EPS)
    bp2 = bp.reshape(1, H).astype(f32)
    scales = [(cbn * g).reshape(1, H) for g in (G0, G1, G2)]
    shifts = [(b * cbn * g + bb).reshape(1, H)
              for (b, g, bb) in ((b0, G0, B0), (b1, G1, B1), (b2, G2, B2))]

    t = _tc_proj(x, Wp, bp2)
    embrows, degp = _get_sc_pre()(ids_p, dst_p, ohH, zH, emb)
    embrows = embrows[:N]
    dcol = degp[0, :N, 0:1] + degp[1, :N, 0:1]

    h, hwp = _tc_init(t, embrows, dcol, W0)

    parts = _get_sc_spmm()(src_p, dst_p, zH, hwp)
    h, hwp = _tc_layer(h, hwp, parts[0, :N], parts[1, :N], dcol,
                       R0, rb0.reshape(1, H), scales[0], shifts[0], W1)

    parts = _get_sc_spmm()(src_p, dst_p, zH, hwp)
    h, hwp = _tc_layer(h, hwp, parts[0, :N], parts[1, :N], dcol,
                       R1, rb1.reshape(1, H), scales[1], shifts[1], W2)

    parts = _get_sc_spmm()(src_p, dst_p, zH, hwp)
    batch2d = batch.astype(jnp.int32).reshape(N, 1)
    return _tc_pool(h, hwp, parts[0, :N], parts[1, :N], dcol,
                    R2, rb2.reshape(1, H), scales[2], shifts[2],
                    batch2d, Wout, bout.reshape(1, OUT),
                    ln_g.reshape(1, OUT), ln_b.reshape(1, OUT))

# --- scband reference (transcript-rebuilt; emitter-appended) ---
"""Pipeline reference for scband-gnnencoder-15229954032026 (READ-ONLY COPY).

The authoritative reference and input builder live on the scoring server;
editing this copy changes nothing except your own understanding.
"""

import jax, jax.numpy as jnp
import numpy as np

N = 10000
E = 640000
D_IN = 128
H = 128
OUT = 768
VOCAB = 1000
G = 16
EPS = 1e-5


def setup_inputs(seed: int = 0):
    key = jax.random.key(seed)
    ks = jax.random.split(key, 16)
    inp = {}
    inp["x"] = jax.random.normal(ks[0], (N, D_IN), jnp.float32)
    inp["node_ids"] = jax.random.randint(ks[1], (N,), 0, VOCAB)
    inp["edge_index"] = jax.random.randint(ks[2], (2, E), 0, N)
    inp["batch"] = jnp.sort(jax.random.randint(ks[3], (N,), 0, G))
    inp["emb"] = jax.random.normal(ks[4], (VOCAB, H), jnp.float32) * 0.02
    inp["Wp"] = jax.random.normal(ks[5], (D_IN, H), jnp.float32) * (1.0 / np.sqrt(D_IN))
    inp["bp"] = jnp.zeros((H,), jnp.float32)
    for i in range(3):
        inp[f"W{i}"] = jax.random.normal(ks[6 + 2 * i], (H, H), jnp.float32) * (1.0 / np.sqrt(H))
        inp[f"b{i}"] = jnp.zeros((H,), jnp.float32)
        inp[f"G{i}"] = jnp.ones((H,), jnp.float32)
        inp[f"B{i}"] = jnp.zeros((H,), jnp.float32)
        inp[f"R{i}"] = jax.random.normal(ks[7 + 2 * i], (H, H), jnp.float32) * (1.0 / np.sqrt(H))
        inp[f"rb{i}"] = jnp.zeros((H,), jnp.float32)
    inp["Wout"] = jax.random.normal(ks[12], (2 * H, OUT), jnp.float32) * (1.0 / np.sqrt(2 * H))
    inp["bout"] = jnp.zeros((OUT,), jnp.float32)
    inp["ln_g"] = jnp.ones((OUT,), jnp.float32)
    inp["ln_b"] = jnp.zeros((OUT,), jnp.float32)
    return inp


def _bn_eval(h, g, b):
    # BatchNorm1d in eval mode with fresh buffers: running_mean=0, running_var=1
    return h / jnp.sqrt(1.0 + EPS) * g + b


def _gcn(h, src, dst, W, bias):
    # PyG GCNConv: linear transform, symmetric normalization (self-loops already in src/dst), scatter-add, bias
    hw = h @ W
    deg = jax.ops.segment_sum(jnp.ones((dst.shape[0],), hw.dtype), dst, num_segments=N)
    dis = jnp.where(deg > 0, jax.lax.rsqrt(jnp.maximum(deg, 1e-12)), 0.0)
    norm = dis[src] * dis[dst]
    agg = jax.ops.segment_sum(hw[src] * norm[:, None], dst, num_segments=N)
    return agg + bias


def reference(x, node_ids, edge_index, batch, emb, Wp, bp, W0, b0, G0, B0, R0, rb0, W1, b1, G1, B1, R1, rb1, W2, b2, G2, B2, R2, rb2, Wout, bout, ln_g, ln_b):
    loops = jnp.arange(N)
    src = jnp.concatenate([edge_index[0], loops])
    dst = jnp.concatenate([edge_index[1], loops])
    h = x @ Wp + bp + emb[node_ids]
    layers = [(W0, b0, G0, B0, R0, rb0), (W1, b1, G1, B1, R1, rb1), (W2, b2, G2, B2, R2, rb2)]
    for (W, b, g, bb, R, rb) in layers:
        h_new = _gcn(h, src, dst, W, b)
        h_new = jax.nn.relu(_bn_eval(h_new, g, bb))
        h = h @ R + rb + h_new  # dropout is identity in eval mode
    cnt = jax.ops.segment_sum(jnp.ones((N,), h.dtype), batch, num_segments=G)
    mean_pool = jax.ops.segment_sum(h, batch, num_segments=G) / jnp.maximum(cnt, 1.0)[:, None]
    max_pool = jax.ops.segment_max(h, batch, num_segments=G)
    ge = jnp.concatenate([mean_pool, max_pool], axis=-1)
    ge = jax.nn.relu(ge @ Wout + bout)
    mu = jnp.mean(ge, axis=-1, keepdims=True)
    var = jnp.mean((ge - mu) ** 2, axis=-1, keepdims=True)
    ge = (ge - mu) / jnp.sqrt(var + EPS) * ln_g + ln_b
    return ge


if False:  # reference __main__ guard neutralized (emitter)
    out = reference(**setup_inputs())
    print(out.shape)

if __name__ == "__main__":
    import jax
    _d = setup_inputs()
    print(jax.jit(kernel)(*tuple(_d.values())))

</pallas_src>

<mosaic_0001>
#map = affine_map<(d0, d1) -> (0)>
#map1 = affine_map<(d0, d1) -> (0, 0)>
#map2 = affine_map<(d0, d1) -> (0, 0, 0)>
module attributes {stable_mosaic.version = 14 : i64} {
  func.func @_sc_spmm_body(%arg0: i32, %arg1: i32, %arg2: memref<663552xi32, #tpu.memory_space<hbm>>, %arg3: memref<663552xi32, #tpu.memory_space<hbm>>, %arg4: memref<128x128xf32, #tpu.memory_space<hbm>>, %arg5: memref<10000x128xf32, #tpu.memory_space<hbm>>, %arg6: memref<2x10112x128xf32, #tpu.memory_space<hbm>>, %arg7: memref<128xi32, #tpu.memory_space<vmem>>, %arg8: memref<128xi32, #tpu.memory_space<vmem>>, %arg9: memref<128xi32, #tpu.memory_space<vmem>>, %arg10: memref<128xi32, #tpu.memory_space<vmem>>, %arg11: memref<128xi32, #tpu.memory_space<vmem>>, %arg12: memref<128xi32, #tpu.memory_space<vmem>>, %arg13: memref<128x128xf32, #tpu.memory_space<vmem>>, %arg14: memref<128x128xf32, #tpu.memory_space<vmem>>, %arg15: memref<128x128xf32, #tpu.memory_space<vmem>>, %arg16: memref<10112x128xf32, #tpu.memory_space<vmem_shared>>, %arg17: memref<!tpu.dma_semaphore, #tpu.memory_space<semaphore_mem>>, %arg18: memref<!tpu.dma_semaphore, #tpu.memory_space<semaphore_mem>>, %arg19: memref<!tpu.dma_semaphore, #tpu.memory_space<semaphore_mem>>, %arg20: memref<!tpu.dma_semaphore, #tpu.memory_space<semaphore_mem>>, %arg21: memref<!tpu.dma_semaphore, #tpu.memory_space<semaphore_mem>>, %arg22: memref<!tpu.dma_semaphore, #tpu.memory_space<semaphore_mem>>, %arg23: memref<!tpu.dma_semaphore, #tpu.memory_space<semaphore_mem>>, %arg24: memref<!tpu.dma_semaphore, #tpu.memory_space<semaphore_mem>>, %arg25: memref<!tpu.dma_semaphore, #tpu.memory_space<semaphore_mem>>, %arg26: memref<!tpu.dma_semaphore, #tpu.memory_space<semaphore_mem>>, %arg27: memref<!tpu.dma_semaphore, #tpu.memory_space<semaphore_mem>>, %arg28: memref<!tpu.dma_semaphore, #tpu.memory_space<semaphore_mem>>) attributes {dimension_semantics = [#tpu.dimension_semantics<core_parallel>, #tpu.dimension_semantics<subcore_parallel>], iteration_bounds = array<i64: 2, 16>, scalar_prefetch = 0 : i64, scratch_operands = 22 : i64, tpu.core_type = #tpu.core_type<sc_vector_subcore>, window_params = [{transform_indices = #map}, {transform_indices = #map}, {transform_indices = #map1}, {transform_indices = #map1}, {transform_indices = #map2}]} {
    %mul3A = arith.constant 2 : i32
    %mul3A_0 = arith.muli %arg1, %mul3A : i32
    %add3A = arith.addi %mul3A_0, %arg0 : i32
    %mul3A_1 = arith.constant 632 : i32
    %mul3A_2 = arith.muli %arg1, %mul3A_1 : i32
    "tpu.region"() ({
      %run_scoped3A = tpu.sem_alloc : memref<!tpu.dma_semaphore, #tpu.memory_space<semaphore_mem>>
      tpu.enqueue_dma source(%arg4 : memref<128x128xf32, #tpu.memory_space<hbm>>) target(%arg13 : memref<128x128xf32, #tpu.memory_space<vmem>>) target_semaphore(%run_scoped3A : memref<!tpu.dma_semaphore, #tpu.memory_space<semaphore_mem>>)
      tpu.wait_dma2 semaphore(%run_scoped3A : memref<!tpu.dma_semaphore, #tpu.memory_space<semaphore_mem>>) src(%arg4 : memref<128x128xf32, #tpu.memory_space<hbm>>) dst(%arg13 : memref<128x128xf32, #tpu.memory_space<vmem>>)
      tpu.yield
    }) : () -> ()
    %add3A_3 = arith.constant 0 : i32
    %add3A_4 = arith.addi %mul3A_2, %add3A_3 : i32
    "tpu.region"() ({
      %run_scoped3A = tpu.sem_alloc : memref<!tpu.dma_semaphore, #tpu.memory_space<semaphore_mem>>
      %dma_start3A_68 = arith.constant 0 : i32
      %dma_start3A_69 = tpu.memref_slice %arg16[%add3A_4, %dma_start3A_68] : memref<10112x128xf32, #tpu.memory_space<vmem_shared>> -> memref<128x128xf32, #tpu.memory_space<vmem_shared>>
      %dma_start3A_70 = arith.constant 0 : i32
      %dma_start3A_71 = tpu.memref_slice %arg16[%add3A_4, %dma_start3A_70] : memref<10112x128xf32, #tpu.memory_space<vmem_shared>> -> memref<128x128xf32, #tpu.memory_space<vmem_shared>>
      tpu.enqueue_dma source(%arg13 : memref<128x128xf32, #tpu.memory_space<vmem>>) target(%dma_start3A_71 : memref<128x128xf32, #tpu.memory_space<vmem_shared>>) target_semaphore(%run_scoped3A : memref<!tpu.dma_semaphore, #tpu.memory_space<semaphore_mem>>)
      %dma_wait3A_72 = arith.constant 0 : i32
      %dma_wait3A_73 = tpu.memref_slice %arg16[%add3A_4, %dma_wait3A_72] : memref<10112x128xf32, #tpu.memory_space<vmem_shared>> -> memref<128x128xf32, #tpu.memory_space<vmem_shared>>
      %dma_wait3A_74 = arith.constant 0 : i32
      %dma_wait3A_75 = tpu.memref_slice %arg16[%add3A_4, %dma_wait3A_74] : memref<10112x128xf32, #tpu.memory_space<vmem_shared>> -> memref<128x128xf32, #tpu.memory_space<vmem_shared>>
      tpu.wait_dma2 semaphore(%run_scoped3A : memref<!tpu.dma_semaphore, #tpu.memory_space<semaphore_mem>>) src(%arg13 : memref<128x128xf32, #tpu.memory_space<vmem>>) dst(%dma_wait3A_75 : memref<128x128xf32, #tpu.memory_space<vmem_shared>>)
      tpu.yield
    }) : () -> ()
    %add3A_5 = arith.constant 128 : i32
    %add3A_6 = arith.addi %mul3A_2, %add3A_5 : i32
    "tpu.region"() ({
      %run_scoped3A = tpu.sem_alloc : memref<!tpu.dma_semaphore, #tpu.memory_space<semaphore_mem>>
      %dma_start3A_68 = arith.constant 0 : i32
      %dma_start3A_69 = tpu.memref_slice %arg16[%add3A_6, %dma_start3A_68] : memref<10112x128xf32, #tpu.memory_space<vmem_shared>> -> memref<128x128xf32, #tpu.memory_space<vmem_shared>>
      %dma_start3A_70 = arith.constant 0 : i32
      %dma_start3A_71 = tpu.memref_slice %arg16[%add3A_6, %dma_start3A_70] : memref<10112x128xf32, #tpu.memory_space<vmem_shared>> -> memref<128x128xf32, #tpu.memory_space<vmem_shared>>
      tpu.enqueue_dma source(%arg13 : memref<128x128xf32, #tpu.memory_space<vmem>>) target(%dma_start3A_71 : memref<128x128xf32, #tpu.memory_space<vmem_shared>>) target_semaphore(%run_scoped3A : memref<!tpu.dma_semaphore, #tpu.memory_space<semaphore_mem>>)
      %dma_wait3A_72 = arith.constant 0 : i32
      %dma_wait3A_73 = tpu.memref_slice %arg16[%add3A_6, %dma_wait3A_72] : memref<10112x128xf32, #tpu.memory_space<vmem_shared>> -> memref<128x128xf32, #tpu.memory_space<vmem_shared>>
      %dma_wait3A_74 = arith.constant 0 : i32
      %dma_wait3A_75 = tpu.memref_slice %arg16[%add3A_6, %dma_wait3A_74] : memref<10112x128xf32, #tpu.memory_space<vmem_shared>> -> memref<128x128xf32, #tpu.memory_space<vmem_shared>>
      tpu.wait_dma2 semaphore(%run_scoped3A : memref<!tpu.dma_semaphore, #tpu.memory_space<semaphore_mem>>) src(%arg13 : memref<128x128xf32, #tpu.memory_space<vmem>>) dst(%dma_wait3A_75 : memref<128x128xf32, #tpu.memory_space<vmem_shared>>)
      tpu.yield
    }) : () -> ()
    %add3A_7 = arith.constant 256 : i32
    %add3A_8 = arith.addi %mul3A_2, %add3A_7 : i32
    "tpu.region"() ({
      %run_scoped3A = tpu.sem_alloc : memref<!tpu.dma_semaphore, #tpu.memory_space<semaphore_mem>>
      %dma_start3A_68 = arith.constant 0 : i32
      %dma_start3A_69 = tpu.memref_slice %arg16[%add3A_8, %dma_start3A_68] : memref<10112x128xf32, #tpu.memory_space<vmem_shared>> -> memref<128x128xf32, #tpu.memory_space<vmem_shared>>
      %dma_start3A_70 = arith.constant 0 : i32
      %dma_start3A_71 = tpu.memref_slice %arg16[%add3A_8, %dma_start3A_70] : memref<10112x128xf32, #tpu.memory_space<vmem_shared>> -> memref<128x128xf32, #tpu.memory_space<vmem_shared>>
      tpu.enqueue_dma source(%arg13 : memref<128x128xf32, #tpu.memory_space<vmem>>) target(%dma_start3A_71 : memref<128x128xf32, #tpu.memory_space<vmem_shared>>) target_semaphore(%run_scoped3A : memref<!tpu.dma_semaphore, #tpu.memory_space<semaphore_mem>>)
      %dma_wait3A_72 = arith.constant 0 : i32
      %dma_wait3A_73 = tpu.memref_slice %arg16[%add3A_8, %dma_wait3A_72] : memref<10112x128xf32, #tpu.memory_space<vmem_shared>> -> memref<128x128xf32, #tpu.memory_space<vmem_shared>>
      %dma_wait3A_74 = arith.constant 0 : i32
      %dma_wait3A_75 = tpu.memref_slice %arg16[%add3A_8, %dma_wait3A_74] : memref<10112x128xf32, #tpu.memory_space<vmem_shared>> -> memref<128x128xf32, #tpu.memory_space<vmem_shared>>
      tpu.wait_dma2 semaphore(%run_scoped3A : memref<!tpu.dma_semaphore, #tpu.memory_space<semaphore_mem>>) src(%arg13 : memref<128x128xf32, #tpu.memory_space<vmem>>) dst(%dma_wait3A_75 : memref<128x128xf32, #tpu.memory_space<vmem_shared>>)
      tpu.yield
    }) : () -> ()
    %add3A_9 = arith.constant 384 : i32
    %add3A_10 = arith.addi %mul3A_2, %add3A_9 : i32
    "tpu.region"() ({
      %run_scoped3A = tpu.sem_alloc : memref<!tpu.dma_semaphore, #tpu.memory_space<semaphore_mem>>
      %dma_start3A_68 = arith.constant 0 : i32
      %dma_start3A_69 = tpu.memref_slice %arg16[%add3A_10, %dma_start3A_68] : memref<10112x128xf32, #tpu.memory_space<vmem_shared>> -> memref<128x128xf32, #tpu.memory_space<vmem_shared>>
      %dma_start3A_70 = arith.constant 0 : i32
      %dma_start3A_71 = tpu.memref_slice %arg16[%add3A_10, %dma_start3A_70] : memref<10112x128xf32, #tpu.memory_space<vmem_shared>> -> memref<128x128xf32, #tpu.memory_space<vmem_shared>>
      tpu.enqueue_dma source(%arg13 : memref<128x128xf32, #tpu.memory_space<vmem>>) target(%dma_start3A_71 : memref<128x128xf32, #tpu.memory_space<vmem_shared>>) target_semaphore(%run_scoped3A : memref<!tpu.dma_semaphore, #tpu.memory_space<semaphore_mem>>)
      %dma_wait3A_72 = arith.constant 0 : i32
      %dma_wait3A_73 = tpu.memref_slice %arg16[%add3A_10, %dma_wait3A_72] : memref<10112x128xf32, #tpu.memory_space<vmem_shared>> -> memref<128x128xf32, #tpu.memory_space<vmem_shared>>
      %dma_wait3A_74 = arith.constant 0 : i32
      %dma_wait3A_75 = tpu.memref_slice %arg16[%add3A_10, %dma_wait3A_74] : memref<10112x128xf32, #tpu.memory_space<vmem_shared>> -> memref<128x128xf32, #tpu.memory_space<vmem_shared>>
      tpu.wait_dma2 semaphore(%run_scoped3A : memref<!tpu.dma_semaphore, #tpu.memory_space<semaphore_mem>>) src(%arg13 : memref<128x128xf32, #tpu.memory_space<vmem>>) dst(%dma_wait3A_75 : memref<128x128xf32, #tpu.memory_space<vmem_shared>>)
      tpu.yield
    }) : () -> ()
    %add3A_11 = arith.constant 512 : i32
    %add3A_12 = arith.addi %mul3A_2, %add3A_11 : i32
    "tpu.region"() ({
      %run_scoped3A = tpu.sem_alloc : memref<!tpu.dma_semaphore, #tpu.memory_space<semaphore_mem>>
      %dma_start3A_68 = arith.constant 0 : i32
      %dma_start3A_69 = arith.constant 0 : i32
      %dma_start3A_70 = tpu.memref_slice %arg13[%dma_start3A_68, %dma_start3A_69] : memref<128x128xf32, #tpu.memory_space<vmem>> -> memref<120x128xf32, #tpu.memory_space<vmem>>
      %dma_start3A_71 = arith.constant 0 : i32
      %dma_start3A_72 = tpu.memref_slice %arg16[%add3A_12, %dma_start3A_71] : memref<10112x128xf32, #tpu.memory_space<vmem_shared>> -> memref<120x128xf32, #tpu.memory_space<vmem_shared>>
      %dma_start3A_73 = arith.constant 0 : i32
      %dma_start3A_74 = tpu.memref_slice %arg16[%add3A_12, %dma_start3A_73] : memref<10112x128xf32, #tpu.memory_space<vmem_shared>> -> memref<120x128xf32, #tpu.memory_space<vmem_shared>>
      %dma_start3A_75 = arith.constant 0 : i32
      %dma_start3A_76 = arith.constant 0 : i32
      %dma_start3A_77 = tpu.memref_slice %arg13[%dma_start3A_75, %dma_start3A_76] : memref<128x128xf32, #tpu.memory_space<vmem>> -> memref<120x128xf32, #tpu.memory_space<vmem>>
      tpu.enqueue_dma source(%dma_start3A_77 : memref<120x128xf32, #tpu.memory_space<vmem>>) target(%dma_start3A_74 : memref<120x128xf32, #tpu.memory_space<vmem_shared>>) target_semaphore(%run_scoped3A : memref<!tpu.dma_semaphore, #tpu.memory_space<semaphore_mem>>)
      %dma_wait3A_78 = arith.constant 0 : i32
      %dma_wait3A_79 = arith.constant 0 : i32
      %dma_wait3A_80 = tpu.memref_slice %arg13[%dma_wait3A_78, %dma_wait3A_79] : memref<128x128xf32, #tpu.memory_space<vmem>> -> memref<120x128xf32, #tpu.memory_space<vmem>>
      %dma_wait3A_81 = arith.constant 0 : i32
      %dma_wait3A_82 = tpu.memref_slice %arg16[%add3A_12, %dma_wait3A_81] : memref<10112x128xf32, #tpu.memory_space<vmem_shared>> -> memref<120x128xf32, #tpu.memory_space<vmem_shared>>
      %dma_wait3A_83 = arith.constant 0 : i32
      %dma_wait3A_84 = tpu.memref_slice %arg16[%add3A_12, %dma_wait3A_83] : memref<10112x128xf32, #tpu.memory_space<vmem_shared>> -> memref<120x128xf32, #tpu.memory_space<vmem_shared>>
      %dma_wait3A_85 = arith.constant 0 : i32
      %dma_wait3A_86 = arith.constant 0 : i32
      %dma_wait3A_87 = tpu.memref_slice %arg13[%dma_wait3A_85, %dma_wait3A_86] : memref<128x128xf32, #tpu.memory_space<vmem>> -> memref<120x128xf32, #tpu.memory_space<vmem>>
      tpu.wait_dma2 semaphore(%run_scoped3A : memref<!tpu.dma_semaphore, #tpu.memory_space<semaphore_mem>>) src(%dma_wait3A_87 : memref<120x128xf32, #tpu.memory_space<vmem>>) dst(%dma_wait3A_84 : memref<120x128xf32, #tpu.memory_space<vmem_shared>>)
      tpu.yield
    }) : () -> ()
    %barrier3A = arith.constant 0 : index
    tpu.barrier barrier_id(%barrier3A)
    %mul3A_13 = arith.constant 20736 : i32
    %mul3A_14 = arith.muli %add3A, %mul3A_13 : i32
    %add3A_15 = arith.constant 0 : i32
    %add3A_16 = arith.addi %mul3A_14, %add3A_15 : i32
    %dma_start3A = tpu.memref_slice %arg2[%add3A_16] : memref<663552xi32, #tpu.memory_space<hbm>> -> memref<128xi32, #tpu.memory_space<hbm>>
    %dma_start3A_17 = tpu.memref_slice %arg2[%add3A_16] : memref<663552xi32, #tpu.memory_space<hbm>> -> memref<128xi32, #tpu.memory_space<hbm>>
    tpu.enqueue_dma source(%dma_start3A_17 : memref<128xi32, #tpu.memory_space<hbm>>) target(%arg7 : memref<128xi32, #tpu.memory_space<vmem>>) target_semaphore(%arg17 : memref<!tpu.dma_semaphore, #tpu.memory_space<semaphore_mem>>)
    %add3A_18 = arith.constant 0 : i32
    %add3A_19 = arith.addi %mul3A_14, %add3A_18 : i32
    %dma_start3A_20 = tpu.memref_slice %arg3[%add3A_19] : memref<663552xi32, #tpu.memory_space<hbm>> -> memref<128xi32, #tpu.memory_space<hbm>>
    %dma_start3A_21 = tpu.memref_slice %arg3[%add3A_19] : memref<663552xi32, #tpu.memory_space<hbm>> -> memref<128xi32, #tpu.memory_space<hbm>>
    tpu.enqueue_dma source(%dma_start3A_21 : memref<128xi32, #tpu.memory_space<hbm>>) target(%arg10 : memref<128xi32, #tpu.memory_space<vmem>>) target_semaphore(%arg20 : memref<!tpu.dma_semaphore, #tpu.memory_space<semaphore_mem>>)
    %dma_wait3A = tpu.memref_slice %arg2[%add3A_16] : memref<663552xi32, #tpu.memory_space<hbm>> -> memref<128xi32, #tpu.memory_space<hbm>>
    %dma_wait3A_22 = tpu.memref_slice %arg2[%add3A_16] : memref<663552xi32, #tpu.memory_space<hbm>> -> memref<128xi32, #tpu.memory_space<hbm>>
    tpu.wait_dma2 semaphore(%arg17 : memref<!tpu.dma_semaphore, #tpu.memory_space<semaphore_mem>>) src(%dma_wait3A_22 : memref<128xi32, #tpu.memory_space<hbm>>) dst(%arg7 : memref<128xi32, #tpu.memory_space<vmem>>)
    %dma_wait3A_23 = tpu.memref_slice %arg3[%add3A_19] : memref<663552xi32, #tpu.memory_space<hbm>> -> memref<128xi32, #tpu.memory_space<hbm>>
    %dma_wait3A_24 = tpu.memref_slice %arg3[%add3A_19] : memref<663552xi32, #tpu.memory_space<hbm>> -> memref<128xi32, #tpu.memory_space<hbm>>
    tpu.wait_dma2 semaphore(%arg20 : memref<!tpu.dma_semaphore, #tpu.memory_space<semaphore_mem>>) src(%dma_wait3A_24 : memref<128xi32, #tpu.memory_space<hbm>>) dst(%arg10 : memref<128xi32, #tpu.memory_space<vmem>>)
    %dma_start3A_25 = arith.constant 0 : i32
    %dma_start3A_26 = arith.constant 0 : i32
    %dma_start3A_27 = tpu.memref_slice %arg5[%dma_start3A_25, %dma_start3A_26] : memref<10000x128xf32, #tpu.memory_space<hbm>> -> memref<10000x128xf32, #tpu.memory_space<hbm>>
    tpu.enqueue_indirect_dma source(%dma_start3A_27 : memref<10000x128xf32, #tpu.memory_space<hbm>>) target(%arg13 : memref<128x128xf32, #tpu.memory_space<vmem>>) offsets(%arg7 : memref<128xi32, #tpu.memory_space<vmem>>) semaphore(%arg23 : memref<!tpu.dma_semaphore, #tpu.memory_space<semaphore_mem>>)
    %add3A_28 = arith.constant 128 : i32
    %add3A_29 = arith.addi %mul3A_14, %add3A_28 : i32
    %dma_start3A_30 = tpu.memref_slice %arg2[%add3A_29] : memref<663552xi32, #tpu.memory_space<hbm>> -> memref<128xi32, #tpu.memory_space<hbm>>
    %dma_start3A_31 = tpu.memref_slice %arg2[%add3A_29] : memref<663552xi32, #tpu.memory_space<hbm>> -> memref<128xi32, #tpu.memory_space<hbm>>
    tpu.enqueue_dma source(%dma_start3A_31 : memref<128xi32, #tpu.memory_space<hbm>>) target(%arg8 : memref<128xi32, #tpu.memory_space<vmem>>) target_semaphore(%arg18 : memref<!tpu.dma_semaphore, #tpu.memory_space<semaphore_mem>>)
    %add3A_32 = arith.constant 128 : i32
    %add3A_33 = arith.addi %mul3A_14, %add3A_32 : i32
    %dma_start3A_34 = tpu.memref_slice %arg3[%add3A_33] : memref<663552xi32, #tpu.memory_space<hbm>> -> memref<128xi32, #tpu.memory_space<hbm>>
    %dma_start3A_35 = tpu.memref_slice %arg3[%add3A_33] : memref<663552xi32, #tpu.memory_space<hbm>> -> memref<128xi32, #tpu.memory_space<hbm>>
    tpu.enqueue_dma source(%dma_start3A_35 : memref<128xi32, #tpu.memory_space<hbm>>) target(%arg11 : memref<128xi32, #tpu.memory_space<vmem>>) target_semaphore(%arg21 : memref<!tpu.dma_semaphore, #tpu.memory_space<semaphore_mem>>)
    %dma_wait3A_36 = tpu.memref_slice %arg2[%add3A_29] : memref<663552xi32, #tpu.memory_space<hbm>> -> memref<128xi32, #tpu.memory_space<hbm>>
    %dma_wait3A_37 = tpu.memref_slice %arg2[%add3A_29] : memref<663552xi32, #tpu.memory_space<hbm>> -> memref<128xi32, #tpu.memory_space<hbm>>
    tpu.wait_dma2 semaphore(%arg18 : memref<!tpu.dma_semaphore, #tpu.memory_space<semaphore_mem>>) src(%dma_wait3A_37 : memref<128xi32, #tpu.memory_space<hbm>>) dst(%arg8 : memref<128xi32, #tpu.memory_space<vmem>>)
    %dma_wait3A_38 = tpu.memref_slice %arg3[%add3A_33] : memref<663552xi32, #tpu.memory_space<hbm>> -> memref<128xi32, #tpu.memory_space<hbm>>
    %dma_wait3A_39 = tpu.memref_slice %arg3[%add3A_33] : memref<663552xi32, #tpu.memory_space<hbm>> -> memref<128xi32, #tpu.memory_space<hbm>>
    tpu.wait_dma2 semaphore(%arg21 : memref<!tpu.dma_semaphore, #tpu.memory_space<semaphore_mem>>) src(%dma_wait3A_39 : memref<128xi32, #tpu.memory_space<hbm>>) dst(%arg11 : memref<128xi32, #tpu.memory_space<vmem>>)
    %dma_start3A_40 = arith.constant 0 : i32
    %dma_start3A_41 = arith.constant 0 : i32
    %dma_start3A_42 = tpu.memref_slice %arg5[%dma_start3A_40, %dma_start3A_41] : memref<10000x128xf32, #tpu.memory_space<hbm>> -> memref<10000x128xf32, #tpu.memory_space<hbm>>
    tpu.enqueue_indirect_dma source(%dma_start3A_42 : memref<10000x128xf32, #tpu.memory_space<hbm>>) target(%arg14 : memref<128x128xf32, #tpu.memory_space<vmem>>) offsets(%arg8 : memref<128xi32, #tpu.memory_space<vmem>>) semaphore(%arg24 : memref<!tpu.dma_semaphore, #tpu.memory_space<semaphore_mem>>)
    %scan3A = arith.constant 0 : i32
    %scan3A_43 = arith.constant 0 : i32
    %scan3A_44 = arith.constant 54 : i32
    %scan3A_45 = arith.addi %scan3A_43, %scan3A_44 : i32
    %scan3A_46 = arith.constant 1 : i32
    scf.for %scan3A_68 = %scan3A_43 to %scan3A_45 step %scan3A_46  : i32 {
      %mul3A_69 = arith.constant 3 : i32
      %mul3A_70 = arith.muli %scan3A_68, %mul3A_69 : i32
      %add3A_71 = arith.constant 0 : i32
      %add3A_72 = arith.addi %mul3A_70, %add3A_71 : i32
      %dma_wait3A_73 = arith.constant 0 : i32
      %dma_wait3A_74 = arith.constant 0 : i32
      %dma_wait3A_75 = tpu.memref_slice %arg5[%dma_wait3A_73, %dma_wait3A_74] : memref<10000x128xf32, #tpu.memory_space<hbm>> -> memref<10000x128xf32, #tpu.memory_space<hbm>>
      tpu.wait_indirect_dma semaphore(%arg23 : memref<!tpu.dma_semaphore, #tpu.memory_space<semaphore_mem>>) src(%dma_wait3A_75 : memref<10000x128xf32, #tpu.memory_space<hbm>>) dst(%arg13 : memref<128x128xf32, #tpu.memory_space<vmem>>)
      %dma_start3A_76 = arith.constant 0 : i32
      %dma_start3A_77 = arith.constant 0 : i32
      %dma_start3A_78 = tpu.memref_slice %arg16[%dma_start3A_76, %dma_start3A_77] : memref<10112x128xf32, #tpu.memory_space<vmem_shared>> -> memref<10112x128xf32, #tpu.memory_space<vmem_shared>>
      tpu.enqueue_indirect_dma source(%arg13 : memref<128x128xf32, #tpu.memory_space<vmem>>) target(%dma_start3A_78 : memref<10112x128xf32, #tpu.memory_space<vmem_shared>>) offsets(%arg10 : memref<128xi32, #tpu.memory_space<vmem>>) semaphore(%arg26 : memref<!tpu.dma_semaphore, #tpu.memory_space<semaphore_mem>>) {add = true}
      %add3A_79 = arith.constant 2 : i32
      %add3A_80 = arith.addi %add3A_72, %add3A_79 : i32
      %lt3A = arith.constant 162 : i32
      %lt3A_81 = arith.cmpi slt, %add3A_80, %lt3A : i32
      %convert_element_type3A = arith.extui %lt3A_81 : i1 to i32
      %cond3A = arith.constant 0 : i32
      %cond3A_82 = arith.cmpi ne, %convert_element_type3A, %cond3A : i32
      scf.if %cond3A_82 {
        %ge3A = arith.constant 1 : i32
        %ge3A_117 = arith.cmpi sge, %add3A_72, %ge3A : i32
        %convert_element_type3A_118 = arith.extui %ge3A_117 : i1 to i32
        %cond3A_119 = arith.constant 0 : i32
        %cond3A_120 = arith.cmpi ne, %convert_element_type3A_118, %cond3A_119 : i32
        scf.if %cond3A_120 {
          %dma_wait3A_140 = arith.constant 0 : i32
          %dma_wait3A_141 = arith.constant 0 : i32
          %dma_wait3A_142 = tpu.memref_slice %arg16[%dma_wait3A_140, %dma_wait3A_141] : memref<10112x128xf32, #tpu.memory_space<vmem_shared>> -> memref<10112x128xf32, #tpu.memory_space<vmem_shared>>
          tpu.wait_indirect_dma semaphore(%arg28 : memref<!tpu.dma_semaphore, #tpu.memory_space<semaphore_mem>>) src(%arg15 : memref<128x128xf32, #tpu.memory_space<vmem>>) dst(%dma_wait3A_142 : memref<10112x128xf32, #tpu.memory_space<vmem_shared>>)
        } else {
        }
        %add3A_121 = arith.constant 2 : i32
        %add3A_122 = arith.addi %add3A_72, %add3A_121 : i32
        %mul3A_123 = arith.constant 128 : i32
        %mul3A_124 = arith.muli %add3A_122, %mul3A_123 : i32
        %add3A_125 = arith.addi %mul3A_14, %mul3A_124 : i32
        %dma_start3A_126 = tpu.memref_slice %arg2[%add3A_125] : memref<663552xi32, #tpu.memory_space<hbm>> -> memref<128xi32, #tpu.memory_space<hbm>>
        %dma_start3A_127 = tpu.memref_slice %arg2[%add3A_125] : memref<663552xi32, #tpu.memory_space<hbm>> -> memref<128xi32, #tpu.memory_space<hbm>>
        tpu.enqueue_dma source(%dma_start3A_127 : memref<128xi32, #tpu.memory_space<hbm>>) target(%arg9 : memref<128xi32, #tpu.memory_space<vmem>>) target_semaphore(%arg19 : memref<!tpu.dma_semaphore, #tpu.memory_space<semaphore_mem>>)
        %mul3A_128 = arith.constant 128 : i32
        %mul3A_129 = arith.muli %add3A_122, %mul3A_128 : i32
        %add3A_130 = arith.addi %mul3A_14, %mul3A_129 : i32
        %dma_start3A_131 = tpu.memref_slice %arg3[%add3A_130] : memref<663552xi32, #tpu.memory_space<hbm>> -> memref<128xi32, #tpu.memory_space<hbm>>
        %dma_start3A_132 = tpu.memref_slice %arg3[%add3A_130] : memref<663552xi32, #tpu.memory_space<hbm>> -> memref<128xi32, #tpu.memory_space<hbm>>
        tpu.enqueue_dma source(%dma_start3A_132 : memref<128xi32, #tpu.memory_space<hbm>>) target(%arg12 : memref<128xi32, #tpu.memory_space<vmem>>) target_semaphore(%arg22 : memref<!tpu.dma_semaphore, #tpu.memory_space<semaphore_mem>>)
        %dma_wait3A_133 = tpu.memref_slice %arg2[%add3A_125] : memref<663552xi32, #tpu.memory_space<hbm>> -> memref<128xi32, #tpu.memory_space<hbm>>
        %dma_wait3A_134 = tpu.memref_slice %arg2[%add3A_125] : memref<663552xi32, #tpu.memory_space<hbm>> -> memref<128xi32, #tpu.memory_space<hbm>>
        tpu.wait_dma2 semaphore(%arg19 : memref<!tpu.dma_semaphore, #tpu.memory_space<semaphore_mem>>) src(%dma_wait3A_134 : memref<128xi32, #tpu.memory_space<hbm>>) dst(%arg9 : memref<128xi32, #tpu.memory_space<vmem>>)
        %dma_wait3A_135 = tpu.memref_slice %arg3[%add3A_130] : memref<663552xi32, #tpu.memory_space<hbm>> -> memref<128xi32, #tpu.memory_space<hbm>>
        %dma_wait3A_136 = tpu.memref_slice %arg3[%add3A_130] : memref<663552xi32, #tpu.memory_space<hbm>> -> memref<128xi32, #tpu.memory_space<hbm>>
        tpu.wait_dma2 semaphore(%arg22 : memref<!tpu.dma_semaphore, #tpu.memory_space<semaphore_mem>>) src(%dma_wait3A_136 : memref<128xi32, #tpu.memory_space<hbm>>) dst(%arg12 : memref<128xi32, #tpu.memory_space<vmem>>)
        %dma_start3A_137 = arith.constant 0 : i32
        %dma_start3A_138 = arith.constant 0 : i32
        %dma_start3A_139 = tpu.memref_slice %arg5[%dma_start3A_137, %dma_start3A_138] : memref<10000x128xf32, #tpu.memory_space<hbm>> -> memref<10000x128xf32, #tpu.memory_space<hbm>>
        tpu.enqueue_indirect_dma source(%dma_start3A_139 : memref<10000x128xf32, #tpu.memory_space<hbm>>) target(%arg15 : memref<128x128xf32, #tpu.memory_space<vmem>>) offsets(%arg9 : memref<128xi32, #tpu.memory_space<vmem>>) semaphore(%arg25 : memref<!tpu.dma_semaphore, #tpu.memory_space<semaphore_mem>>)
      } else {
      }
      %mul3A_83 = arith.constant 3 : i32
      %mul3A_84 = arith.muli %scan3A_68, %mul3A_83 : i32
      %add3A_85 = arith.constant 1 : i32
      %add3A_86 = arith.addi %mul3A_84, %add3A_85 : i32
      %dma_wait3A_87 = arith.constant 0 : i32
      %dma_wait3A_88 = arith.constant 0 : i32
      %dma_wait3A_89 = tpu.memref_slice %arg5[%dma_wait3A_87, %dma_wait3A_88] : memref<10000x128xf32, #tpu.memory_space<hbm>> -> memref<10000x128xf32, #tpu.memory_space<hbm>>
      tpu.wait_indirect_dma semaphore(%arg24 : memref<!tpu.dma_semaphore, #tpu.memory_space<semaphore_mem>>) src(%dma_wait3A_89 : memref<10000x128xf32, #tpu.memory_space<hbm>>) dst(%arg14 : memref<128x128xf32, #tpu.memory_space<vmem>>)
      %dma_start3A_90 = arith.constant 0 : i32
      %dma_start3A_91 = arith.constant 0 : i32
      %dma_start3A_92 = tpu.memref_slice %arg16[%dma_start3A_90, %dma_start3A_91] : memref<10112x128xf32, #tpu.memory_space<vmem_shared>> -> memref<10112x128xf32, #tpu.memory_space<vmem_shared>>
      tpu.enqueue_indirect_dma source(%arg14 : memref<128x128xf32, #tpu.memory_space<vmem>>) target(%dma_start3A_92 : memref<10112x128xf32, #tpu.memory_space<vmem_shared>>) offsets(%arg11 : memref<128xi32, #tpu.memory_space<vmem>>) semaphore(%arg27 : memref<!tpu.dma_semaphore, #tpu.memory_space<semaphore_mem>>) {add = true}
      %add3A_93 = arith.constant 2 : i32
      %add3A_94 = arith.addi %add3A_86, %add3A_93 : i32
      %lt3A_95 = arith.constant 162 : i32
      %lt3A_96 = arith.cmpi slt, %add3A_94, %lt3A_95 : i32
      %convert_element_type3A_97 = arith.extui %lt3A_96 : i1 to i32
      %cond3A_98 = arith.constant 0 : i32
      %cond3A_99 = arith.cmpi ne, %convert_element_type3A_97, %cond3A_98 : i32
      scf.if %cond3A_99 {
        %ge3A = arith.constant 1 : i32
        %ge3A_117 = arith.cmpi sge, %add3A_86, %ge3A : i32
        %convert_element_type3A_118 = arith.extui %ge3A_117 : i1 to i32
        %cond3A_119 = arith.constant 0 : i32
        %cond3A_120 = arith.cmpi ne, %convert_element_type3A_118, %cond3A_119 : i32
        scf.if %cond3A_120 {
          %dma_wait3A_140 = arith.constant 0 : i32
          %dma_wait3A_141 = arith.constant 0 : i32
          %dma_wait3A_142 = tpu.memref_slice %arg16[%dma_wait3A_140, %dma_wait3A_141] : memref<10112x128xf32, #tpu.memory_space<vmem_shared>> -> memref<10112x128xf32, #tpu.memory_space<vmem_shared>>
          tpu.wait_indirect_dma semaphore(%arg26 : memref<!tpu.dma_semaphore, #tpu.memory_space<semaphore_mem>>) src(%arg13 : memref<128x128xf32, #tpu.memory_space<vmem>>) dst(%dma_wait3A_142 : memref<10112x128xf32, #tpu.memory_space<vmem_shared>>)
        } else {
        }
        %add3A_121 = arith.constant 2 : i32
        %add3A_122 = arith.addi %add3A_86, %add3A_121 : i32
        %mul3A_123 = arith.constant 128 : i32
        %mul3A_124 = arith.muli %add3A_122, %mul3A_123 : i32
        %add3A_125 = arith.addi %mul3A_14, %mul3A_124 : i32
        %dma_start3A_126 = tpu.memref_slice %arg2[%add3A_125] : memref<663552xi32, #tpu.memory_space<hbm>> -> memref<128xi32, #tpu.memory_space<hbm>>
        %dma_start3A_127 = tpu.memref_slice %arg2[%add3A_125] : memref<663552xi32, #tpu.memory_space<hbm>> -> memref<128xi32, #tpu.memory_space<hbm>>
        tpu.enqueue_dma source(%dma_start3A_127 : memref<128xi32, #tpu.memory_space<hbm>>) target(%arg7 : memref<128xi32, #tpu.memory_space<vmem>>) target_semaphore(%arg17 : memref<!tpu.dma_semaphore, #tpu.memory_space<semaphore_mem>>)
        %mul3A_128 = arith.constant 128 : i32
        %mul3A_129 = arith.muli %add3A_122, %mul3A_128 : i32
        %add3A_130 = arith.addi %mul3A_14, %mul3A_129 : i32
        %dma_start3A_131 = tpu.memref_slice %arg3[%add3A_130] : memref<663552xi32, #tpu.memory_space<hbm>> -> memref<128xi32, #tpu.memory_space<hbm>>
        %dma_start3A_132 = tpu.memref_slice %arg3[%add3A_130] : memref<663552xi32, #tpu.memory_space<hbm>> -> memref<128xi32, #tpu.memory_space<hbm>>
        tpu.enqueue_dma source(%dma_start3A_132 : memref<128xi32, #tpu.memory_space<hbm>>) target(%arg10 : memref<128xi32, #tpu.memory_space<vmem>>) target_semaphore(%arg20 : memref<!tpu.dma_semaphore, #tpu.memory_space<semaphore_mem>>)
        %dma_wait3A_133 = tpu.memref_slice %arg2[%add3A_125] : memref<663552xi32, #tpu.memory_space<hbm>> -> memref<128xi32, #tpu.memory_space<hbm>>
        %dma_wait3A_134 = tpu.memref_slice %arg2[%add3A_125] : memref<663552xi32, #tpu.memory_space<hbm>> -> memref<128xi32, #tpu.memory_space<hbm>>
        tpu.wait_dma2 semaphore(%arg17 : memref<!tpu.dma_semaphore, #tpu.memory_space<semaphore_mem>>) src(%dma_wait3A_134 : memref<128xi32, #tpu.memory_space<hbm>>) dst(%arg7 : memref<128xi32, #tpu.memory_space<vmem>>)
        %dma_wait3A_135 = tpu.memref_slice %arg3[%add3A_130] : memref<663552xi32, #tpu.memory_space<hbm>> -> memref<128xi32, #tpu.memory_space<hbm>>
        %dma_wait3A_136 = tpu.memref_slice %arg3[%add3A_130] : memref<663552xi32, #tpu.memory_space<hbm>> -> memref<128xi32, #tpu.memory_space<hbm>>
        tpu.wait_dma2 semaphore(%arg20 : memref<!tpu.dma_semaphore, #tpu.memory_space<semaphore_mem>>) src(%dma_wait3A_136 : memref<128xi32, #tpu.memory_space<hbm>>) dst(%arg10 : memref<128xi32, #tpu.memory_space<vmem>>)
        %dma_start3A_137 = arith.constant 0 : i32
        %dma_start3A_138 = arith.constant 0 : i32
        %dma_start3A_139 = tpu.memref_slice %arg5[%dma_start3A_137, %dma_start3A_138] : memref<10000x128xf32, #tpu.memory_space<hbm>> -> memref<10000x128xf32, #tpu.memory_space<hbm>>
        tpu.enqueue_indirect_dma source(%dma_start3A_139 : memref<10000x128xf32, #tpu.memory_space<hbm>>) target(%arg13 : memref<128x128xf32, #tpu.memory_space<vmem>>) offsets(%arg7 : memref<128xi32, #tpu.memory_space<vmem>>) semaphore(%arg23 : memref<!tpu.dma_semaphore, #tpu.memory_space<semaphore_mem>>)
      } else {
      }
      %mul3A_100 = arith.constant 3 : i32
      %mul3A_101 = arith.muli %scan3A_68, %mul3A_100 : i32
      %add3A_102 = arith.constant 2 : i32
      %add3A_103 = arith.addi %mul3A_101, %add3A_102 : i32
      %dma_wait3A_104 = arith.constant 0 : i32
      %dma_wait3A_105 = arith.constant 0 : i32
      %dma_wait3A_106 = tpu.memref_slice %arg5[%dma_wait3A_104, %dma_wait3A_105] : memref<10000x128xf32, #tpu.memory_space<hbm>> -> memref<10000x128xf32, #tpu.memory_space<hbm>>
      tpu.wait_indirect_dma semaphore(%arg25 : memref<!tpu.dma_semaphore, #tpu.memory_space<semaphore_mem>>) src(%dma_wait3A_106 : memref<10000x128xf32, #tpu.memory_space<hbm>>) dst(%arg15 : memref<128x128xf32, #tpu.memory_space<vmem>>)
      %dma_start3A_107 = arith.constant 0 : i32
      %dma_start3A_108 = arith.constant 0 : i32
      %dma_start3A_109 = tpu.memref_slice %arg16[%dma_start3A_107, %dma_start3A_108] : memref<10112x128xf32, #tpu.memory_space<vmem_shared>> -> memref<10112x128xf32, #tpu.memory_space<vmem_shared>>
      tpu.enqueue_indirect_dma source(%arg15 : memref<128x128xf32, #tpu.memory_space<vmem>>) target(%dma_start3A_109 : memref<10112x128xf32, #tpu.memory_space<vmem_shared>>) offsets(%arg12 : memref<128xi32, #tpu.memory_space<vmem>>) semaphore(%arg28 : memref<!tpu.dma_semaphore, #tpu.memory_space<semaphore_mem>>) {add = true}
      %add3A_110 = arith.constant 2 : i32
      %add3A_111 = arith.addi %add3A_103, %add3A_110 : i32
      %lt3A_112 = arith.constant 162 : i32
      %lt3A_113 = arith.cmpi slt, %add3A_111, %lt3A_112 : i32
      %convert_element_type3A_114 = arith.extui %lt3A_113 : i1 to i32
      %cond3A_115 = arith.constant 0 : i32
      %cond3A_116 = arith.cmpi ne, %convert_element_type3A_114, %cond3A_115 : i32
      scf.if %cond3A_116 {
        %ge3A = arith.constant 1 : i32
        %ge3A_117 = arith.cmpi sge, %add3A_103, %ge3A : i32
        %convert_element_type3A_118 = arith.extui %ge3A_117 : i1 to i32
        %cond3A_119 = arith.constant 0 : i32
        %cond3A_120 = arith.cmpi ne, %convert_element_type3A_118, %cond3A_119 : i32
        scf.if %cond3A_120 {
          %dma_wait3A_140 = arith.constant 0 : i32
          %dma_wait3A_141 = arith.constant 0 : i32
          %dma_wait3A_142 = tpu.memref_slice %arg16[%dma_wait3A_140, %dma_wait3A_141] : memref<10112x128xf32, #tpu.memory_space<vmem_shared>> -> memref<10112x128xf32, #tpu.memory_space<vmem_shared>>
          tpu.wait_indirect_dma semaphore(%arg27 : memref<!tpu.dma_semaphore, #tpu.memory_space<semaphore_mem>>) src(%arg14 : memref<128x128xf32, #tpu.memory_space<vmem>>) dst(%dma_wait3A_142 : memref<10112x128xf32, #tpu.memory_space<vmem_shared>>)
        } else {
        }
        %add3A_121 = arith.constant 2 : i32
        %add3A_122 = arith.addi %add3A_103, %add3A_121 : i32
        %mul3A_123 = arith.constant 128 : i32
        %mul3A_124 = arith.muli %add3A_122, %mul3A_123 : i32
        %add3A_125 = arith.addi %mul3A_14, %mul3A_124 : i32
        %dma_start3A_126 = tpu.memref_slice %arg2[%add3A_125] : memref<663552xi32, #tpu.memory_space<hbm>> -> memref<128xi32, #tpu.memory_space<hbm>>
        %dma_start3A_127 = tpu.memref_slice %arg2[%add3A_125] : memref<663552xi32, #tpu.memory_space<hbm>> -> memref<128xi32, #tpu.memory_space<hbm>>
        tpu.enqueue_dma source(%dma_start3A_127 : memref<128xi32, #tpu.memory_space<hbm>>) target(%arg8 : memref<128xi32, #tpu.memory_space<vmem>>) target_semaphore(%arg18 : memref<!tpu.dma_semaphore, #tpu.memory_space<semaphore_mem>>)
        %mul3A_128 = arith.constant 128 : i32
        %mul3A_129 = arith.muli %add3A_122, %mul3A_128 : i32
        %add3A_130 = arith.addi %mul3A_14, %mul3A_129 : i32
        %dma_start3A_131 = tpu.memref_slice %arg3[%add3A_130] : memref<663552xi32, #tpu.memory_space<hbm>> -> memref<128xi32, #tpu.memory_space<hbm>>
        %dma_start3A_132 = tpu.memref_slice %arg3[%add3A_130] : memref<663552xi32, #tpu.memory_space<hbm>> -> memref<128xi32, #tpu.memory_space<hbm>>
        tpu.enqueue_dma source(%dma_start3A_132 : memref<128xi32, #tpu.memory_space<hbm>>) target(%arg11 : memref<128xi32, #tpu.memory_space<vmem>>) target_semaphore(%arg21 : memref<!tpu.dma_semaphore, #tpu.memory_space<semaphore_mem>>)
        %dma_wait3A_133 = tpu.memref_slice %arg2[%add3A_125] : memref<663552xi32, #tpu.memory_space<hbm>> -> memref<128xi32, #tpu.memory_space<hbm>>
        %dma_wait3A_134 = tpu.memref_slice %arg2[%add3A_125] : memref<663552xi32, #tpu.memory_space<hbm>> -> memref<128xi32, #tpu.memory_space<hbm>>
        tpu.wait_dma2 semaphore(%arg18 : memref<!tpu.dma_semaphore, #tpu.memory_space<semaphore_mem>>) src(%dma_wait3A_134 : memref<128xi32, #tpu.memory_space<hbm>>) dst(%arg8 : memref<128xi32, #tpu.memory_space<vmem>>)
        %dma_wait3A_135 = tpu.memref_slice %arg3[%add3A_130] : memref<663552xi32, #tpu.memory_space<hbm>> -> memref<128xi32, #tpu.memory_space<hbm>>
        %dma_wait3A_136 = tpu.memref_slice %arg3[%add3A_130] : memref<663552xi32, #tpu.memory_space<hbm>> -> memref<128xi32, #tpu.memory_space<hbm>>
        tpu.wait_dma2 semaphore(%arg21 : memref<!tpu.dma_semaphore, #tpu.memory_space<semaphore_mem>>) src(%dma_wait3A_136 : memref<128xi32, #tpu.memory_space<hbm>>) dst(%arg11 : memref<128xi32, #tpu.memory_space<vmem>>)
        %dma_start3A_137 = arith.constant 0 : i32
        %dma_start3A_138 = arith.constant 0 : i32
        %dma_start3A_139 = tpu.memref_slice %arg5[%dma_start3A_137, %dma_start3A_138] : memref<10000x128xf32, #tpu.memory_space<hbm>> -> memref<10000x128xf32, #tpu.memory_space<hbm>>
        tpu.enqueue_indirect_dma source(%dma_start3A_139 : memref<10000x128xf32, #tpu.memory_space<hbm>>) target(%arg14 : memref<128x128xf32, #tpu.memory_space<vmem>>) offsets(%arg8 : memref<128xi32, #tpu.memory_space<vmem>>) semaphore(%arg24 : memref<!tpu.dma_semaphore, #tpu.memory_space<semaphore_mem>>)
      } else {
      }
    }
    %scan3A_47 = arith.constant 54 : i32
    %dma_wait3A_48 = arith.constant 0 : i32
    %dma_wait3A_49 = arith.constant 0 : i32
    %dma_wait3A_50 = tpu.memref_slice %arg16[%dma_wait3A_48, %dma_wait3A_49] : memref<10112x128xf32, #tpu.memory_space<vmem_shared>> -> memref<10112x128xf32, #tpu.memory_space<vmem_shared>>
    tpu.wait_indirect_dma semaphore(%arg26 : memref<!tpu.dma_semaphore, #tpu.memory_space<semaphore_mem>>) src(%arg13 : memref<128x128xf32, #tpu.memory_space<vmem>>) dst(%dma_wait3A_50 : memref<10112x128xf32, #tpu.memory_space<vmem_shared>>)
    %dma_wait3A_51 = arith.constant 0 : i32
    %dma_wait3A_52 = arith.constant 0 : i32
    %dma_wait3A_53 = tpu.memref_slice %arg16[%dma_wait3A_51, %dma_wait3A_52] : memref<10112x128xf32, #tpu.memory_space<vmem_shared>> -> memref<10112x128xf32, #tpu.memory_space<vmem_shared>>
    tpu.wait_indirect_dma semaphore(%arg27 : memref<!tpu.dma_semaphore, #tpu.memory_space<semaphore_mem>>) src(%arg14 : memref<128x128xf32, #tpu.memory_space<vmem>>) dst(%dma_wait3A_53 : memref<10112x128xf32, #tpu.memory_space<vmem_shared>>)
    %dma_wait3A_54 = arith.constant 0 : i32
    %dma_wait3A_55 = arith.constant 0 : i32
    %dma_wait3A_56 = tpu.memref_slice %arg16[%dma_wait3A_54, %dma_wait3A_55] : memref<10112x128xf32, #tpu.memory_space<vmem_shared>> -> memref<10112x128xf32, #tpu.memory_space<vmem_shared>>
    tpu.wait_indirect_dma semaphore(%arg28 : memref<!tpu.dma_semaphore, #tpu.memory_space<semaphore_mem>>) src(%arg15 : memref<128x128xf32, #tpu.memory_space<vmem>>) dst(%dma_wait3A_56 : memref<10112x128xf32, #tpu.memory_space<vmem_shared>>)
    %barrier3A_57 = arith.constant 0 : index
    tpu.barrier barrier_id(%barrier3A_57)
    %add3A_58 = arith.constant 0 : i32
    %add3A_59 = arith.addi %mul3A_2, %add3A_58 : i32
    "tpu.region"() ({
      %run_scoped3A = tpu.sem_alloc : memref<!tpu.dma_semaphore, #tpu.memory_space<semaphore_mem>>
      %dma_start3A_68 = arith.constant 0 : i32
      %dma_start3A_69 = tpu.memref_slice %arg6[%arg0, %add3A_59, %dma_start3A_68] : memref<2x10112x128xf32, #tpu.memory_space<hbm>> -> memref<1x128x128xf32, #tpu.memory_space<hbm>>
      %dma_start3A_70 = tpu.memref_squeeze %dma_start3A_69 : memref<1x128x128xf32, #tpu.memory_space<hbm>> -> memref<128x128xf32, #tpu.memory_space<hbm>>
      %dma_start3A_71 = arith.constant 0 : i32
      %dma_start3A_72 = tpu.memref_slice %arg16[%add3A_59, %dma_start3A_71] : memref<10112x128xf32, #tpu.memory_space<vmem_shared>> -> memref<128x128xf32, #tpu.memory_space<vmem_shared>>
      tpu.enqueue_dma source(%dma_start3A_72 : memref<128x128xf32, #tpu.memory_space<vmem_shared>>) target(%dma_start3A_70 : memref<128x128xf32, #tpu.memory_space<hbm>>) target_semaphore(%run_scoped3A : memref<!tpu.dma_semaphore, #tpu.memory_space<semaphore_mem>>)
      %dma_wait3A_73 = arith.constant 0 : i32
      %dma_wait3A_74 = tpu.memref_slice %arg6[%arg0, %add3A_59, %dma_wait3A_73] : memref<2x10112x128xf32, #tpu.memory_space<hbm>> -> memref<1x128x128xf32, #tpu.memory_space<hbm>>
      %dma_wait3A_75 = tpu.memref_squeeze %dma_wait3A_74 : memref<1x128x128xf32, #tpu.memory_space<hbm>> -> memref<128x128xf32, #tpu.memory_space<hbm>>
      %dma_wait3A_76 = arith.constant 0 : i32
      %dma_wait3A_77 = tpu.memref_slice %arg16[%add3A_59, %dma_wait3A_76] : memref<10112x128xf32, #tpu.memory_space<vmem_shared>> -> memref<128x128xf32, #tpu.memory_space<vmem_shared>>
      tpu.wait_dma2 semaphore(%run_scoped3A : memref<!tpu.dma_semaphore, #tpu.memory_space<semaphore_mem>>) src(%dma_wait3A_77 : memref<128x128xf32, #tpu.memory_space<vmem_shared>>) dst(%dma_wait3A_75 : memref<128x128xf32, #tpu.memory_space<hbm>>)
      tpu.yield
    }) : () -> ()
    %add3A_60 = arith.constant 128 : i32
    %add3A_61 = arith.addi %mul3A_2, %add3A_60 : i32
    "tpu.region"() ({
      %run_scoped3A = tpu.sem_alloc : memref<!tpu.dma_semaphore, #tpu.memory_space<semaphore_mem>>
      %dma_start3A_68 = arith.constant 0 : i32
      %dma_start3A_69 = tpu.memref_slice %arg6[%arg0, %add3A_61, %dma_start3A_68] : memref<2x10112x128xf32, #tpu.memory_space<hbm>> -> memref<1x128x128xf32, #tpu.memory_space<hbm>>
      %dma_start3A_70 = tpu.memref_squeeze %dma_start3A_69 : memref<1x128x128xf32, #tpu.memory_space<hbm>> -> memref<128x128xf32, #tpu.memory_space<hbm>>
      %dma_start3A_71 = arith.constant 0 : i32
      %dma_start3A_72 = tpu.memref_slice %arg16[%add3A_61, %dma_start3A_71] : memref<10112x128xf32, #tpu.memory_space<vmem_shared>> -> memref<128x128xf32, #tpu.memory_space<vmem_shared>>
      tpu.enqueue_dma source(%dma_start3A_72 : memref<128x128xf32, #tpu.memory_space<vmem_shared>>) target(%dma_start3A_70 : memref<128x128xf32, #tpu.memory_space<hbm>>) target_semaphore(%run_scoped3A : memref<!tpu.dma_semaphore, #tpu.memory_space<semaphore_mem>>)
      %dma_wait3A_73 = arith.constant 0 : i32
      %dma_wait3A_74 = tpu.memref_slice %arg6[%arg0, %add3A_61, %dma_wait3A_73] : memref<2x10112x128xf32, #tpu.memory_space<hbm>> -> memref<1x128x128xf32, #tpu.memory_space<hbm>>
      %dma_wait3A_75 = tpu.memref_squeeze %dma_wait3A_74 : memref<1x128x128xf32, #tpu.memory_space<hbm>> -> memref<128x128xf32, #tpu.memory_space<hbm>>
      %dma_wait3A_76 = arith.constant 0 : i32
      %dma_wait3A_77 = tpu.memref_slice %arg16[%add3A_61, %dma_wait3A_76] : memref<10112x128xf32, #tpu.memory_space<vmem_shared>> -> memref<128x128xf32, #tpu.memory_space<vmem_shared>>
      tpu.wait_dma2 semaphore(%run_scoped3A : memref<!tpu.dma_semaphore, #tpu.memory_space<semaphore_mem>>) src(%dma_wait3A_77 : memref<128x128xf32, #tpu.memory_space<vmem_shared>>) dst(%dma_wait3A_75 : memref<128x128xf32, #tpu.memory_space<hbm>>)
      tpu.yield
    }) : () -> ()
    %add3A_62 = arith.constant 256 : i32
    %add3A_63 = arith.addi %mul3A_2, %add3A_62 : i32
    "tpu.region"() ({
      %run_scoped3A = tpu.sem_alloc : memref<!tpu.dma_semaphore, #tpu.memory_space<semaphore_mem>>
      %dma_start3A_68 = arith.constant 0 : i32
      %dma_start3A_69 = tpu.memref_slice %arg6[%arg0, %add3A_63, %dma_start3A_68] : memref<2x10112x128xf32, #tpu.memory_space<hbm>> -> memref<1x128x128xf32, #tpu.memory_space<hbm>>
      %dma_start3A_70 = tpu.memref_squeeze %dma_start3A_69 : memref<1x128x128xf32, #tpu.memory_space<hbm>> -> memref<128x128xf32, #tpu.memory_space<hbm>>
      %dma_start3A_71 = arith.constant 0 : i32
      %dma_start3A_72 = tpu.memref_slice %arg16[%add3A_63, %dma_start3A_71] : memref<10112x128xf32, #tpu.memory_space<vmem_shared>> -> memref<128x128xf32, #tpu.memory_space<vmem_shared>>
      tpu.enqueue_dma source(%dma_start3A_72 : memref<128x128xf32, #tpu.memory_space<vmem_shared>>) target(%dma_start3A_70 : memref<128x128xf32, #tpu.memory_space<hbm>>) target_semaphore(%run_scoped3A : memref<!tpu.dma_semaphore, #tpu.memory_space<semaphore_mem>>)
      %dma_wait3A_73 = arith.constant 0 : i32
      %dma_wait3A_74 = tpu.memref_slice %arg6[%arg0, %add3A_63, %dma_wait3A_73] : memref<2x10112x128xf32, #tpu.memory_space<hbm>> -> memref<1x128x128xf32, #tpu.memory_space<hbm>>
      %dma_wait3A_75 = tpu.memref_squeeze %dma_wait3A_74 : memref<1x128x128xf32, #tpu.memory_space<hbm>> -> memref<128x128xf32, #tpu.memory_space<hbm>>
      %dma_wait3A_76 = arith.constant 0 : i32
      %dma_wait3A_77 = tpu.memref_slice %arg16[%add3A_63, %dma_wait3A_76] : memref<10112x128xf32, #tpu.memory_space<vmem_shared>> -> memref<128x128xf32, #tpu.memory_space<vmem_shared>>
      tpu.wait_dma2 semaphore(%run_scoped3A : memref<!tpu.dma_semaphore, #tpu.memory_space<semaphore_mem>>) src(%dma_wait3A_77 : memref<128x128xf32, #tpu.memory_space<vmem_shared>>) dst(%dma_wait3A_75 : memref<128x128xf32, #tpu.memory_space<hbm>>)
      tpu.yield
    }) : () -> ()
    %add3A_64 = arith.constant 384 : i32
    %add3A_65 = arith.addi %mul3A_2, %add3A_64 : i32
    "tpu.region"() ({
      %run_scoped3A = tpu.sem_alloc : memref<!tpu.dma_semaphore, #tpu.memory_space<semaphore_mem>>
      %dma_start3A_68 = arith.constant 0 : i32
      %dma_start3A_69 = tpu.memref_slice %arg6[%arg0, %add3A_65, %dma_start3A_68] : memref<2x10112x128xf32, #tpu.memory_space<hbm>> -> memref<1x128x128xf32, #tpu.memory_space<hbm>>
      %dma_start3A_70 = tpu.memref_squeeze %dma_start3A_69 : memref<1x128x128xf32, #tpu.memory_space<hbm>> -> memref<128x128xf32, #tpu.memory_space<hbm>>
      %dma_start3A_71 = arith.constant 0 : i32
      %dma_start3A_72 = tpu.memref_slice %arg16[%add3A_65, %dma_start3A_71] : memref<10112x128xf32, #tpu.memory_space<vmem_shared>> -> memref<128x128xf32, #tpu.memory_space<vmem_shared>>
      tpu.enqueue_dma source(%dma_start3A_72 : memref<128x128xf32, #tpu.memory_space<vmem_shared>>) target(%dma_start3A_70 : memref<128x128xf32, #tpu.memory_space<hbm>>) target_semaphore(%run_scoped3A : memref<!tpu.dma_semaphore, #tpu.memory_space<semaphore_mem>>)
      %dma_wait3A_73 = arith.constant 0 : i32
      %dma_wait3A_74 = tpu.memref_slice %arg6[%arg0, %add3A_65, %dma_wait3A_73] : memref<2x10112x128xf32, #tpu.memory_space<hbm>> -> memref<1x128x128xf32, #tpu.memory_space<hbm>>
      %dma_wait3A_75 = tpu.memref_squeeze %dma_wait3A_74 : memref<1x128x128xf32, #tpu.memory_space<hbm>> -> memref<128x128xf32, #tpu.memory_space<hbm>>
      %dma_wait3A_76 = arith.constant 0 : i32
      %dma_wait3A_77 = tpu.memref_slice %arg16[%add3A_65, %dma_wait3A_76] : memref<10112x128xf32, #tpu.memory_space<vmem_shared>> -> memref<128x128xf32, #tpu.memory_space<vmem_shared>>
      tpu.wait_dma2 semaphore(%run_scoped3A : memref<!tpu.dma_semaphore, #tpu.memory_space<semaphore_mem>>) src(%dma_wait3A_77 : memref<128x128xf32, #tpu.memory_space<vmem_shared>>) dst(%dma_wait3A_75 : memref<128x128xf32, #tpu.memory_space<hbm>>)
      tpu.yield
    }) : () -> ()
    %add3A_66 = arith.constant 512 : i32
    %add3A_67 = arith.addi %mul3A_2, %add3A_66 : i32
    "tpu.region"() ({
      %run_scoped3A = tpu.sem_alloc : memref<!tpu.dma_semaphore, #tpu.memory_space<semaphore_mem>>
      %dma_start3A_68 = arith.constant 0 : i32
      %dma_start3A_69 = tpu.memref_slice %arg6[%arg0, %add3A_67, %dma_start3A_68] : memref<2x10112x128xf32, #tpu.memory_space<hbm>> -> memref<1x120x128xf32, #tpu.memory_space<hbm>>
      %dma_start3A_70 = tpu.memref_squeeze %dma_start3A_69 : memref<1x120x128xf32, #tpu.memory_space<hbm>> -> memref<120x128xf32, #tpu.memory_space<hbm>>
      %dma_start3A_71 = arith.constant 0 : i32
      %dma_start3A_72 = tpu.memref_slice %arg16[%add3A_67, %dma_start3A_71] : memref<10112x128xf32, #tpu.memory_space<vmem_shared>> -> memref<120x128xf32, #tpu.memory_space<vmem_shared>>
      tpu.enqueue_dma source(%dma_start3A_72 : memref<120x128xf32, #tpu.memory_space<vmem_shared>>) target(%dma_start3A_70 : memref<120x128xf32, #tpu.memory_space<hbm>>) target_semaphore(%run_scoped3A : memref<!tpu.dma_semaphore, #tpu.memory_space<semaphore_mem>>)
      %dma_wait3A_73 = arith.constant 0 : i32
      %dma_wait3A_74 = tpu.memref_slice %arg6[%arg0, %add3A_67, %dma_wait3A_73] : memref<2x10112x128xf32, #tpu.memory_space<hbm>> -> memref<1x120x128xf32, #tpu.memory_space<hbm>>
      %dma_wait3A_75 = tpu.memref_squeeze %dma_wait3A_74 : memref<1x120x128xf32, #tpu.memory_space<hbm>> -> memref<120x128xf32, #tpu.memory_space<hbm>>
      %dma_wait3A_76 = arith.constant 0 : i32
      %dma_wait3A_77 = tpu.memref_slice %arg16[%add3A_67, %dma_wait3A_76] : memref<10112x128xf32, #tpu.memory_space<vmem_shared>> -> memref<120x128xf32, #tpu.memory_space<vmem_shared>>
      tpu.wait_dma2 semaphore(%run_scoped3A : memref<!tpu.dma_semaphore, #tpu.memory_space<semaphore_mem>>) src(%dma_wait3A_77 : memref<120x128xf32, #tpu.memory_space<vmem_shared>>) dst(%dma_wait3A_75 : memref<120x128xf32, #tpu.memory_space<hbm>>)
      tpu.yield
    }) : () -> ()
    return
  }
}

#map = affine_map<(d0, d1) -> (0)>
#map1 = affine_map<(d0, d1) -> (0, 0)>
#map2 = affine_map<(d0, d1) -> (0, 0, 0)>
module attributes {stable_mosaic.version = 14 : i64} {
  func.func @_sc_spmm_body(%arg0: i32, %arg1: i32, %arg2: memref<663552xi32, #tpu.memory_space<hbm>>, %arg3: memref<663552xi32, #tpu.memory_space<hbm>>, %arg4: memref<128x128xf32, #tpu.memory_space<hbm>>, %arg5: memref<10000x128xf32, #tpu.memory_space<hbm>>, %arg6: memref<2x10112x128xf32, #tpu.memory_space<hbm>>, %arg7: memref<128xi32, #tpu.memory_space<vmem>>, %arg8: memref<128xi32, #tpu.memory_space<vmem>>, %arg9: memref<128xi32, #tpu.memory_space<vmem>>, %arg10: memref<128xi32, #tpu.memory_space<vmem>>, %arg11: memref<128xi32, #tpu.memory_space<vmem>>, %arg12: memref<128xi32, #tpu.memory_space<vmem>>, %arg13: memref<128x128xf32, #tpu.memory_space<vmem>>, %arg14: memref<128x128xf32, #tpu.memory_space<vmem>>, %arg15: memref<128x128xf32, #tpu.memory_space<vmem>>, %arg16: memref<10112x128xf32, #tpu.memory_space<vmem_shared>>, %arg17: memref<!tpu.dma_semaphore, #tpu.memory_space<semaphore_mem>>, %arg18: memref<!tpu.dma_semaphore, #tpu.memory_space<semaphore_mem>>, %arg19: memref<!tpu.dma_semaphore, #tpu.memory_space<semaphore_mem>>, %arg20: memref<!tpu.dma_semaphore, #tpu.memory_space<semaphore_mem>>, %arg21: memref<!tpu.dma_semaphore, #tpu.memory_space<semaphore_mem>>, %arg22: memref<!tpu.dma_semaphore, #tpu.memory_space<semaphore_mem>>, %arg23: memref<!tpu.dma_semaphore, #tpu.memory_space<semaphore_mem>>, %arg24: memref<!tpu.dma_semaphore, #tpu.memory_space<semaphore_mem>>, %arg25: memref<!tpu.dma_semaphore, #tpu.memory_space<semaphore_mem>>, %arg26: memref<!tpu.dma_semaphore, #tpu.memory_space<semaphore_mem>>, %arg27: memref<!tpu.dma_semaphore, #tpu.memory_space<semaphore_mem>>, %arg28: memref<!tpu.dma_semaphore, #tpu.memory_space<semaphore_mem>>) attributes {dimension_semantics = [#tpu.dimension_semantics<core_parallel>, #tpu.dimension_semantics<subcore_parallel>], iteration_bounds = array<i64: 2, 16>, scalar_prefetch = 0 : i64, scratch_operands = 22 : i64, tpu.core_type = #tpu.core_type<sc_vector_subcore>, window_params = [{transform_indices = #map}, {transform_indices = #map}, {transform_indices = #map1}, {transform_indices = #map1}, {transform_indices = #map2}]} {
    %mul3A = arith.constant 2 : i32
    %mul3A_0 = arith.muli %arg1, %mul3A : i32
    %add3A = arith.addi %mul3A_0, %arg0 : i32
    %mul3A_1 = arith.constant 632 : i32
    %mul3A_2 = arith.muli %arg1, %mul3A_1 : i32
    "tpu.region"() ({
      %run_scoped3A = tpu.sem_alloc : memref<!tpu.dma_semaphore, #tpu.memory_space<semaphore_mem>>
      tpu.enqueue_dma source(%arg4 : memref<128x128xf32, #tpu.memory_space<hbm>>) target(%arg13 : memref<128x128xf32, #tpu.memory_space<vmem>>) target_semaphore(%run_scoped3A : memref<!tpu.dma_semaphore, #tpu.memory_space<semaphore_mem>>)
      tpu.wait_dma2 semaphore(%run_scoped3A : memref<!tpu.dma_semaphore, #tpu.memory_space<semaphore_mem>>) src(%arg4 : memref<128x128xf32, #tpu.memory_space<hbm>>) dst(%arg13 : memref<128x128xf32, #tpu.memory_space<vmem>>)
      tpu.yield
    }) : () -> ()
    %add3A_3 = arith.constant 0 : i32
    %add3A_4 = arith.addi %mul3A_2, %add3A_3 : i32
    "tpu.region"() ({
      %run_scoped3A = tpu.sem_alloc : memref<!tpu.dma_semaphore, #tpu.memory_space<semaphore_mem>>
      %dma_start3A_68 = arith.constant 0 : i32
      %dma_start3A_69 = tpu.memref_slice %arg16[%add3A_4, %dma_start3A_68] : memref<10112x128xf32, #tpu.memory_space<vmem_shared>> -> memref<128x128xf32, #tpu.memory_space<vmem_shared>>
      %dma_start3A_70 = arith.constant 0 : i32
      %dma_start3A_71 = tpu.memref_slice %arg16[%add3A_4, %dma_start3A_70] : memref<10112x128xf32, #tpu.memory_space<vmem_shared>> -> memref<128x128xf32, #tpu.memory_space<vmem_shared>>
      tpu.enqueue_dma source(%arg13 : memref<128x128xf32, #tpu.memory_space<vmem>>) target(%dma_start3A_71 : memref<128x128xf32, #tpu.memory_space<vmem_shared>>) target_semaphore(%run_scoped3A : memref<!tpu.dma_semaphore, #tpu.memory_space<semaphore_mem>>)
      %dma_wait3A_72 = arith.constant 0 : i32
      %dma_wait3A_73 = tpu.memref_slice %arg16[%add3A_4, %dma_wait3A_72] : memref<10112x128xf32, #tpu.memory_space<vmem_shared>> -> memref<128x128xf32, #tpu.memory_space<vmem_shared>>
      %dma_wait3A_74 = arith.constant 0 : i32
      %dma_wait3A_75 = tpu.memref_slice %arg16[%add3A_4, %dma_wait3A_74] : memref<10112x128xf32, #tpu.memory_space<vmem_shared>> -> memref<128x128xf32, #tpu.memory_space<vmem_shared>>
      tpu.wait_dma2 semaphore(%run_scoped3A : memref<!tpu.dma_semaphore, #tpu.memory_space<semaphore_mem>>) src(%arg13 : memref<128x128xf32, #tpu.memory_space<vmem>>) dst(%dma_wait3A_75 : memref<128x128xf32, #tpu.memory_space<vmem_shared>>)
      tpu.yield
    }) : () -> ()
    %add3A_5 = arith.constant 128 : i32
    %add3A_6 = arith.addi %mul3A_2, %add3A_5 : i32
    "tpu.region"() ({
      %run_scoped3A = tpu.sem_alloc : memref<!tpu.dma_semaphore, #tpu.memory_space<semaphore_mem>>
      %dma_start3A_68 = arith.constant 0 : i32
      %dma_start3A_69 = tpu.memref_slice %arg16[%add3A_6, %dma_start3A_68] : memref<10112x128xf32, #tpu.memory_space<vmem_shared>> -> memref<128x128xf32, #tpu.memory_space<vmem_shared>>
      %dma_start3A_70 = arith.constant 0 : i32
      %dma_start3A_71 = tpu.memref_slice %arg16[%add3A_6, %dma_start3A_70] : memref<10112x128xf32, #tpu.memory_space<vmem_shared>> -> memref<128x128xf32, #tpu.memory_space<vmem_shared>>
      tpu.enqueue_dma source(%arg13 : memref<128x128xf32, #tpu.memory_space<vmem>>) target(%dma_start3A_71 : memref<128x128xf32, #tpu.memory_space<vmem_shared>>) target_semaphore(%run_scoped3A : memref<!tpu.dma_semaphore, #tpu.memory_space<semaphore_mem>>)
      %dma_wait3A_72 = arith.constant 0 : i32
      %dma_wait3A_73 = tpu.memref_slice %arg16[%add3A_6, %dma_wait3A_72] : memref<10112x128xf32, #tpu.memory_space<vmem_shared>> -> memref<128x128xf32, #tpu.memory_space<vmem_shared>>
      %dma_wait3A_74 = arith.constant 0 : i32
      %dma_wait3A_75 = tpu.memref_slice %arg16[%add3A_6, %dma_wait3A_74] : memref<10112x128xf32, #tpu.memory_space<vmem_shared>> -> memref<128x128xf32, #tpu.memory_space<vmem_shared>>
      tpu.wait_dma2 semaphore(%run_scoped3A : memref<!tpu.dma_semaphore, #tpu.memory_space<semaphore_mem>>) src(%arg13 : memref<128x128xf32, #tpu.memory_space<vmem>>) dst(%dma_wait3A_75 : memref<128x128xf32, #tpu.memory_space<vmem_shared>>)
      tpu.yield
    }) : () -> ()
    %add3A_7 = arith.constant 256 : i32
    %add3A_8 = arith.addi %mul3A_2, %add3A_7 : i32
    "tpu.region"() ({
      %run_scoped3A = tpu.sem_alloc : memref<!tpu.dma_semaphore, #tpu.memory_space<semaphore_mem>>
      %dma_start3A_68 = arith.constant 0 : i32
      %dma_start3A_69 = tpu.memref_slice %arg16[%add3A_8, %dma_start3A_68] : memref<10112x128xf32, #tpu.memory_space<vmem_shared>> -> memref<128x128xf32, #tpu.memory_space<vmem_shared>>
      %dma_start3A_70 = arith.constant 0 : i32
      %dma_start3A_71 = tpu.memref_slice %arg16[%add3A_8, %dma_start3A_70] : memref<10112x128xf32, #tpu.memory_space<vmem_shared>> -> memref<128x128xf32, #tpu.memory_space<vmem_shared>>
      tpu.enqueue_dma source(%arg13 : memref<128x128xf32, #tpu.memory_space<vmem>>) target(%dma_start3A_71 : memref<128x128xf32, #tpu.memory_space<vmem_shared>>) target_semaphore(%run_scoped3A : memref<!tpu.dma_semaphore, #tpu.memory_space<semaphore_mem>>)
      %dma_wait3A_72 = arith.constant 0 : i32
      %dma_wait3A_73 = tpu.memref_slice %arg16[%add3A_8, %dma_wait3A_72] : memref<10112x128xf32, #tpu.memory_space<vmem_shared>> -> memref<128x128xf32, #tpu.memory_space<vmem_shared>>
      %dma_wait3A_74 = arith.constant 0 : i32
      %dma_wait3A_75 = tpu.memref_slice %arg16[%add3A_8, %dma_wait3A_74] : memref<10112x128xf32, #tpu.memory_space<vmem_shared>> -> memref<128x128xf32, #tpu.memory_space<vmem_shared>>
      tpu.wait_dma2 semaphore(%run_scoped3A : memref<!tpu.dma_semaphore, #tpu.memory_space<semaphore_mem>>) src(%arg13 : memref<128x128xf32, #tpu.memory_space<vmem>>) dst(%dma_wait3A_75 : memref<128x128xf32, #tpu.memory_space<vmem_shared>>)
      tpu.yield
    }) : () -> ()
    %add3A_9 = arith.constant 384 : i32
    %add3A_10 = arith.addi %mul3A_2, %add3A_9 : i32
    "tpu.region"() ({
      %run_scoped3A = tpu.sem_alloc : memref<!tpu.dma_semaphore, #tpu.memory_space<semaphore_mem>>
      %dma_start3A_68 = arith.constant 0 : i32
      %dma_start3A_69 = tpu.memref_slice %arg16[%add3A_10, %dma_start3A_68] : memref<10112x128xf32, #tpu.memory_space<vmem_shared>> -> memref<128x128xf32, #tpu.memory_space<vmem_shared>>
      %dma_start3A_70 = arith.constant 0 : i32
      %dma_start3A_71 = tpu.memref_slice %arg16[%add3A_10, %dma_start3A_70] : memref<10112x128xf32, #tpu.memory_space<vmem_shared>> -> memref<128x128xf32, #tpu.memory_space<vmem_shared>>
      tpu.enqueue_dma source(%arg13 : memref<128x128xf32, #tpu.memory_space<vmem>>) target(%dma_start3A_71 : memref<128x128xf32, #tpu.memory_space<vmem_shared>>) target_semaphore(%run_scoped3A : memref<!tpu.dma_semaphore, #tpu.memory_space<semaphore_mem>>)
      %dma_wait3A_72 = arith.constant 0 : i32
      %dma_wait3A_73 = tpu.memref_slice %arg16[%add3A_10, %dma_wait3A_72] : memref<10112x128xf32, #tpu.memory_space<vmem_shared>> -> memref<128x128xf32, #tpu.memory_space<vmem_shared>>
      %dma_wait3A_74 = arith.constant 0 : i32
      %dma_wait3A_75 = tpu.memref_slice %arg16[%add3A_10, %dma_wait3A_74] : memref<10112x128xf32, #tpu.memory_space<vmem_shared>> -> memref<128x128xf32, #tpu.memory_space<vmem_shared>>
      tpu.wait_dma2 semaphore(%run_scoped3A : memref<!tpu.dma_semaphore, #tpu.memory_space<semaphore_mem>>) src(%arg13 : memref<128x128xf32, #tpu.memory_space<vmem>>) dst(%dma_wait3A_75 : memref<128x128xf32, #tpu.memory_space<vmem_shared>>)
      tpu.yield
    }) : () -> ()
    %add3A_11 = arith.constant 512 : i32
    %add3A_12 = arith.addi %mul3A_2, %add3A_11 : i32
    "tpu.region"() ({
      %run_scoped3A = tpu.sem_alloc : memref<!tpu.dma_semaphore, #tpu.memory_space<semaphore_mem>>
      %dma_start3A_68 = arith.constant 0 : i32
      %dma_start3A_69 = arith.constant 0 : i32
      %dma_start3A_70 = tpu.memref_slice %arg13[%dma_start3A_68, %dma_start3A_69] : memref<128x128xf32, #tpu.memory_space<vmem>> -> memref<120x128xf32, #tpu.memory_space<vmem>>
      %dma_start3A_71 = arith.constant 0 : i32
      %dma_start3A_72 = tpu.memref_slice %arg16[%add3A_12, %dma_start3A_71] : memref<10112x128xf32, #tpu.memory_space<vmem_shared>> -> memref<120x128xf32, #tpu.memory_space<vmem_shared>>
      %dma_start3A_73 = arith.constant 0 : i32
      %dma_start3A_74 = tpu.memref_slice %arg16[%add3A_12, %dma_start3A_73] : memref<10112x128xf32, #tpu.memory_space<vmem_shared>> -> memref<120x128xf32, #tpu.memory_space<vmem_shared>>
      %dma_start3A_75 = arith.constant 0 : i32
      %dma_start3A_76 = arith.constant 0 : i32
      %dma_start3A_77 = tpu.memref_slice %arg13[%dma_start3A_75, %dma_start3A_76] : memref<128x128xf32, #tpu.memory_space<vmem>> -> memref<120x128xf32, #tpu.memory_space<vmem>>
      tpu.enqueue_dma source(%dma_start3A_77 : memref<120x128xf32, #tpu.memory_space<vmem>>) target(%dma_start3A_74 : memref<120x128xf32, #tpu.memory_space<vmem_shared>>) target_semaphore(%run_scoped3A : memref<!tpu.dma_semaphore, #tpu.memory_space<semaphore_mem>>)
      %dma_wait3A_78 = arith.constant 0 : i32
      %dma_wait3A_79 = arith.constant 0 : i32
      %dma_wait3A_80 = tpu.memref_slice %arg13[%dma_wait3A_78, %dma_wait3A_79] : memref<128x128xf32, #tpu.memory_space<vmem>> -> memref<120x128xf32, #tpu.memory_space<vmem>>
      %dma_wait3A_81 = arith.constant 0 : i32
      %dma_wait3A_82 = tpu.memref_slice %arg16[%add3A_12, %dma_wait3A_81] : memref<10112x128xf32, #tpu.memory_space<vmem_shared>> -> memref<120x128xf32, #tpu.memory_space<vmem_shared>>
      %dma_wait3A_83 = arith.constant 0 : i32
      %dma_wait3A_84 = tpu.memref_slice %arg16[%add3A_12, %dma_wait3A_83] : memref<10112x128xf32, #tpu.memory_space<vmem_shared>> -> memref<120x128xf32, #tpu.memory_space<vmem_shared>>
      %dma_wait3A_85 = arith.constant 0 : i32
      %dma_wait3A_86 = arith.constant 0 : i32
      %dma_wait3A_87 = tpu.memref_slice %arg13[%dma_wait3A_85, %dma_wait3A_86] : memref<128x128xf32, #tpu.memory_space<vmem>> -> memref<120x128xf32, #tpu.memory_space<vmem>>
      tpu.wait_dma2 semaphore(%run_scoped3A : memref<!tpu.dma_semaphore, #tpu.memory_space<semaphore_mem>>) src(%dma_wait3A_87 : memref<120x128xf32, #tpu.memory_space<vmem>>) dst(%dma_wait3A_84 : memref<120x128xf32, #tpu.memory_space<vmem_shared>>)
      tpu.yield
    }) : () -> ()
    %barrier3A = arith.constant 0 : index
    tpu.barrier barrier_id(%barrier3A)
    %mul3A_13 = arith.constant 20736 : i32
    %mul3A_14 = arith.muli %add3A, %mul3A_13 : i32
    %add3A_15 = arith.constant 0 : i32
    %add3A_16 = arith.addi %mul3A_14, %add3A_15 : i32
    %dma_start3A = tpu.memref_slice %arg2[%add3A_16] : memref<663552xi32, #tpu.memory_space<hbm>> -> memref<128xi32, #tpu.memory_space<hbm>>
    %dma_start3A_17 = tpu.memref_slice %arg2[%add3A_16] : memref<663552xi32, #tpu.memory_space<hbm>> -> memref<128xi32, #tpu.memory_space<hbm>>
    tpu.enqueue_dma source(%dma_start3A_17 : memref<128xi32, #tpu.memory_space<hbm>>) target(%arg7 : memref<128xi32, #tpu.memory_space<vmem>>) target_semaphore(%arg17 : memref<!tpu.dma_semaphore, #tpu.memory_space<semaphore_mem>>)
    %add3A_18 = arith.constant 0 : i32
    %add3A_19 = arith.addi %mul3A_14, %add3A_18 : i32
    %dma_start3A_20 = tpu.memref_slice %arg3[%add3A_19] : memref<663552xi32, #tpu.memory_space<hbm>> -> memref<128xi32, #tpu.memory_space<hbm>>
    %dma_start3A_21 = tpu.memref_slice %arg3[%add3A_19] : memref<663552xi32, #tpu.memory_space<hbm>> -> memref<128xi32, #tpu.memory_space<hbm>>
    tpu.enqueue_dma source(%dma_start3A_21 : memref<128xi32, #tpu.memory_space<hbm>>) target(%arg10 : memref<128xi32, #tpu.memory_space<vmem>>) target_semaphore(%arg20 : memref<!tpu.dma_semaphore, #tpu.memory_space<semaphore_mem>>)
    %dma_wait3A = tpu.memref_slice %arg2[%add3A_16] : memref<663552xi32, #tpu.memory_space<hbm>> -> memref<128xi32, #tpu.memory_space<hbm>>
    %dma_wait3A_22 = tpu.memref_slice %arg2[%add3A_16] : memref<663552xi32, #tpu.memory_space<hbm>> -> memref<128xi32, #tpu.memory_space<hbm>>
    tpu.wait_dma2 semaphore(%arg17 : memref<!tpu.dma_semaphore, #tpu.memory_space<semaphore_mem>>) src(%dma_wait3A_22 : memref<128xi32, #tpu.memory_space<hbm>>) dst(%arg7 : memref<128xi32, #tpu.memory_space<vmem>>)
    %dma_wait3A_23 = tpu.memref_slice %arg3[%add3A_19] : memref<663552xi32, #tpu.memory_space<hbm>> -> memref<128xi32, #tpu.memory_space<hbm>>
    %dma_wait3A_24 = tpu.memref_slice %arg3[%add3A_19] : memref<663552xi32, #tpu.memory_space<hbm>> -> memref<128xi32, #tpu.memory_space<hbm>>
    tpu.wait_dma2 semaphore(%arg20 : memref<!tpu.dma_semaphore, #tpu.memory_space<semaphore_mem>>) src(%dma_wait3A_24 : memref<128xi32, #tpu.memory_space<hbm>>) dst(%arg10 : memref<128xi32, #tpu.memory_space<vmem>>)
    %dma_start3A_25 = arith.constant 0 : i32
    %dma_start3A_26 = arith.constant 0 : i32
    %dma_start3A_27 = tpu.memref_slice %arg5[%dma_start3A_25, %dma_start3A_26] : memref<10000x128xf32, #tpu.memory_space<hbm>> -> memref<10000x128xf32, #tpu.memory_space<hbm>>
    tpu.enqueue_indirect_dma source(%dma_start3A_27 : memref<10000x128xf32, #tpu.memory_space<hbm>>) target(%arg13 : memref<128x128xf32, #tpu.memory_space<vmem>>) offsets(%arg7 : memref<128xi32, #tpu.memory_space<vmem>>) semaphore(%arg23 : memref<!tpu.dma_semaphore, #tpu.memory_space<semaphore_mem>>)
    %add3A_28 = arith.constant 128 : i32
    %add3A_29 = arith.addi %mul3A_14, %add3A_28 : i32
    %dma_start3A_30 = tpu.memref_slice %arg2[%add3A_29] : memref<663552xi32, #tpu.memory_space<hbm>> -> memref<128xi32, #tpu.memory_space<hbm>>
    %dma_start3A_31 = tpu.memref_slice %arg2[%add3A_29] : memref<663552xi32, #tpu.memory_space<hbm>> -> memref<128xi32, #tpu.memory_space<hbm>>
    tpu.enqueue_dma source(%dma_start3A_31 : memref<128xi32, #tpu.memory_space<hbm>>) target(%arg8 : memref<128xi32, #tpu.memory_space<vmem>>) target_semaphore(%arg18 : memref<!tpu.dma_semaphore, #tpu.memory_space<semaphore_mem>>)
    %add3A_32 = arith.constant 128 : i32
    %add3A_33 = arith.addi %mul3A_14, %add3A_32 : i32
    %dma_start3A_34 = tpu.memref_slice %arg3[%add3A_33] : memref<663552xi32, #tpu.memory_space<hbm>> -> memref<128xi32, #tpu.memory_space<hbm>>
    %dma_start3A_35 = tpu.memref_slice %arg3[%add3A_33] : memref<663552xi32, #tpu.memory_space<hbm>> -> memref<128xi32, #tpu.memory_space<hbm>>
    tpu.enqueue_dma source(%dma_start3A_35 : memref<128xi32, #tpu.memory_space<hbm>>) target(%arg11 : memref<128xi32, #tpu.memory_space<vmem>>) target_semaphore(%arg21 : memref<!tpu.dma_semaphore, #tpu.memory_space<semaphore_mem>>)
    %dma_wait3A_36 = tpu.memref_slice %arg2[%add3A_29] : memref<663552xi32, #tpu.memory_space<hbm>> -> memref<128xi32, #tpu.memory_space<hbm>>
    %dma_wait3A_37 = tpu.memref_slice %arg2[%add3A_29] : memref<663552xi32, #tpu.memory_space<hbm>> -> memref<128xi32, #tpu.memory_space<hbm>>
    tpu.wait_dma2 semaphore(%arg18 : memref<!tpu.dma_semaphore, #tpu.memory_space<semaphore_mem>>) src(%dma_wait3A_37 : memref<128xi32, #tpu.memory_space<hbm>>) dst(%arg8 : memref<128xi32, #tpu.memory_space<vmem>>)
    %dma_wait3A_38 = tpu.memref_slice %arg3[%add3A_33] : memref<663552xi32, #tpu.memory_space<hbm>> -> memref<128xi32, #tpu.memory_space<hbm>>
    %dma_wait3A_39 = tpu.memref_slice %arg3[%add3A_33] : memref<663552xi32, #tpu.memory_space<hbm>> -> memref<128xi32, #tpu.memory_space<hbm>>
    tpu.wait_dma2 semaphore(%arg21 : memref<!tpu.dma_semaphore, #tpu.memory_space<semaphore_mem>>) src(%dma_wait3A_39 : memref<128xi32, #tpu.memory_space<hbm>>) dst(%arg11 : memref<128xi32, #tpu.memory_space<vmem>>)
    %dma_start3A_40 = arith.constant 0 : i32
    %dma_start3A_41 = arith.constant 0 : i32
    %dma_start3A_42 = tpu.memref_slice %arg5[%dma_start3A_40, %dma_start3A_41] : memref<10000x128xf32, #tpu.memory_space<hbm>> -> memref<10000x128xf32, #tpu.memory_space<hbm>>
    tpu.enqueue_indirect_dma source(%dma_start3A_42 : memref<10000x128xf32, #tpu.memory_space<hbm>>) target(%arg14 : memref<128x128xf32, #tpu.memory_space<vmem>>) offsets(%arg8 : memref<128xi32, #tpu.memory_space<vmem>>) semaphore(%arg24 : memref<!tpu.dma_semaphore, #tpu.memory_space<semaphore_mem>>)
    %scan3A = arith.constant 0 : i32
    %scan3A_43 = arith.constant 0 : i32
    %scan3A_44 = arith.constant 54 : i32
    %scan3A_45 = arith.addi %scan3A_43, %scan3A_44 : i32
    %scan3A_46 = arith.constant 1 : i32
    scf.for %scan3A_68 = %scan3A_43 to %scan3A_45 step %scan3A_46  : i32 {
      %mul3A_69 = arith.constant 3 : i32
      %mul3A_70 = arith.muli %scan3A_68, %mul3A_69 : i32
      %add3A_71 = arith.constant 0 : i32
      %add3A_72 = arith.addi %mul3A_70, %add3A_71 : i32
      %dma_wait3A_73 = arith.constant 0 : i32
      %dma_wait3A_74 = arith.constant 0 : i32
      %dma_wait3A_75 = tpu.memref_slice %arg5[%dma_wait3A_73, %dma_wait3A_74] : memref<10000x128xf32, #tpu.memory_space<hbm>> -> memref<10000x128xf32, #tpu.memory_space<hbm>>
      tpu.wait_indirect_dma semaphore(%arg23 : memref<!tpu.dma_semaphore, #tpu.memory_space<semaphore_mem>>) src(%dma_wait3A_75 : memref<10000x128xf32, #tpu.memory_space<hbm>>) dst(%arg13 : memref<128x128xf32, #tpu.memory_space<vmem>>)
      %dma_start3A_76 = arith.constant 0 : i32
      %dma_start3A_77 = arith.constant 0 : i32
      %dma_start3A_78 = tpu.memref_slice %arg16[%dma_start3A_76, %dma_start3A_77] : memref<10112x128xf32, #tpu.memory_space<vmem_shared>> -> memref<10112x128xf32, #tpu.memory_space<vmem_shared>>
      tpu.enqueue_indirect_dma source(%arg13 : memref<128x128xf32, #tpu.memory_space<vmem>>) target(%dma_start3A_78 : memref<10112x128xf32, #tpu.memory_space<vmem_shared>>) offsets(%arg10 : memref<128xi32, #tpu.memory_space<vmem>>) semaphore(%arg26 : memref<!tpu.dma_semaphore, #tpu.memory_space<semaphore_mem>>) {add = true}
      %add3A_79 = arith.constant 2 : i32
      %add3A_80 = arith.addi %add3A_72, %add3A_79 : i32
      %lt3A = arith.constant 162 : i32
      %lt3A_81 = arith.cmpi slt, %add3A_80, %lt3A : i32
      %convert_element_type3A = arith.extui %lt3A_81 : i1 to i32
      %cond3A = arith.constant 0 : i32
      %cond3A_82 = arith.cmpi ne, %convert_element_type3A, %cond3A : i32
      scf.if %cond3A_82 {
        %ge3A = arith.constant 1 : i32
        %ge3A_117 = arith.cmpi sge, %add3A_72, %ge3A : i32
        %convert_element_type3A_118 = arith.extui %ge3A_117 : i1 to i32
        %cond3A_119 = arith.constant 0 : i32
        %cond3A_120 = arith.cmpi ne, %convert_element_type3A_118, %cond3A_119 : i32
        scf.if %cond3A_120 {
          %dma_wait3A_140 = arith.constant 0 : i32
          %dma_wait3A_141 = arith.constant 0 : i32
          %dma_wait3A_142 = tpu.memref_slice %arg16[%dma_wait3A_140, %dma_wait3A_141] : memref<10112x128xf32, #tpu.memory_space<vmem_shared>> -> memref<10112x128xf32, #tpu.memory_space<vmem_shared>>
          tpu.wait_indirect_dma semaphore(%arg28 : memref<!tpu.dma_semaphore, #tpu.memory_space<semaphore_mem>>) src(%arg15 : memref<128x128xf32, #tpu.memory_space<vmem>>) dst(%dma_wait3A_142 : memref<10112x128xf32, #tpu.memory_space<vmem_shared>>)
        } else {
        }
        %add3A_121 = arith.constant 2 : i32
        %add3A_122 = arith.addi %add3A_72, %add3A_121 : i32
        %mul3A_123 = arith.constant 128 : i32
        %mul3A_124 = arith.muli %add3A_122, %mul3A_123 : i32
        %add3A_125 = arith.addi %mul3A_14, %mul3A_124 : i32
        %dma_start3A_126 = tpu.memref_slice %arg2[%add3A_125] : memref<663552xi32, #tpu.memory_space<hbm>> -> memref<128xi32, #tpu.memory_space<hbm>>
        %dma_start3A_127 = tpu.memref_slice %arg2[%add3A_125] : memref<663552xi32, #tpu.memory_space<hbm>> -> memref<128xi32, #tpu.memory_space<hbm>>
        tpu.enqueue_dma source(%dma_start3A_127 : memref<128xi32, #tpu.memory_space<hbm>>) target(%arg9 : memref<128xi32, #tpu.memory_space<vmem>>) target_semaphore(%arg19 : memref<!tpu.dma_semaphore, #tpu.memory_space<semaphore_mem>>)
        %mul3A_128 = arith.constant 128 : i32
        %mul3A_129 = arith.muli %add3A_122, %mul3A_128 : i32
        %add3A_130 = arith.addi %mul3A_14, %mul3A_129 : i32
        %dma_start3A_131 = tpu.memref_slice %arg3[%add3A_130] : memref<663552xi32, #tpu.memory_space<hbm>> -> memref<128xi32, #tpu.memory_space<hbm>>
        %dma_start3A_132 = tpu.memref_slice %arg3[%add3A_130] : memref<663552xi32, #tpu.memory_space<hbm>> -> memref<128xi32, #tpu.memory_space<hbm>>
        tpu.enqueue_dma source(%dma_start3A_132 : memref<128xi32, #tpu.memory_space<hbm>>) target(%arg12 : memref<128xi32, #tpu.memory_space<vmem>>) target_semaphore(%arg22 : memref<!tpu.dma_semaphore, #tpu.memory_space<semaphore_mem>>)
        %dma_wait3A_133 = tpu.memref_slice %arg2[%add3A_125] : memref<663552xi32, #tpu.memory_space<hbm>> -> memref<128xi32, #tpu.memory_space<hbm>>
        %dma_wait3A_134 = tpu.memref_slice %arg2[%add3A_125] : memref<663552xi32, #tpu.memory_space<hbm>> -> memref<128xi32, #tpu.memory_space<hbm>>
        tpu.wait_dma2 semaphore(%arg19 : memref<!tpu.dma_semaphore, #tpu.memory_space<semaphore_mem>>) src(%dma_wait3A_134 : memref<128xi32, #tpu.memory_space<hbm>>) dst(%arg9 : memref<128xi32, #tpu.memory_space<vmem>>)
        %dma_wait3A_135 = tpu.memref_slice %arg3[%add3A_130] : memref<663552xi32, #tpu.memory_space<hbm>> -> memref<128xi32, #tpu.memory_space<hbm>>
        %dma_wait3A_136 = tpu.memref_slice %arg3[%add3A_130] : memref<663552xi32, #tpu.memory_space<hbm>> -> memref<128xi32, #tpu.memory_space<hbm>>
        tpu.wait_dma2 semaphore(%arg22 : memref<!tpu.dma_semaphore, #tpu.memory_space<semaphore_mem>>) src(%dma_wait3A_136 : memref<128xi32, #tpu.memory_space<hbm>>) dst(%arg12 : memref<128xi32, #tpu.memory_space<vmem>>)
        %dma_start3A_137 = arith.constant 0 : i32
        %dma_start3A_138 = arith.constant 0 : i32
        %dma_start3A_139 = tpu.memref_slice %arg5[%dma_start3A_137, %dma_start3A_138] : memref<10000x128xf32, #tpu.memory_space<hbm>> -> memref<10000x128xf32, #tpu.memory_space<hbm>>
        tpu.enqueue_indirect_dma source(%dma_start3A_139 : memref<10000x128xf32, #tpu.memory_space<hbm>>) target(%arg15 : memref<128x128xf32, #tpu.memory_space<vmem>>) offsets(%arg9 : memref<128xi32, #tpu.memory_space<vmem>>) semaphore(%arg25 : memref<!tpu.dma_semaphore, #tpu.memory_space<semaphore_mem>>)
      } else {
      }
      %mul3A_83 = arith.constant 3 : i32
      %mul3A_84 = arith.muli %scan3A_68, %mul3A_83 : i32
      %add3A_85 = arith.constant 1 : i32
      %add3A_86 = arith.addi %mul3A_84, %add3A_85 : i32
      %dma_wait3A_87 = arith.constant 0 : i32
      %dma_wait3A_88 = arith.constant 0 : i32
      %dma_wait3A_89 = tpu.memref_slice %arg5[%dma_wait3A_87, %dma_wait3A_88] : memref<10000x128xf32, #tpu.memory_space<hbm>> -> memref<10000x128xf32, #tpu.memory_space<hbm>>
      tpu.wait_indirect_dma semaphore(%arg24 : memref<!tpu.dma_semaphore, #tpu.memory_space<semaphore_mem>>) src(%dma_wait3A_89 : memref<10000x128xf32, #tpu.memory_space<hbm>>) dst(%arg14 : memref<128x128xf32, #tpu.memory_space<vmem>>)
      %dma_start3A_90 = arith.constant 0 : i32
      %dma_start3A_91 = arith.constant 0 : i32
      %dma_start3A_92 = tpu.memref_slice %arg16[%dma_start3A_90, %dma_start3A_91] : memref<10112x128xf32, #tpu.memory_space<vmem_shared>> -> memref<10112x128xf32, #tpu.memory_space<vmem_shared>>
      tpu.enqueue_indirect_dma source(%arg14 : memref<128x128xf32, #tpu.memory_space<vmem>>) target(%dma_start3A_92 : memref<10112x128xf32, #tpu.memory_space<vmem_shared>>) offsets(%arg11 : memref<128xi32, #tpu.memory_space<vmem>>) semaphore(%arg27 : memref<!tpu.dma_semaphore, #tpu.memory_space<semaphore_mem>>) {add = true}
      %add3A_93 = arith.constant 2 : i32
      %add3A_94 = arith.addi %add3A_86, %add3A_93 : i32
      %lt3A_95 = arith.constant 162 : i32
      %lt3A_96 = arith.cmpi slt, %add3A_94, %lt3A_95 : i32
      %convert_element_type3A_97 = arith.extui %lt3A_96 : i1 to i32
      %cond3A_98 = arith.constant 0 : i32
      %cond3A_99 = arith.cmpi ne, %convert_element_type3A_97, %cond3A_98 : i32
      scf.if %cond3A_99 {
        %ge3A = arith.constant 1 : i32
        %ge3A_117 = arith.cmpi sge, %add3A_86, %ge3A : i32
        %convert_element_type3A_118 = arith.extui %ge3A_117 : i1 to i32
        %cond3A_119 = arith.constant 0 : i32
        %cond3A_120 = arith.cmpi ne, %convert_element_type3A_118, %cond3A_119 : i32
        scf.if %cond3A_120 {
          %dma_wait3A_140 = arith.constant 0 : i32
          %dma_wait3A_141 = arith.constant 0 : i32
          %dma_wait3A_142 = tpu.memref_slice %arg16[%dma_wait3A_140, %dma_wait3A_141] : memref<10112x128xf32, #tpu.memory_space<vmem_shared>> -> memref<10112x128xf32, #tpu.memory_space<vmem_shared>>
          tpu.wait_indirect_dma semaphore(%arg26 : memref<!tpu.dma_semaphore, #tpu.memory_space<semaphore_mem>>) src(%arg13 : memref<128x128xf32, #tpu.memory_space<vmem>>) dst(%dma_wait3A_142 : memref<10112x128xf32, #tpu.memory_space<vmem_shared>>)
        } else {
        }
        %add3A_121 = arith.constant 2 : i32
        %add3A_122 = arith.addi %add3A_86, %add3A_121 : i32
        %mul3A_123 = arith.constant 128 : i32
        %mul3A_124 = arith.muli %add3A_122, %mul3A_123 : i32
        %add3A_125 = arith.addi %mul3A_14, %mul3A_124 : i32
        %dma_start3A_126 = tpu.memref_slice %arg2[%add3A_125] : memref<663552xi32, #tpu.memory_space<hbm>> -> memref<128xi32, #tpu.memory_space<hbm>>
        %dma_start3A_127 = tpu.memref_slice %arg2[%add3A_125] : memref<663552xi32, #tpu.memory_space<hbm>> -> memref<128xi32, #tpu.memory_space<hbm>>
        tpu.enqueue_dma source(%dma_start3A_127 : memref<128xi32, #tpu.memory_space<hbm>>) target(%arg7 : memref<128xi32, #tpu.memory_space<vmem>>) target_semaphore(%arg17 : memref<!tpu.dma_semaphore, #tpu.memory_space<semaphore_mem>>)
        %mul3A_128 = arith.constant 128 : i32
        %mul3A_129 = arith.muli %add3A_122, %mul3A_128 : i32
        %add3A_130 = arith.addi %mul3A_14, %mul3A_129 : i32
        %dma_start3A_131 = tpu.memref_slice %arg3[%add3A_130] : memref<663552xi32, #tpu.memory_space<hbm>> -> memref<128xi32, #tpu.memory_space<hbm>>
        %dma_start3A_132 = tpu.memref_slice %arg3[%add3A_130] : memref<663552xi32, #tpu.memory_space<hbm>> -> memref<128xi32, #tpu.memory_space<hbm>>
        tpu.enqueue_dma source(%dma_start3A_132 : memref<128xi32, #tpu.memory_space<hbm>>) target(%arg10 : memref<128xi32, #tpu.memory_space<vmem>>) target_semaphore(%arg20 : memref<!tpu.dma_semaphore, #tpu.memory_space<semaphore_mem>>)
        %dma_wait3A_133 = tpu.memref_slice %arg2[%add3A_125] : memref<663552xi32, #tpu.memory_space<hbm>> -> memref<128xi32, #tpu.memory_space<hbm>>
        %dma_wait3A_134 = tpu.memref_slice %arg2[%add3A_125] : memref<663552xi32, #tpu.memory_space<hbm>> -> memref<128xi32, #tpu.memory_space<hbm>>
        tpu.wait_dma2 semaphore(%arg17 : memref<!tpu.dma_semaphore, #tpu.memory_space<semaphore_mem>>) src(%dma_wait3A_134 : memref<128xi32, #tpu.memory_space<hbm>>) dst(%arg7 : memref<128xi32, #tpu.memory_space<vmem>>)
        %dma_wait3A_135 = tpu.memref_slice %arg3[%add3A_130] : memref<663552xi32, #tpu.memory_space<hbm>> -> memref<128xi32, #tpu.memory_space<hbm>>
        %dma_wait3A_136 = tpu.memref_slice %arg3[%add3A_130] : memref<663552xi32, #tpu.memory_space<hbm>> -> memref<128xi32, #tpu.memory_space<hbm>>
        tpu.wait_dma2 semaphore(%arg20 : memref<!tpu.dma_semaphore, #tpu.memory_space<semaphore_mem>>) src(%dma_wait3A_136 : memref<128xi32, #tpu.memory_space<hbm>>) dst(%arg10 : memref<128xi32, #tpu.memory_space<vmem>>)
        %dma_start3A_137 = arith.constant 0 : i32
        %dma_start3A_138 = arith.constant 0 : i32
        %dma_start3A_139 = tpu.memref_slice %arg5[%dma_start3A_137, %dma_start3A_138] : memref<10000x128xf32, #tpu.memory_space<hbm>> -> memref<10000x128xf32, #tpu.memory_space<hbm>>
        tpu.enqueue_indirect_dma source(%dma_start3A_139 : memref<10000x128xf32, #tpu.memory_space<hbm>>) target(%arg13 : memref<128x128xf32, #tpu.memory_space<vmem>>) offsets(%arg7 : memref<128xi32, #tpu.memory_space<vmem>>) semaphore(%arg23 : memref<!tpu.dma_semaphore, #tpu.memory_space<semaphore_mem>>)
      } else {
      }
      %mul3A_100 = arith.constant 3 : i32
      %mul3A_101 = arith.muli %scan3A_68, %mul3A_100 : i32
      %add3A_102 = arith.constant 2 : i32
      %add3A_103 = arith.addi %mul3A_101, %add3A_102 : i32
      %dma_wait3A_104 = arith.constant 0 : i32
      %dma_wait3A_105 = arith.constant 0 : i32
      %dma_wait3A_106 = tpu.memref_slice %arg5[%dma_wait3A_104, %dma_wait3A_105] : memref<10000x128xf32, #tpu.memory_space<hbm>> -> memref<10000x128xf32, #tpu.memory_space<hbm>>
      tpu.wait_indirect_dma semaphore(%arg25 : memref<!tpu.dma_semaphore, #tpu.memory_space<semaphore_mem>>) src(%dma_wait3A_106 : memref<10000x128xf32, #tpu.memory_space<hbm>>) dst(%arg15 : memref<128x128xf32, #tpu.memory_space<vmem>>)
      %dma_start3A_107 = arith.constant 0 : i32
      %dma_start3A_108 = arith.constant 0 : i32
      %dma_start3A_109 = tpu.memref_slice %arg16[%dma_start3A_107, %dma_start3A_108] : memref<10112x128xf32, #tpu.memory_space<vmem_shared>> -> memref<10112x128xf32, #tpu.memory_space<vmem_shared>>
      tpu.enqueue_indirect_dma source(%arg15 : memref<128x128xf32, #tpu.memory_space<vmem>>) target(%dma_start3A_109 : memref<10112x128xf32, #tpu.memory_space<vmem_shared>>) offsets(%arg12 : memref<128xi32, #tpu.memory_space<vmem>>) semaphore(%arg28 : memref<!tpu.dma_semaphore, #tpu.memory_space<semaphore_mem>>) {add = true}
      %add3A_110 = arith.constant 2 : i32
      %add3A_111 = arith.addi %add3A_103, %add3A_110 : i32
      %lt3A_112 = arith.constant 162 : i32
      %lt3A_113 = arith.cmpi slt, %add3A_111, %lt3A_112 : i32
      %convert_element_type3A_114 = arith.extui %lt3A_113 : i1 to i32
      %cond3A_115 = arith.constant 0 : i32
      %cond3A_116 = arith.cmpi ne, %convert_element_type3A_114, %cond3A_115 : i32
      scf.if %cond3A_116 {
        %ge3A = arith.constant 1 : i32
        %ge3A_117 = arith.cmpi sge, %add3A_103, %ge3A : i32
        %convert_element_type3A_118 = arith.extui %ge3A_117 : i1 to i32
        %cond3A_119 = arith.constant 0 : i32
        %cond3A_120 = arith.cmpi ne, %convert_element_type3A_118, %cond3A_119 : i32
        scf.if %cond3A_120 {
          %dma_wait3A_140 = arith.constant 0 : i32
          %dma_wait3A_141 = arith.constant 0 : i32
          %dma_wait3A_142 = tpu.memref_slice %arg16[%dma_wait3A_140, %dma_wait3A_141] : memref<10112x128xf32, #tpu.memory_space<vmem_shared>> -> memref<10112x128xf32, #tpu.memory_space<vmem_shared>>
          tpu.wait_indirect_dma semaphore(%arg27 : memref<!tpu.dma_semaphore, #tpu.memory_space<semaphore_mem>>) src(%arg14 : memref<128x128xf32, #tpu.memory_space<vmem>>) dst(%dma_wait3A_142 : memref<10112x128xf32, #tpu.memory_space<vmem_shared>>)
        } else {
        }
        %add3A_121 = arith.constant 2 : i32
        %add3A_122 = arith.addi %add3A_103, %add3A_121 : i32
        %mul3A_123 = arith.constant 128 : i32
        %mul3A_124 = arith.muli %add3A_122, %mul3A_123 : i32
        %add3A_125 = arith.addi %mul3A_14, %mul3A_124 : i32
        %dma_start3A_126 = tpu.memref_slice %arg2[%add3A_125] : memref<663552xi32, #tpu.memory_space<hbm>> -> memref<128xi32, #tpu.memory_space<hbm>>
        %dma_start3A_127 = tpu.memref_slice %arg2[%add3A_125] : memref<663552xi32, #tpu.memory_space<hbm>> -> memref<128xi32, #tpu.memory_space<hbm>>
        tpu.enqueue_dma source(%dma_start3A_127 : memref<128xi32, #tpu.memory_space<hbm>>) target(%arg8 : memref<128xi32, #tpu.memory_space<vmem>>) target_semaphore(%arg18 : memref<!tpu.dma_semaphore, #tpu.memory_space<semaphore_mem>>)
        %mul3A_128 = arith.constant 128 : i32
        %mul3A_129 = arith.muli %add3A_122, %mul3A_128 : i32
        %add3A_130 = arith.addi %mul3A_14, %mul3A_129 : i32
        %dma_start3A_131 = tpu.memref_slice %arg3[%add3A_130] : memref<663552xi32, #tpu.memory_space<hbm>> -> memref<128xi32, #tpu.memory_space<hbm>>
        %dma_start3A_132 = tpu.memref_slice %arg3[%add3A_130] : memref<663552xi32, #tpu.memory_space<hbm>> -> memref<128xi32, #tpu.memory_space<hbm>>
        tpu.enqueue_dma source(%dma_start3A_132 : memref<128xi32, #tpu.memory_space<hbm>>) target(%arg11 : memref<128xi32, #tpu.memory_space<vmem>>) target_semaphore(%arg21 : memref<!tpu.dma_semaphore, #tpu.memory_space<semaphore_mem>>)
        %dma_wait3A_133 = tpu.memref_slice %arg2[%add3A_125] : memref<663552xi32, #tpu.memory_space<hbm>> -> memref<128xi32, #tpu.memory_space<hbm>>
        %dma_wait3A_134 = tpu.memref_slice %arg2[%add3A_125] : memref<663552xi32, #tpu.memory_space<hbm>> -> memref<128xi32, #tpu.memory_space<hbm>>
        tpu.wait_dma2 semaphore(%arg18 : memref<!tpu.dma_semaphore, #tpu.memory_space<semaphore_mem>>) src(%dma_wait3A_134 : memref<128xi32, #tpu.memory_space<hbm>>) dst(%arg8 : memref<128xi32, #tpu.memory_space<vmem>>)
        %dma_wait3A_135 = tpu.memref_slice %arg3[%add3A_130] : memref<663552xi32, #tpu.memory_space<hbm>> -> memref<128xi32, #tpu.memory_space<hbm>>
        %dma_wait3A_136 = tpu.memref_slice %arg3[%add3A_130] : memref<663552xi32, #tpu.memory_space<hbm>> -> memref<128xi32, #tpu.memory_space<hbm>>
        tpu.wait_dma2 semaphore(%arg21 : memref<!tpu.dma_semaphore, #tpu.memory_space<semaphore_mem>>) src(%dma_wait3A_136 : memref<128xi32, #tpu.memory_space<hbm>>) dst(%arg11 : memref<128xi32, #tpu.memory_space<vmem>>)
        %dma_start3A_137 = arith.constant 0 : i32
        %dma_start3A_138 = arith.constant 0 : i32
        %dma_start3A_139 = tpu.memref_slice %arg5[%dma_start3A_137, %dma_start3A_138] : memref<10000x128xf32, #tpu.memory_space<hbm>> -> memref<10000x128xf32, #tpu.memory_space<hbm>>
        tpu.enqueue_indirect_dma source(%dma_start3A_139 : memref<10000x128xf32, #tpu.memory_space<hbm>>) target(%arg14 : memref<128x128xf32, #tpu.memory_space<vmem>>) offsets(%arg8 : memref<128xi32, #tpu.memory_space<vmem>>) semaphore(%arg24 : memref<!tpu.dma_semaphore, #tpu.memory_space<semaphore_mem>>)
      } else {
      }
    }
    %scan3A_47 = arith.constant 54 : i32
    %dma_wait3A_48 = arith.constant 0 : i32
    %dma_wait3A_49 = arith.constant 0 : i32
    %dma_wait3A_50 = tpu.memref_slice %arg16[%dma_wait3A_48, %dma_wait3A_49] : memref<10112x128xf32, #tpu.memory_space<vmem_shared>> -> memref<10112x128xf32, #tpu.memory_space<vmem_shared>>
    tpu.wait_indirect_dma semaphore(%arg26 : memref<!tpu.dma_semaphore, #tpu.memory_space<semaphore_mem>>) src(%arg13 : memref<128x128xf32, #tpu.memory_space<vmem>>) dst(%dma_wait3A_50 : memref<10112x128xf32, #tpu.memory_space<vmem_shared>>)
    %dma_wait3A_51 = arith.constant 0 : i32
    %dma_wait3A_52 = arith.constant 0 : i32
    %dma_wait3A_53 = tpu.memref_slice %arg16[%dma_wait3A_51, %dma_wait3A_52] : memref<10112x128xf32, #tpu.memory_space<vmem_shared>> -> memref<10112x128xf32, #tpu.memory_space<vmem_shared>>
    tpu.wait_indirect_dma semaphore(%arg27 : memref<!tpu.dma_semaphore, #tpu.memory_space<semaphore_mem>>) src(%arg14 : memref<128x128xf32, #tpu.memory_space<vmem>>) dst(%dma_wait3A_53 : memref<10112x128xf32, #tpu.memory_space<vmem_shared>>)
    %dma_wait3A_54 = arith.constant 0 : i32
    %dma_wait3A_55 = arith.constant 0 : i32
    %dma_wait3A_56 = tpu.memref_slice %arg16[%dma_wait3A_54, %dma_wait3A_55] : memref<10112x128xf32, #tpu.memory_space<vmem_shared>> -> memref<10112x128xf32, #tpu.memory_space<vmem_shared>>
    tpu.wait_indirect_dma semaphore(%arg28 : memref<!tpu.dma_semaphore, #tpu.memory_space<semaphore_mem>>) src(%arg15 : memref<128x128xf32, #tpu.memory_space<vmem>>) dst(%dma_wait3A_56 : memref<10112x128xf32, #tpu.memory_space<vmem_shared>>)
    %barrier3A_57 = arith.constant 0 : index
    tpu.barrier barrier_id(%barrier3A_57)
    %add3A_58 = arith.constant 0 : i32
    %add3A_59 = arith.addi %mul3A_2, %add3A_58 : i32
    "tpu.region"() ({
      %run_scoped3A = tpu.sem_alloc : memref<!tpu.dma_semaphore, #tpu.memory_space<semaphore_mem>>
      %dma_start3A_68 = arith.constant 0 : i32
      %dma_start3A_69 = tpu.memref_slice %arg6[%arg0, %add3A_59, %dma_start3A_68] : memref<2x10112x128xf32, #tpu.memory_space<hbm>> -> memref<1x128x128xf32, #tpu.memory_space<hbm>>
      %dma_start3A_70 = tpu.memref_squeeze %dma_start3A_69 : memref<1x128x128xf32, #tpu.memory_space<hbm>> -> memref<128x128xf32, #tpu.memory_space<hbm>>
      %dma_start3A_71 = arith.constant 0 : i32
      %dma_start3A_72 = tpu.memref_slice %arg16[%add3A_59, %dma_start3A_71] : memref<10112x128xf32, #tpu.memory_space<vmem_shared>> -> memref<128x128xf32, #tpu.memory_space<vmem_shared>>
      tpu.enqueue_dma source(%dma_start3A_72 : memref<128x128xf32, #tpu.memory_space<vmem_shared>>) target(%dma_start3A_70 : memref<128x128xf32, #tpu.memory_space<hbm>>) target_semaphore(%run_scoped3A : memref<!tpu.dma_semaphore, #tpu.memory_space<semaphore_mem>>)
      %dma_wait3A_73 = arith.constant 0 : i32
      %dma_wait3A_74 = tpu.memref_slice %arg6[%arg0, %add3A_59, %dma_wait3A_73] : memref<2x10112x128xf32, #tpu.memory_space<hbm>> -> memref<1x128x128xf32, #tpu.memory_space<hbm>>
      %dma_wait3A_75 = tpu.memref_squeeze %dma_wait3A_74 : memref<1x128x128xf32, #tpu.memory_space<hbm>> -> memref<128x128xf32, #tpu.memory_space<hbm>>
      %dma_wait3A_76 = arith.constant 0 : i32
      %dma_wait3A_77 = tpu.memref_slice %arg16[%add3A_59, %dma_wait3A_76] : memref<10112x128xf32, #tpu.memory_space<vmem_shared>> -> memref<128x128xf32, #tpu.memory_space<vmem_shared>>
      tpu.wait_dma2 semaphore(%run_scoped3A : memref<!tpu.dma_semaphore, #tpu.memory_space<semaphore_mem>>) src(%dma_wait3A_77 : memref<128x128xf32, #tpu.memory_space<vmem_shared>>) dst(%dma_wait3A_75 : memref<128x128xf32, #tpu.memory_space<hbm>>)
      tpu.yield
    }) : () -> ()
    %add3A_60 = arith.constant 128 : i32
    %add3A_61 = arith.addi %mul3A_2, %add3A_60 : i32
    "tpu.region"() ({
      %run_scoped3A = tpu.sem_alloc : memref<!tpu.dma_semaphore, #tpu.memory_space<semaphore_mem>>
      %dma_start3A_68 = arith.constant 0 : i32
      %dma_start3A_69 = tpu.memref_slice %arg6[%arg0, %add3A_61, %dma_start3A_68] : memref<2x10112x128xf32, #tpu.memory_space<hbm>> -> memref<1x128x128xf32, #tpu.memory_space<hbm>>
      %dma_start3A_70 = tpu.memref_squeeze %dma_start3A_69 : memref<1x128x128xf32, #tpu.memory_space<hbm>> -> memref<128x128xf32, #tpu.memory_space<hbm>>
      %dma_start3A_71 = arith.constant 0 : i32
      %dma_start3A_72 = tpu.memref_slice %arg16[%add3A_61, %dma_start3A_71] : memref<10112x128xf32, #tpu.memory_space<vmem_shared>> -> memref<128x128xf32, #tpu.memory_space<vmem_shared>>
      tpu.enqueue_dma source(%dma_start3A_72 : memref<128x128xf32, #tpu.memory_space<vmem_shared>>) target(%dma_start3A_70 : memref<128x128xf32, #tpu.memory_space<hbm>>) target_semaphore(%run_scoped3A : memref<!tpu.dma_semaphore, #tpu.memory_space<semaphore_mem>>)
      %dma_wait3A_73 = arith.constant 0 : i32
      %dma_wait3A_74 = tpu.memref_slice %arg6[%arg0, %add3A_61, %dma_wait3A_73] : memref<2x10112x128xf32, #tpu.memory_space<hbm>> -> memref<1x128x128xf32, #tpu.memory_space<hbm>>
      %dma_wait3A_75 = tpu.memref_squeeze %dma_wait3A_74 : memref<1x128x128xf32, #tpu.memory_space<hbm>> -> memref<128x128xf32, #tpu.memory_space<hbm>>
      %dma_wait3A_76 = arith.constant 0 : i32
      %dma_wait3A_77 = tpu.memref_slice %arg16[%add3A_61, %dma_wait3A_76] : memref<10112x128xf32, #tpu.memory_space<vmem_shared>> -> memref<128x128xf32, #tpu.memory_space<vmem_shared>>
      tpu.wait_dma2 semaphore(%run_scoped3A : memref<!tpu.dma_semaphore, #tpu.memory_space<semaphore_mem>>) src(%dma_wait3A_77 : memref<128x128xf32, #tpu.memory_space<vmem_shared>>) dst(%dma_wait3A_75 : memref<128x128xf32, #tpu.memory_space<hbm>>)
      tpu.yield
    }) : () -> ()
    %add3A_62 = arith.constant 256 : i32
    %add3A_63 = arith.addi %mul3A_2, %add3A_62 : i32
    "tpu.region"() ({
      %run_scoped3A = tpu.sem_alloc : memref<!tpu.dma_semaphore, #tpu.memory_space<semaphore_mem>>
      %dma_start3A_68 = arith.constant 0 : i32
      %dma_start3A_69 = tpu.memref_slice %arg6[%arg0, %add3A_63, %dma_start3A_68] : memref<2x10112x128xf32, #tpu.memory_space<hbm>> -> memref<1x128x128xf32, #tpu.memory_space<hbm>>
      %dma_start3A_70 = tpu.memref_squeeze %dma_start3A_69 : memref<1x128x128xf32, #tpu.memory_space<hbm>> -> memref<128x128xf32, #tpu.memory_space<hbm>>
      %dma_start3A_71 = arith.constant 0 : i32
      %dma_start3A_72 = tpu.memref_slice %arg16[%add3A_63, %dma_start3A_71] : memref<10112x128xf32, #tpu.memory_space<vmem_shared>> -> memref<128x128xf32, #tpu.memory_space<vmem_shared>>
      tpu.enqueue_dma source(%dma_start3A_72 : memref<128x128xf32, #tpu.memory_space<vmem_shared>>) target(%dma_start3A_70 : memref<128x128xf32, #tpu.memory_space<hbm>>) target_semaphore(%run_scoped3A : memref<!tpu.dma_semaphore, #tpu.memory_space<semaphore_mem>>)
      %dma_wait3A_73 = arith.constant 0 : i32
      %dma_wait3A_74 = tpu.memref_slice %arg6[%arg0, %add3A_63, %dma_wait3A_73] : memref<2x10112x128xf32, #tpu.memory_space<hbm>> -> memref<1x128x128xf32, #tpu.memory_space<hbm>>
      %dma_wait3A_75 = tpu.memref_squeeze %dma_wait3A_74 : memref<1x128x128xf32, #tpu.memory_space<hbm>> -> memref<128x128xf32, #tpu.memory_space<hbm>>
      %dma_wait3A_76 = arith.constant 0 : i32
      %dma_wait3A_77 = tpu.memref_slice %arg16[%add3A_63, %dma_wait3A_76] : memref<10112x128xf32, #tpu.memory_space<vmem_shared>> -> memref<128x128xf32, #tpu.memory_space<vmem_shared>>
      tpu.wait_dma2 semaphore(%run_scoped3A : memref<!tpu.dma_semaphore, #tpu.memory_space<semaphore_mem>>) src(%dma_wait3A_77 : memref<128x128xf32, #tpu.memory_space<vmem_shared>>) dst(%dma_wait3A_75 : memref<128x128xf32, #tpu.memory_space<hbm>>)
      tpu.yield
    }) : () -> ()
    %add3A_64 = arith.constant 384 : i32
    %add3A_65 = arith.addi %mul3A_2, %add3A_64 : i32
    "tpu.region"() ({
      %run_scoped3A = tpu.sem_alloc : memref<!tpu.dma_semaphore, #tpu.memory_space<semaphore_mem>>
      %dma_start3A_68 = arith.constant 0 : i32
      %dma_start3A_69 = tpu.memref_slice %arg6[%arg0, %add3A_65, %dma_start3A_68] : memref<2x10112x128xf32, #tpu.memory_space<hbm>> -> memref<1x128x128xf32, #tpu.memory_space<hbm>>
      %dma_start3A_70 = tpu.memref_squeeze %dma_start3A_69 : memref<1x128x128xf32, #tpu.memory_space<hbm>> -> memref<128x128xf32, #tpu.memory_space<hbm>>
      %dma_start3A_71 = arith.constant 0 : i32
      %dma_start3A_72 = tpu.memref_slice %arg16[%add3A_65, %dma_start3A_71] : memref<10112x128xf32, #tpu.memory_space<vmem_shared>> -> memref<128x128xf32, #tpu.memory_space<vmem_shared>>
      tpu.enqueue_dma source(%dma_start3A_72 : memref<128x128xf32, #tpu.memory_space<vmem_shared>>) target(%dma_start3A_70 : memref<128x128xf32, #tpu.memory_space<hbm>>) target_semaphore(%run_scoped3A : memref<!tpu.dma_semaphore, #tpu.memory_space<semaphore_mem>>)
      %dma_wait3A_73 = arith.constant 0 : i32
      %dma_wait3A_74 = tpu.memref_slice %arg6[%arg0, %add3A_65, %dma_wait3A_73] : memref<2x10112x128xf32, #tpu.memory_space<hbm>> -> memref<1x128x128xf32, #tpu.memory_space<hbm>>
      %dma_wait3A_75 = tpu.memref_squeeze %dma_wait3A_74 : memref<1x128x128xf32, #tpu.memory_space<hbm>> -> memref<128x128xf32, #tpu.memory_space<hbm>>
      %dma_wait3A_76 = arith.constant 0 : i32
      %dma_wait3A_77 = tpu.memref_slice %arg16[%add3A_65, %dma_wait3A_76] : memref<10112x128xf32, #tpu.memory_space<vmem_shared>> -> memref<128x128xf32, #tpu.memory_space<vmem_shared>>
      tpu.wait_dma2 semaphore(%run_scoped3A : memref<!tpu.dma_semaphore, #tpu.memory_space<semaphore_mem>>) src(%dma_wait3A_77 : memref<128x128xf32, #tpu.memory_space<vmem_shared>>) dst(%dma_wait3A_75 : memref<128x128xf32, #tpu.memory_space<hbm>>)
      tpu.yield
    }) : () -> ()
    %add3A_66 = arith.constant 512 : i32
    %add3A_67 = arith.addi %mul3A_2, %add3A_66 : i32
    "tpu.region"() ({
      %run_scoped3A = tpu.sem_alloc : memref<!tpu.dma_semaphore, #tpu.memory_space<semaphore_mem>>
      %dma_start3A_68 = arith.constant 0 : i32
      %dma_start3A_69 = tpu.memref_slice %arg6[%arg0, %add3A_67, %dma_start3A_68] : memref<2x10112x128xf32, #tpu.memory_space<hbm>> -> memref<1x120x128xf32, #tpu.memory_space<hbm>>
      %dma_start3A_70 = tpu.memref_squeeze %dma_start3A_69 : memref<1x120x128xf32, #tpu.memory_space<hbm>> -> memref<120x128xf32, #tpu.memory_space<hbm>>
      %dma_start3A_71 = arith.constant 0 : i32
      %dma_start3A_72 = tpu.memref_slice %arg16[%add3A_67, %dma_start3A_71] : memref<10112x128xf32, #tpu.memory_space<vmem_shared>> -> memref<120x128xf32, #tpu.memory_space<vmem_shared>>
      tpu.enqueue_dma source(%dma_start3A_72 : memref<120x128xf32, #tpu.memory_space<vmem_shared>>) target(%dma_start3A_70 : memref<120x128xf32, #tpu.memory_space<hbm>>) target_semaphore(%run_scoped3A : memref<!tpu.dma_semaphore, #tpu.memory_space<semaphore_mem>>)
      %dma_wait3A_73 = arith.constant 0 : i32
      %dma_wait3A_74 = tpu.memref_slice %arg6[%arg0, %add3A_67, %dma_wait3A_73] : memref<2x10112x128xf32, #tpu.memory_space<hbm>> -> memref<1x120x128xf32, #tpu.memory_space<hbm>>
      %dma_wait3A_75 = tpu.memref_squeeze %dma_wait3A_74 : memref<1x120x128xf32, #tpu.memory_space<hbm>> -> memref<120x128xf32, #tpu.memory_space<hbm>>
      %dma_wait3A_76 = arith.constant 0 : i32
      %dma_wait3A_77 = tpu.memref_slice %arg16[%add3A_67, %dma_wait3A_76] : memref<10112x128xf32, #tpu.memory_space<vmem_shared>> -> memref<120x128xf32, #tpu.memory_space<vmem_shared>>
      tpu.wait_dma2 semaphore(%run_scoped3A : memref<!tpu.dma_semaphore, #tpu.memory_space<semaphore_mem>>) src(%dma_wait3A_77 : memref<120x128xf32, #tpu.memory_space<vmem_shared>>) dst(%dma_wait3A_75 : memref<120x128xf32, #tpu.memory_space<hbm>>)
      tpu.yield
    }) : () -> ()
    return
  }
}

#map = affine_map<(d0, d1) -> (0)>
#map1 = affine_map<(d0, d1) -> (0, 0)>
#map2 = affine_map<(d0, d1) -> (0, 0, 0)>
module attributes {stable_mosaic.version = 14 : i64} {
  func.func @_sc_pre_body(%arg0: i32, %arg1: i32, %arg2: memref<12288xi32, #tpu.memory_space<hbm>>, %arg3: memref<663552xi32, #tpu.memory_space<hbm>>, %arg4: memref<128x128xf32, #tpu.memory_space<hbm>>, %arg5: memref<128x128xf32, #tpu.memory_space<hbm>>, %arg6: memref<1000x128xf32, #tpu.memory_space<hbm>>, %arg7: memref<12288x128xf32, #tpu.memory_space<hbm>>, %arg8: memref<2x10112x128xf32, #tpu.memory_space<hbm>>, %arg9: memref<128xi32, #tpu.memory_space<vmem>>, %arg10: memref<128xi32, #tpu.memory_space<vmem>>, %arg11: memref<128xi32, #tpu.memory_space<vmem>>, %arg12: memref<128x128xf32, #tpu.memory_space<vmem>>, %arg13: memref<10112x128xf32, #tpu.memory_space<vmem_shared>>, %arg14: memref<!tpu.dma_semaphore, #tpu.memory_space<semaphore_mem>>, %arg15: memref<!tpu.dma_semaphore, #tpu.memory_space<semaphore_mem>>, %arg16: memref<!tpu.dma_semaphore, #tpu.memory_space<semaphore_mem>>) attributes {dimension_semantics = [#tpu.dimension_semantics<core_parallel>, #tpu.dimension_semantics<subcore_parallel>], iteration_bounds = array<i64: 2, 16>, scalar_prefetch = 0 : i64, scratch_operands = 8 : i64, tpu.core_type = #tpu.core_type<sc_vector_subcore>, window_params = [{transform_indices = #map}, {transform_indices = #map}, {transform_indices = #map1}, {transform_indices = #map1}, {transform_indices = #map1}, {transform_indices = #map1}, {transform_indices = #map2}]} {
    %mul3A = arith.constant 2 : i32
    %mul3A_0 = arith.muli %arg1, %mul3A : i32
    %add3A = arith.addi %mul3A_0, %arg0 : i32
    %mul3A_1 = arith.constant 632 : i32
    %mul3A_2 = arith.muli %arg1, %mul3A_1 : i32
    "tpu.region"() ({
      %run_scoped3A = tpu.sem_alloc : memref<!tpu.dma_semaphore, #tpu.memory_space<semaphore_mem>>
      tpu.enqueue_dma source(%arg5 : memref<128x128xf32, #tpu.memory_space<hbm>>) target(%arg12 : memref<128x128xf32, #tpu.memory_space<vmem>>) target_semaphore(%run_scoped3A : memref<!tpu.dma_semaphore, #tpu.memory_space<semaphore_mem>>)
      tpu.wait_dma2 semaphore(%run_scoped3A : memref<!tpu.dma_semaphore, #tpu.memory_space<semaphore_mem>>) src(%arg5 : memref<128x128xf32, #tpu.memory_space<hbm>>) dst(%arg12 : memref<128x128xf32, #tpu.memory_space<vmem>>)
      tpu.yield
    }) : () -> ()
    %add3A_3 = arith.constant 0 : i32
    %add3A_4 = arith.addi %mul3A_2, %add3A_3 : i32
    "tpu.region"() ({
      %run_scoped3A = tpu.sem_alloc : memref<!tpu.dma_semaphore, #tpu.memory_space<semaphore_mem>>
      %dma_start3A_61 = arith.constant 0 : i32
      %dma_start3A_62 = tpu.memref_slice %arg13[%add3A_4, %dma_start3A_61] : memref<10112x128xf32, #tpu.memory_space<vmem_shared>> -> memref<128x128xf32, #tpu.memory_space<vmem_shared>>
      %dma_start3A_63 = arith.constant 0 : i32
      %dma_start3A_64 = tpu.memref_slice %arg13[%add3A_4, %dma_start3A_63] : memref<10112x128xf32, #tpu.memory_space<vmem_shared>> -> memref<128x128xf32, #tpu.memory_space<vmem_shared>>
      tpu.enqueue_dma source(%arg12 : memref<128x128xf32, #tpu.memory_space<vmem>>) target(%dma_start3A_64 : memref<128x128xf32, #tpu.memory_space<vmem_shared>>) target_semaphore(%run_scoped3A : memref<!tpu.dma_semaphore, #tpu.memory_space<semaphore_mem>>)
      %dma_wait3A_65 = arith.constant 0 : i32
      %dma_wait3A_66 = tpu.memref_slice %arg13[%add3A_4, %dma_wait3A_65] : memref<10112x128xf32, #tpu.memory_space<vmem_shared>> -> memref<128x128xf32, #tpu.memory_space<vmem_shared>>
      %dma_wait3A_67 = arith.constant 0 : i32
      %dma_wait3A_68 = tpu.memref_slice %arg13[%add3A_4, %dma_wait3A_67] : memref<10112x128xf32, #tpu.memory_space<vmem_shared>> -> memref<128x128xf32, #tpu.memory_space<vmem_shared>>
      tpu.wait_dma2 semaphore(%run_scoped3A : memref<!tpu.dma_semaphore, #tpu.memory_space<semaphore_mem>>) src(%arg12 : memref<128x128xf32, #tpu.memory_space<vmem>>) dst(%dma_wait3A_68 : memref<128x128xf32, #tpu.memory_space<vmem_shared>>)
      tpu.yield
    }) : () -> ()
    %add3A_5 = arith.constant 128 : i32
    %add3A_6 = arith.addi %mul3A_2, %add3A_5 : i32
    "tpu.region"() ({
      %run_scoped3A = tpu.sem_alloc : memref<!tpu.dma_semaphore, #tpu.memory_space<semaphore_mem>>
      %dma_start3A_61 = arith.constant 0 : i32
      %dma_start3A_62 = tpu.memref_slice %arg13[%add3A_6, %dma_start3A_61] : memref<10112x128xf32, #tpu.memory_space<vmem_shared>> -> memref<128x128xf32, #tpu.memory_space<vmem_shared>>
      %dma_start3A_63 = arith.constant 0 : i32
      %dma_start3A_64 = tpu.memref_slice %arg13[%add3A_6, %dma_start3A_63] : memref<10112x128xf32, #tpu.memory_space<vmem_shared>> -> memref<128x128xf32, #tpu.memory_space<vmem_shared>>
      tpu.enqueue_dma source(%arg12 : memref<128x128xf32, #tpu.memory_space<vmem>>) target(%dma_start3A_64 : memref<128x128xf32, #tpu.memory_space<vmem_shared>>) target_semaphore(%run_scoped3A : memref<!tpu.dma_semaphore, #tpu.memory_space<semaphore_mem>>)
      %dma_wait3A_65 = arith.constant 0 : i32
      %dma_wait3A_66 = tpu.memref_slice %arg13[%add3A_6, %dma_wait3A_65] : memref<10112x128xf32, #tpu.memory_space<vmem_shared>> -> memref<128x128xf32, #tpu.memory_space<vmem_shared>>
      %dma_wait3A_67 = arith.constant 0 : i32
      %dma_wait3A_68 = tpu.memref_slice %arg13[%add3A_6, %dma_wait3A_67] : memref<10112x128xf32, #tpu.memory_space<vmem_shared>> -> memref<128x128xf32, #tpu.memory_space<vmem_shared>>
      tpu.wait_dma2 semaphore(%run_scoped3A : memref<!tpu.dma_semaphore, #tpu.memory_space<semaphore_mem>>) src(%arg12 : memref<128x128xf32, #tpu.memory_space<vmem>>) dst(%dma_wait3A_68 : memref<128x128xf32, #tpu.memory_space<vmem_shared>>)
      tpu.yield
    }) : () -> ()
    %add3A_7 = arith.constant 256 : i32
    %add3A_8 = arith.addi %mul3A_2, %add3A_7 : i32
    "tpu.region"() ({
      %run_scoped3A = tpu.sem_alloc : memref<!tpu.dma_semaphore, #tpu.memory_space<semaphore_mem>>
      %dma_start3A_61 = arith.constant 0 : i32
      %dma_start3A_62 = tpu.memref_slice %arg13[%add3A_8, %dma_start3A_61] : memref<10112x128xf32, #tpu.memory_space<vmem_shared>> -> memref<128x128xf32, #tpu.memory_space<vmem_shared>>
      %dma_start3A_63 = arith.constant 0 : i32
      %dma_start3A_64 = tpu.memref_slice %arg13[%add3A_8, %dma_start3A_63] : memref<10112x128xf32, #tpu.memory_space<vmem_shared>> -> memref<128x128xf32, #tpu.memory_space<vmem_shared>>
      tpu.enqueue_dma source(%arg12 : memref<128x128xf32, #tpu.memory_space<vmem>>) target(%dma_start3A_64 : memref<128x128xf32, #tpu.memory_space<vmem_shared>>) target_semaphore(%run_scoped3A : memref<!tpu.dma_semaphore, #tpu.memory_space<semaphore_mem>>)
      %dma_wait3A_65 = arith.constant 0 : i32
      %dma_wait3A_66 = tpu.memref_slice %arg13[%add3A_8, %dma_wait3A_65] : memref<10112x128xf32, #tpu.memory_space<vmem_shared>> -> memref<128x128xf32, #tpu.memory_space<vmem_shared>>
      %dma_wait3A_67 = arith.constant 0 : i32
      %dma_wait3A_68 = tpu.memref_slice %arg13[%add3A_8, %dma_wait3A_67] : memref<10112x128xf32, #tpu.memory_space<vmem_shared>> -> memref<128x128xf32, #tpu.memory_space<vmem_shared>>
      tpu.wait_dma2 semaphore(%run_scoped3A : memref<!tpu.dma_semaphore, #tpu.memory_space<semaphore_mem>>) src(%arg12 : memref<128x128xf32, #tpu.memory_space<vmem>>) dst(%dma_wait3A_68 : memref<128x128xf32, #tpu.memory_space<vmem_shared>>)
      tpu.yield
    }) : () -> ()
    %add3A_9 = arith.constant 384 : i32
    %add3A_10 = arith.addi %mul3A_2, %add3A_9 : i32
    "tpu.region"() ({
      %run_scoped3A = tpu.sem_alloc : memref<!tpu.dma_semaphore, #tpu.memory_space<semaphore_mem>>
      %dma_start3A_61 = arith.constant 0 : i32
      %dma_start3A_62 = tpu.memref_slice %arg13[%add3A_10, %dma_start3A_61] : memref<10112x128xf32, #tpu.memory_space<vmem_shared>> -> memref<128x128xf32, #tpu.memory_space<vmem_shared>>
      %dma_start3A_63 = arith.constant 0 : i32
      %dma_start3A_64 = tpu.memref_slice %arg13[%add3A_10, %dma_start3A_63] : memref<10112x128xf32, #tpu.memory_space<vmem_shared>> -> memref<128x128xf32, #tpu.memory_space<vmem_shared>>
      tpu.enqueue_dma source(%arg12 : memref<128x128xf32, #tpu.memory_space<vmem>>) target(%dma_start3A_64 : memref<128x128xf32, #tpu.memory_space<vmem_shared>>) target_semaphore(%run_scoped3A : memref<!tpu.dma_semaphore, #tpu.memory_space<semaphore_mem>>)
      %dma_wait3A_65 = arith.constant 0 : i32
      %dma_wait3A_66 = tpu.memref_slice %arg13[%add3A_10, %dma_wait3A_65] : memref<10112x128xf32, #tpu.memory_space<vmem_shared>> -> memref<128x128xf32, #tpu.memory_space<vmem_shared>>
      %dma_wait3A_67 = arith.constant 0 : i32
      %dma_wait3A_68 = tpu.memref_slice %arg13[%add3A_10, %dma_wait3A_67] : memref<10112x128xf32, #tpu.memory_space<vmem_shared>> -> memref<128x128xf32, #tpu.memory_space<vmem_shared>>
      tpu.wait_dma2 semaphore(%run_scoped3A : memref<!tpu.dma_semaphore, #tpu.memory_space<semaphore_mem>>) src(%arg12 : memref<128x128xf32, #tpu.memory_space<vmem>>) dst(%dma_wait3A_68 : memref<128x128xf32, #tpu.memory_space<vmem_shared>>)
      tpu.yield
    }) : () -> ()
    %add3A_11 = arith.constant 512 : i32
    %add3A_12 = arith.addi %mul3A_2, %add3A_11 : i32
    "tpu.region"() ({
      %run_scoped3A = tpu.sem_alloc : memref<!tpu.dma_semaphore, #tpu.memory_space<semaphore_mem>>
      %dma_start3A_61 = arith.constant 0 : i32
      %dma_start3A_62 = arith.constant 0 : i32
      %dma_start3A_63 = tpu.memref_slice %arg12[%dma_start3A_61, %dma_start3A_62] : memref<128x128xf32, #tpu.memory_space<vmem>> -> memref<120x128xf32, #tpu.memory_space<vmem>>
      %dma_start3A_64 = arith.constant 0 : i32
      %dma_start3A_65 = tpu.memref_slice %arg13[%add3A_12, %dma_start3A_64] : memref<10112x128xf32, #tpu.memory_space<vmem_shared>> -> memref<120x128xf32, #tpu.memory_space<vmem_shared>>
      %dma_start3A_66 = arith.constant 0 : i32
      %dma_start3A_67 = tpu.memref_slice %arg13[%add3A_12, %dma_start3A_66] : memref<10112x128xf32, #tpu.memory_space<vmem_shared>> -> memref<120x128xf32, #tpu.memory_space<vmem_shared>>
      %dma_start3A_68 = arith.constant 0 : i32
      %dma_start3A_69 = arith.constant 0 : i32
      %dma_start3A_70 = tpu.memref_slice %arg12[%dma_start3A_68, %dma_start3A_69] : memref<128x128xf32, #tpu.memory_space<vmem>> -> memref<120x128xf32, #tpu.memory_space<vmem>>
      tpu.enqueue_dma source(%dma_start3A_70 : memref<120x128xf32, #tpu.memory_space<vmem>>) target(%dma_start3A_67 : memref<120x128xf32, #tpu.memory_space<vmem_shared>>) target_semaphore(%run_scoped3A : memref<!tpu.dma_semaphore, #tpu.memory_space<semaphore_mem>>)
      %dma_wait3A_71 = arith.constant 0 : i32
      %dma_wait3A_72 = arith.constant 0 : i32
      %dma_wait3A_73 = tpu.memref_slice %arg12[%dma_wait3A_71, %dma_wait3A_72] : memref<128x128xf32, #tpu.memory_space<vmem>> -> memref<120x128xf32, #tpu.memory_space<vmem>>
      %dma_wait3A_74 = arith.constant 0 : i32
      %dma_wait3A_75 = tpu.memref_slice %arg13[%add3A_12, %dma_wait3A_74] : memref<10112x128xf32, #tpu.memory_space<vmem_shared>> -> memref<120x128xf32, #tpu.memory_space<vmem_shared>>
      %dma_wait3A_76 = arith.constant 0 : i32
      %dma_wait3A_77 = tpu.memref_slice %arg13[%add3A_12, %dma_wait3A_76] : memref<10112x128xf32, #tpu.memory_space<vmem_shared>> -> memref<120x128xf32, #tpu.memory_space<vmem_shared>>
      %dma_wait3A_78 = arith.constant 0 : i32
      %dma_wait3A_79 = arith.constant 0 : i32
      %dma_wait3A_80 = tpu.memref_slice %arg12[%dma_wait3A_78, %dma_wait3A_79] : memref<128x128xf32, #tpu.memory_space<vmem>> -> memref<120x128xf32, #tpu.memory_space<vmem>>
      tpu.wait_dma2 semaphore(%run_scoped3A : memref<!tpu.dma_semaphore, #tpu.memory_space<semaphore_mem>>) src(%dma_wait3A_80 : memref<120x128xf32, #tpu.memory_space<vmem>>) dst(%dma_wait3A_77 : memref<120x128xf32, #tpu.memory_space<vmem_shared>>)
      tpu.yield
    }) : () -> ()
    %mul3A_13 = arith.constant 384 : i32
    %mul3A_14 = arith.muli %add3A, %mul3A_13 : i32
    %add3A_15 = arith.constant 0 : i32
    %add3A_16 = arith.addi %mul3A_14, %add3A_15 : i32
    "tpu.region"() ({
      %run_scoped3A = tpu.sem_alloc : memref<!tpu.dma_semaphore, #tpu.memory_space<semaphore_mem>>
      %dma_start3A_61 = tpu.memref_slice %arg2[%add3A_16] : memref<12288xi32, #tpu.memory_space<hbm>> -> memref<128xi32, #tpu.memory_space<hbm>>
      %dma_start3A_62 = tpu.memref_slice %arg2[%add3A_16] : memref<12288xi32, #tpu.memory_space<hbm>> -> memref<128xi32, #tpu.memory_space<hbm>>
      tpu.enqueue_dma source(%dma_start3A_62 : memref<128xi32, #tpu.memory_space<hbm>>) target(%arg11 : memref<128xi32, #tpu.memory_space<vmem>>) target_semaphore(%run_scoped3A : memref<!tpu.dma_semaphore, #tpu.memory_space<semaphore_mem>>)
      %dma_wait3A_63 = tpu.memref_slice %arg2[%add3A_16] : memref<12288xi32, #tpu.memory_space<hbm>> -> memref<128xi32, #tpu.memory_space<hbm>>
      %dma_wait3A_64 = tpu.memref_slice %arg2[%add3A_16] : memref<12288xi32, #tpu.memory_space<hbm>> -> memref<128xi32, #tpu.memory_space<hbm>>
      tpu.wait_dma2 semaphore(%run_scoped3A : memref<!tpu.dma_semaphore, #tpu.memory_space<semaphore_mem>>) src(%dma_wait3A_64 : memref<128xi32, #tpu.memory_space<hbm>>) dst(%arg11 : memref<128xi32, #tpu.memory_space<vmem>>)
      tpu.yield
    }) : () -> ()
    %dma_start3A = arith.constant 0 : i32
    %dma_start3A_17 = arith.constant 0 : i32
    %dma_start3A_18 = tpu.memref_slice %arg6[%dma_start3A, %dma_start3A_17] : memref<1000x128xf32, #tpu.memory_space<hbm>> -> memref<1000x128xf32, #tpu.memory_space<hbm>>
    tpu.enqueue_indirect_dma source(%dma_start3A_18 : memref<1000x128xf32, #tpu.memory_space<hbm>>) target(%arg12 : memref<128x128xf32, #tpu.memory_space<vmem>>) offsets(%arg11 : memref<128xi32, #tpu.memory_space<vmem>>) semaphore(%arg14 : memref<!tpu.dma_semaphore, #tpu.memory_space<semaphore_mem>>)
    %dma_wait3A = arith.constant 0 : i32
    %dma_wait3A_19 = arith.constant 0 : i32
    %dma_wait3A_20 = tpu.memref_slice %arg6[%dma_wait3A, %dma_wait3A_19] : memref<1000x128xf32, #tpu.memory_space<hbm>> -> memref<1000x128xf32, #tpu.memory_space<hbm>>
    tpu.wait_indirect_dma semaphore(%arg14 : memref<!tpu.dma_semaphore, #tpu.memory_space<semaphore_mem>>) src(%dma_wait3A_20 : memref<1000x128xf32, #tpu.memory_space<hbm>>) dst(%arg12 : memref<128x128xf32, #tpu.memory_space<vmem>>)
    "tpu.region"() ({
      %run_scoped3A = tpu.sem_alloc : memref<!tpu.dma_semaphore, #tpu.memory_space<semaphore_mem>>
      %dma_start3A_61 = arith.constant 0 : i32
      %dma_start3A_62 = tpu.memref_slice %arg7[%add3A_16, %dma_start3A_61] : memref<12288x128xf32, #tpu.memory_space<hbm>> -> memref<128x128xf32, #tpu.memory_space<hbm>>
      %dma_start3A_63 = arith.constant 0 : i32
      %dma_start3A_64 = tpu.memref_slice %arg7[%add3A_16, %dma_start3A_63] : memref<12288x128xf32, #tpu.memory_space<hbm>> -> memref<128x128xf32, #tpu.memory_space<hbm>>
      tpu.enqueue_dma source(%arg12 : memref<128x128xf32, #tpu.memory_space<vmem>>) target(%dma_start3A_64 : memref<128x128xf32, #tpu.memory_space<hbm>>) target_semaphore(%run_scoped3A : memref<!tpu.dma_semaphore, #tpu.memory_space<semaphore_mem>>)
      %dma_wait3A_65 = arith.constant 0 : i32
      %dma_wait3A_66 = tpu.memref_slice %arg7[%add3A_16, %dma_wait3A_65] : memref<12288x128xf32, #tpu.memory_space<hbm>> -> memref<128x128xf32, #tpu.memory_space<hbm>>
      %dma_wait3A_67 = arith.constant 0 : i32
      %dma_wait3A_68 = tpu.memref_slice %arg7[%add3A_16, %dma_wait3A_67] : memref<12288x128xf32, #tpu.memory_space<hbm>> -> memref<128x128xf32, #tpu.memory_space<hbm>>
      tpu.wait_dma2 semaphore(%run_scoped3A : memref<!tpu.dma_semaphore, #tpu.memory_space<semaphore_mem>>) src(%arg12 : memref<128x128xf32, #tpu.memory_space<vmem>>) dst(%dma_wait3A_68 : memref<128x128xf32, #tpu.memory_space<hbm>>)
      tpu.yield
    }) : () -> ()
    %add3A_21 = arith.constant 128 : i32
    %add3A_22 = arith.addi %mul3A_14, %add3A_21 : i32
    "tpu.region"() ({
      %run_scoped3A = tpu.sem_alloc : memref<!tpu.dma_semaphore, #tpu.memory_space<semaphore_mem>>
      %dma_start3A_61 = tpu.memref_slice %arg2[%add3A_22] : memref<12288xi32, #tpu.memory_space<hbm>> -> memref<128xi32, #tpu.memory_space<hbm>>
      %dma_start3A_62 = tpu.memref_slice %arg2[%add3A_22] : memref<12288xi32, #tpu.memory_space<hbm>> -> memref<128xi32, #tpu.memory_space<hbm>>
      tpu.enqueue_dma source(%dma_start3A_62 : memref<128xi32, #tpu.memory_space<hbm>>) target(%arg11 : memref<128xi32, #tpu.memory_space<vmem>>) target_semaphore(%run_scoped3A : memref<!tpu.dma_semaphore, #tpu.memory_space<semaphore_mem>>)
      %dma_wait3A_63 = tpu.memref_slice %arg2[%add3A_22] : memref<12288xi32, #tpu.memory_space<hbm>> -> memref<128xi32, #tpu.memory_space<hbm>>
      %dma_wait3A_64 = tpu.memref_slice %arg2[%add3A_22] : memref<12288xi32, #tpu.memory_space<hbm>> -> memref<128xi32, #tpu.memory_space<hbm>>
      tpu.wait_dma2 semaphore(%run_scoped3A : memref<!tpu.dma_semaphore, #tpu.memory_space<semaphore_mem>>) src(%dma_wait3A_64 : memref<128xi32, #tpu.memory_space<hbm>>) dst(%arg11 : memref<128xi32, #tpu.memory_space<vmem>>)
      tpu.yield
    }) : () -> ()
    %dma_start3A_23 = arith.constant 0 : i32
    %dma_start3A_24 = arith.constant 0 : i32
    %dma_start3A_25 = tpu.memref_slice %arg6[%dma_start3A_23, %dma_start3A_24] : memref<1000x128xf32, #tpu.memory_space<hbm>> -> memref<1000x128xf32, #tpu.memory_space<hbm>>
    tpu.enqueue_indirect_dma source(%dma_start3A_25 : memref<1000x128xf32, #tpu.memory_space<hbm>>) target(%arg12 : memref<128x128xf32, #tpu.memory_space<vmem>>) offsets(%arg11 : memref<128xi32, #tpu.memory_space<vmem>>) semaphore(%arg14 : memref<!tpu.dma_semaphore, #tpu.memory_space<semaphore_mem>>)
    %dma_wait3A_26 = arith.constant 0 : i32
    %dma_wait3A_27 = arith.constant 0 : i32
    %dma_wait3A_28 = tpu.memref_slice %arg6[%dma_wait3A_26, %dma_wait3A_27] : memref<1000x128xf32, #tpu.memory_space<hbm>> -> memref<1000x128xf32, #tpu.memory_space<hbm>>
    tpu.wait_indirect_dma semaphore(%arg14 : memref<!tpu.dma_semaphore, #tpu.memory_space<semaphore_mem>>) src(%dma_wait3A_28 : memref<1000x128xf32, #tpu.memory_space<hbm>>) dst(%arg12 : memref<128x128xf32, #tpu.memory_space<vmem>>)
    "tpu.region"() ({
      %run_scoped3A = tpu.sem_alloc : memref<!tpu.dma_semaphore, #tpu.memory_space<semaphore_mem>>
      %dma_start3A_61 = arith.constant 0 : i32
      %dma_start3A_62 = tpu.memref_slice %arg7[%add3A_22, %dma_start3A_61] : memref<12288x128xf32, #tpu.memory_space<hbm>> -> memref<128x128xf32, #tpu.memory_space<hbm>>
      %dma_start3A_63 = arith.constant 0 : i32
      %dma_start3A_64 = tpu.memref_slice %arg7[%add3A_22, %dma_start3A_63] : memref<12288x128xf32, #tpu.memory_space<hbm>> -> memref<128x128xf32, #tpu.memory_space<hbm>>
      tpu.enqueue_dma source(%arg12 : memref<128x128xf32, #tpu.memory_space<vmem>>) target(%dma_start3A_64 : memref<128x128xf32, #tpu.memory_space<hbm>>) target_semaphore(%run_scoped3A : memref<!tpu.dma_semaphore, #tpu.memory_space<semaphore_mem>>)
      %dma_wait3A_65 = arith.constant 0 : i32
      %dma_wait3A_66 = tpu.memref_slice %arg7[%add3A_22, %dma_wait3A_65] : memref<12288x128xf32, #tpu.memory_space<hbm>> -> memref<128x128xf32, #tpu.memory_space<hbm>>
      %dma_wait3A_67 = arith.constant 0 : i32
      %dma_wait3A_68 = tpu.memref_slice %arg7[%add3A_22, %dma_wait3A_67] : memref<12288x128xf32, #tpu.memory_space<hbm>> -> memref<128x128xf32, #tpu.memory_space<hbm>>
      tpu.wait_dma2 semaphore(%run_scoped3A : memref<!tpu.dma_semaphore, #tpu.memory_space<semaphore_mem>>) src(%arg12 : memref<128x128xf32, #tpu.memory_space<vmem>>) dst(%dma_wait3A_68 : memref<128x128xf32, #tpu.memory_space<hbm>>)
      tpu.yield
    }) : () -> ()
    %add3A_29 = arith.constant 256 : i32
    %add3A_30 = arith.addi %mul3A_14, %add3A_29 : i32
    "tpu.region"() ({
      %run_scoped3A = tpu.sem_alloc : memref<!tpu.dma_semaphore, #tpu.memory_space<semaphore_mem>>
      %dma_start3A_61 = tpu.memref_slice %arg2[%add3A_30] : memref<12288xi32, #tpu.memory_space<hbm>> -> memref<128xi32, #tpu.memory_space<hbm>>
      %dma_start3A_62 = tpu.memref_slice %arg2[%add3A_30] : memref<12288xi32, #tpu.memory_space<hbm>> -> memref<128xi32, #tpu.memory_space<hbm>>
      tpu.enqueue_dma source(%dma_start3A_62 : memref<128xi32, #tpu.memory_space<hbm>>) target(%arg11 : memref<128xi32, #tpu.memory_space<vmem>>) target_semaphore(%run_scoped3A : memref<!tpu.dma_semaphore, #tpu.memory_space<semaphore_mem>>)
      %dma_wait3A_63 = tpu.memref_slice %arg2[%add3A_30] : memref<12288xi32, #tpu.memory_space<hbm>> -> memref<128xi32, #tpu.memory_space<hbm>>
      %dma_wait3A_64 = tpu.memref_slice %arg2[%add3A_30] : memref<12288xi32, #tpu.memory_space<hbm>> -> memref<128xi32, #tpu.memory_space<hbm>>
      tpu.wait_dma2 semaphore(%run_scoped3A : memref<!tpu.dma_semaphore, #tpu.memory_space<semaphore_mem>>) src(%dma_wait3A_64 : memref<128xi32, #tpu.memory_space<hbm>>) dst(%arg11 : memref<128xi32, #tpu.memory_space<vmem>>)
      tpu.yield
    }) : () -> ()
    %dma_start3A_31 = arith.constant 0 : i32
    %dma_start3A_32 = arith.constant 0 : i32
    %dma_start3A_33 = tpu.memref_slice %arg6[%dma_start3A_31, %dma_start3A_32] : memref<1000x128xf32, #tpu.memory_space<hbm>> -> memref<1000x128xf32, #tpu.memory_space<hbm>>
    tpu.enqueue_indirect_dma source(%dma_start3A_33 : memref<1000x128xf32, #tpu.memory_space<hbm>>) target(%arg12 : memref<128x128xf32, #tpu.memory_space<vmem>>) offsets(%arg11 : memref<128xi32, #tpu.memory_space<vmem>>) semaphore(%arg14 : memref<!tpu.dma_semaphore, #tpu.memory_space<semaphore_mem>>)
    %dma_wait3A_34 = arith.constant 0 : i32
    %dma_wait3A_35 = arith.constant 0 : i32
    %dma_wait3A_36 = tpu.memref_slice %arg6[%dma_wait3A_34, %dma_wait3A_35] : memref<1000x128xf32, #tpu.memory_space<hbm>> -> memref<1000x128xf32, #tpu.memory_space<hbm>>
    tpu.wait_indirect_dma semaphore(%arg14 : memref<!tpu.dma_semaphore, #tpu.memory_space<semaphore_mem>>) src(%dma_wait3A_36 : memref<1000x128xf32, #tpu.memory_space<hbm>>) dst(%arg12 : memref<128x128xf32, #tpu.memory_space<vmem>>)
    "tpu.region"() ({
      %run_scoped3A = tpu.sem_alloc : memref<!tpu.dma_semaphore, #tpu.memory_space<semaphore_mem>>
      %dma_start3A_61 = arith.constant 0 : i32
      %dma_start3A_62 = tpu.memref_slice %arg7[%add3A_30, %dma_start3A_61] : memref<12288x128xf32, #tpu.memory_space<hbm>> -> memref<128x128xf32, #tpu.memory_space<hbm>>
      %dma_start3A_63 = arith.constant 0 : i32
      %dma_start3A_64 = tpu.memref_slice %arg7[%add3A_30, %dma_start3A_63] : memref<12288x128xf32, #tpu.memory_space<hbm>> -> memref<128x128xf32, #tpu.memory_space<hbm>>
      tpu.enqueue_dma source(%arg12 : memref<128x128xf32, #tpu.memory_space<vmem>>) target(%dma_start3A_64 : memref<128x128xf32, #tpu.memory_space<hbm>>) target_semaphore(%run_scoped3A : memref<!tpu.dma_semaphore, #tpu.memory_space<semaphore_mem>>)
      %dma_wait3A_65 = arith.constant 0 : i32
      %dma_wait3A_66 = tpu.memref_slice %arg7[%add3A_30, %dma_wait3A_65] : memref<12288x128xf32, #tpu.memory_space<hbm>> -> memref<128x128xf32, #tpu.memory_space<hbm>>
      %dma_wait3A_67 = arith.constant 0 : i32
      %dma_wait3A_68 = tpu.memref_slice %arg7[%add3A_30, %dma_wait3A_67] : memref<12288x128xf32, #tpu.memory_space<hbm>> -> memref<128x128xf32, #tpu.memory_space<hbm>>
      tpu.wait_dma2 semaphore(%run_scoped3A : memref<!tpu.dma_semaphore, #tpu.memory_space<semaphore_mem>>) src(%arg12 : memref<128x128xf32, #tpu.memory_space<vmem>>) dst(%dma_wait3A_68 : memref<128x128xf32, #tpu.memory_space<hbm>>)
      tpu.yield
    }) : () -> ()
    "tpu.region"() ({
      %run_scoped3A = tpu.sem_alloc : memref<!tpu.dma_semaphore, #tpu.memory_space<semaphore_mem>>
      tpu.enqueue_dma source(%arg4 : memref<128x128xf32, #tpu.memory_space<hbm>>) target(%arg12 : memref<128x128xf32, #tpu.memory_space<vmem>>) target_semaphore(%run_scoped3A : memref<!tpu.dma_semaphore, #tpu.memory_space<semaphore_mem>>)
      tpu.wait_dma2 semaphore(%run_scoped3A : memref<!tpu.dma_semaphore, #tpu.memory_space<semaphore_mem>>) src(%arg4 : memref<128x128xf32, #tpu.memory_space<hbm>>) dst(%arg12 : memref<128x128xf32, #tpu.memory_space<vmem>>)
      tpu.yield
    }) : () -> ()
    %barrier3A = arith.constant 0 : index
    tpu.barrier barrier_id(%barrier3A)
    %mul3A_37 = arith.constant 20736 : i32
    %mul3A_38 = arith.muli %add3A, %mul3A_37 : i32
    "tpu.region"() ({
      %run_scoped3A = tpu.sem_alloc : memref<!tpu.dma_semaphore, #tpu.memory_space<semaphore_mem>>
      %dma_start3A_61 = tpu.memref_slice %arg3[%mul3A_38] : memref<663552xi32, #tpu.memory_space<hbm>> -> memref<128xi32, #tpu.memory_space<hbm>>
      %dma_start3A_62 = tpu.memref_slice %arg3[%mul3A_38] : memref<663552xi32, #tpu.memory_space<hbm>> -> memref<128xi32, #tpu.memory_space<hbm>>
      tpu.enqueue_dma source(%dma_start3A_62 : memref<128xi32, #tpu.memory_space<hbm>>) target(%arg9 : memref<128xi32, #tpu.memory_space<vmem>>) target_semaphore(%run_scoped3A : memref<!tpu.dma_semaphore, #tpu.memory_space<semaphore_mem>>)
      %dma_wait3A_63 = tpu.memref_slice %arg3[%mul3A_38] : memref<663552xi32, #tpu.memory_space<hbm>> -> memref<128xi32, #tpu.memory_space<hbm>>
      %dma_wait3A_64 = tpu.memref_slice %arg3[%mul3A_38] : memref<663552xi32, #tpu.memory_space<hbm>> -> memref<128xi32, #tpu.memory_space<hbm>>
      tpu.wait_dma2 semaphore(%run_scoped3A : memref<!tpu.dma_semaphore, #tpu.memory_space<semaphore_mem>>) src(%dma_wait3A_64 : memref<128xi32, #tpu.memory_space<hbm>>) dst(%arg9 : memref<128xi32, #tpu.memory_space<vmem>>)
      tpu.yield
    }) : () -> ()
    %scan3A = arith.constant 0 : i32
    %scan3A_39 = arith.constant 0 : i32
    %scan3A_40 = arith.constant 81 : i32
    %scan3A_41 = arith.addi %scan3A_39, %scan3A_40 : i32
    %scan3A_42 = arith.constant 1 : i32
    scf.for %scan3A_61 = %scan3A_39 to %scan3A_41 step %scan3A_42  : i32 {
      %mul3A_62 = arith.constant 2 : i32
      %mul3A_63 = arith.muli %scan3A_61, %mul3A_62 : i32
      %add3A_64 = arith.constant 0 : i32
      %add3A_65 = arith.addi %mul3A_63, %add3A_64 : i32
      %dma_start3A_66 = arith.constant 0 : i32
      %dma_start3A_67 = arith.constant 0 : i32
      %dma_start3A_68 = tpu.memref_slice %arg13[%dma_start3A_66, %dma_start3A_67] : memref<10112x128xf32, #tpu.memory_space<vmem_shared>> -> memref<10112x128xf32, #tpu.memory_space<vmem_shared>>
      tpu.enqueue_indirect_dma source(%arg12 : memref<128x128xf32, #tpu.memory_space<vmem>>) target(%dma_start3A_68 : memref<10112x128xf32, #tpu.memory_space<vmem_shared>>) offsets(%arg9 : memref<128xi32, #tpu.memory_space<vmem>>) semaphore(%arg15 : memref<!tpu.dma_semaphore, #tpu.memory_space<semaphore_mem>>) {add = true}
      %add3A_69 = arith.constant 1 : i32
      %add3A_70 = arith.addi %add3A_65, %add3A_69 : i32
      %lt3A = arith.constant 162 : i32
      %lt3A_71 = arith.cmpi slt, %add3A_70, %lt3A : i32
      %convert_element_type3A = arith.extui %lt3A_71 : i1 to i32
      %cond3A = arith.constant 0 : i32
      %cond3A_72 = arith.cmpi ne, %convert_element_type3A, %cond3A : i32
      scf.if %cond3A_72 {
        %ge3A = arith.constant 1 : i32
        %ge3A_87 = arith.cmpi sge, %add3A_65, %ge3A : i32
        %convert_element_type3A_88 = arith.extui %ge3A_87 : i1 to i32
        %cond3A_89 = arith.constant 0 : i32
        %cond3A_90 = arith.cmpi ne, %convert_element_type3A_88, %cond3A_89 : i32
        scf.if %cond3A_90 {
          %dma_wait3A_96 = arith.constant 0 : i32
          %dma_wait3A_97 = arith.constant 0 : i32
          %dma_wait3A_98 = tpu.memref_slice %arg13[%dma_wait3A_96, %dma_wait3A_97] : memref<10112x128xf32, #tpu.memory_space<vmem_shared>> -> memref<10112x128xf32, #tpu.memory_space<vmem_shared>>
          tpu.wait_indirect_dma semaphore(%arg16 : memref<!tpu.dma_semaphore, #tpu.memory_space<semaphore_mem>>) src(%arg12 : memref<128x128xf32, #tpu.memory_space<vmem>>) dst(%dma_wait3A_98 : memref<10112x128xf32, #tpu.memory_space<vmem_shared>>)
        } else {
        }
        %add3A_91 = arith.constant 1 : i32
        %add3A_92 = arith.addi %add3A_65, %add3A_91 : i32
        %mul3A_93 = arith.constant 128 : i32
        %mul3A_94 = arith.muli %add3A_92, %mul3A_93 : i32
        %add3A_95 = arith.addi %mul3A_38, %mul3A_94 : i32
        "tpu.region"() ({
          %run_scoped3A = tpu.sem_alloc : memref<!tpu.dma_semaphore, #tpu.memory_space<semaphore_mem>>
          %dma_start3A_96 = tpu.memref_slice %arg3[%add3A_95] : memref<663552xi32, #tpu.memory_space<hbm>> -> memref<128xi32, #tpu.memory_space<hbm>>
          %dma_start3A_97 = tpu.memref_slice %arg3[%add3A_95] : memref<663552xi32, #tpu.memory_space<hbm>> -> memref<128xi32, #tpu.memory_space<hbm>>
          tpu.enqueue_dma source(%dma_start3A_97 : memref<128xi32, #tpu.memory_space<hbm>>) target(%arg10 : memref<128xi32, #tpu.memory_space<vmem>>) target_semaphore(%run_scoped3A : memref<!tpu.dma_semaphore, #tpu.memory_space<semaphore_mem>>)
          %dma_wait3A_98 = tpu.memref_slice %arg3[%add3A_95] : memref<663552xi32, #tpu.memory_space<hbm>> -> memref<128xi32, #tpu.memory_space<hbm>>
          %dma_wait3A_99 = tpu.memref_slice %arg3[%add3A_95] : memref<663552xi32, #tpu.memory_space<hbm>> -> memref<128xi32, #tpu.memory_space<hbm>>
          tpu.wait_dma2 semaphore(%run_scoped3A : memref<!tpu.dma_semaphore, #tpu.memory_space<semaphore_mem>>) src(%dma_wait3A_99 : memref<128xi32, #tpu.memory_space<hbm>>) dst(%arg10 : memref<128xi32, #tpu.memory_space<vmem>>)
          tpu.yield
        }) : () -> ()
      } else {
      }
      %mul3A_73 = arith.constant 2 : i32
      %mul3A_74 = arith.muli %scan3A_61, %mul3A_73 : i32
      %add3A_75 = arith.constant 1 : i32
      %add3A_76 = arith.addi %mul3A_74, %add3A_75 : i32
      %dma_start3A_77 = arith.constant 0 : i32
      %dma_start3A_78 = arith.constant 0 : i32
      %dma_start3A_79 = tpu.memref_slice %arg13[%dma_start3A_77, %dma_start3A_78] : memref<10112x128xf32, #tpu.memory_space<vmem_shared>> -> memref<10112x128xf32, #tpu.memory_space<vmem_shared>>
      tpu.enqueue_indirect_dma source(%arg12 : memref<128x128xf32, #tpu.memory_space<vmem>>) target(%dma_start3A_79 : memref<10112x128xf32, #tpu.memory_space<vmem_shared>>) offsets(%arg10 : memref<128xi32, #tpu.memory_space<vmem>>) semaphore(%arg16 : memref<!tpu.dma_semaphore, #tpu.memory_space<semaphore_mem>>) {add = true}
      %add3A_80 = arith.constant 1 : i32
      %add3A_81 = arith.addi %add3A_76, %add3A_80 : i32
      %lt3A_82 = arith.constant 162 : i32
      %lt3A_83 = arith.cmpi slt, %add3A_81, %lt3A_82 : i32
      %convert_element_type3A_84 = arith.extui %lt3A_83 : i1 to i32
      %cond3A_85 = arith.constant 0 : i32
      %cond3A_86 = arith.cmpi ne, %convert_element_type3A_84, %cond3A_85 : i32
      scf.if %cond3A_86 {
        %ge3A = arith.constant 1 : i32
        %ge3A_87 = arith.cmpi sge, %add3A_76, %ge3A : i32
        %convert_element_type3A_88 = arith.extui %ge3A_87 : i1 to i32
        %cond3A_89 = arith.constant 0 : i32
        %cond3A_90 = arith.cmpi ne, %convert_element_type3A_88, %cond3A_89 : i32
        scf.if %cond3A_90 {
          %dma_wait3A_96 = arith.constant 0 : i32
          %dma_wait3A_97 = arith.constant 0 : i32
          %dma_wait3A_98 = tpu.memref_slice %arg13[%dma_wait3A_96, %dma_wait3A_97] : memref<10112x128xf32, #tpu.memory_space<vmem_shared>> -> memref<10112x128xf32, #tpu.memory_space<vmem_shared>>
          tpu.wait_indirect_dma semaphore(%arg15 : memref<!tpu.dma_semaphore, #tpu.memory_space<semaphore_mem>>) src(%arg12 : memref<128x128xf32, #tpu.memory_space<vmem>>) dst(%dma_wait3A_98 : memref<10112x128xf32, #tpu.memory_space<vmem_shared>>)
        } else {
        }
        %add3A_91 = arith.constant 1 : i32
        %add3A_92 = arith.addi %add3A_76, %add3A_91 : i32
        %mul3A_93 = arith.constant 128 : i32
        %mul3A_94 = arith.muli %add3A_92, %mul3A_93 : i32
        %add3A_95 = arith.addi %mul3A_38, %mul3A_94 : i32
        "tpu.region"() ({
          %run_scoped3A = tpu.sem_alloc : memref<!tpu.dma_semaphore, #tpu.memory_space<semaphore_mem>>
          %dma_start3A_96 = tpu.memref_slice %arg3[%add3A_95] : memref<663552xi32, #tpu.memory_space<hbm>> -> memref<128xi32, #tpu.memory_space<hbm>>
          %dma_start3A_97 = tpu.memref_slice %arg3[%add3A_95] : memref<663552xi32, #tpu.memory_space<hbm>> -> memref<128xi32, #tpu.memory_space<hbm>>
          tpu.enqueue_dma source(%dma_start3A_97 : memref<128xi32, #tpu.memory_space<hbm>>) target(%arg9 : memref<128xi32, #tpu.memory_space<vmem>>) target_semaphore(%run_scoped3A : memref<!tpu.dma_semaphore, #tpu.memory_space<semaphore_mem>>)
          %dma_wait3A_98 = tpu.memref_slice %arg3[%add3A_95] : memref<663552xi32, #tpu.memory_space<hbm>> -> memref<128xi32, #tpu.memory_space<hbm>>
          %dma_wait3A_99 = tpu.memref_slice %arg3[%add3A_95] : memref<663552xi32, #tpu.memory_space<hbm>> -> memref<128xi32, #tpu.memory_space<hbm>>
          tpu.wait_dma2 semaphore(%run_scoped3A : memref<!tpu.dma_semaphore, #tpu.memory_space<semaphore_mem>>) src(%dma_wait3A_99 : memref<128xi32, #tpu.memory_space<hbm>>) dst(%arg9 : memref<128xi32, #tpu.memory_space<vmem>>)
          tpu.yield
        }) : () -> ()
      } else {
      }
    }
    %scan3A_43 = arith.constant 81 : i32
    %dma_wait3A_44 = arith.constant 0 : i32
    %dma_wait3A_45 = arith.constant 0 : i32
    %dma_wait3A_46 = tpu.memref_slice %arg13[%dma_wait3A_44, %dma_wait3A_45] : memref<10112x128xf32, #tpu.memory_space<vmem_shared>> -> memref<10112x128xf32, #tpu.memory_space<vmem_shared>>
    tpu.wait_indirect_dma semaphore(%arg15 : memref<!tpu.dma_semaphore, #tpu.memory_space<semaphore_mem>>) src(%arg12 : memref<128x128xf32, #tpu.memory_space<vmem>>) dst(%dma_wait3A_46 : memref<10112x128xf32, #tpu.memory_space<vmem_shared>>)
    %dma_wait3A_47 = arith.constant 0 : i32
    %dma_wait3A_48 = arith.constant 0 : i32
    %dma_wait3A_49 = tpu.memref_slice %arg13[%dma_wait3A_47, %dma_wait3A_48] : memref<10112x128xf32, #tpu.memory_space<vmem_shared>> -> memref<10112x128xf32, #tpu.memory_space<vmem_shared>>
    tpu.wait_indirect_dma semaphore(%arg16 : memref<!tpu.dma_semaphore, #tpu.memory_space<semaphore_mem>>) src(%arg12 : memref<128x128xf32, #tpu.memory_space<vmem>>) dst(%dma_wait3A_49 : memref<10112x128xf32, #tpu.memory_space<vmem_shared>>)
    %barrier3A_50 = arith.constant 0 : index
    tpu.barrier barrier_id(%barrier3A_50)
    %add3A_51 = arith.constant 0 : i32
    %add3A_52 = arith.addi %mul3A_2, %add3A_51 : i32
    "tpu.region"() ({
      %run_scoped3A = tpu.sem_alloc : memref<!tpu.dma_semaphore, #tpu.memory_space<semaphore_mem>>
      %dma_start3A_61 = arith.constant 0 : i32
      %dma_start3A_62 = tpu.memref_slice %arg8[%arg0, %add3A_52, %dma_start3A_61] : memref<2x10112x128xf32, #tpu.memory_space<hbm>> -> memref<1x128x128xf32, #tpu.memory_space<hbm>>
      %dma_start3A_63 = tpu.memref_squeeze %dma_start3A_62 : memref<1x128x128xf32, #tpu.memory_space<hbm>> -> memref<128x128xf32, #tpu.memory_space<hbm>>
      %dma_start3A_64 = arith.constant 0 : i32
      %dma_start3A_65 = tpu.memref_slice %arg13[%add3A_52, %dma_start3A_64] : memref<10112x128xf32, #tpu.memory_space<vmem_shared>> -> memref<128x128xf32, #tpu.memory_space<vmem_shared>>
      tpu.enqueue_dma source(%dma_start3A_65 : memref<128x128xf32, #tpu.memory_space<vmem_shared>>) target(%dma_start3A_63 : memref<128x128xf32, #tpu.memory_space<hbm>>) target_semaphore(%run_scoped3A : memref<!tpu.dma_semaphore, #tpu.memory_space<semaphore_mem>>)
      %dma_wait3A_66 = arith.constant 0 : i32
      %dma_wait3A_67 = tpu.memref_slice %arg8[%arg0, %add3A_52, %dma_wait3A_66] : memref<2x10112x128xf32, #tpu.memory_space<hbm>> -> memref<1x128x128xf32, #tpu.memory_space<hbm>>
      %dma_wait3A_68 = tpu.memref_squeeze %dma_wait3A_67 : memref<1x128x128xf32, #tpu.memory_space<hbm>> -> memref<128x128xf32, #tpu.memory_space<hbm>>
      %dma_wait3A_69 = arith.constant 0 : i32
      %dma_wait3A_70 = tpu.memref_slice %arg13[%add3A_52, %dma_wait3A_69] : memref<10112x128xf32, #tpu.memory_space<vmem_shared>> -> memref<128x128xf32, #tpu.memory_space<vmem_shared>>
      tpu.wait_dma2 semaphore(%run_scoped3A : memref<!tpu.dma_semaphore, #tpu.memory_space<semaphore_mem>>) src(%dma_wait3A_70 : memref<128x128xf32, #tpu.memory_space<vmem_shared>>) dst(%dma_wait3A_68 : memref<128x128xf32, #tpu.memory_space<hbm>>)
      tpu.yield
    }) : () -> ()
    %add3A_53 = arith.constant 128 : i32
    %add3A_54 = arith.addi %mul3A_2, %add3A_53 : i32
    "tpu.region"() ({
      %run_scoped3A = tpu.sem_alloc : memref<!tpu.dma_semaphore, #tpu.memory_space<semaphore_mem>>
      %dma_start3A_61 = arith.constant 0 : i32
      %dma_start3A_62 = tpu.memref_slice %arg8[%arg0, %add3A_54, %dma_start3A_61] : memref<2x10112x128xf32, #tpu.memory_space<hbm>> -> memref<1x128x128xf32, #tpu.memory_space<hbm>>
      %dma_start3A_63 = tpu.memref_squeeze %dma_start3A_62 : memref<1x128x128xf32, #tpu.memory_space<hbm>> -> memref<128x128xf32, #tpu.memory_space<hbm>>
      %dma_start3A_64 = arith.constant 0 : i32
      %dma_start3A_65 = tpu.memref_slice %arg13[%add3A_54, %dma_start3A_64] : memref<10112x128xf32, #tpu.memory_space<vmem_shared>> -> memref<128x128xf32, #tpu.memory_space<vmem_shared>>
      tpu.enqueue_dma source(%dma_start3A_65 : memref<128x128xf32, #tpu.memory_space<vmem_shared>>) target(%dma_start3A_63 : memref<128x128xf32, #tpu.memory_space<hbm>>) target_semaphore(%run_scoped3A : memref<!tpu.dma_semaphore, #tpu.memory_space<semaphore_mem>>)
      %dma_wait3A_66 = arith.constant 0 : i32
      %dma_wait3A_67 = tpu.memref_slice %arg8[%arg0, %add3A_54, %dma_wait3A_66] : memref<2x10112x128xf32, #tpu.memory_space<hbm>> -> memref<1x128x128xf32, #tpu.memory_space<hbm>>
      %dma_wait3A_68 = tpu.memref_squeeze %dma_wait3A_67 : memref<1x128x128xf32, #tpu.memory_space<hbm>> -> memref<128x128xf32, #tpu.memory_space<hbm>>
      %dma_wait3A_69 = arith.constant 0 : i32
      %dma_wait3A_70 = tpu.memref_slice %arg13[%add3A_54, %dma_wait3A_69] : memref<10112x128xf32, #tpu.memory_space<vmem_shared>> -> memref<128x128xf32, #tpu.memory_space<vmem_shared>>
      tpu.wait_dma2 semaphore(%run_scoped3A : memref<!tpu.dma_semaphore, #tpu.memory_space<semaphore_mem>>) src(%dma_wait3A_70 : memref<128x128xf32, #tpu.memory_space<vmem_shared>>) dst(%dma_wait3A_68 : memref<128x128xf32, #tpu.memory_space<hbm>>)
      tpu.yield
    }) : () -> ()
    %add3A_55 = arith.constant 256 : i32
    %add3A_56 = arith.addi %mul3A_2, %add3A_55 : i32
    "tpu.region"() ({
      %run_scoped3A = tpu.sem_alloc : memref<!tpu.dma_semaphore, #tpu.memory_space<semaphore_mem>>
      %dma_start3A_61 = arith.constant 0 : i32
      %dma_start3A_62 = tpu.memref_slice %arg8[%arg0, %add3A_56, %dma_start3A_61] : memref<2x10112x128xf32, #tpu.memory_space<hbm>> -> memref<1x128x128xf32, #tpu.memory_space<hbm>>
      %dma_start3A_63 = tpu.memref_squeeze %dma_start3A_62 : memref<1x128x128xf32, #tpu.memory_space<hbm>> -> memref<128x128xf32, #tpu.memory_space<hbm>>
      %dma_start3A_64 = arith.constant 0 : i32
      %dma_start3A_65 = tpu.memref_slice %arg13[%add3A_56, %dma_start3A_64] : memref<10112x128xf32, #tpu.memory_space<vmem_shared>> -> memref<128x128xf32, #tpu.memory_space<vmem_shared>>
      tpu.enqueue_dma source(%dma_start3A_65 : memref<128x128xf32, #tpu.memory_space<vmem_shared>>) target(%dma_start3A_63 : memref<128x128xf32, #tpu.memory_space<hbm>>) target_semaphore(%run_scoped3A : memref<!tpu.dma_semaphore, #tpu.memory_space<semaphore_mem>>)
      %dma_wait3A_66 = arith.constant 0 : i32
      %dma_wait3A_67 = tpu.memref_slice %arg8[%arg0, %add3A_56, %dma_wait3A_66] : memref<2x10112x128xf32, #tpu.memory_space<hbm>> -> memref<1x128x128xf32, #tpu.memory_space<hbm>>
      %dma_wait3A_68 = tpu.memref_squeeze %dma_wait3A_67 : memref<1x128x128xf32, #tpu.memory_space<hbm>> -> memref<128x128xf32, #tpu.memory_space<hbm>>
      %dma_wait3A_69 = arith.constant 0 : i32
      %dma_wait3A_70 = tpu.memref_slice %arg13[%add3A_56, %dma_wait3A_69] : memref<10112x128xf32, #tpu.memory_space<vmem_shared>> -> memref<128x128xf32, #tpu.memory_space<vmem_shared>>
      tpu.wait_dma2 semaphore(%run_scoped3A : memref<!tpu.dma_semaphore, #tpu.memory_space<semaphore_mem>>) src(%dma_wait3A_70 : memref<128x128xf32, #tpu.memory_space<vmem_shared>>) dst(%dma_wait3A_68 : memref<128x128xf32, #tpu.memory_space<hbm>>)
      tpu.yield
    }) : () -> ()
    %add3A_57 = arith.constant 384 : i32
    %add3A_58 = arith.addi %mul3A_2, %add3A_57 : i32
    "tpu.region"() ({
      %run_scoped3A = tpu.sem_alloc : memref<!tpu.dma_semaphore, #tpu.memory_space<semaphore_mem>>
      %dma_start3A_61 = arith.constant 0 : i32
      %dma_start3A_62 = tpu.memref_slice %arg8[%arg0, %add3A_58, %dma_start3A_61] : memref<2x10112x128xf32, #tpu.memory_space<hbm>> -> memref<1x128x128xf32, #tpu.memory_space<hbm>>
      %dma_start3A_63 = tpu.memref_squeeze %dma_start3A_62 : memref<1x128x128xf32, #tpu.memory_space<hbm>> -> memref<128x128xf32, #tpu.memory_space<hbm>>
      %dma_start3A_64 = arith.constant 0 : i32
      %dma_start3A_65 = tpu.memref_slice %arg13[%add3A_58, %dma_start3A_64] : memref<10112x128xf32, #tpu.memory_space<vmem_shared>> -> memref<128x128xf32, #tpu.memory_space<vmem_shared>>
      tpu.enqueue_dma source(%dma_start3A_65 : memref<128x128xf32, #tpu.memory_space<vmem_shared>>) target(%dma_start3A_63 : memref<128x128xf32, #tpu.memory_space<hbm>>) target_semaphore(%run_scoped3A : memref<!tpu.dma_semaphore, #tpu.memory_space<semaphore_mem>>)
      %dma_wait3A_66 = arith.constant 0 : i32
      %dma_wait3A_67 = tpu.memref_slice %arg8[%arg0, %add3A_58, %dma_wait3A_66] : memref<2x10112x128xf32, #tpu.memory_space<hbm>> -> memref<1x128x128xf32, #tpu.memory_space<hbm>>
      %dma_wait3A_68 = tpu.memref_squeeze %dma_wait3A_67 : memref<1x128x128xf32, #tpu.memory_space<hbm>> -> memref<128x128xf32, #tpu.memory_space<hbm>>
      %dma_wait3A_69 = arith.constant 0 : i32
      %dma_wait3A_70 = tpu.memref_slice %arg13[%add3A_58, %dma_wait3A_69] : memref<10112x128xf32, #tpu.memory_space<vmem_shared>> -> memref<128x128xf32, #tpu.memory_space<vmem_shared>>
      tpu.wait_dma2 semaphore(%run_scoped3A : memref<!tpu.dma_semaphore, #tpu.memory_space<semaphore_mem>>) src(%dma_wait3A_70 : memref<128x128xf32, #tpu.memory_space<vmem_shared>>) dst(%dma_wait3A_68 : memref<128x128xf32, #tpu.memory_space<hbm>>)
      tpu.yield
    }) : () -> ()
    %add3A_59 = arith.constant 512 : i32
    %add3A_60 = arith.addi %mul3A_2, %add3A_59 : i32
    "tpu.region"() ({
      %run_scoped3A = tpu.sem_alloc : memref<!tpu.dma_semaphore, #tpu.memory_space<semaphore_mem>>
      %dma_start3A_61 = arith.constant 0 : i32
      %dma_start3A_62 = tpu.memref_slice %arg8[%arg0, %add3A_60, %dma_start3A_61] : memref<2x10112x128xf32, #tpu.memory_space<hbm>> -> memref<1x120x128xf32, #tpu.memory_space<hbm>>
      %dma_start3A_63 = tpu.memref_squeeze %dma_start3A_62 : memref<1x120x128xf32, #tpu.memory_space<hbm>> -> memref<120x128xf32, #tpu.memory_space<hbm>>
      %dma_start3A_64 = arith.constant 0 : i32
      %dma_start3A_65 = tpu.memref_slice %arg13[%add3A_60, %dma_start3A_64] : memref<10112x128xf32, #tpu.memory_space<vmem_shared>> -> memref<120x128xf32, #tpu.memory_space<vmem_shared>>
      tpu.enqueue_dma source(%dma_start3A_65 : memref<120x128xf32, #tpu.memory_space<vmem_shared>>) target(%dma_start3A_63 : memref<120x128xf32, #tpu.memory_space<hbm>>) target_semaphore(%run_scoped3A : memref<!tpu.dma_semaphore, #tpu.memory_space<semaphore_mem>>)
      %dma_wait3A_66 = arith.constant 0 : i32
      %dma_wait3A_67 = tpu.memref_slice %arg8[%arg0, %add3A_60, %dma_wait3A_66] : memref<2x10112x128xf32, #tpu.memory_space<hbm>> -> memref<1x120x128xf32, #tpu.memory_space<hbm>>
      %dma_wait3A_68 = tpu.memref_squeeze %dma_wait3A_67 : memref<1x120x128xf32, #tpu.memory_space<hbm>> -> memref<120x128xf32, #tpu.memory_space<hbm>>
      %dma_wait3A_69 = arith.constant 0 : i32
      %dma_wait3A_70 = tpu.memref_slice %arg13[%add3A_60, %dma_wait3A_69] : memref<10112x128xf32, #tpu.memory_space<vmem_shared>> -> memref<120x128xf32, #tpu.memory_space<vmem_shared>>
      tpu.wait_dma2 semaphore(%run_scoped3A : memref<!tpu.dma_semaphore, #tpu.memory_space<semaphore_mem>>) src(%dma_wait3A_70 : memref<120x128xf32, #tpu.memory_space<vmem_shared>>) dst(%dma_wait3A_68 : memref<120x128xf32, #tpu.memory_space<hbm>>)
      tpu.yield
    }) : () -> ()
    return
  }
}

#map = affine_map<(d0, d1) -> (0)>
#map1 = affine_map<(d0, d1) -> (0, 0)>
#map2 = affine_map<(d0, d1) -> (0, 0, 0)>
module attributes {stable_mosaic.version = 14 : i64} {
  func.func @_sc_spmm_body(%arg0: i32, %arg1: i32, %arg2: memref<663552xi32, #tpu.memory_space<hbm>>, %arg3: memref<663552xi32, #tpu.memory_space<hbm>>, %arg4: memref<128x128xf32, #tpu.memory_space<hbm>>, %arg5: memref<10000x128xf32, #tpu.memory_space<hbm>>, %arg6: memref<2x10112x128xf32, #tpu.memory_space<hbm>>, %arg7: memref<128xi32, #tpu.memory_space<vmem>>, %arg8: memref<128xi32, #tpu.memory_space<vmem>>, %arg9: memref<128xi32, #tpu.memory_space<vmem>>, %arg10: memref<128xi32, #tpu.memory_space<vmem>>, %arg11: memref<128xi32, #tpu.memory_space<vmem>>, %arg12: memref<128xi32, #tpu.memory_space<vmem>>, %arg13: memref<128x128xf32, #tpu.memory_space<vmem>>, %arg14: memref<128x128xf32, #tpu.memory_space<vmem>>, %arg15: memref<128x128xf32, #tpu.memory_space<vmem>>, %arg16: memref<10112x128xf32, #tpu.memory_space<vmem_shared>>, %arg17: memref<!tpu.dma_semaphore, #tpu.memory_space<semaphore_mem>>, %arg18: memref<!tpu.dma_semaphore, #tpu.memory_space<semaphore_mem>>, %arg19: memref<!tpu.dma_semaphore, #tpu.memory_space<semaphore_mem>>, %arg20: memref<!tpu.dma_semaphore, #tpu.memory_space<semaphore_mem>>, %arg21: memref<!tpu.dma_semaphore, #tpu.memory_space<semaphore_mem>>, %arg22: memref<!tpu.dma_semaphore, #tpu.memory_space<semaphore_mem>>, %arg23: memref<!tpu.dma_semaphore, #tpu.memory_space<semaphore_mem>>, %arg24: memref<!tpu.dma_semaphore, #tpu.memory_space<semaphore_mem>>, %arg25: memref<!tpu.dma_semaphore, #tpu.memory_space<semaphore_mem>>, %arg26: memref<!tpu.dma_semaphore, #tpu.memory_space<semaphore_mem>>, %arg27: memref<!tpu.dma_semaphore, #tpu.memory_space<semaphore_mem>>, %arg28: memref<!tpu.dma_semaphore, #tpu.memory_space<semaphore_mem>>) attributes {dimension_semantics = [#tpu.dimension_semantics<core_parallel>, #tpu.dimension_semantics<subcore_parallel>], iteration_bounds = array<i64: 2, 16>, scalar_prefetch = 0 : i64, scratch_operands = 22 : i64, tpu.core_type = #tpu.core_type<sc_vector_subcore>, window_params = [{transform_indices = #map}, {transform_indices = #map}, {transform_indices = #map1}, {transform_indices = #map1}, {transform_indices = #map2}]} {
    %mul3A = arith.constant 2 : i32
    %mul3A_0 = arith.muli %arg1, %mul3A : i32
    %add3A = arith.addi %mul3A_0, %arg0 : i32
    %mul3A_1 = arith.constant 632 : i32
    %mul3A_2 = arith.muli %arg1, %mul3A_1 : i32
    "tpu.region"() ({
      %run_scoped3A = tpu.sem_alloc : memref<!tpu.dma_semaphore, #tpu.memory_space<semaphore_mem>>
      tpu.enqueue_dma source(%arg4 : memref<128x128xf32, #tpu.memory_space<hbm>>) target(%arg13 : memref<128x128xf32, #tpu.memory_space<vmem>>) target_semaphore(%run_scoped3A : memref<!tpu.dma_semaphore, #tpu.memory_space<semaphore_mem>>)
      tpu.wait_dma2 semaphore(%run_scoped3A : memref<!tpu.dma_semaphore, #tpu.memory_space<semaphore_mem>>) src(%arg4 : memref<128x128xf32, #tpu.memory_space<hbm>>) dst(%arg13 : memref<128x128xf32, #tpu.memory_space<vmem>>)
      tpu.yield
    }) : () -> ()
    %add3A_3 = arith.constant 0 : i32
    %add3A_4 = arith.addi %mul3A_2, %add3A_3 : i32
    "tpu.region"() ({
      %run_scoped3A = tpu.sem_alloc : memref<!tpu.dma_semaphore, #tpu.memory_space<semaphore_mem>>
      %dma_start3A_68 = arith.constant 0 : i32
      %dma_start3A_69 = tpu.memref_slice %arg16[%add3A_4, %dma_start3A_68] : memref<10112x128xf32, #tpu.memory_space<vmem_shared>> -> memref<128x128xf32, #tpu.memory_space<vmem_shared>>
      %dma_start3A_70 = arith.constant 0 : i32
      %dma_start3A_71 = tpu.memref_slice %arg16[%add3A_4, %dma_start3A_70] : memref<10112x128xf32, #tpu.memory_space<vmem_shared>> -> memref<128x128xf32, #tpu.memory_space<vmem_shared>>
      tpu.enqueue_dma source(%arg13 : memref<128x128xf32, #tpu.memory_space<vmem>>) target(%dma_start3A_71 : memref<128x128xf32, #tpu.memory_space<vmem_shared>>) target_semaphore(%run_scoped3A : memref<!tpu.dma_semaphore, #tpu.memory_space<semaphore_mem>>)
      %dma_wait3A_72 = arith.constant 0 : i32
      %dma_wait3A_73 = tpu.memref_slice %arg16[%add3A_4, %dma_wait3A_72] : memref<10112x128xf32, #tpu.memory_space<vmem_shared>> -> memref<128x128xf32, #tpu.memory_space<vmem_shared>>
      %dma_wait3A_74 = arith.constant 0 : i32
      %dma_wait3A_75 = tpu.memref_slice %arg16[%add3A_4, %dma_wait3A_74] : memref<10112x128xf32, #tpu.memory_space<vmem_shared>> -> memref<128x128xf32, #tpu.memory_space<vmem_shared>>
      tpu.wait_dma2 semaphore(%run_scoped3A : memref<!tpu.dma_semaphore, #tpu.memory_space<semaphore_mem>>) src(%arg13 : memref<128x128xf32, #tpu.memory_space<vmem>>) dst(%dma_wait3A_75 : memref<128x128xf32, #tpu.memory_space<vmem_shared>>)
      tpu.yield
    }) : () -> ()
    %add3A_5 = arith.constant 128 : i32
    %add3A_6 = arith.addi %mul3A_2, %add3A_5 : i32
    "tpu.region"() ({
      %run_scoped3A = tpu.sem_alloc : memref<!tpu.dma_semaphore, #tpu.memory_space<semaphore_mem>>
      %dma_start3A_68 = arith.constant 0 : i32
      %dma_start3A_69 = tpu.memref_slice %arg16[%add3A_6, %dma_start3A_68] : memref<10112x128xf32, #tpu.memory_space<vmem_shared>> -> memref<128x128xf32, #tpu.memory_space<vmem_shared>>
      %dma_start3A_70 = arith.constant 0 : i32
      %dma_start3A_71 = tpu.memref_slice %arg16[%add3A_6, %dma_start3A_70] : memref<10112x128xf32, #tpu.memory_space<vmem_shared>> -> memref<128x128xf32, #tpu.memory_space<vmem_shared>>
      tpu.enqueue_dma source(%arg13 : memref<128x128xf32, #tpu.memory_space<vmem>>) target(%dma_start3A_71 : memref<128x128xf32, #tpu.memory_space<vmem_shared>>) target_semaphore(%run_scoped3A : memref<!tpu.dma_semaphore, #tpu.memory_space<semaphore_mem>>)
      %dma_wait3A_72 = arith.constant 0 : i32
      %dma_wait3A_73 = tpu.memref_slice %arg16[%add3A_6, %dma_wait3A_72] : memref<10112x128xf32, #tpu.memory_space<vmem_shared>> -> memref<128x128xf32, #tpu.memory_space<vmem_shared>>
      %dma_wait3A_74 = arith.constant 0 : i32
      %dma_wait3A_75 = tpu.memref_slice %arg16[%add3A_6, %dma_wait3A_74] : memref<10112x128xf32, #tpu.memory_space<vmem_shared>> -> memref<128x128xf32, #tpu.memory_space<vmem_shared>>
      tpu.wait_dma2 semaphore(%run_scoped3A : memref<!tpu.dma_semaphore, #tpu.memory_space<semaphore_mem>>) src(%arg13 : memref<128x128xf32, #tpu.memory_space<vmem>>) dst(%dma_wait3A_75 : memref<128x128xf32, #tpu.memory_space<vmem_shared>>)
      tpu.yield
    }) : () -> ()
    %add3A_7 = arith.constant 256 : i32
    %add3A_8 = arith.addi %mul3A_2, %add3A_7 : i32
    "tpu.region"() ({
      %run_scoped3A = tpu.sem_alloc : memref<!tpu.dma_semaphore, #tpu.memory_space<semaphore_mem>>
      %dma_start3A_68 = arith.constant 0 : i32
      %dma_start3A_69 = tpu.memref_slice %arg16[%add3A_8, %dma_start3A_68] : memref<10112x128xf32, #tpu.memory_space<vmem_shared>> -> memref<128x128xf32, #tpu.memory_space<vmem_shared>>
      %dma_start3A_70 = arith.constant 0 : i32
      %dma_start3A_71 = tpu.memref_slice %arg16[%add3A_8, %dma_start3A_70] : memref<10112x128xf32, #tpu.memory_space<vmem_shared>> -> memref<128x128xf32, #tpu.memory_space<vmem_shared>>
      tpu.enqueue_dma source(%arg13 : memref<128x128xf32, #tpu.memory_space<vmem>>) target(%dma_start3A_71 : memref<128x128xf32, #tpu.memory_space<vmem_shared>>) target_semaphore(%run_scoped3A : memref<!tpu.dma_semaphore, #tpu.memory_space<semaphore_mem>>)
      %dma_wait3A_72 = arith.constant 0 : i32
      %dma_wait3A_73 = tpu.memref_slice %arg16[%add3A_8, %dma_wait3A_72] : memref<10112x128xf32, #tpu.memory_space<vmem_shared>> -> memref<128x128xf32, #tpu.memory_space<vmem_shared>>
      %dma_wait3A_74 = arith.constant 0 : i32
      %dma_wait3A_75 = tpu.memref_slice %arg16[%add3A_8, %dma_wait3A_74] : memref<10112x128xf32, #tpu.memory_space<vmem_shared>> -> memref<128x128xf32, #tpu.memory_space<vmem_shared>>
      tpu.wait_dma2 semaphore(%run_scoped3A : memref<!tpu.dma_semaphore, #tpu.memory_space<semaphore_mem>>) src(%arg13 : memref<128x128xf32, #tpu.memory_space<vmem>>) dst(%dma_wait3A_75 : memref<128x128xf32, #tpu.memory_space<vmem_shared>>)
      tpu.yield
    }) : () -> ()
    %add3A_9 = arith.constant 384 : i32
    %add3A_10 = arith.addi %mul3A_2, %add3A_9 : i32
    "tpu.region"() ({
      %run_scoped3A = tpu.sem_alloc : memref<!tpu.dma_semaphore, #tpu.memory_space<semaphore_mem>>
      %dma_start3A_68 = arith.constant 0 : i32
      %dma_start3A_69 = tpu.memref_slice %arg16[%add3A_10, %dma_start3A_68] : memref<10112x128xf32, #tpu.memory_space<vmem_shared>> -> memref<128x128xf32, #tpu.memory_space<vmem_shared>>
      %dma_start3A_70 = arith.constant 0 : i32
      %dma_start3A_71 = tpu.memref_slice %arg16[%add3A_10, %dma_start3A_70] : memref<10112x128xf32, #tpu.memory_space<vmem_shared>> -> memref<128x128xf32, #tpu.memory_space<vmem_shared>>
      tpu.enqueue_dma source(%arg13 : memref<128x128xf32, #tpu.memory_space<vmem>>) target(%dma_start3A_71 : memref<128x128xf32, #tpu.memory_space<vmem_shared>>) target_semaphore(%run_scoped3A : memref<!tpu.dma_semaphore, #tpu.memory_space<semaphore_mem>>)
      %dma_wait3A_72 = arith.constant 0 : i32
      %dma_wait3A_73 = tpu.memref_slice %arg16[%add3A_10, %dma_wait3A_72] : memref<10112x128xf32, #tpu.memory_space<vmem_shared>> -> memref<128x128xf32, #tpu.memory_space<vmem_shared>>
      %dma_wait3A_74 = arith.constant 0 : i32
      %dma_wait3A_75 = tpu.memref_slice %arg16[%add3A_10, %dma_wait3A_74] : memref<10112x128xf32, #tpu.memory_space<vmem_shared>> -> memref<128x128xf32, #tpu.memory_space<vmem_shared>>
      tpu.wait_dma2 semaphore(%run_scoped3A : memref<!tpu.dma_semaphore, #tpu.memory_space<semaphore_mem>>) src(%arg13 : memref<128x128xf32, #tpu.memory_space<vmem>>) dst(%dma_wait3A_75 : memref<128x128xf32, #tpu.memory_space<vmem_shared>>)
      tpu.yield
    }) : () -> ()
    %add3A_11 = arith.constant 512 : i32
    %add3A_12 = arith.addi %mul3A_2, %add3A_11 : i32
    "tpu.region"() ({
      %run_scoped3A = tpu.sem_alloc : memref<!tpu.dma_semaphore, #tpu.memory_space<semaphore_mem>>
      %dma_start3A_68 = arith.constant 0 : i32
      %dma_start3A_69 = arith.constant 0 : i32
      %dma_start3A_70 = tpu.memref_slice %arg13[%dma_start3A_68, %dma_start3A_69] : memref<128x128xf32, #tpu.memory_space<vmem>> -> memref<120x128xf32, #tpu.memory_space<vmem>>
      %dma_start3A_71 = arith.constant 0 : i32
      %dma_start3A_72 = tpu.memref_slice %arg16[%add3A_12, %dma_start3A_71] : memref<10112x128xf32, #tpu.memory_space<vmem_shared>> -> memref<120x128xf32, #tpu.memory_space<vmem_shared>>
      %dma_start3A_73 = arith.constant 0 : i32
      %dma_start3A_74 = tpu.memref_slice %arg16[%add3A_12, %dma_start3A_73] : memref<10112x128xf32, #tpu.memory_space<vmem_shared>> -> memref<120x128xf32, #tpu.memory_space<vmem_shared>>
      %dma_start3A_75 = arith.constant 0 : i32
      %dma_start3A_76 = arith.constant 0 : i32
      %dma_start3A_77 = tpu.memref_slice %arg13[%dma_start3A_75, %dma_start3A_76] : memref<128x128xf32, #tpu.memory_space<vmem>> -> memref<120x128xf32, #tpu.memory_space<vmem>>
      tpu.enqueue_dma source(%dma_start3A_77 : memref<120x128xf32, #tpu.memory_space<vmem>>) target(%dma_start3A_74 : memref<120x128xf32, #tpu.memory_space<vmem_shared>>) target_semaphore(%run_scoped3A : memref<!tpu.dma_semaphore, #tpu.memory_space<semaphore_mem>>)
      %dma_wait3A_78 = arith.constant 0 : i32
      %dma_wait3A_79 = arith.constant 0 : i32
      %dma_wait3A_80 = tpu.memref_slice %arg13[%dma_wait3A_78, %dma_wait3A_79] : memref<128x128xf32, #tpu.memory_space<vmem>> -> memref<120x128xf32, #tpu.memory_space<vmem>>
      %dma_wait3A_81 = arith.constant 0 : i32
      %dma_wait3A_82 = tpu.memref_slice %arg16[%add3A_12, %dma_wait3A_81] : memref<10112x128xf32, #tpu.memory_space<vmem_shared>> -> memref<120x128xf32, #tpu.memory_space<vmem_shared>>
      %dma_wait3A_83 = arith.constant 0 : i32
      %dma_wait3A_84 = tpu.memref_slice %arg16[%add3A_12, %dma_wait3A_83] : memref<10112x128xf32, #tpu.memory_space<vmem_shared>> -> memref<120x128xf32, #tpu.memory_space<vmem_shared>>
      %dma_wait3A_85 = arith.constant 0 : i32
      %dma_wait3A_86 = arith.constant 0 : i32
      %dma_wait3A_87 = tpu.memref_slice %arg13[%dma_wait3A_85, %dma_wait3A_86] : memref<128x128xf32, #tpu.memory_space<vmem>> -> memref<120x128xf32, #tpu.memory_space<vmem>>
      tpu.wait_dma2 semaphore(%run_scoped3A : memref<!tpu.dma_semaphore, #tpu.memory_space<semaphore_mem>>) src(%dma_wait3A_87 : memref<120x128xf32, #tpu.memory_space<vmem>>) dst(%dma_wait3A_84 : memref<120x128xf32, #tpu.memory_space<vmem_shared>>)
      tpu.yield
    }) : () -> ()
    %barrier3A = arith.constant 0 : index
    tpu.barrier barrier_id(%barrier3A)
    %mul3A_13 = arith.constant 20736 : i32
    %mul3A_14 = arith.muli %add3A, %mul3A_13 : i32
    %add3A_15 = arith.constant 0 : i32
    %add3A_16 = arith.addi %mul3A_14, %add3A_15 : i32
    %dma_start3A = tpu.memref_slice %arg2[%add3A_16] : memref<663552xi32, #tpu.memory_space<hbm>> -> memref<128xi32, #tpu.memory_space<hbm>>
    %dma_start3A_17 = tpu.memref_slice %arg2[%add3A_16] : memref<663552xi32, #tpu.memory_space<hbm>> -> memref<128xi32, #tpu.memory_space<hbm>>
    tpu.enqueue_dma source(%dma_start3A_17 : memref<128xi32, #tpu.memory_space<hbm>>) target(%arg7 : memref<128xi32, #tpu.memory_space<vmem>>) target_semaphore(%arg17 : memref<!tpu.dma_semaphore, #tpu.memory_space<semaphore_mem>>)
    %add3A_18 = arith.constant 0 : i32
    %add3A_19 = arith.addi %mul3A_14, %add3A_18 : i32
    %dma_start3A_20 = tpu.memref_slice %arg3[%add3A_19] : memref<663552xi32, #tpu.memory_space<hbm>> -> memref<128xi32, #tpu.memory_space<hbm>>
    %dma_start3A_21 = tpu.memref_slice %arg3[%add3A_19] : memref<663552xi32, #tpu.memory_space<hbm>> -> memref<128xi32, #tpu.memory_space<hbm>>
    tpu.enqueue_dma source(%dma_start3A_21 : memref<128xi32, #tpu.memory_space<hbm>>) target(%arg10 : memref<128xi32, #tpu.memory_space<vmem>>) target_semaphore(%arg20 : memref<!tpu.dma_semaphore, #tpu.memory_space<semaphore_mem>>)
    %dma_wait3A = tpu.memref_slice %arg2[%add3A_16] : memref<663552xi32, #tpu.memory_space<hbm>> -> memref<128xi32, #tpu.memory_space<hbm>>
    %dma_wait3A_22 = tpu.memref_slice %arg2[%add3A_16] : memref<663552xi32, #tpu.memory_space<hbm>> -> memref<128xi32, #tpu.memory_space<hbm>>
    tpu.wait_dma2 semaphore(%arg17 : memref<!tpu.dma_semaphore, #tpu.memory_space<semaphore_mem>>) src(%dma_wait3A_22 : memref<128xi32, #tpu.memory_space<hbm>>) dst(%arg7 : memref<128xi32, #tpu.memory_space<vmem>>)
    %dma_wait3A_23 = tpu.memref_slice %arg3[%add3A_19] : memref<663552xi32, #tpu.memory_space<hbm>> -> memref<128xi32, #tpu.memory_space<hbm>>
    %dma_wait3A_24 = tpu.memref_slice %arg3[%add3A_19] : memref<663552xi32, #tpu.memory_space<hbm>> -> memref<128xi32, #tpu.memory_space<hbm>>
    tpu.wait_dma2 semaphore(%arg20 : memref<!tpu.dma_semaphore, #tpu.memory_space<semaphore_mem>>) src(%dma_wait3A_24 : memref<128xi32, #tpu.memory_space<hbm>>) dst(%arg10 : memref<128xi32, #tpu.memory_space<vmem>>)
    %dma_start3A_25 = arith.constant 0 : i32
    %dma_start3A_26 = arith.constant 0 : i32
    %dma_start3A_27 = tpu.memref_slice %arg5[%dma_start3A_25, %dma_start3A_26] : memref<10000x128xf32, #tpu.memory_space<hbm>> -> memref<10000x128xf32, #tpu.memory_space<hbm>>
    tpu.enqueue_indirect_dma source(%dma_start3A_27 : memref<10000x128xf32, #tpu.memory_space<hbm>>) target(%arg13 : memref<128x128xf32, #tpu.memory_space<vmem>>) offsets(%arg7 : memref<128xi32, #tpu.memory_space<vmem>>) semaphore(%arg23 : memref<!tpu.dma_semaphore, #tpu.memory_space<semaphore_mem>>)
    %add3A_28 = arith.constant 128 : i32
    %add3A_29 = arith.addi %mul3A_14, %add3A_28 : i32
    %dma_start3A_30 = tpu.memref_slice %arg2[%add3A_29] : memref<663552xi32, #tpu.memory_space<hbm>> -> memref<128xi32, #tpu.memory_space<hbm>>
    %dma_start3A_31 = tpu.memref_slice %arg2[%add3A_29] : memref<663552xi32, #tpu.memory_space<hbm>> -> memref<128xi32, #tpu.memory_space<hbm>>
    tpu.enqueue_dma source(%dma_start3A_31 : memref<128xi32, #tpu.memory_space<hbm>>) target(%arg8 : memref<128xi32, #tpu.memory_space<vmem>>) target_semaphore(%arg18 : memref<!tpu.dma_semaphore, #tpu.memory_space<semaphore_mem>>)
    %add3A_32 = arith.constant 128 : i32
    %add3A_33 = arith.addi %mul3A_14, %add3A_32 : i32
    %dma_start3A_34 = tpu.memref_slice %arg3[%add3A_33] : memref<663552xi32, #tpu.memory_space<hbm>> -> memref<128xi32, #tpu.memory_space<hbm>>
    %dma_start3A_35 = tpu.memref_slice %arg3[%add3A_33] : memref<663552xi32, #tpu.memory_space<hbm>> -> memref<128xi32, #tpu.memory_space<hbm>>
    tpu.enqueue_dma source(%dma_start3A_35 : memref<128xi32, #tpu.memory_space<hbm>>) target(%arg11 : memref<128xi32, #tpu.memory_space<vmem>>) target_semaphore(%arg21 : memref<!tpu.dma_semaphore, #tpu.memory_space<semaphore_mem>>)
    %dma_wait3A_36 = tpu.memref_slice %arg2[%add3A_29] : memref<663552xi32, #tpu.memory_space<hbm>> -> memref<128xi32, #tpu.memory_space<hbm>>
    %dma_wait3A_37 = tpu.memref_slice %arg2[%add3A_29] : memref<663552xi32, #tpu.memory_space<hbm>> -> memref<128xi32, #tpu.memory_space<hbm>>
    tpu.wait_dma2 semaphore(%arg18 : memref<!tpu.dma_semaphore, #tpu.memory_space<semaphore_mem>>) src(%dma_wait3A_37 : memref<128xi32, #tpu.memory_space<hbm>>) dst(%arg8 : memref<128xi32, #tpu.memory_space<vmem>>)
    %dma_wait3A_38 = tpu.memref_slice %arg3[%add3A_33] : memref<663552xi32, #tpu.memory_space<hbm>> -> memref<128xi32, #tpu.memory_space<hbm>>
    %dma_wait3A_39 = tpu.memref_slice %arg3[%add3A_33] : memref<663552xi32, #tpu.memory_space<hbm>> -> memref<128xi32, #tpu.memory_space<hbm>>
    tpu.wait_dma2 semaphore(%arg21 : memref<!tpu.dma_semaphore, #tpu.memory_space<semaphore_mem>>) src(%dma_wait3A_39 : memref<128xi32, #tpu.memory_space<hbm>>) dst(%arg11 : memref<128xi32, #tpu.memory_space<vmem>>)
    %dma_start3A_40 = arith.constant 0 : i32
    %dma_start3A_41 = arith.constant 0 : i32
    %dma_start3A_42 = tpu.memref_slice %arg5[%dma_start3A_40, %dma_start3A_41] : memref<10000x128xf32, #tpu.memory_space<hbm>> -> memref<10000x128xf32, #tpu.memory_space<hbm>>
    tpu.enqueue_indirect_dma source(%dma_start3A_42 : memref<10000x128xf32, #tpu.memory_space<hbm>>) target(%arg14 : memref<128x128xf32, #tpu.memory_space<vmem>>) offsets(%arg8 : memref<128xi32, #tpu.memory_space<vmem>>) semaphore(%arg24 : memref<!tpu.dma_semaphore, #tpu.memory_space<semaphore_mem>>)
    %scan3A = arith.constant 0 : i32
    %scan3A_43 = arith.constant 0 : i32
    %scan3A_44 = arith.constant 54 : i32
    %scan3A_45 = arith.addi %scan3A_43, %scan3A_44 : i32
    %scan3A_46 = arith.constant 1 : i32
    scf.for %scan3A_68 = %scan3A_43 to %scan3A_45 step %scan3A_46  : i32 {
      %mul3A_69 = arith.constant 3 : i32
      %mul3A_70 = arith.muli %scan3A_68, %mul3A_69 : i32
      %add3A_71 = arith.constant 0 : i32
      %add3A_72 = arith.addi %mul3A_70, %add3A_71 : i32
      %dma_wait3A_73 = arith.constant 0 : i32
      %dma_wait3A_74 = arith.constant 0 : i32
      %dma_wait3A_75 = tpu.memref_slice %arg5[%dma_wait3A_73, %dma_wait3A_74] : memref<10000x128xf32, #tpu.memory_space<hbm>> -> memref<10000x128xf32, #tpu.memory_space<hbm>>
      tpu.wait_indirect_dma semaphore(%arg23 : memref<!tpu.dma_semaphore, #tpu.memory_space<semaphore_mem>>) src(%dma_wait3A_75 : memref<10000x128xf32, #tpu.memory_space<hbm>>) dst(%arg13 : memref<128x128xf32, #tpu.memory_space<vmem>>)
      %dma_start3A_76 = arith.constant 0 : i32
      %dma_start3A_77 = arith.constant 0 : i32
      %dma_start3A_78 = tpu.memref_slice %arg16[%dma_start3A_76, %dma_start3A_77] : memref<10112x128xf32, #tpu.memory_space<vmem_shared>> -> memref<10112x128xf32, #tpu.memory_space<vmem_shared>>
      tpu.enqueue_indirect_dma source(%arg13 : memref<128x128xf32, #tpu.memory_space<vmem>>) target(%dma_start3A_78 : memref<10112x128xf32, #tpu.memory_space<vmem_shared>>) offsets(%arg10 : memref<128xi32, #tpu.memory_space<vmem>>) semaphore(%arg26 : memref<!tpu.dma_semaphore, #tpu.memory_space<semaphore_mem>>) {add = true}
      %add3A_79 = arith.constant 2 : i32
      %add3A_80 = arith.addi %add3A_72, %add3A_79 : i32
      %lt3A = arith.constant 162 : i32
      %lt3A_81 = arith.cmpi slt, %add3A_80, %lt3A : i32
      %convert_element_type3A = arith.extui %lt3A_81 : i1 to i32
      %cond3A = arith.constant 0 : i32
      %cond3A_82 = arith.cmpi ne, %convert_element_type3A, %cond3A : i32
      scf.if %cond3A_82 {
        %ge3A = arith.constant 1 : i32
        %ge3A_117 = arith.cmpi sge, %add3A_72, %ge3A : i32
        %convert_element_type3A_118 = arith.extui %ge3A_117 : i1 to i32
        %cond3A_119 = arith.constant 0 : i32
        %cond3A_120 = arith.cmpi ne, %convert_element_type3A_118, %cond3A_119 : i32
        scf.if %cond3A_120 {
          %dma_wait3A_140 = arith.constant 0 : i32
          %dma_wait3A_141 = arith.constant 0 : i32
          %dma_wait3A_142 = tpu.memref_slice %arg16[%dma_wait3A_140, %dma_wait3A_141] : memref<10112x128xf32, #tpu.memory_space<vmem_shared>> -> memref<10112x128xf32, #tpu.memory_space<vmem_shared>>
          tpu.wait_indirect_dma semaphore(%arg28 : memref<!tpu.dma_semaphore, #tpu.memory_space<semaphore_mem>>) src(%arg15 : memref<128x128xf32, #tpu.memory_space<vmem>>) dst(%dma_wait3A_142 : memref<10112x128xf32, #tpu.memory_space<vmem_shared>>)
        } else {
        }
        %add3A_121 = arith.constant 2 : i32
        %add3A_122 = arith.addi %add3A_72, %add3A_121 : i32
        %mul3A_123 = arith.constant 128 : i32
        %mul3A_124 = arith.muli %add3A_122, %mul3A_123 : i32
        %add3A_125 = arith.addi %mul3A_14, %mul3A_124 : i32
        %dma_start3A_126 = tpu.memref_slice %arg2[%add3A_125] : memref<663552xi32, #tpu.memory_space<hbm>> -> memref<128xi32, #tpu.memory_space<hbm>>
        %dma_start3A_127 = tpu.memref_slice %arg2[%add3A_125] : memref<663552xi32, #tpu.memory_space<hbm>> -> memref<128xi32, #tpu.memory_space<hbm>>
        tpu.enqueue_dma source(%dma_start3A_127 : memref<128xi32, #tpu.memory_space<hbm>>) target(%arg9 : memref<128xi32, #tpu.memory_space<vmem>>) target_semaphore(%arg19 : memref<!tpu.dma_semaphore, #tpu.memory_space<semaphore_mem>>)
        %mul3A_128 = arith.constant 128 : i32
        %mul3A_129 = arith.muli %add3A_122, %mul3A_128 : i32
        %add3A_130 = arith.addi %mul3A_14, %mul3A_129 : i32
        %dma_start3A_131 = tpu.memref_slice %arg3[%add3A_130] : memref<663552xi32, #tpu.memory_space<hbm>> -> memref<128xi32, #tpu.memory_space<hbm>>
        %dma_start3A_132 = tpu.memref_slice %arg3[%add3A_130] : memref<663552xi32, #tpu.memory_space<hbm>> -> memref<128xi32, #tpu.memory_space<hbm>>
        tpu.enqueue_dma source(%dma_start3A_132 : memref<128xi32, #tpu.memory_space<hbm>>) target(%arg12 : memref<128xi32, #tpu.memory_space<vmem>>) target_semaphore(%arg22 : memref<!tpu.dma_semaphore, #tpu.memory_space<semaphore_mem>>)
        %dma_wait3A_133 = tpu.memref_slice %arg2[%add3A_125] : memref<663552xi32, #tpu.memory_space<hbm>> -> memref<128xi32, #tpu.memory_space<hbm>>
        %dma_wait3A_134 = tpu.memref_slice %arg2[%add3A_125] : memref<663552xi32, #tpu.memory_space<hbm>> -> memref<128xi32, #tpu.memory_space<hbm>>
        tpu.wait_dma2 semaphore(%arg19 : memref<!tpu.dma_semaphore, #tpu.memory_space<semaphore_mem>>) src(%dma_wait3A_134 : memref<128xi32, #tpu.memory_space<hbm>>) dst(%arg9 : memref<128xi32, #tpu.memory_space<vmem>>)
        %dma_wait3A_135 = tpu.memref_slice %arg3[%add3A_130] : memref<663552xi32, #tpu.memory_space<hbm>> -> memref<128xi32, #tpu.memory_space<hbm>>
        %dma_wait3A_136 = tpu.memref_slice %arg3[%add3A_130] : memref<663552xi32, #tpu.memory_space<hbm>> -> memref<128xi32, #tpu.memory_space<hbm>>
        tpu.wait_dma2 semaphore(%arg22 : memref<!tpu.dma_semaphore, #tpu.memory_space<semaphore_mem>>) src(%dma_wait3A_136 : memref<128xi32, #tpu.memory_space<hbm>>) dst(%arg12 : memref<128xi32, #tpu.memory_space<vmem>>)
        %dma_start3A_137 = arith.constant 0 : i32
        %dma_start3A_138 = arith.constant 0 : i32
        %dma_start3A_139 = tpu.memref_slice %arg5[%dma_start3A_137, %dma_start3A_138] : memref<10000x128xf32, #tpu.memory_space<hbm>> -> memref<10000x128xf32, #tpu.memory_space<hbm>>
        tpu.enqueue_indirect_dma source(%dma_start3A_139 : memref<10000x128xf32, #tpu.memory_space<hbm>>) target(%arg15 : memref<128x128xf32, #tpu.memory_space<vmem>>) offsets(%arg9 : memref<128xi32, #tpu.memory_space<vmem>>) semaphore(%arg25 : memref<!tpu.dma_semaphore, #tpu.memory_space<semaphore_mem>>)
      } else {
      }
      %mul3A_83 = arith.constant 3 : i32
      %mul3A_84 = arith.muli %scan3A_68, %mul3A_83 : i32
      %add3A_85 = arith.constant 1 : i32
      %add3A_86 = arith.addi %mul3A_84, %add3A_85 : i32
      %dma_wait3A_87 = arith.constant 0 : i32
      %dma_wait3A_88 = arith.constant 0 : i32
      %dma_wait3A_89 = tpu.memref_slice %arg5[%dma_wait3A_87, %dma_wait3A_88] : memref<10000x128xf32, #tpu.memory_space<hbm>> -> memref<10000x128xf32, #tpu.memory_space<hbm>>
      tpu.wait_indirect_dma semaphore(%arg24 : memref<!tpu.dma_semaphore, #tpu.memory_space<semaphore_mem>>) src(%dma_wait3A_89 : memref<10000x128xf32, #tpu.memory_space<hbm>>) dst(%arg14 : memref<128x128xf32, #tpu.memory_space<vmem>>)
      %dma_start3A_90 = arith.constant 0 : i32
      %dma_start3A_91 = arith.constant 0 : i32
      %dma_start3A_92 = tpu.memref_slice %arg16[%dma_start3A_90, %dma_start3A_91] : memref<10112x128xf32, #tpu.memory_space<vmem_shared>> -> memref<10112x128xf32, #tpu.memory_space<vmem_shared>>
      tpu.enqueue_indirect_dma source(%arg14 : memref<128x128xf32, #tpu.memory_space<vmem>>) target(%dma_start3A_92 : memref<10112x128xf32, #tpu.memory_space<vmem_shared>>) offsets(%arg11 : memref<128xi32, #tpu.memory_space<vmem>>) semaphore(%arg27 : memref<!tpu.dma_semaphore, #tpu.memory_space<semaphore_mem>>) {add = true}
      %add3A_93 = arith.constant 2 : i32
      %add3A_94 = arith.addi %add3A_86, %add3A_93 : i32
      %lt3A_95 = arith.constant 162 : i32
      %lt3A_96 = arith.cmpi slt, %add3A_94, %lt3A_95 : i32
      %convert_element_type3A_97 = arith.extui %lt3A_96 : i1 to i32
      %cond3A_98 = arith.constant 0 : i32
      %cond3A_99 = arith.cmpi ne, %convert_element_type3A_97, %cond3A_98 : i32
      scf.if %cond3A_99 {
        %ge3A = arith.constant 1 : i32
        %ge3A_117 = arith.cmpi sge, %add3A_86, %ge3A : i32
        %convert_element_type3A_118 = arith.extui %ge3A_117 : i1 to i32
        %cond3A_119 = arith.constant 0 : i32
        %cond3A_120 = arith.cmpi ne, %convert_element_type3A_118, %cond3A_119 : i32
        scf.if %cond3A_120 {
          %dma_wait3A_140 = arith.constant 0 : i32
          %dma_wait3A_141 = arith.constant 0 : i32
          %dma_wait3A_142 = tpu.memref_slice %arg16[%dma_wait3A_140, %dma_wait3A_141] : memref<10112x128xf32, #tpu.memory_space<vmem_shared>> -> memref<10112x128xf32, #tpu.memory_space<vmem_shared>>
          tpu.wait_indirect_dma semaphore(%arg26 : memref<!tpu.dma_semaphore, #tpu.memory_space<semaphore_mem>>) src(%arg13 : memref<128x128xf32, #tpu.memory_space<vmem>>) dst(%dma_wait3A_142 : memref<10112x128xf32, #tpu.memory_space<vmem_shared>>)
        } else {
        }
        %add3A_121 = arith.constant 2 : i32
        %add3A_122 = arith.addi %add3A_86, %add3A_121 : i32
        %mul3A_123 = arith.constant 128 : i32
        %mul3A_124 = arith.muli %add3A_122, %mul3A_123 : i32
        %add3A_125 = arith.addi %mul3A_14, %mul3A_124 : i32
        %dma_start3A_126 = tpu.memref_slice %arg2[%add3A_125] : memref<663552xi32, #tpu.memory_space<hbm>> -> memref<128xi32, #tpu.memory_space<hbm>>
        %dma_start3A_127 = tpu.memref_slice %arg2[%add3A_125] : memref<663552xi32, #tpu.memory_space<hbm>> -> memref<128xi32, #tpu.memory_space<hbm>>
        tpu.enqueue_dma source(%dma_start3A_127 : memref<128xi32, #tpu.memory_space<hbm>>) target(%arg7 : memref<128xi32, #tpu.memory_space<vmem>>) target_semaphore(%arg17 : memref<!tpu.dma_semaphore, #tpu.memory_space<semaphore_mem>>)
        %mul3A_128 = arith.constant 128 : i32
        %mul3A_129 = arith.muli %add3A_122, %mul3A_128 : i32
        %add3A_130 = arith.addi %mul3A_14, %mul3A_129 : i32
        %dma_start3A_131 = tpu.memref_slice %arg3[%add3A_130] : memref<663552xi32, #tpu.memory_space<hbm>> -> memref<128xi32, #tpu.memory_space<hbm>>
        %dma_start3A_132 = tpu.memref_slice %arg3[%add3A_130] : memref<663552xi32, #tpu.memory_space<hbm>> -> memref<128xi32, #tpu.memory_space<hbm>>
        tpu.enqueue_dma source(%dma_start3A_132 : memref<128xi32, #tpu.memory_space<hbm>>) target(%arg10 : memref<128xi32, #tpu.memory_space<vmem>>) target_semaphore(%arg20 : memref<!tpu.dma_semaphore, #tpu.memory_space<semaphore_mem>>)
        %dma_wait3A_133 = tpu.memref_slice %arg2[%add3A_125] : memref<663552xi32, #tpu.memory_space<hbm>> -> memref<128xi32, #tpu.memory_space<hbm>>
        %dma_wait3A_134 = tpu.memref_slice %arg2[%add3A_125] : memref<663552xi32, #tpu.memory_space<hbm>> -> memref<128xi32, #tpu.memory_space<hbm>>
        tpu.wait_dma2 semaphore(%arg17 : memref<!tpu.dma_semaphore, #tpu.memory_space<semaphore_mem>>) src(%dma_wait3A_134 : memref<128xi32, #tpu.memory_space<hbm>>) dst(%arg7 : memref<128xi32, #tpu.memory_space<vmem>>)
        %dma_wait3A_135 = tpu.memref_slice %arg3[%add3A_130] : memref<663552xi32, #tpu.memory_space<hbm>> -> memref<128xi32, #tpu.memory_space<hbm>>
        %dma_wait3A_136 = tpu.memref_slice %arg3[%add3A_130] : memref<663552xi32, #tpu.memory_space<hbm>> -> memref<128xi32, #tpu.memory_space<hbm>>
        tpu.wait_dma2 semaphore(%arg20 : memref<!tpu.dma_semaphore, #tpu.memory_space<semaphore_mem>>) src(%dma_wait3A_136 : memref<128xi32, #tpu.memory_space<hbm>>) dst(%arg10 : memref<128xi32, #tpu.memory_space<vmem>>)
        %dma_start3A_137 = arith.constant 0 : i32
        %dma_start3A_138 = arith.constant 0 : i32
        %dma_start3A_139 = tpu.memref_slice %arg5[%dma_start3A_137, %dma_start3A_138] : memref<10000x128xf32, #tpu.memory_space<hbm>> -> memref<10000x128xf32, #tpu.memory_space<hbm>>
        tpu.enqueue_indirect_dma source(%dma_start3A_139 : memref<10000x128xf32, #tpu.memory_space<hbm>>) target(%arg13 : memref<128x128xf32, #tpu.memory_space<vmem>>) offsets(%arg7 : memref<128xi32, #tpu.memory_space<vmem>>) semaphore(%arg23 : memref<!tpu.dma_semaphore, #tpu.memory_space<semaphore_mem>>)
      } else {
      }
      %mul3A_100 = arith.constant 3 : i32
      %mul3A_101 = arith.muli %scan3A_68, %mul3A_100 : i32
      %add3A_102 = arith.constant 2 : i32
      %add3A_103 = arith.addi %mul3A_101, %add3A_102 : i32
      %dma_wait3A_104 = arith.constant 0 : i32
      %dma_wait3A_105 = arith.constant 0 : i32
      %dma_wait3A_106 = tpu.memref_slice %arg5[%dma_wait3A_104, %dma_wait3A_105] : memref<10000x128xf32, #tpu.memory_space<hbm>> -> memref<10000x128xf32, #tpu.memory_space<hbm>>
      tpu.wait_indirect_dma semaphore(%arg25 : memref<!tpu.dma_semaphore, #tpu.memory_space<semaphore_mem>>) src(%dma_wait3A_106 : memref<10000x128xf32, #tpu.memory_space<hbm>>) dst(%arg15 : memref<128x128xf32, #tpu.memory_space<vmem>>)
      %dma_start3A_107 = arith.constant 0 : i32
      %dma_start3A_108 = arith.constant 0 : i32
      %dma_start3A_109 = tpu.memref_slice %arg16[%dma_start3A_107, %dma_start3A_108] : memref<10112x128xf32, #tpu.memory_space<vmem_shared>> -> memref<10112x128xf32, #tpu.memory_space<vmem_shared>>
      tpu.enqueue_indirect_dma source(%arg15 : memref<128x128xf32, #tpu.memory_space<vmem>>) target(%dma_start3A_109 : memref<10112x128xf32, #tpu.memory_space<vmem_shared>>) offsets(%arg12 : memref<128xi32, #tpu.memory_space<vmem>>) semaphore(%arg28 : memref<!tpu.dma_semaphore, #tpu.memory_space<semaphore_mem>>) {add = true}
      %add3A_110 = arith.constant 2 : i32
      %add3A_111 = arith.addi %add3A_103, %add3A_110 : i32
      %lt3A_112 = arith.constant 162 : i32
      %lt3A_113 = arith.cmpi slt, %add3A_111, %lt3A_112 : i32
      %convert_element_type3A_114 = arith.extui %lt3A_113 : i1 to i32
      %cond3A_115 = arith.constant 0 : i32
      %cond3A_116 = arith.cmpi ne, %convert_element_type3A_114, %cond3A_115 : i32
      scf.if %cond3A_116 {
        %ge3A = arith.constant 1 : i32
        %ge3A_117 = arith.cmpi sge, %add3A_103, %ge3A : i32
        %convert_element_type3A_118 = arith.extui %ge3A_117 : i1 to i32
        %cond3A_119 = arith.constant 0 : i32
        %cond3A_120 = arith.cmpi ne, %convert_element_type3A_118, %cond3A_119 : i32
        scf.if %cond3A_120 {
          %dma_wait3A_140 = arith.constant 0 : i32
          %dma_wait3A_141 = arith.constant 0 : i32
          %dma_wait3A_142 = tpu.memref_slice %arg16[%dma_wait3A_140, %dma_wait3A_141] : memref<10112x128xf32, #tpu.memory_space<vmem_shared>> -> memref<10112x128xf32, #tpu.memory_space<vmem_shared>>
          tpu.wait_indirect_dma semaphore(%arg27 : memref<!tpu.dma_semaphore, #tpu.memory_space<semaphore_mem>>) src(%arg14 : memref<128x128xf32, #tpu.memory_space<vmem>>) dst(%dma_wait3A_142 : memref<10112x128xf32, #tpu.memory_space<vmem_shared>>)
        } else {
        }
        %add3A_121 = arith.constant 2 : i32
        %add3A_122 = arith.addi %add3A_103, %add3A_121 : i32
        %mul3A_123 = arith.constant 128 : i32
        %mul3A_124 = arith.muli %add3A_122, %mul3A_123 : i32
        %add3A_125 = arith.addi %mul3A_14, %mul3A_124 : i32
        %dma_start3A_126 = tpu.memref_slice %arg2[%add3A_125] : memref<663552xi32, #tpu.memory_space<hbm>> -> memref<128xi32, #tpu.memory_space<hbm>>
        %dma_start3A_127 = tpu.memref_slice %arg2[%add3A_125] : memref<663552xi32, #tpu.memory_space<hbm>> -> memref<128xi32, #tpu.memory_space<hbm>>
        tpu.enqueue_dma source(%dma_start3A_127 : memref<128xi32, #tpu.memory_space<hbm>>) target(%arg8 : memref<128xi32, #tpu.memory_space<vmem>>) target_semaphore(%arg18 : memref<!tpu.dma_semaphore, #tpu.memory_space<semaphore_mem>>)
        %mul3A_128 = arith.constant 128 : i32
        %mul3A_129 = arith.muli %add3A_122, %mul3A_128 : i32
        %add3A_130 = arith.addi %mul3A_14, %mul3A_129 : i32
        %dma_start3A_131 = tpu.memref_slice %arg3[%add3A_130] : memref<663552xi32, #tpu.memory_space<hbm>> -> memref<128xi32, #tpu.memory_space<hbm>>
        %dma_start3A_132 = tpu.memref_slice %arg3[%add3A_130] : memref<663552xi32, #tpu.memory_space<hbm>> -> memref<128xi32, #tpu.memory_space<hbm>>
        tpu.enqueue_dma source(%dma_start3A_132 : memref<128xi32, #tpu.memory_space<hbm>>) target(%arg11 : memref<128xi32, #tpu.memory_space<vmem>>) target_semaphore(%arg21 : memref<!tpu.dma_semaphore, #tpu.memory_space<semaphore_mem>>)
        %dma_wait3A_133 = tpu.memref_slice %arg2[%add3A_125] : memref<663552xi32, #tpu.memory_space<hbm>> -> memref<128xi32, #tpu.memory_space<hbm>>
        %dma_wait3A_134 = tpu.memref_slice %arg2[%add3A_125] : memref<663552xi32, #tpu.memory_space<hbm>> -> memref<128xi32, #tpu.memory_space<hbm>>
        tpu.wait_dma2 semaphore(%arg18 : memref<!tpu.dma_semaphore, #tpu.memory_space<semaphore_mem>>) src(%dma_wait3A_134 : memref<128xi32, #tpu.memory_space<hbm>>) dst(%arg8 : memref<128xi32, #tpu.memory_space<vmem>>)
        %dma_wait3A_135 = tpu.memref_slice %arg3[%add3A_130] : memref<663552xi32, #tpu.memory_space<hbm>> -> memref<128xi32, #tpu.memory_space<hbm>>
        %dma_wait3A_136 = tpu.memref_slice %arg3[%add3A_130] : memref<663552xi32, #tpu.memory_space<hbm>> -> memref<128xi32, #tpu.memory_space<hbm>>
        tpu.wait_dma2 semaphore(%arg21 : memref<!tpu.dma_semaphore, #tpu.memory_space<semaphore_mem>>) src(%dma_wait3A_136 : memref<128xi32, #tpu.memory_space<hbm>>) dst(%arg11 : memref<128xi32, #tpu.memory_space<vmem>>)
        %dma_start3A_137 = arith.constant 0 : i32
        %dma_start3A_138 = arith.constant 0 : i32
        %dma_start3A_139 = tpu.memref_slice %arg5[%dma_start3A_137, %dma_start3A_138] : memref<10000x128xf32, #tpu.memory_space<hbm>> -> memref<10000x128xf32, #tpu.memory_space<hbm>>
        tpu.enqueue_indirect_dma source(%dma_start3A_139 : memref<10000x128xf32, #tpu.memory_space<hbm>>) target(%arg14 : memref<128x128xf32, #tpu.memory_space<vmem>>) offsets(%arg8 : memref<128xi32, #tpu.memory_space<vmem>>) semaphore(%arg24 : memref<!tpu.dma_semaphore, #tpu.memory_space<semaphore_mem>>)
      } else {
      }
    }
    %scan3A_47 = arith.constant 54 : i32
    %dma_wait3A_48 = arith.constant 0 : i32
    %dma_wait3A_49 = arith.constant 0 : i32
    %dma_wait3A_50 = tpu.memref_slice %arg16[%dma_wait3A_48, %dma_wait3A_49] : memref<10112x128xf32, #tpu.memory_space<vmem_shared>> -> memref<10112x128xf32, #tpu.memory_space<vmem_shared>>
    tpu.wait_indirect_dma semaphore(%arg26 : memref<!tpu.dma_semaphore, #tpu.memory_space<semaphore_mem>>) src(%arg13 : memref<128x128xf32, #tpu.memory_space<vmem>>) dst(%dma_wait3A_50 : memref<10112x128xf32, #tpu.memory_space<vmem_shared>>)
    %dma_wait3A_51 = arith.constant 0 : i32
    %dma_wait3A_52 = arith.constant 0 : i32
    %dma_wait3A_53 = tpu.memref_slice %arg16[%dma_wait3A_51, %dma_wait3A_52] : memref<10112x128xf32, #tpu.memory_space<vmem_shared>> -> memref<10112x128xf32, #tpu.memory_space<vmem_shared>>
    tpu.wait_indirect_dma semaphore(%arg27 : memref<!tpu.dma_semaphore, #tpu.memory_space<semaphore_mem>>) src(%arg14 : memref<128x128xf32, #tpu.memory_space<vmem>>) dst(%dma_wait3A_53 : memref<10112x128xf32, #tpu.memory_space<vmem_shared>>)
    %dma_wait3A_54 = arith.constant 0 : i32
    %dma_wait3A_55 = arith.constant 0 : i32
    %dma_wait3A_56 = tpu.memref_slice %arg16[%dma_wait3A_54, %dma_wait3A_55] : memref<10112x128xf32, #tpu.memory_space<vmem_shared>> -> memref<10112x128xf32, #tpu.memory_space<vmem_shared>>
    tpu.wait_indirect_dma semaphore(%arg28 : memref<!tpu.dma_semaphore, #tpu.memory_space<semaphore_mem>>) src(%arg15 : memref<128x128xf32, #tpu.memory_space<vmem>>) dst(%dma_wait3A_56 : memref<10112x128xf32, #tpu.memory_space<vmem_shared>>)
    %barrier3A_57 = arith.constant 0 : index
    tpu.barrier barrier_id(%barrier3A_57)
    %add3A_58 = arith.constant 0 : i32
    %add3A_59 = arith.addi %mul3A_2, %add3A_58 : i32
    "tpu.region"() ({
      %run_scoped3A = tpu.sem_alloc : memref<!tpu.dma_semaphore, #tpu.memory_space<semaphore_mem>>
      %dma_start3A_68 = arith.constant 0 : i32
      %dma_start3A_69 = tpu.memref_slice %arg6[%arg0, %add3A_59, %dma_start3A_68] : memref<2x10112x128xf32, #tpu.memory_space<hbm>> -> memref<1x128x128xf32, #tpu.memory_space<hbm>>
      %dma_start3A_70 = tpu.memref_squeeze %dma_start3A_69 : memref<1x128x128xf32, #tpu.memory_space<hbm>> -> memref<128x128xf32, #tpu.memory_space<hbm>>
      %dma_start3A_71 = arith.constant 0 : i32
      %dma_start3A_72 = tpu.memref_slice %arg16[%add3A_59, %dma_start3A_71] : memref<10112x128xf32, #tpu.memory_space<vmem_shared>> -> memref<128x128xf32, #tpu.memory_space<vmem_shared>>
      tpu.enqueue_dma source(%dma_start3A_72 : memref<128x128xf32, #tpu.memory_space<vmem_shared>>) target(%dma_start3A_70 : memref<128x128xf32, #tpu.memory_space<hbm>>) target_semaphore(%run_scoped3A : memref<!tpu.dma_semaphore, #tpu.memory_space<semaphore_mem>>)
      %dma_wait3A_73 = arith.constant 0 : i32
      %dma_wait3A_74 = tpu.memref_slice %arg6[%arg0, %add3A_59, %dma_wait3A_73] : memref<2x10112x128xf32, #tpu.memory_space<hbm>> -> memref<1x128x128xf32, #tpu.memory_space<hbm>>
      %dma_wait3A_75 = tpu.memref_squeeze %dma_wait3A_74 : memref<1x128x128xf32, #tpu.memory_space<hbm>> -> memref<128x128xf32, #tpu.memory_space<hbm>>
      %dma_wait3A_76 = arith.constant 0 : i32
      %dma_wait3A_77 = tpu.memref_slice %arg16[%add3A_59, %dma_wait3A_76] : memref<10112x128xf32, #tpu.memory_space<vmem_shared>> -> memref<128x128xf32, #tpu.memory_space<vmem_shared>>
      tpu.wait_dma2 semaphore(%run_scoped3A : memref<!tpu.dma_semaphore, #tpu.memory_space<semaphore_mem>>) src(%dma_wait3A_77 : memref<128x128xf32, #tpu.memory_space<vmem_shared>>) dst(%dma_wait3A_75 : memref<128x128xf32, #tpu.memory_space<hbm>>)
      tpu.yield
    }) : () -> ()
    %add3A_60 = arith.constant 128 : i32
    %add3A_61 = arith.addi %mul3A_2, %add3A_60 : i32
    "tpu.region"() ({
      %run_scoped3A = tpu.sem_alloc : memref<!tpu.dma_semaphore, #tpu.memory_space<semaphore_mem>>
      %dma_start3A_68 = arith.constant 0 : i32
      %dma_start3A_69 = tpu.memref_slice %arg6[%arg0, %add3A_61, %dma_start3A_68] : memref<2x10112x128xf32, #tpu.memory_space<hbm>> -> memref<1x128x128xf32, #tpu.memory_space<hbm>>
      %dma_start3A_70 = tpu.memref_squeeze %dma_start3A_69 : memref<1x128x128xf32, #tpu.memory_space<hbm>> -> memref<128x128xf32, #tpu.memory_space<hbm>>
      %dma_start3A_71 = arith.constant 0 : i32
      %dma_start3A_72 = tpu.memref_slice %arg16[%add3A_61, %dma_start3A_71] : memref<10112x128xf32, #tpu.memory_space<vmem_shared>> -> memref<128x128xf32, #tpu.memory_space<vmem_shared>>
      tpu.enqueue_dma source(%dma_start3A_72 : memref<128x128xf32, #tpu.memory_space<vmem_shared>>) target(%dma_start3A_70 : memref<128x128xf32, #tpu.memory_space<hbm>>) target_semaphore(%run_scoped3A : memref<!tpu.dma_semaphore, #tpu.memory_space<semaphore_mem>>)
      %dma_wait3A_73 = arith.constant 0 : i32
      %dma_wait3A_74 = tpu.memref_slice %arg6[%arg0, %add3A_61, %dma_wait3A_73] : memref<2x10112x128xf32, #tpu.memory_space<hbm>> -> memref<1x128x128xf32, #tpu.memory_space<hbm>>
      %dma_wait3A_75 = tpu.memref_squeeze %dma_wait3A_74 : memref<1x128x128xf32, #tpu.memory_space<hbm>> -> memref<128x128xf32, #tpu.memory_space<hbm>>
      %dma_wait3A_76 = arith.constant 0 : i32
      %dma_wait3A_77 = tpu.memref_slice %arg16[%add3A_61, %dma_wait3A_76] : memref<10112x128xf32, #tpu.memory_space<vmem_shared>> -> memref<128x128xf32, #tpu.memory_space<vmem_shared>>
      tpu.wait_dma2 semaphore(%run_scoped3A : memref<!tpu.dma_semaphore, #tpu.memory_space<semaphore_mem>>) src(%dma_wait3A_77 : memref<128x128xf32, #tpu.memory_space<vmem_shared>>) dst(%dma_wait3A_75 : memref<128x128xf32, #tpu.memory_space<hbm>>)
      tpu.yield
    }) : () -> ()
    %add3A_62 = arith.constant 256 : i32
    %add3A_63 = arith.addi %mul3A_2, %add3A_62 : i32
    "tpu.region"() ({
      %run_scoped3A = tpu.sem_alloc : memref<!tpu.dma_semaphore, #tpu.memory_space<semaphore_mem>>
      %dma_start3A_68 = arith.constant 0 : i32
      %dma_start3A_69 = tpu.memref_slice %arg6[%arg0, %add3A_63, %dma_start3A_68] : memref<2x10112x128xf32, #tpu.memory_space<hbm>> -> memref<1x128x128xf32, #tpu.memory_space<hbm>>
      %dma_start3A_70 = tpu.memref_squeeze %dma_start3A_69 : memref<1x128x128xf32, #tpu.memory_space<hbm>> -> memref<128x128xf32, #tpu.memory_space<hbm>>
      %dma_start3A_71 = arith.constant 0 : i32
      %dma_start3A_72 = tpu.memref_slice %arg16[%add3A_63, %dma_start3A_71] : memref<10112x128xf32, #tpu.memory_space<vmem_shared>> -> memref<128x128xf32, #tpu.memory_space<vmem_shared>>
      tpu.enqueue_dma source(%dma_start3A_72 : memref<128x128xf32, #tpu.memory_space<vmem_shared>>) target(%dma_start3A_70 : memref<128x128xf32, #tpu.memory_space<hbm>>) target_semaphore(%run_scoped3A : memref<!tpu.dma_semaphore, #tpu.memory_space<semaphore_mem>>)
      %dma_wait3A_73 = arith.constant 0 : i32
      %dma_wait3A_74 = tpu.memref_slice %arg6[%arg0, %add3A_63, %dma_wait3A_73] : memref<2x10112x128xf32, #tpu.memory_space<hbm>> -> memref<1x128x128xf32, #tpu.memory_space<hbm>>
      %dma_wait3A_75 = tpu.memref_squeeze %dma_wait3A_74 : memref<1x128x128xf32, #tpu.memory_space<hbm>> -> memref<128x128xf32, #tpu.memory_space<hbm>>
      %dma_wait3A_76 = arith.constant 0 : i32
      %dma_wait3A_77 = tpu.memref_slice %arg16[%add3A_63, %dma_wait3A_76] : memref<10112x128xf32, #tpu.memory_space<vmem_shared>> -> memref<128x128xf32, #tpu.memory_space<vmem_shared>>
      tpu.wait_dma2 semaphore(%run_scoped3A : memref<!tpu.dma_semaphore, #tpu.memory_space<semaphore_mem>>) src(%dma_wait3A_77 : memref<128x128xf32, #tpu.memory_space<vmem_shared>>) dst(%dma_wait3A_75 : memref<128x128xf32, #tpu.memory_space<hbm>>)
      tpu.yield
    }) : () -> ()
    %add3A_64 = arith.constant 384 : i32
    %add3A_65 = arith.addi %mul3A_2, %add3A_64 : i32
    "tpu.region"() ({
      %run_scoped3A = tpu.sem_alloc : memref<!tpu.dma_semaphore, #tpu.memory_space<semaphore_mem>>
      %dma_start3A_68 = arith.constant 0 : i32
      %dma_start3A_69 = tpu.memref_slice %arg6[%arg0, %add3A_65, %dma_start3A_68] : memref<2x10112x128xf32, #tpu.memory_space<hbm>> -> memref<1x128x128xf32, #tpu.memory_space<hbm>>
      %dma_start3A_70 = tpu.memref_squeeze %dma_start3A_69 : memref<1x128x128xf32, #tpu.memory_space<hbm>> -> memref<128x128xf32, #tpu.memory_space<hbm>>
      %dma_start3A_71 = arith.constant 0 : i32
      %dma_start3A_72 = tpu.memref_slice %arg16[%add3A_65, %dma_start3A_71] : memref<10112x128xf32, #tpu.memory_space<vmem_shared>> -> memref<128x128xf32, #tpu.memory_space<vmem_shared>>
      tpu.enqueue_dma source(%dma_start3A_72 : memref<128x128xf32, #tpu.memory_space<vmem_shared>>) target(%dma_start3A_70 : memref<128x128xf32, #tpu.memory_space<hbm>>) target_semaphore(%run_scoped3A : memref<!tpu.dma_semaphore, #tpu.memory_space<semaphore_mem>>)
      %dma_wait3A_73 = arith.constant 0 : i32
      %dma_wait3A_74 = tpu.memref_slice %arg6[%arg0, %add3A_65, %dma_wait3A_73] : memref<2x10112x128xf32, #tpu.memory_space<hbm>> -> memref<1x128x128xf32, #tpu.memory_space<hbm>>
      %dma_wait3A_75 = tpu.memref_squeeze %dma_wait3A_74 : memref<1x128x128xf32, #tpu.memory_space<hbm>> -> memref<128x128xf32, #tpu.memory_space<hbm>>
      %dma_wait3A_76 = arith.constant 0 : i32
      %dma_wait3A_77 = tpu.memref_slice %arg16[%add3A_65, %dma_wait3A_76] : memref<10112x128xf32, #tpu.memory_space<vmem_shared>> -> memref<128x128xf32, #tpu.memory_space<vmem_shared>>
      tpu.wait_dma2 semaphore(%run_scoped3A : memref<!tpu.dma_semaphore, #tpu.memory_space<semaphore_mem>>) src(%dma_wait3A_77 : memref<128x128xf32, #tpu.memory_space<vmem_shared>>) dst(%dma_wait3A_75 : memref<128x128xf32, #tpu.memory_space<hbm>>)
      tpu.yield
    }) : () -> ()
    %add3A_66 = arith.constant 512 : i32
    %add3A_67 = arith.addi %mul3A_2, %add3A_66 : i32
    "tpu.region"() ({
      %run_scoped3A = tpu.sem_alloc : memref<!tpu.dma_semaphore, #tpu.memory_space<semaphore_mem>>
      %dma_start3A_68 = arith.constant 0 : i32
      %dma_start3A_69 = tpu.memref_slice %arg6[%arg0, %add3A_67, %dma_start3A_68] : memref<2x10112x128xf32, #tpu.memory_space<hbm>> -> memref<1x120x128xf32, #tpu.memory_space<hbm>>
      %dma_start3A_70 = tpu.memref_squeeze %dma_start3A_69 : memref<1x120x128xf32, #tpu.memory_space<hbm>> -> memref<120x128xf32, #tpu.memory_space<hbm>>
      %dma_start3A_71 = arith.constant 0 : i32
      %dma_start3A_72 = tpu.memref_slice %arg16[%add3A_67, %dma_start3A_71] : memref<10112x128xf32, #tpu.memory_space<vmem_shared>> -> memref<120x128xf32, #tpu.memory_space<vmem_shared>>
      tpu.enqueue_dma source(%dma_start3A_72 : memref<120x128xf32, #tpu.memory_space<vmem_shared>>) target(%dma_start3A_70 : memref<120x128xf32, #tpu.memory_space<hbm>>) target_semaphore(%run_scoped3A : memref<!tpu.dma_semaphore, #tpu.memory_space<semaphore_mem>>)
      %dma_wait3A_73 = arith.constant 0 : i32
      %dma_wait3A_74 = tpu.memref_slice %arg6[%arg0, %add3A_67, %dma_wait3A_73] : memref<2x10112x128xf32, #tpu.memory_space<hbm>> -> memref<1x120x128xf32, #tpu.memory_space<hbm>>
      %dma_wait3A_75 = tpu.memref_squeeze %dma_wait3A_74 : memref<1x120x128xf32, #tpu.memory_space<hbm>> -> memref<120x128xf32, #tpu.memory_space<hbm>>
      %dma_wait3A_76 = arith.constant 0 : i32
      %dma_wait3A_77 = tpu.memref_slice %arg16[%add3A_67, %dma_wait3A_76] : memref<10112x128xf32, #tpu.memory_space<vmem_shared>> -> memref<120x128xf32, #tpu.memory_space<vmem_shared>>
      tpu.wait_dma2 semaphore(%run_scoped3A : memref<!tpu.dma_semaphore, #tpu.memory_space<semaphore_mem>>) src(%dma_wait3A_77 : memref<120x128xf32, #tpu.memory_space<vmem_shared>>) dst(%dma_wait3A_75 : memref<120x128xf32, #tpu.memory_space<hbm>>)
      tpu.yield
    }) : () -> ()
    return
  }
}

module attributes {stable_mosaic.version = 14 : i64} {
  func.func @_tc_proj_body(%arg0: i32, %arg1: memref<2000x128xf32, #tpu.memory_space<vmem>>, %arg2: memref<128x128xf32, #tpu.memory_space<vmem>>, %arg3: memref<1x128xf32, #tpu.memory_space<vmem>>, %arg4: memref<2000x128xf32, #tpu.memory_space<vmem>>) attributes {dimension_semantics = [#tpu.dimension_semantics<arbitrary>], iteration_bounds = array<i64: 5>, scalar_prefetch = 0 : i64, scratch_operands = 0 : i64, tpu.core_type = #tpu.core_type<tc>, window_params = [{transform_indices = @transform_0, window_bounds = array<i64: 2000, 128>}, {pipeline_mode = #tpu.pipeline_mode<synchronous>, transform_indices = @transform_1, window_bounds = array<i64: 128, 128>}, {pipeline_mode = #tpu.pipeline_mode<synchronous>, transform_indices = @transform_2, window_bounds = array<i64: 1, 128>}, {transform_indices = @transform_3, window_bounds = array<i64: 2000, 128>}]} {
    %get3A = arith.constant 0 : index
    %get3A_0 = arith.constant 0 : index
    %get3A_1 = vector.load %arg1[%get3A, %get3A_0] : memref<2000x128xf32, #tpu.memory_space<vmem>>, vector<2000x128xf32>
    %get3A_2 = arith.constant 0 : index
    %get3A_3 = arith.constant 0 : index
    %get3A_4 = vector.load %arg2[%get3A_2, %get3A_3] : memref<128x128xf32, #tpu.memory_space<vmem>>, vector<128x128xf32>
    %dot_general3A = arith.constant dense<0.000000e+00> : vector<2000x128xf32>
    %dot_general3A_5 = tpu.matmul %get3A_1, %get3A_4, %dot_general3A {dimension_numbers = #tpu.dot_dimension_numbers<[1], [0], [0], [1], [0, 0, 1, 1], [], []>, precision = #tpu.contract_precision<fp32>, transpose_lhs_hint = false} : vector<2000x128xf32>, vector<128x128xf32>, vector<2000x128xf32> -> vector<2000x128xf32>
    %get3A_6 = arith.constant 0 : index
    %get3A_7 = arith.constant 0 : index
    %get3A_8 = vector.load %arg3[%get3A_6, %get3A_7] : memref<1x128xf32, #tpu.memory_space<vmem>>, vector<1x128xf32>
    %add3A = vector.broadcast %get3A_8 : vector<1x128xf32> to vector<2000x128xf32>
    %add3A_9 = arith.addf %dot_general3A_5, %add3A : vector<2000x128xf32>
    %swap3A = arith.constant 0 : index
    %swap3A_10 = arith.constant 0 : index
    %swap3A_11 = vector.load %arg4[%swap3A, %swap3A_10] : memref<2000x128xf32, #tpu.memory_space<vmem>>, vector<2000x128xf32>
    tpu.vector_store %arg4[%swap3A, %swap3A_10], %add3A_9 {strides = array<i32>} : memref<2000x128xf32, #tpu.memory_space<vmem>>, vector<2000x128xf32>,
    return
  }
  func.func @transform_0(%arg0: i32) -> (i32, i32) {
    %c0_i32 = arith.constant 0 : i32
    %c0_i32_0 = arith.constant 0 : i32
    return %arg0, %c0_i32 : i32, i32
  }
  func.func @transform_1(%arg0: i32) -> (i32, i32) {
    %c0_i32 = arith.constant 0 : i32
    %c0_i32_0 = arith.constant 0 : i32
    %c0_i32_1 = arith.constant 0 : i32
    return %c0_i32, %c0_i32_0 : i32, i32
  }
  func.func @transform_2(%arg0: i32) -> (i32, i32) {
    %c0_i32 = arith.constant 0 : i32
    %c0_i32_0 = arith.constant 0 : i32
    %c0_i32_1 = arith.constant 0 : i32
    return %c0_i32, %c0_i32_0 : i32, i32
  }
  func.func @transform_3(%arg0: i32) -> (i32, i32) {
    %c0_i32 = arith.constant 0 : i32
    %c0_i32_0 = arith.constant 0 : i32
    return %arg0, %c0_i32 : i32, i32
  }
}

module attributes {stable_mosaic.version = 14 : i64} {
  func.func @_tc_init_body(%arg0: i32, %arg1: memref<2000x128xf32, #tpu.memory_space<vmem>>, %arg2: memref<2000x128xf32, #tpu.memory_space<vmem>>, %arg3: memref<2000x1xf32, #tpu.memory_space<vmem>>, %arg4: memref<128x128xf32, #tpu.memory_space<vmem>>, %arg5: memref<2000x128xf32, #tpu.memory_space<vmem>>, %arg6: memref<2000x128xf32, #tpu.memory_space<vmem>>) attributes {dimension_semantics = [#tpu.dimension_semantics<arbitrary>], iteration_bounds = array<i64: 5>, scalar_prefetch = 0 : i64, scratch_operands = 0 : i64, tpu.core_type = #tpu.core_type<tc>, window_params = [{transform_indices = @transform_0, window_bounds = array<i64: 2000, 128>}, {transform_indices = @transform_1, window_bounds = array<i64: 2000, 128>}, {transform_indices = @transform_2, window_bounds = array<i64: 2000, 1>}, {pipeline_mode = #tpu.pipeline_mode<synchronous>, transform_indices = @transform_3, window_bounds = array<i64: 128, 128>}, {transform_indices = @transform_4, window_bounds = array<i64: 2000, 128>}, {transform_indices = @transform_5, window_bounds = array<i64: 2000, 128>}]} {
    %get3A = arith.constant 0 : index
    %get3A_0 = arith.constant 0 : index
    %get3A_1 = vector.load %arg3[%get3A, %get3A_0] : memref<2000x1xf32, #tpu.memory_space<vmem>>, vector<2000x1xf32>
    %add3A = arith.constant 1.000000e+00 : f32
    %add3A_2 = vector.broadcast %add3A : f32 to vector<2000x1xf32>
    %add3A_3 = arith.addf %add3A_2, %get3A_1 : vector<2000x1xf32>
    %rsqrt3A = math.rsqrt %add3A_3 : vector<2000x1xf32>
    %get3A_4 = arith.constant 0 : index
    %get3A_5 = arith.constant 0 : index
    %get3A_6 = vector.load %arg1[%get3A_4, %get3A_5] : memref<2000x128xf32, #tpu.memory_space<vmem>>, vector<2000x128xf32>
    %get3A_7 = arith.constant 0 : index
    %get3A_8 = arith.constant 0 : index
    %get3A_9 = vector.load %arg2[%get3A_7, %get3A_8] : memref<2000x128xf32, #tpu.memory_space<vmem>>, vector<2000x128xf32>
    %add3A_10 = arith.addf %get3A_6, %get3A_9 : vector<2000x128xf32>
    %swap3A = arith.constant 0 : index
    %swap3A_11 = arith.constant 0 : index
    %swap3A_12 = vector.load %arg5[%swap3A, %swap3A_11] : memref<2000x128xf32, #tpu.memory_space<vmem>>, vector<2000x128xf32>
    tpu.vector_store %arg5[%swap3A, %swap3A_11], %add3A_10 {strides = array<i32>} : memref<2000x128xf32, #tpu.memory_space<vmem>>, vector<2000x128xf32>,
    %get3A_13 = arith.constant 0 : index
    %get3A_14 = arith.constant 0 : index
    %get3A_15 = vector.load %arg4[%get3A_13, %get3A_14] : memref<128x128xf32, #tpu.memory_space<vmem>>, vector<128x128xf32>
    %dot_general3A = arith.constant dense<0.000000e+00> : vector<2000x128xf32>
    %dot_general3A_16 = tpu.matmul %add3A_10, %get3A_15, %dot_general3A {dimension_numbers = #tpu.dot_dimension_numbers<[1], [0], [0], [1], [0, 0, 1, 1], [], []>, precision = #tpu.contract_precision<fp32>, transpose_lhs_hint = false} : vector<2000x128xf32>, vector<128x128xf32>, vector<2000x128xf32> -> vector<2000x128xf32>
    %mul3A = vector.broadcast %rsqrt3A : vector<2000x1xf32> to vector<2000x128xf32>
    %mul3A_17 = arith.mulf %dot_general3A_16, %mul3A : vector<2000x128xf32>
    %swap3A_18 = arith.constant 0 : index
    %swap3A_19 = arith.constant 0 : index
    %swap3A_20 = vector.load %arg6[%swap3A_18, %swap3A_19] : memref<2000x128xf32, #tpu.memory_space<vmem>>, vector<2000x128xf32>
    tpu.vector_store %arg6[%swap3A_18, %swap3A_19], %mul3A_17 {strides = array<i32>} : memref<2000x128xf32, #tpu.memory_space<vmem>>, vector<2000x128xf32>,
    return
  }
  func.func @transform_0(%arg0: i32) -> (i32, i32) {
    %c0_i32 = arith.constant 0 : i32
    %c0_i32_0 = arith.constant 0 : i32
    return %arg0, %c0_i32 : i32, i32
  }
  func.func @transform_1(%arg0: i32) -> (i32, i32) {
    %c0_i32 = arith.constant 0 : i32
    %c0_i32_0 = arith.constant 0 : i32
    return %arg0, %c0_i32 : i32, i32
  }
  func.func @transform_2(%arg0: i32) -> (i32, i32) {
    %c0_i32 = arith.constant 0 : i32
    %c0_i32_0 = arith.constant 0 : i32
    return %arg0, %c0_i32 : i32, i32
  }
  func.func @transform_3(%arg0: i32) -> (i32, i32) {
    %c0_i32 = arith.constant 0 : i32
    %c0_i32_0 = arith.constant 0 : i32
    %c0_i32_1 = arith.constant 0 : i32
    return %c0_i32, %c0_i32_0 : i32, i32
  }
  func.func @transform_4(%arg0: i32) -> (i32, i32) {
    %c0_i32 = arith.constant 0 : i32
    %c0_i32_0 = arith.constant 0 : i32
    return %arg0, %c0_i32 : i32, i32
  }
  func.func @transform_5(%arg0: i32) -> (i32, i32) {
    %c0_i32 = arith.constant 0 : i32
    %c0_i32_0 = arith.constant 0 : i32
    return %arg0, %c0_i32 : i32, i32
  }
}

module attributes {stable_mosaic.version = 14 : i64} {
  func.func @_tc_layer_body(%arg0: i32, %arg1: memref<2000x128xf32, #tpu.memory_space<vmem>>, %arg2: memref<2000x128xf32, #tpu.memory_space<vmem>>, %arg3: memref<2000x128xf32, #tpu.memory_space<vmem>>, %arg4: memref<2000x128xf32, #tpu.memory_space<vmem>>, %arg5: memref<2000x1xf32, #tpu.memory_space<vmem>>, %arg6: memref<128x128xf32, #tpu.memory_space<vmem>>, %arg7: memref<1x128xf32, #tpu.memory_space<vmem>>, %arg8: memref<1x128xf32, #tpu.memory_space<vmem>>, %arg9: memref<1x128xf32, #tpu.memory_space<vmem>>, %arg10: memref<128x128xf32, #tpu.memory_space<vmem>>, %arg11: memref<2000x128xf32, #tpu.memory_space<vmem>>, %arg12: memref<2000x128xf32, #tpu.memory_space<vmem>>) attributes {dimension_semantics = [#tpu.dimension_semantics<arbitrary>], iteration_bounds = array<i64: 5>, scalar_prefetch = 0 : i64, scratch_operands = 0 : i64, tpu.core_type = #tpu.core_type<tc>, window_params = [{transform_indices = @transform_0, window_bounds = array<i64: 2000, 128>}, {transform_indices = @transform_1, window_bounds = array<i64: 2000, 128>}, {transform_indices = @transform_2, window_bounds = array<i64: 2000, 128>}, {transform_indices = @transform_3, window_bounds = array<i64: 2000, 128>}, {transform_indices = @transform_4, window_bounds = array<i64: 2000, 1>}, {pipeline_mode = #tpu.pipeline_mode<synchronous>, transform_indices = @transform_5, window_bounds = array<i64: 128, 128>}, {pipeline_mode = #tpu.pipeline_mode<synchronous>, transform_indices = @transform_6, window_bounds = array<i64: 1, 128>}, {pipeline_mode = #tpu.pipeline_mode<synchronous>, transform_indices = @transform_7, window_bounds = array<i64: 1, 128>}, {pipeline_mode = #tpu.pipeline_mode<synchronous>, transform_indices = @transform_8, window_bounds = array<i64: 1, 128>}, {pipeline_mode = #tpu.pipeline_mode<synchronous>, transform_indices = @transform_9, window_bounds = array<i64: 128, 128>}, {transform_indices = @transform_10, window_bounds = array<i64: 2000, 128>}, {transform_indices = @transform_11, window_bounds = array<i64: 2000, 128>}]} {
    %get3A = arith.constant 0 : index
    %get3A_0 = arith.constant 0 : index
    %get3A_1 = vector.load %arg5[%get3A, %get3A_0] : memref<2000x1xf32, #tpu.memory_space<vmem>>, vector<2000x1xf32>
    %add3A = arith.constant 1.000000e+00 : f32
    %add3A_2 = vector.broadcast %add3A : f32 to vector<2000x1xf32>
    %add3A_3 = arith.addf %add3A_2, %get3A_1 : vector<2000x1xf32>
    %rsqrt3A = math.rsqrt %add3A_3 : vector<2000x1xf32>
    %get3A_4 = arith.constant 0 : index
    %get3A_5 = arith.constant 0 : index
    %get3A_6 = vector.load %arg3[%get3A_4, %get3A_5] : memref<2000x128xf32, #tpu.memory_space<vmem>>, vector<2000x128xf32>
    %get3A_7 = arith.constant 0 : index
    %get3A_8 = arith.constant 0 : index
    %get3A_9 = vector.load %arg4[%get3A_7, %get3A_8] : memref<2000x128xf32, #tpu.memory_space<vmem>>, vector<2000x128xf32>
    %add3A_10 = arith.addf %get3A_6, %get3A_9 : vector<2000x128xf32>
    %get3A_11 = arith.constant 0 : index
    %get3A_12 = arith.constant 0 : index
    %get3A_13 = vector.load %arg2[%get3A_11, %get3A_12] : memref<2000x128xf32, #tpu.memory_space<vmem>>, vector<2000x128xf32>
    %add3A_14 = arith.addf %add3A_10, %get3A_13 : vector<2000x128xf32>
    %mul3A = vector.broadcast %rsqrt3A : vector<2000x1xf32> to vector<2000x128xf32>
    %mul3A_15 = arith.mulf %mul3A, %add3A_14 : vector<2000x128xf32>
    %get3A_16 = arith.constant 0 : index
    %get3A_17 = arith.constant 0 : index
    %get3A_18 = vector.load %arg8[%get3A_16, %get3A_17] : memref<1x128xf32, #tpu.memory_space<vmem>>, vector<1x128xf32>
    %mul3A_19 = vector.broadcast %get3A_18 : vector<1x128xf32> to vector<2000x128xf32>
    %mul3A_20 = arith.mulf %mul3A_15, %mul3A_19 : vector<2000x128xf32>
    %get3A_21 = arith.constant 0 : index
    %get3A_22 = arith.constant 0 : index
    %get3A_23 = vector.load %arg9[%get3A_21, %get3A_22] : memref<1x128xf32, #tpu.memory_space<vmem>>, vector<1x128xf32>
    %add3A_24 = vector.broadcast %get3A_23 : vector<1x128xf32> to vector<2000x128xf32>
    %add3A_25 = arith.addf %mul3A_20, %add3A_24 : vector<2000x128xf32>
    %max3A = arith.constant 0.000000e+00 : f32
    %max3A_26 = vector.broadcast %max3A : f32 to vector<2000x128xf32>
    %max3A_27 = arith.maximumf %add3A_25, %max3A_26 : vector<2000x128xf32>
    %get3A_28 = arith.constant 0 : index
    %get3A_29 = arith.constant 0 : index
    %get3A_30 = vector.load %arg1[%get3A_28, %get3A_29] : memref<2000x128xf32, #tpu.memory_space<vmem>>, vector<2000x128xf32>
    %get3A_31 = arith.constant 0 : index
    %get3A_32 = arith.constant 0 : index
    %get3A_33 = vector.load %arg6[%get3A_31, %get3A_32] : memref<128x128xf32, #tpu.memory_space<vmem>>, vector<128x128xf32>
    %dot_general3A = arith.constant dense<0.000000e+00> : vector<2000x128xf32>
    %dot_general3A_34 = tpu.matmul %get3A_30, %get3A_33, %dot_general3A {dimension_numbers = #tpu.dot_dimension_numbers<[1], [0], [0], [1], [0, 0, 1, 1], [], []>, precision = #tpu.contract_precision<fp32>, transpose_lhs_hint = false} : vector<2000x128xf32>, vector<128x128xf32>, vector<2000x128xf32> -> vector<2000x128xf32>
    %get3A_35 = arith.constant 0 : index
    %get3A_36 = arith.constant 0 : index
    %get3A_37 = vector.load %arg7[%get3A_35, %get3A_36] : memref<1x128xf32, #tpu.memory_space<vmem>>, vector<1x128xf32>
    %add3A_38 = vector.broadcast %get3A_37 : vector<1x128xf32> to vector<2000x128xf32>
    %add3A_39 = arith.addf %dot_general3A_34, %add3A_38 : vector<2000x128xf32>
    %add3A_40 = arith.addf %add3A_39, %max3A_27 : vector<2000x128xf32>
    %swap3A = arith.constant 0 : index
    %swap3A_41 = arith.constant 0 : index
    %swap3A_42 = vector.load %arg11[%swap3A, %swap3A_41] : memref<2000x128xf32, #tpu.memory_space<vmem>>, vector<2000x128xf32>
    tpu.vector_store %arg11[%swap3A, %swap3A_41], %add3A_40 {strides = array<i32>} : memref<2000x128xf32, #tpu.memory_space<vmem>>, vector<2000x128xf32>,
    %get3A_43 = arith.constant 0 : index
    %get3A_44 = arith.constant 0 : index
    %get3A_45 = vector.load %arg10[%get3A_43, %get3A_44] : memref<128x128xf32, #tpu.memory_space<vmem>>, vector<128x128xf32>
    %dot_general3A_46 = arith.constant dense<0.000000e+00> : vector<2000x128xf32>
    %dot_general3A_47 = tpu.matmul %add3A_40, %get3A_45, %dot_general3A_46 {dimension_numbers = #tpu.dot_dimension_numbers<[1], [0], [0], [1], [0, 0, 1, 1], [], []>, precision = #tpu.contract_precision<fp32>, transpose_lhs_hint = false} : vector<2000x128xf32>, vector<128x128xf32>, vector<2000x128xf32> -> vector<2000x128xf32>
    %mul3A_48 = vector.broadcast %rsqrt3A : vector<2000x1xf32> to vector<2000x128xf32>
    %mul3A_49 = arith.mulf %dot_general3A_47, %mul3A_48 : vector<2000x128xf32>
    %swap3A_50 = arith.constant 0 : index
    %swap3A_51 = arith.constant 0 : index
    %swap3A_52 = vector.load %arg12[%swap3A_50, %swap3A_51] : memref<2000x128xf32, #tpu.memory_space<vmem>>, vector<2000x128xf32>
    tpu.vector_store %arg12[%swap3A_50, %swap3A_51], %mul3A_49 {strides = array<i32>} : memref<2000x128xf32, #tpu.memory_space<vmem>>, vector<2000x128xf32>,
    return
  }
  func.func @transform_0(%arg0: i32) -> (i32, i32) {
    %c0_i32 = arith.constant 0 : i32
    %c0_i32_0 = arith.constant 0 : i32
    return %arg0, %c0_i32 : i32, i32
  }
  func.func @transform_1(%arg0: i32) -> (i32, i32) {
    %c0_i32 = arith.constant 0 : i32
    %c0_i32_0 = arith.constant 0 : i32
    return %arg0, %c0_i32 : i32, i32
  }
  func.func @transform_2(%arg0: i32) -> (i32, i32) {
    %c0_i32 = arith.constant 0 : i32
    %c0_i32_0 = arith.constant 0 : i32
    return %arg0, %c0_i32 : i32, i32
  }
  func.func @transform_3(%arg0: i32) -> (i32, i32) {
    %c0_i32 = arith.constant 0 : i32
    %c0_i32_0 = arith.constant 0 : i32
    return %arg0, %c0_i32 : i32, i32
  }
  func.func @transform_4(%arg0: i32) -> (i32, i32) {
    %c0_i32 = arith.constant 0 : i32
    %c0_i32_0 = arith.constant 0 : i32
    return %arg0, %c0_i32 : i32, i32
  }
  func.func @transform_5(%arg0: i32) -> (i32, i32) {
    %c0_i32 = arith.constant 0 : i32
    %c0_i32_0 = arith.constant 0 : i32
    %c0_i32_1 = arith.constant 0 : i32
    return %c0_i32, %c0_i32_0 : i32, i32
  }
  func.func @transform_6(%arg0: i32) -> (i32, i32) {
    %c0_i32 = arith.constant 0 : i32
    %c0_i32_0 = arith.constant 0 : i32
    %c0_i32_1 = arith.constant 0 : i32
    return %c0_i32, %c0_i32_0 : i32, i32
  }
  func.func @transform_7(%arg0: i32) -> (i32, i32) {
    %c0_i32 = arith.constant 0 : i32
    %c0_i32_0 = arith.constant 0 : i32
    %c0_i32_1 = arith.constant 0 : i32
    return %c0_i32, %c0_i32_0 : i32, i32
  }
  func.func @transform_8(%arg0: i32) -> (i32, i32) {
    %c0_i32 = arith.constant 0 : i32
    %c0_i32_0 = arith.constant 0 : i32
    %c0_i32_1 = arith.constant 0 : i32
    return %c0_i32, %c0_i32_0 : i32, i32
  }
  func.func @transform_9(%arg0: i32) -> (i32, i32) {
    %c0_i32 = arith.constant 0 : i32
    %c0_i32_0 = arith.constant 0 : i32
    %c0_i32_1 = arith.constant 0 : i32
    return %c0_i32, %c0_i32_0 : i32, i32
  }
  func.func @transform_10(%arg0: i32) -> (i32, i32) {
    %c0_i32 = arith.constant 0 : i32
    %c0_i32_0 = arith.constant 0 : i32
    return %arg0, %c0_i32 : i32, i32
  }
  func.func @transform_11(%arg0: i32) -> (i32, i32) {
    %c0_i32 = arith.constant 0 : i32
    %c0_i32_0 = arith.constant 0 : i32
    return %arg0, %c0_i32 : i32, i32
  }
}

module attributes {stable_mosaic.version = 14 : i64} {
  func.func @_tc_pool_body(%arg0: i32, %arg1: memref<2000x128xf32, #tpu.memory_space<vmem>>, %arg2: memref<2000x128xf32, #tpu.memory_space<vmem>>, %arg3: memref<2000x128xf32, #tpu.memory_space<vmem>>, %arg4: memref<2000x128xf32, #tpu.memory_space<vmem>>, %arg5: memref<2000x1xf32, #tpu.memory_space<vmem>>, %arg6: memref<128x128xf32, #tpu.memory_space<vmem>>, %arg7: memref<1x128xf32, #tpu.memory_space<vmem>>, %arg8: memref<1x128xf32, #tpu.memory_space<vmem>>, %arg9: memref<1x128xf32, #tpu.memory_space<vmem>>, %arg10: memref<2000x1xi32, #tpu.memory_space<vmem>>, %arg11: memref<256x768xf32, #tpu.memory_space<vmem>>, %arg12: memref<1x768xf32, #tpu.memory_space<vmem>>, %arg13: memref<1x768xf32, #tpu.memory_space<vmem>>, %arg14: memref<1x768xf32, #tpu.memory_space<vmem>>, %arg15: memref<16x768xf32, #tpu.memory_space<vmem>>, %arg16: memref<16x128xf32, #tpu.memory_space<vmem>>, %arg17: memref<16x128xf32, #tpu.memory_space<vmem>>, %arg18: memref<16x128xf32, #tpu.memory_space<vmem>>) attributes {dimension_semantics = [#tpu.dimension_semantics<arbitrary>], iteration_bounds = array<i64: 5>, scalar_prefetch = 0 : i64, scratch_operands = 3 : i64, tpu.core_type = #tpu.core_type<tc>, window_params = [{transform_indices = @transform_0, window_bounds = array<i64: 2000, 128>}, {transform_indices = @transform_1, window_bounds = array<i64: 2000, 128>}, {transform_indices = @transform_2, window_bounds = array<i64: 2000, 128>}, {transform_indices = @transform_3, window_bounds = array<i64: 2000, 128>}, {transform_indices = @transform_4, window_bounds = array<i64: 2000, 1>}, {pipeline_mode = #tpu.pipeline_mode<synchronous>, transform_indices = @transform_5, window_bounds = array<i64: 128, 128>}, {pipeline_mode = #tpu.pipeline_mode<synchronous>, transform_indices = @transform_6, window_bounds = array<i64: 1, 128>}, {pipeline_mode = #tpu.pipeline_mode<synchronous>, transform_indices = @transform_7, window_bounds = array<i64: 1, 128>}, {pipeline_mode = #tpu.pipeline_mode<synchronous>, transform_indices = @transform_8, window_bounds = array<i64: 1, 128>}, {transform_indices = @transform_9, window_bounds = array<i64: 2000, 1>}, {pipeline_mode = #tpu.pipeline_mode<synchronous>, transform_indices = @transform_10, window_bounds = array<i64: 256, 768>}, {pipeline_mode = #tpu.pipeline_mode<synchronous>, transform_indices = @transform_11, window_bounds = array<i64: 1, 768>}, {pipeline_mode = #tpu.pipeline_mode<synchronous>, transform_indices = @transform_12, window_bounds = array<i64: 1, 768>}, {pipeline_mode = #tpu.pipeline_mode<synchronous>, transform_indices = @transform_13, window_bounds = array<i64: 1, 768>}, {pipeline_mode = #tpu.pipeline_mode<synchronous>, transform_indices = @transform_14, window_bounds = array<i64: 16, 768>}]} {
    %eq3A = arith.constant 0 : i32
    %eq3A_0 = arith.cmpi eq, %arg0, %eq3A : i32
    %convert_element_type3A = arith.extui %eq3A_0 : i1 to i32
    %cond3A = arith.constant 0 : i32
    %cond3A_1 = arith.cmpi ne, %convert_element_type3A, %cond3A : i32
    scf.if %cond3A_1 {
      %broadcast_in_dim3A_254 = arith.constant 0.000000e+00 : f32
      %broadcast_in_dim3A_255 = vector.broadcast %broadcast_in_dim3A_254 : f32 to vector<16x128xf32>
      %swap3A_256 = arith.constant 0 : index
      %swap3A_257 = arith.constant 0 : index
      %swap3A_258 = vector.load %arg16[%swap3A_256, %swap3A_257] : memref<16x128xf32, #tpu.memory_space<vmem>>, vector<16x128xf32>
      tpu.vector_store %arg16[%swap3A_256, %swap3A_257], %broadcast_in_dim3A_255 {strides = array<i32>} : memref<16x128xf32, #tpu.memory_space<vmem>>, vector<16x128xf32>,
      %broadcast_in_dim3A_259 = arith.constant 0.000000e+00 : f32
      %broadcast_in_dim3A_260 = vector.broadcast %broadcast_in_dim3A_259 : f32 to vector<16x128xf32>
      %swap3A_261 = arith.constant 0 : index
      %swap3A_262 = arith.constant 0 : index
      %swap3A_263 = vector.load %arg18[%swap3A_261, %swap3A_262] : memref<16x128xf32, #tpu.memory_space<vmem>>, vector<16x128xf32>
      tpu.vector_store %arg18[%swap3A_261, %swap3A_262], %broadcast_in_dim3A_260 {strides = array<i32>} : memref<16x128xf32, #tpu.memory_space<vmem>>, vector<16x128xf32>,
      %broadcast_in_dim3A_264 = arith.constant 0xFF800000 : f32
      %broadcast_in_dim3A_265 = vector.broadcast %broadcast_in_dim3A_264 : f32 to vector<16x128xf32>
      %swap3A_266 = arith.constant 0 : index
      %swap3A_267 = arith.constant 0 : index
      %swap3A_268 = vector.load %arg17[%swap3A_266, %swap3A_267] : memref<16x128xf32, #tpu.memory_space<vmem>>, vector<16x128xf32>
      tpu.vector_store %arg17[%swap3A_266, %swap3A_267], %broadcast_in_dim3A_265 {strides = array<i32>} : memref<16x128xf32, #tpu.memory_space<vmem>>, vector<16x128xf32>,
    } else {
    }
    %get3A = arith.constant 0 : index
    %get3A_2 = arith.constant 0 : index
    %get3A_3 = vector.load %arg5[%get3A, %get3A_2] : memref<2000x1xf32, #tpu.memory_space<vmem>>, vector<2000x1xf32>
    %add3A = arith.constant 1.000000e+00 : f32
    %add3A_4 = vector.broadcast %add3A : f32 to vector<2000x1xf32>
    %add3A_5 = arith.addf %add3A_4, %get3A_3 : vector<2000x1xf32>
    %rsqrt3A = math.rsqrt %add3A_5 : vector<2000x1xf32>
    %get3A_6 = arith.constant 0 : index
    %get3A_7 = arith.constant 0 : index
    %get3A_8 = vector.load %arg3[%get3A_6, %get3A_7] : memref<2000x128xf32, #tpu.memory_space<vmem>>, vector<2000x128xf32>
    %get3A_9 = arith.constant 0 : index
    %get3A_10 = arith.constant 0 : index
    %get3A_11 = vector.load %arg4[%get3A_9, %get3A_10] : memref<2000x128xf32, #tpu.memory_space<vmem>>, vector<2000x128xf32>
    %add3A_12 = arith.addf %get3A_8, %get3A_11 : vector<2000x128xf32>
    %get3A_13 = arith.constant 0 : index
    %get3A_14 = arith.constant 0 : index
    %get3A_15 = vector.load %arg2[%get3A_13, %get3A_14] : memref<2000x128xf32, #tpu.memory_space<vmem>>, vector<2000x128xf32>
    %add3A_16 = arith.addf %add3A_12, %get3A_15 : vector<2000x128xf32>
    %mul3A = vector.broadcast %rsqrt3A : vector<2000x1xf32> to vector<2000x128xf32>
    %mul3A_17 = arith.mulf %mul3A, %add3A_16 : vector<2000x128xf32>
    %get3A_18 = arith.constant 0 : index
    %get3A_19 = arith.constant 0 : index
    %get3A_20 = vector.load %arg8[%get3A_18, %get3A_19] : memref<1x128xf32, #tpu.memory_space<vmem>>, vector<1x128xf32>
    %mul3A_21 = vector.broadcast %get3A_20 : vector<1x128xf32> to vector<2000x128xf32>
    %mul3A_22 = arith.mulf %mul3A_17, %mul3A_21 : vector<2000x128xf32>
    %get3A_23 = arith.constant 0 : index
    %get3A_24 = arith.constant 0 : index
    %get3A_25 = vector.load %arg9[%get3A_23, %get3A_24] : memref<1x128xf32, #tpu.memory_space<vmem>>, vector<1x128xf32>
    %add3A_26 = vector.broadcast %get3A_25 : vector<1x128xf32> to vector<2000x128xf32>
    %add3A_27 = arith.addf %mul3A_22, %add3A_26 : vector<2000x128xf32>
    %max3A = arith.constant 0.000000e+00 : f32
    %max3A_28 = vector.broadcast %max3A : f32 to vector<2000x128xf32>
    %max3A_29 = arith.maximumf %add3A_27, %max3A_28 : vector<2000x128xf32>
    %get3A_30 = arith.constant 0 : index
    %get3A_31 = arith.constant 0 : index
    %get3A_32 = vector.load %arg1[%get3A_30, %get3A_31] : memref<2000x128xf32, #tpu.memory_space<vmem>>, vector<2000x128xf32>
    %get3A_33 = arith.constant 0 : index
    %get3A_34 = arith.constant 0 : index
    %get3A_35 = vector.load %arg6[%get3A_33, %get3A_34] : memref<128x128xf32, #tpu.memory_space<vmem>>, vector<128x128xf32>
    %dot_general3A = arith.constant dense<0.000000e+00> : vector<2000x128xf32>
    %dot_general3A_36 = tpu.matmul %get3A_32, %get3A_35, %dot_general3A {dimension_numbers = #tpu.dot_dimension_numbers<[1], [0], [0], [1], [0, 0, 1, 1], [], []>, precision = #tpu.contract_precision<fp32>, transpose_lhs_hint = false} : vector<2000x128xf32>, vector<128x128xf32>, vector<2000x128xf32> -> vector<2000x128xf32>
    %get3A_37 = arith.constant 0 : index
    %get3A_38 = arith.constant 0 : index
    %get3A_39 = vector.load %arg7[%get3A_37, %get3A_38] : memref<1x128xf32, #tpu.memory_space<vmem>>, vector<1x128xf32>
    %add3A_40 = vector.broadcast %get3A_39 : vector<1x128xf32> to vector<2000x128xf32>
    %add3A_41 = arith.addf %dot_general3A_36, %add3A_40 : vector<2000x128xf32>
    %add3A_42 = arith.addf %add3A_41, %max3A_29 : vector<2000x128xf32>
    %get3A_43 = arith.constant 0 : index
    %get3A_44 = arith.constant 0 : index
    %get3A_45 = vector.load %arg10[%get3A_43, %get3A_44] : memref<2000x1xi32, #tpu.memory_space<vmem>>, vector<2000x1xi32>
    %iota3A = tpu.iota {dimensions = array<i32: 1>} : vector<1x16xi32>
    %eq3A_46 = vector.broadcast %get3A_45 : vector<2000x1xi32> to vector<2000x16xi32>
    %eq3A_47 = vector.broadcast %iota3A : vector<1x16xi32> to vector<2000x16xi32>
    %eq3A_48 = arith.cmpi eq, %eq3A_46, %eq3A_47 : vector<2000x16xi32>
    %convert_element_type3A_49 = arith.extui %eq3A_48 : vector<2000x16xi1> to vector<2000x16xi32>
    %convert_element_type3A_50 = arith.sitofp %convert_element_type3A_49 : vector<2000x16xi32> to vector<2000x16xf32>
    %get3A_51 = arith.constant 0 : index
    %get3A_52 = arith.constant 0 : index
    %get3A_53 = vector.load %arg16[%get3A_51, %get3A_52] : memref<16x128xf32, #tpu.memory_space<vmem>>, vector<16x128xf32>
    %dot_general3A_54 = arith.constant dense<0.000000e+00> : vector<16x128xf32>
    %dot_general3A_55 = tpu.matmul %convert_element_type3A_50, %add3A_42, %dot_general3A_54 {dimension_numbers = #tpu.dot_dimension_numbers<[0], [0], [1], [1], [0, 1, 1, 1], [], []>, precision = #tpu.contract_precision<fp32>, transpose_lhs_hint = false} : vector<2000x16xf32>, vector<2000x128xf32>, vector<16x128xf32> -> vector<16x128xf32>
    %add3A_56 = arith.addf %get3A_53, %dot_general3A_55 : vector<16x128xf32>
    %swap3A = arith.constant 0 : index
    %swap3A_57 = arith.constant 0 : index
    %swap3A_58 = vector.load %arg16[%swap3A, %swap3A_57] : memref<16x128xf32, #tpu.memory_space<vmem>>, vector<16x128xf32>
    tpu.vector_store %arg16[%swap3A, %swap3A_57], %add3A_56 {strides = array<i32>} : memref<16x128xf32, #tpu.memory_space<vmem>>, vector<16x128xf32>,
    %get3A_59 = arith.constant 0 : index
    %get3A_60 = arith.constant 0 : index
    %get3A_61 = vector.load %arg18[%get3A_59, %get3A_60] : memref<16x128xf32, #tpu.memory_space<vmem>>, vector<16x128xf32>
    %broadcast_in_dim3A = arith.constant 1.000000e+00 : f32
    %broadcast_in_dim3A_62 = vector.broadcast %broadcast_in_dim3A : f32 to vector<2000x128xf32>
    %dot_general3A_63 = arith.constant dense<0.000000e+00> : vector<16x128xf32>
    %dot_general3A_64 = tpu.matmul %convert_element_type3A_50, %broadcast_in_dim3A_62, %dot_general3A_63 {dimension_numbers = #tpu.dot_dimension_numbers<[0], [0], [1], [1], [0, 1, 1, 1], [], []>, precision = #tpu.contract_precision<fp32>, transpose_lhs_hint = false} : vector<2000x16xf32>, vector<2000x128xf32>, vector<16x128xf32> -> vector<16x128xf32>
    %add3A_65 = arith.addf %get3A_61, %dot_general3A_64 : vector<16x128xf32>
    %swap3A_66 = arith.constant 0 : index
    %swap3A_67 = arith.constant 0 : index
    %swap3A_68 = vector.load %arg18[%swap3A_66, %swap3A_67] : memref<16x128xf32, #tpu.memory_space<vmem>>, vector<16x128xf32>
    tpu.vector_store %arg18[%swap3A_66, %swap3A_67], %add3A_65 {strides = array<i32>} : memref<16x128xf32, #tpu.memory_space<vmem>>, vector<16x128xf32>,
    %eq3A_69 = arith.constant 0 : i32
    %eq3A_70 = vector.broadcast %eq3A_69 : i32 to vector<2000x1xi32>
    %eq3A_71 = arith.cmpi eq, %get3A_45, %eq3A_70 : vector<2000x1xi32>
    %jit3A = arith.constant 0xFF800000 : f32
    %broadcast_in_dim3A_72 = vector.shape_cast %eq3A_71 : vector<2000x1xi1> to vector<2000x1xi1>
    %broadcast_in_dim3A_73 = vector.broadcast %broadcast_in_dim3A_72 : vector<2000x1xi1> to vector<2000x128xi1>
    %broadcast_in_dim3A_74 = vector.broadcast %jit3A : f32 to vector<2000x128xf32>
    %select_n3A = arith.select %broadcast_in_dim3A_73, %add3A_42, %broadcast_in_dim3A_74 : vector<2000x128xi1>, vector<2000x128xf32>
    %reduce_max3A = arith.constant dense<0xFF800000> : vector<128xf32>
    %reduce_max3A_75 = vector.multi_reduction <maximumf>, %select_n3A, %reduce_max3A [0] : vector<2000x128xf32> to vector<128xf32>
    %broadcast_in_dim3A_76 = vector.shape_cast %reduce_max3A_75 : vector<128xf32> to vector<1x128xf32>
    %eq3A_77 = arith.constant 1 : i32
    %eq3A_78 = vector.broadcast %eq3A_77 : i32 to vector<2000x1xi32>
    %eq3A_79 = arith.cmpi eq, %get3A_45, %eq3A_78 : vector<2000x1xi32>
    %jit3A_80 = arith.constant 0xFF800000 : f32
    %broadcast_in_dim3A_81 = vector.shape_cast %eq3A_79 : vector<2000x1xi1> to vector<2000x1xi1>
    %broadcast_in_dim3A_82 = vector.broadcast %broadcast_in_dim3A_81 : vector<2000x1xi1> to vector<2000x128xi1>
    %broadcast_in_dim3A_83 = vector.broadcast %jit3A_80 : f32 to vector<2000x128xf32>
    %select_n3A_84 = arith.select %broadcast_in_dim3A_82, %add3A_42, %broadcast_in_dim3A_83 : vector<2000x128xi1>, vector<2000x128xf32>
    %reduce_max3A_85 = arith.constant dense<0xFF800000> : vector<128xf32>
    %reduce_max3A_86 = vector.multi_reduction <maximumf>, %select_n3A_84, %reduce_max3A_85 [0] : vector<2000x128xf32> to vector<128xf32>
    %broadcast_in_dim3A_87 = vector.shape_cast %reduce_max3A_86 : vector<128xf32> to vector<1x128xf32>
    %eq3A_88 = arith.constant 2 : i32
    %eq3A_89 = vector.broadcast %eq3A_88 : i32 to vector<2000x1xi32>
    %eq3A_90 = arith.cmpi eq, %get3A_45, %eq3A_89 : vector<2000x1xi32>
    %jit3A_91 = arith.constant 0xFF800000 : f32
    %broadcast_in_dim3A_92 = vector.shape_cast %eq3A_90 : vector<2000x1xi1> to vector<2000x1xi1>
    %broadcast_in_dim3A_93 = vector.broadcast %broadcast_in_dim3A_92 : vector<2000x1xi1> to vector<2000x128xi1>
    %broadcast_in_dim3A_94 = vector.broadcast %jit3A_91 : f32 to vector<2000x128xf32>
    %select_n3A_95 = arith.select %broadcast_in_dim3A_93, %add3A_42, %broadcast_in_dim3A_94 : vector<2000x128xi1>, vector<2000x128xf32>
    %reduce_max3A_96 = arith.constant dense<0xFF800000> : vector<128xf32>
    %reduce_max3A_97 = vector.multi_reduction <maximumf>, %select_n3A_95, %reduce_max3A_96 [0] : vector<2000x128xf32> to vector<128xf32>
    %broadcast_in_dim3A_98 = vector.shape_cast %reduce_max3A_97 : vector<128xf32> to vector<1x128xf32>
    %eq3A_99 = arith.constant 3 : i32
    %eq3A_100 = vector.broadcast %eq3A_99 : i32 to vector<2000x1xi32>
    %eq3A_101 = arith.cmpi eq, %get3A_45, %eq3A_100 : vector<2000x1xi32>
    %jit3A_102 = arith.constant 0xFF800000 : f32
    %broadcast_in_dim3A_103 = vector.shape_cast %eq3A_101 : vector<2000x1xi1> to vector<2000x1xi1>
    %broadcast_in_dim3A_104 = vector.broadcast %broadcast_in_dim3A_103 : vector<2000x1xi1> to vector<2000x128xi1>
    %broadcast_in_dim3A_105 = vector.broadcast %jit3A_102 : f32 to vector<2000x128xf32>
    %select_n3A_106 = arith.select %broadcast_in_dim3A_104, %add3A_42, %broadcast_in_dim3A_105 : vector<2000x128xi1>, vector<2000x128xf32>
    %reduce_max3A_107 = arith.constant dense<0xFF800000> : vector<128xf32>
    %reduce_max3A_108 = vector.multi_reduction <maximumf>, %select_n3A_106, %reduce_max3A_107 [0] : vector<2000x128xf32> to vector<128xf32>
    %broadcast_in_dim3A_109 = vector.shape_cast %reduce_max3A_108 : vector<128xf32> to vector<1x128xf32>
    %eq3A_110 = arith.constant 4 : i32
    %eq3A_111 = vector.broadcast %eq3A_110 : i32 to vector<2000x1xi32>
    %eq3A_112 = arith.cmpi eq, %get3A_45, %eq3A_111 : vector<2000x1xi32>
    %jit3A_113 = arith.constant 0xFF800000 : f32
    %broadcast_in_dim3A_114 = vector.shape_cast %eq3A_112 : vector<2000x1xi1> to vector<2000x1xi1>
    %broadcast_in_dim3A_115 = vector.broadcast %broadcast_in_dim3A_114 : vector<2000x1xi1> to vector<2000x128xi1>
    %broadcast_in_dim3A_116 = vector.broadcast %jit3A_113 : f32 to vector<2000x128xf32>
    %select_n3A_117 = arith.select %broadcast_in_dim3A_115, %add3A_42, %broadcast_in_dim3A_116 : vector<2000x128xi1>, vector<2000x128xf32>
    %reduce_max3A_118 = arith.constant dense<0xFF800000> : vector<128xf32>
    %reduce_max3A_119 = vector.multi_reduction <maximumf>, %select_n3A_117, %reduce_max3A_118 [0] : vector<2000x128xf32> to vector<128xf32>
    %broadcast_in_dim3A_120 = vector.shape_cast %reduce_max3A_119 : vector<128xf32> to vector<1x128xf32>
    %eq3A_121 = arith.constant 5 : i32
    %eq3A_122 = vector.broadcast %eq3A_121 : i32 to vector<2000x1xi32>
    %eq3A_123 = arith.cmpi eq, %get3A_45, %eq3A_122 : vector<2000x1xi32>
    %jit3A_124 = arith.constant 0xFF800000 : f32
    %broadcast_in_dim3A_125 = vector.shape_cast %eq3A_123 : vector<2000x1xi1> to vector<2000x1xi1>
    %broadcast_in_dim3A_126 = vector.broadcast %broadcast_in_dim3A_125 : vector<2000x1xi1> to vector<2000x128xi1>
    %broadcast_in_dim3A_127 = vector.broadcast %jit3A_124 : f32 to vector<2000x128xf32>
    %select_n3A_128 = arith.select %broadcast_in_dim3A_126, %add3A_42, %broadcast_in_dim3A_127 : vector<2000x128xi1>, vector<2000x128xf32>
    %reduce_max3A_129 = arith.constant dense<0xFF800000> : vector<128xf32>
    %reduce_max3A_130 = vector.multi_reduction <maximumf>, %select_n3A_128, %reduce_max3A_129 [0] : vector<2000x128xf32> to vector<128xf32>
    %broadcast_in_dim3A_131 = vector.shape_cast %reduce_max3A_130 : vector<128xf32> to vector<1x128xf32>
    %eq3A_132 = arith.constant 6 : i32
    %eq3A_133 = vector.broadcast %eq3A_132 : i32 to vector<2000x1xi32>
    %eq3A_134 = arith.cmpi eq, %get3A_45, %eq3A_133 : vector<2000x1xi32>
    %jit3A_135 = arith.constant 0xFF800000 : f32
    %broadcast_in_dim3A_136 = vector.shape_cast %eq3A_134 : vector<2000x1xi1> to vector<2000x1xi1>
    %broadcast_in_dim3A_137 = vector.broadcast %broadcast_in_dim3A_136 : vector<2000x1xi1> to vector<2000x128xi1>
    %broadcast_in_dim3A_138 = vector.broadcast %jit3A_135 : f32 to vector<2000x128xf32>
    %select_n3A_139 = arith.select %broadcast_in_dim3A_137, %add3A_42, %broadcast_in_dim3A_138 : vector<2000x128xi1>, vector<2000x128xf32>
    %reduce_max3A_140 = arith.constant dense<0xFF800000> : vector<128xf32>
    %reduce_max3A_141 = vector.multi_reduction <maximumf>, %select_n3A_139, %reduce_max3A_140 [0] : vector<2000x128xf32> to vector<128xf32>
    %broadcast_in_dim3A_142 = vector.shape_cast %reduce_max3A_141 : vector<128xf32> to vector<1x128xf32>
    %eq3A_143 = arith.constant 7 : i32
    %eq3A_144 = vector.broadcast %eq3A_143 : i32 to vector<2000x1xi32>
    %eq3A_145 = arith.cmpi eq, %get3A_45, %eq3A_144 : vector<2000x1xi32>
    %jit3A_146 = arith.constant 0xFF800000 : f32
    %broadcast_in_dim3A_147 = vector.shape_cast %eq3A_145 : vector<2000x1xi1> to vector<2000x1xi1>
    %broadcast_in_dim3A_148 = vector.broadcast %broadcast_in_dim3A_147 : vector<2000x1xi1> to vector<2000x128xi1>
    %broadcast_in_dim3A_149 = vector.broadcast %jit3A_146 : f32 to vector<2000x128xf32>
    %select_n3A_150 = arith.select %broadcast_in_dim3A_148, %add3A_42, %broadcast_in_dim3A_149 : vector<2000x128xi1>, vector<2000x128xf32>
    %reduce_max3A_151 = arith.constant dense<0xFF800000> : vector<128xf32>
    %reduce_max3A_152 = vector.multi_reduction <maximumf>, %select_n3A_150, %reduce_max3A_151 [0] : vector<2000x128xf32> to vector<128xf32>
    %broadcast_in_dim3A_153 = vector.shape_cast %reduce_max3A_152 : vector<128xf32> to vector<1x128xf32>
    %eq3A_154 = arith.constant 8 : i32
    %eq3A_155 = vector.broadcast %eq3A_154 : i32 to vector<2000x1xi32>
    %eq3A_156 = arith.cmpi eq, %get3A_45, %eq3A_155 : vector<2000x1xi32>
    %jit3A_157 = arith.constant 0xFF800000 : f32
    %broadcast_in_dim3A_158 = vector.shape_cast %eq3A_156 : vector<2000x1xi1> to vector<2000x1xi1>
    %broadcast_in_dim3A_159 = vector.broadcast %broadcast_in_dim3A_158 : vector<2000x1xi1> to vector<2000x128xi1>
    %broadcast_in_dim3A_160 = vector.broadcast %jit3A_157 : f32 to vector<2000x128xf32>
    %select_n3A_161 = arith.select %broadcast_in_dim3A_159, %add3A_42, %broadcast_in_dim3A_160 : vector<2000x128xi1>, vector<2000x128xf32>
    %reduce_max3A_162 = arith.constant dense<0xFF800000> : vector<128xf32>
    %reduce_max3A_163 = vector.multi_reduction <maximumf>, %select_n3A_161, %reduce_max3A_162 [0] : vector<2000x128xf32> to vector<128xf32>
    %broadcast_in_dim3A_164 = vector.shape_cast %reduce_max3A_163 : vector<128xf32> to vector<1x128xf32>
    %eq3A_165 = arith.constant 9 : i32
    %eq3A_166 = vector.broadcast %eq3A_165 : i32 to vector<2000x1xi32>
    %eq3A_167 = arith.cmpi eq, %get3A_45, %eq3A_166 : vector<2000x1xi32>
    %jit3A_168 = arith.constant 0xFF800000 : f32
    %broadcast_in_dim3A_169 = vector.shape_cast %eq3A_167 : vector<2000x1xi1> to vector<2000x1xi1>
    %broadcast_in_dim3A_170 = vector.broadcast %broadcast_in_dim3A_169 : vector<2000x1xi1> to vector<2000x128xi1>
    %broadcast_in_dim3A_171 = vector.broadcast %jit3A_168 : f32 to vector<2000x128xf32>
    %select_n3A_172 = arith.select %broadcast_in_dim3A_170, %add3A_42, %broadcast_in_dim3A_171 : vector<2000x128xi1>, vector<2000x128xf32>
    %reduce_max3A_173 = arith.constant dense<0xFF800000> : vector<128xf32>
    %reduce_max3A_174 = vector.multi_reduction <maximumf>, %select_n3A_172, %reduce_max3A_173 [0] : vector<2000x128xf32> to vector<128xf32>
    %broadcast_in_dim3A_175 = vector.shape_cast %reduce_max3A_174 : vector<128xf32> to vector<1x128xf32>
    %eq3A_176 = arith.constant 10 : i32
    %eq3A_177 = vector.broadcast %eq3A_176 : i32 to vector<2000x1xi32>
    %eq3A_178 = arith.cmpi eq, %get3A_45, %eq3A_177 : vector<2000x1xi32>
    %jit3A_179 = arith.constant 0xFF800000 : f32
    %broadcast_in_dim3A_180 = vector.shape_cast %eq3A_178 : vector<2000x1xi1> to vector<2000x1xi1>
    %broadcast_in_dim3A_181 = vector.broadcast %broadcast_in_dim3A_180 : vector<2000x1xi1> to vector<2000x128xi1>
    %broadcast_in_dim3A_182 = vector.broadcast %jit3A_179 : f32 to vector<2000x128xf32>
    %select_n3A_183 = arith.select %broadcast_in_dim3A_181, %add3A_42, %broadcast_in_dim3A_182 : vector<2000x128xi1>, vector<2000x128xf32>
    %reduce_max3A_184 = arith.constant dense<0xFF800000> : vector<128xf32>
    %reduce_max3A_185 = vector.multi_reduction <maximumf>, %select_n3A_183, %reduce_max3A_184 [0] : vector<2000x128xf32> to vector<128xf32>
    %broadcast_in_dim3A_186 = vector.shape_cast %reduce_max3A_185 : vector<128xf32> to vector<1x128xf32>
    %eq3A_187 = arith.constant 11 : i32
    %eq3A_188 = vector.broadcast %eq3A_187 : i32 to vector<2000x1xi32>
    %eq3A_189 = arith.cmpi eq, %get3A_45, %eq3A_188 : vector<2000x1xi32>
    %jit3A_190 = arith.constant 0xFF800000 : f32
    %broadcast_in_dim3A_191 = vector.shape_cast %eq3A_189 : vector<2000x1xi1> to vector<2000x1xi1>
    %broadcast_in_dim3A_192 = vector.broadcast %broadcast_in_dim3A_191 : vector<2000x1xi1> to vector<2000x128xi1>
    %broadcast_in_dim3A_193 = vector.broadcast %jit3A_190 : f32 to vector<2000x128xf32>
    %select_n3A_194 = arith.select %broadcast_in_dim3A_192, %add3A_42, %broadcast_in_dim3A_193 : vector<2000x128xi1>, vector<2000x128xf32>
    %reduce_max3A_195 = arith.constant dense<0xFF800000> : vector<128xf32>
    %reduce_max3A_196 = vector.multi_reduction <maximumf>, %select_n3A_194, %reduce_max3A_195 [0] : vector<2000x128xf32> to vector<128xf32>
    %broadcast_in_dim3A_197 = vector.shape_cast %reduce_max3A_196 : vector<128xf32> to vector<1x128xf32>
    %eq3A_198 = arith.constant 12 : i32
    %eq3A_199 = vector.broadcast %eq3A_198 : i32 to vector<2000x1xi32>
    %eq3A_200 = arith.cmpi eq, %get3A_45, %eq3A_199 : vector<2000x1xi32>
    %jit3A_201 = arith.constant 0xFF800000 : f32
    %broadcast_in_dim3A_202 = vector.shape_cast %eq3A_200 : vector<2000x1xi1> to vector<2000x1xi1>
    %broadcast_in_dim3A_203 = vector.broadcast %broadcast_in_dim3A_202 : vector<2000x1xi1> to vector<2000x128xi1>
    %broadcast_in_dim3A_204 = vector.broadcast %jit3A_201 : f32 to vector<2000x128xf32>
    %select_n3A_205 = arith.select %broadcast_in_dim3A_203, %add3A_42, %broadcast_in_dim3A_204 : vector<2000x128xi1>, vector<2000x128xf32>
    %reduce_max3A_206 = arith.constant dense<0xFF800000> : vector<128xf32>
    %reduce_max3A_207 = vector.multi_reduction <maximumf>, %select_n3A_205, %reduce_max3A_206 [0] : vector<2000x128xf32> to vector<128xf32>
    %broadcast_in_dim3A_208 = vector.shape_cast %reduce_max3A_207 : vector<128xf32> to vector<1x128xf32>
    %eq3A_209 = arith.constant 13 : i32
    %eq3A_210 = vector.broadcast %eq3A_209 : i32 to vector<2000x1xi32>
    %eq3A_211 = arith.cmpi eq, %get3A_45, %eq3A_210 : vector<2000x1xi32>
    %jit3A_212 = arith.constant 0xFF800000 : f32
    %broadcast_in_dim3A_213 = vector.shape_cast %eq3A_211 : vector<2000x1xi1> to vector<2000x1xi1>
    %broadcast_in_dim3A_214 = vector.broadcast %broadcast_in_dim3A_213 : vector<2000x1xi1> to vector<2000x128xi1>
    %broadcast_in_dim3A_215 = vector.broadcast %jit3A_212 : f32 to vector<2000x128xf32>
    %select_n3A_216 = arith.select %broadcast_in_dim3A_214, %add3A_42, %broadcast_in_dim3A_215 : vector<2000x128xi1>, vector<2000x128xf32>
    %reduce_max3A_217 = arith.constant dense<0xFF800000> : vector<128xf32>
    %reduce_max3A_218 = vector.multi_reduction <maximumf>, %select_n3A_216, %reduce_max3A_217 [0] : vector<2000x128xf32> to vector<128xf32>
    %broadcast_in_dim3A_219 = vector.shape_cast %reduce_max3A_218 : vector<128xf32> to vector<1x128xf32>
    %eq3A_220 = arith.constant 14 : i32
    %eq3A_221 = vector.broadcast %eq3A_220 : i32 to vector<2000x1xi32>
    %eq3A_222 = arith.cmpi eq, %get3A_45, %eq3A_221 : vector<2000x1xi32>
    %jit3A_223 = arith.constant 0xFF800000 : f32
    %broadcast_in_dim3A_224 = vector.shape_cast %eq3A_222 : vector<2000x1xi1> to vector<2000x1xi1>
    %broadcast_in_dim3A_225 = vector.broadcast %broadcast_in_dim3A_224 : vector<2000x1xi1> to vector<2000x128xi1>
    %broadcast_in_dim3A_226 = vector.broadcast %jit3A_223 : f32 to vector<2000x128xf32>
    %select_n3A_227 = arith.select %broadcast_in_dim3A_225, %add3A_42, %broadcast_in_dim3A_226 : vector<2000x128xi1>, vector<2000x128xf32>
    %reduce_max3A_228 = arith.constant dense<0xFF800000> : vector<128xf32>
    %reduce_max3A_229 = vector.multi_reduction <maximumf>, %select_n3A_227, %reduce_max3A_228 [0] : vector<2000x128xf32> to vector<128xf32>
    %broadcast_in_dim3A_230 = vector.shape_cast %reduce_max3A_229 : vector<128xf32> to vector<1x128xf32>
    %eq3A_231 = arith.constant 15 : i32
    %eq3A_232 = vector.broadcast %eq3A_231 : i32 to vector<2000x1xi32>
    %eq3A_233 = arith.cmpi eq, %get3A_45, %eq3A_232 : vector<2000x1xi32>
    %jit3A_234 = arith.constant 0xFF800000 : f32
    %broadcast_in_dim3A_235 = vector.shape_cast %eq3A_233 : vector<2000x1xi1> to vector<2000x1xi1>
    %broadcast_in_dim3A_236 = vector.broadcast %broadcast_in_dim3A_235 : vector<2000x1xi1> to vector<2000x128xi1>
    %broadcast_in_dim3A_237 = vector.broadcast %jit3A_234 : f32 to vector<2000x128xf32>
    %select_n3A_238 = arith.select %broadcast_in_dim3A_236, %add3A_42, %broadcast_in_dim3A_237 : vector<2000x128xi1>, vector<2000x128xf32>
    %reduce_max3A_239 = arith.constant dense<0xFF800000> : vector<128xf32>
    %reduce_max3A_240 = vector.multi_reduction <maximumf>, %select_n3A_238, %reduce_max3A_239 [0] : vector<2000x128xf32> to vector<128xf32>
    %broadcast_in_dim3A_241 = vector.shape_cast %reduce_max3A_240 : vector<128xf32> to vector<1x128xf32>
    %concatenate3A = tpu.concatenate %broadcast_in_dim3A_76, %broadcast_in_dim3A_87, %broadcast_in_dim3A_98, %broadcast_in_dim3A_109, %broadcast_in_dim3A_120, %broadcast_in_dim3A_131, %broadcast_in_dim3A_142, %broadcast_in_dim3A_153, %broadcast_in_dim3A_164, %broadcast_in_dim3A_175, %broadcast_in_dim3A_186, %broadcast_in_dim3A_197, %broadcast_in_dim3A_208, %broadcast_in_dim3A_219, %broadcast_in_dim3A_230, %broadcast_in_dim3A_241 in 0 : vector<1x128xf32>, vector<1x128xf32>, vector<1x128xf32>, vector<1x128xf32>, vector<1x128xf32>, vector<1x128xf32>, vector<1x128xf32>, vector<1x128xf32>, vector<1x128xf32>, vector<1x128xf32>, vector<1x128xf32>, vector<1x128xf32>, vector<1x128xf32>, vector<1x128xf32>, vector<1x128xf32>, vector<1x128xf32> -> vector<16x128xf32>
    %get3A_242 = arith.constant 0 : index
    %get3A_243 = arith.constant 0 : index
    %get3A_244 = vector.load %arg17[%get3A_242, %get3A_243] : memref<16x128xf32, #tpu.memory_space<vmem>>, vector<16x128xf32>
    %max3A_245 = arith.maximumf %get3A_244, %concatenate3A : vector<16x128xf32>
    %swap3A_246 = arith.constant 0 : index
    %swap3A_247 = arith.constant 0 : index
    %swap3A_248 = vector.load %arg17[%swap3A_246, %swap3A_247] : memref<16x128xf32, #tpu.memory_space<vmem>>, vector<16x128xf32>
    tpu.vector_store %arg17[%swap3A_246, %swap3A_247], %max3A_245 {strides = array<i32>} : memref<16x128xf32, #tpu.memory_space<vmem>>, vector<16x128xf32>,
    %eq3A_249 = arith.constant 4 : i32
    %eq3A_250 = arith.cmpi eq, %arg0, %eq3A_249 : i32
    %convert_element_type3A_251 = arith.extui %eq3A_250 : i1 to i32
    %cond3A_252 = arith.constant 0 : i32
    %cond3A_253 = arith.cmpi ne, %convert_element_type3A_251, %cond3A_252 : i32
    scf.if %cond3A_253 {
      %get3A_254 = arith.constant 0 : index
      %get3A_255 = arith.constant 0 : index
      %get3A_256 = vector.load %arg16[%get3A_254, %get3A_255] : memref<16x128xf32, #tpu.memory_space<vmem>>, vector<16x128xf32>
      %get3A_257 = arith.constant 0 : index
      %get3A_258 = arith.constant 0 : index
      %get3A_259 = vector.load %arg18[%get3A_257, %get3A_258] : memref<16x128xf32, #tpu.memory_space<vmem>>, vector<16x128xf32>
      %max3A_260 = arith.constant 1.000000e+00 : f32
      %max3A_261 = vector.broadcast %max3A_260 : f32 to vector<16x128xf32>
      %max3A_262 = arith.maximumf %get3A_259, %max3A_261 : vector<16x128xf32>
      %div3A = arith.divf %get3A_256, %max3A_262 : vector<16x128xf32>
      %get3A_263 = arith.constant 0 : index
      %get3A_264 = arith.constant 0 : index
      %get3A_265 = vector.load %arg17[%get3A_263, %get3A_264] : memref<16x128xf32, #tpu.memory_space<vmem>>, vector<16x128xf32>
      %concatenate3A_266 = tpu.concatenate %div3A, %get3A_265 in 1 : vector<16x128xf32>, vector<16x128xf32> -> vector<16x256xf32>
      %get3A_267 = arith.constant 0 : index
      %get3A_268 = arith.constant 0 : index
      %get3A_269 = vector.load %arg11[%get3A_267, %get3A_268] : memref<256x768xf32, #tpu.memory_space<vmem>>, vector<256x768xf32>
      %dot_general3A_270 = arith.constant dense<0.000000e+00> : vector<16x768xf32>
      %dot_general3A_271 = tpu.matmul %concatenate3A_266, %get3A_269, %dot_general3A_270 {dimension_numbers = #tpu.dot_dimension_numbers<[1], [0], [0], [1], [0, 0, 1, 1], [], []>, precision = #tpu.contract_precision<fp32>, transpose_lhs_hint = false} : vector<16x256xf32>, vector<256x768xf32>, vector<16x768xf32> -> vector<16x768xf32>
      %get3A_272 = arith.constant 0 : index
      %get3A_273 = arith.constant 0 : index
      %get3A_274 = vector.load %arg12[%get3A_272, %get3A_273] : memref<1x768xf32, #tpu.memory_space<vmem>>, vector<1x768xf32>
      %add3A_275 = vector.broadcast %get3A_274 : vector<1x768xf32> to vector<16x768xf32>
      %add3A_276 = arith.addf %dot_general3A_271, %add3A_275 : vector<16x768xf32>
      %max3A_277 = arith.constant 0.000000e+00 : f32
      %max3A_278 = vector.broadcast %max3A_277 : f32 to vector<16x768xf32>
      %max3A_279 = arith.maximumf %add3A_276, %max3A_278 : vector<16x768xf32>
      %reduce_sum3A = arith.constant dense<0.000000e+00> : vector<16xf32>
      %reduce_sum3A_280 = vector.multi_reduction <add>, %max3A_279, %reduce_sum3A [1] : vector<16x768xf32> to vector<16xf32>
      %broadcast_in_dim3A_281 = vector.shape_cast %reduce_sum3A_280 : vector<16xf32> to vector<16x1xf32>
      %div3A_282 = arith.constant 7.680000e+02 : f32
      %div3A_283 = vector.broadcast %div3A_282 : f32 to vector<16x1xf32>
      %div3A_284 = arith.divf %broadcast_in_dim3A_281, %div3A_283 : vector<16x1xf32>
      %sub3A = vector.broadcast %div3A_284 : vector<16x1xf32> to vector<16x768xf32>
      %sub3A_285 = arith.subf %max3A_279, %sub3A : vector<16x768xf32>
      %integer_pow3A = arith.mulf %sub3A_285, %sub3A_285 : vector<16x768xf32>
      %reduce_sum3A_286 = arith.constant dense<0.000000e+00> : vector<16xf32>
      %reduce_sum3A_287 = vector.multi_reduction <add>, %integer_pow3A, %reduce_sum3A_286 [1] : vector<16x768xf32> to vector<16xf32>
      %broadcast_in_dim3A_288 = vector.shape_cast %reduce_sum3A_287 : vector<16xf32> to vector<16x1xf32>
      %div3A_289 = arith.constant 7.680000e+02 : f32
      %div3A_290 = vector.broadcast %div3A_289 : f32 to vector<16x1xf32>
      %div3A_291 = arith.divf %broadcast_in_dim3A_288, %div3A_290 : vector<16x1xf32>
      %sub3A_292 = vector.broadcast %div3A_284 : vector<16x1xf32> to vector<16x768xf32>
      %sub3A_293 = arith.subf %max3A_279, %sub3A_292 : vector<16x768xf32>
      %add3A_294 = arith.constant 9.99999974E-6 : f32
      %add3A_295 = vector.broadcast %add3A_294 : f32 to vector<16x1xf32>
      %add3A_296 = arith.addf %div3A_291, %add3A_295 : vector<16x1xf32>
      %rsqrt3A_297 = math.rsqrt %add3A_296 : vector<16x1xf32>
      %mul3A_298 = vector.broadcast %rsqrt3A_297 : vector<16x1xf32> to vector<16x768xf32>
      %mul3A_299 = arith.mulf %sub3A_293, %mul3A_298 : vector<16x768xf32>
      %get3A_300 = arith.constant 0 : index
      %get3A_301 = arith.constant 0 : index
      %get3A_302 = vector.load %arg13[%get3A_300, %get3A_301] : memref<1x768xf32, #tpu.memory_space<vmem>>, vector<1x768xf32>
      %mul3A_303 = vector.broadcast %get3A_302 : vector<1x768xf32> to vector<16x768xf32>
      %mul3A_304 = arith.mulf %mul3A_299, %mul3A_303 : vector<16x768xf32>
      %get3A_305 = arith.constant 0 : index
      %get3A_306 = arith.constant 0 : index
      %get3A_307 = vector.load %arg14[%get3A_305, %get3A_306] : memref<1x768xf32, #tpu.memory_space<vmem>>, vector<1x768xf32>
      %add3A_308 = vector.broadcast %get3A_307 : vector<1x768xf32> to vector<16x768xf32>
      %add3A_309 = arith.addf %mul3A_304, %add3A_308 : vector<16x768xf32>
      %swap3A_310 = arith.constant 0 : index
      %swap3A_311 = arith.constant 0 : index
      %swap3A_312 = vector.load %arg15[%swap3A_310, %swap3A_311] : memref<16x768xf32, #tpu.memory_space<vmem>>, vector<16x768xf32>
      tpu.vector_store %arg15[%swap3A_310, %swap3A_311], %add3A_309 {strides = array<i32>} : memref<16x768xf32, #tpu.memory_space<vmem>>, vector<16x768xf32>,
    } else {
    }
    return
  }
  func.func @transform_0(%arg0: i32) -> (i32, i32) {
    %c0_i32 = arith.constant 0 : i32
    %c0_i32_0 = arith.constant 0 : i32
    return %arg0, %c0_i32 : i32, i32
  }
  func.func @transform_1(%arg0: i32) -> (i32, i32) {
    %c0_i32 = arith.constant 0 : i32
    %c0_i32_0 = arith.constant 0 : i32
    return %arg0, %c0_i32 : i32, i32
  }
  func.func @transform_2(%arg0: i32) -> (i32, i32) {
    %c0_i32 = arith.constant 0 : i32
    %c0_i32_0 = arith.constant 0 : i32
    return %arg0, %c0_i32 : i32, i32
  }
  func.func @transform_3(%arg0: i32) -> (i32, i32) {
    %c0_i32 = arith.constant 0 : i32
    %c0_i32_0 = arith.constant 0 : i32
    return %arg0, %c0_i32 : i32, i32
  }
  func.func @transform_4(%arg0: i32) -> (i32, i32) {
    %c0_i32 = arith.constant 0 : i32
    %c0_i32_0 = arith.constant 0 : i32
    return %arg0, %c0_i32 : i32, i32
  }
  func.func @transform_5(%arg0: i32) -> (i32, i32) {
    %c0_i32 = arith.constant 0 : i32
    %c0_i32_0 = arith.constant 0 : i32
    %c0_i32_1 = arith.constant 0 : i32
    return %c0_i32, %c0_i32_0 : i32, i32
  }
  func.func @transform_6(%arg0: i32) -> (i32, i32) {
    %c0_i32 = arith.constant 0 : i32
    %c0_i32_0 = arith.constant 0 : i32
    %c0_i32_1 = arith.constant 0 : i32
    return %c0_i32, %c0_i32_0 : i32, i32
  }
  func.func @transform_7(%arg0: i32) -> (i32, i32) {
    %c0_i32 = arith.constant 0 : i32
    %c0_i32_0 = arith.constant 0 : i32
    %c0_i32_1 = arith.constant 0 : i32
    return %c0_i32, %c0_i32_0 : i32, i32
  }
  func.func @transform_8(%arg0: i32) -> (i32, i32) {
    %c0_i32 = arith.constant 0 : i32
    %c0_i32_0 = arith.constant 0 : i32
    %c0_i32_1 = arith.constant 0 : i32
    return %c0_i32, %c0_i32_0 : i32, i32
  }
  func.func @transform_9(%arg0: i32) -> (i32, i32) {
    %c0_i32 = arith.constant 0 : i32
    %c0_i32_0 = arith.constant 0 : i32
    return %arg0, %c0_i32 : i32, i32
  }
  func.func @transform_10(%arg0: i32) -> (i32, i32) {
    %c0_i32 = arith.constant 0 : i32
    %c0_i32_0 = arith.constant 0 : i32
    %c0_i32_1 = arith.constant 0 : i32
    return %c0_i32, %c0_i32_0 : i32, i32
  }
  func.func @transform_11(%arg0: i32) -> (i32, i32) {
    %c0_i32 = arith.constant 0 : i32
    %c0_i32_0 = arith.constant 0 : i32
    %c0_i32_1 = arith.constant 0 : i32
    return %c0_i32, %c0_i32_0 : i32, i32
  }
  func.func @transform_12(%arg0: i32) -> (i32, i32) {
    %c0_i32 = arith.constant 0 : i32
    %c0_i32_0 = arith.constant 0 : i32
    %c0_i32_1 = arith.constant 0 : i32
    return %c0_i32, %c0_i32_0 : i32, i32
  }
  func.func @transform_13(%arg0: i32) -> (i32, i32) {
    %c0_i32 = arith.constant 0 : i32
    %c0_i32_0 = arith.constant 0 : i32
    %c0_i32_1 = arith.constant 0 : i32
    return %c0_i32, %c0_i32_0 : i32, i32
  }
  func.func @transform_14(%arg0: i32) -> (i32, i32) {
    %c0_i32 = arith.constant 0 : i32
    %c0_i32_0 = arith.constant 0 : i32
    %c0_i32_1 = arith.constant 0 : i32
    return %c0_i32, %c0_i32_0 : i32, i32
  }
}

</mosaic_0001>

<sc_bundles>
// kernel: kernel.11.cloned.1.call-start
scs
__scs_entry_jumppad:
0x0: {  	(pc) =	sbr.rel $0x88, $3  }
0x1: {  	(tag) =	ssettag $0x0;
	lr =	simm.s32 $0x1  }
0x2: {  	[smem:$0x3F84] =	sst lr;
	_ =	strace $0xD0000000  }
0x3: {  	_ = 	snop  }
0x4: {  	_ = 	snop  }
0x5: {  	_ = 	snop  }
0x6: {  	_ = 	snop  }
0x7: {  	_ = 	snop  }
__scs_overlays_trampoline_lowered:
0x8: {  	[smem:$0x3F93] =	sst s0  }
0x9: {  	[smem:$0x3F94] =	sst s1  }
0xa: {  	[smem:$0x3F95] =	sst s2  }
0xb: {  	[smem:$0x3F96] =	sst s3  }
0xc: {  	[smem:$0x3F97] =	sst s4  }
0xd: {  	[smem:$0x3F98] =	sst s5  }
0xe: {  	[smem:$0x3F99] =	sst s6  }
0xf: {  	[smem:$0x3F9A] =	sst s7  }
0x10: {  	[smem:$0x3F9B] =	sst s8  }
0x11: {  	[smem:$0x3F9C] =	sst s9;
	s0 =	simm.s32 @!p0 $0x0  }
0x12: {  	s1 =	sld [smem:$0x3F82];
	s0 =	simm.s32 @p0 $0x1  }
0x13: {  	[smem:$0x3F9D] =	sst s0;
	s0 =	simm.s32 @!p1 $0x0  }
0x14: {  	s2 =	sld [smem:$0x3F81];
	s0 =	simm.s32 @p1 $0x1  }
0x15: {  	[smem:$0x3F9E] =	sst s0;
	s0 =	simm.s32 @!p2 $0x0  }
0x16: {  	s3 =	sld [smem:$0x3FDB];
	s0 =	simm.s32 @p2 $0x1  }
0x17: {  	s4 =	simm.s32 $0x1BF5;
	[smem:$0x3FA0] =	sst s0  }
0x18: {  	s0 =	sld [smem:$0x3F83];
	_ =	swait.ge [sflag:s4], $0x0  }
0x19: {  	s7 =	sld [smem:$0x3F84]  }
0x1a: {  	s8 =	sadd.s32 $0xFFFFE003, lr  }
0x1b: {  	s9 =	sadd.s32 $0xFFFFFEF7, lr;
	s5 =	simm.s32 $0xFFFFFFFF;
	p2 =	slt.u32 s8, $0xFFFFF086  }
0x1c: {  	p1 =	slt.u32 s9, $0xF7A;
	s5 =	simm.s32 @!p2 $0x0  }
0x1d: {  	s5 =	simm.s32 @p1 $0x1;
	p0 =	seq.s32 s7, s2  }
0x1e: {  	s7 =	smul.u32 @!p0 $0xF7A, s2;
	p2 =	seq.s32 @!p0 s5, $0x0  }
0x1f: {  	s9 =	smul.u32 $0xF7A, s1;
	s8 =	simm.s32 @!p0 $0x1BF5;
	p2 =	por !p2, p0  }
0x20: {  	[sflag:s8] =	ssyncset.s32 @!p0 $0xFFFFF086;
	s6 =	sadd.s32 @!p0 s3, s7;
	s7 =	simm.s32 @!p0 $0x108  }
0x21: {  	s3 =	sadd.s32 s3, s9;
	s6 =	sadd.s32 @!p0 $0x88, s6;
	s7 =	simm.s32 @p2 $0x1082  }
0x22: {  	[simem:s7], [sflag:s8] =	dma.local @!p0 [hbm:s6], $0xF7A  }
0x23: {  	s9 =	sor.u32 $0xD0000000, s2;
	s6 =	simm.s32 $0x108;
	_ =	swait.ge @!p0 [sflag:s8], $0x0  }
0x24: {  	s3 =	sadd.s32 $0x88, s3;
	s6 =	simm.s32 @!p1 $0x1082;
	[sflag:s4] =	ssyncset.s32 $0xFFFFF086  }
0x25: {  	[simem:s6], [sflag:s4] =	dma.local [hbm:s3], $0xF7A  }
0x26: {  	[smem:$0x3F84] =	sst s1;
	(tag) =	ssettag s2;
	_ =	strace s9  }
0x27: {  	s1 =	sld [smem:$0x3F94]  }
0x28: {  	s2 =	sld [smem:$0x3F95]  }
0x29: {  	s4 =	sld [smem:$0x3F97]  }
0x2a: {  	p0 =	seq.s32 s5, $0x0;
	s5 =	sld [smem:$0x3F98]  }
0x2b: {  	s6 =	sld [smem:$0x3F99]  }
0x2c: {  	s7 =	sld [smem:$0x3F9A]  }
0x2d: {  	s3 =	simm.s32 $0x108;
	s8 =	sld [smem:$0x3F9B]  }
0x2e: {  	s3 =	simm.s32 @!p0 $0x1082;
	s9 =	sld [smem:$0x3F9C]  }
0x2f: {  	lr =	sadd.s32 s0, s3;
	s0 =	sld [smem:$0x3F93]  }
0x30: {  	s3 =	sld [smem:$0x3F96]  }
0x31: {  	[smem:$0x3F9F] =	sst s10  }
0x32: {  	s10 =	sld [smem:$0x3F9D];
	_ =	sdelay $0x3  }
0x33: {  	p0 =	seq.s32 s10, $0x1;
	s10 =	sld [smem:$0x3F9F];
	_ =	sdelay $0x3  }
0x34: {  	[smem:$0x3F9F] =	sst s10  }
0x35: {  	s10 =	sld [smem:$0x3F9E];
	_ =	sdelay $0x3  }
0x36: {  	p1 =	seq.s32 s10, $0x1;
	s10 =	sld [smem:$0x3F9F];
	_ =	sdelay $0x3  }
0x37: {  	[smem:$0x3F9F] =	sst s10  }
0x38: {  	s10 =	sld [smem:$0x3FA0]  }
0x39: {  	_ = 	snop;
	(pc) =	sbr.ind lr, $3  }
0x3a: {  	_ = 	snop  }
0x3b: {  	_ = 	snop  }
0x3c: {  	p2 =	seq.s32 s10, $0x1;
	s10 =	sld [smem:$0x3F9F]  }
0x3d: {  	_ =	shalt  }
0x3e: {  	_ =	shalt  }
0x3f: {  	_ =	shalt  }
0x40: {  	_ =	shalt  }
0x41: {  	_ =	shalt  }
0x42: {  	_ =	shalt  }
0x43: {  	_ =	shalt  }
0x44: {  	_ =	shalt  }
0x45: {  	_ =	shalt  }
0x46: {  	_ =	shalt  }
0x47: {  	_ =	shalt  }
0x48: {  	_ =	shalt  }
0x49: {  	_ =	shalt  }
0x4a: {  	_ =	shalt  }
0x4b: {  	_ =	shalt  }
0x4c: {  	_ =	shalt  }
0x4d: {  	_ =	shalt  }
0x4e: {  	_ =	shalt  }
0x4f: {  	_ =	shalt  }
0x50: {  	_ =	shalt  }
0x51: {  	_ =	shalt  }
0x52: {  	_ =	shalt  }
0x53: {  	_ =	shalt  }
0x54: {  	_ =	shalt  }
0x55: {  	_ =	shalt  }
0x56: {  	_ =	shalt  }
0x57: {  	_ =	shalt  }
0x58: {  	_ =	shalt  }
0x59: {  	_ =	shalt  }
0x5a: {  	_ =	shalt  }
0x5b: {  	_ =	shalt  }
0x5c: {  	_ =	shalt  }
0x5d: {  	_ =	shalt  }
0x5e: {  	_ =	shalt  }
0x5f: {  	_ =	shalt  }
0x60: {  	_ =	shalt  }
0x61: {  	_ =	shalt  }
0x62: {  	_ =	shalt  }
0x63: {  	_ =	shalt  }
0x64: {  	_ =	shalt  }
0x65: {  	_ =	shalt  }
0x66: {  	_ =	shalt  }
0x67: {  	_ =	shalt  }
0x68: {  	_ =	shalt  }
0x69: {  	_ =	shalt  }
0x6a: {  	_ =	shalt  }
0x6b: {  	_ =	shalt  }
0x6c: {  	_ =	shalt  }
0x6d: {  	_ =	shalt  }
0x6e: {  	_ =	shalt  }
0x6f: {  	_ =	shalt  }
0x70: {  	_ =	shalt  }
0x71: {  	_ =	shalt  }
0x72: {  	_ =	shalt  }
0x73: {  	_ =	shalt  }
0x74: {  	_ =	shalt  }
0x75: {  	_ =	shalt  }
0x76: {  	_ =	shalt  }
0x77: {  	_ =	shalt  }
0x78: {  	_ =	shalt  }
0x79: {  	_ =	shalt  }
0x7a: {  	_ =	shalt  }
0x7b: {  	_ =	shalt  }
0x7c: {  	_ =	shalt  }
0x7d: {  	_ =	shalt  }
0x7e: {  	_ =	shalt  }
0x7f: {  	_ =	shalt  }
0x80: {  	_ =	shalt  }
0x81: {  	_ =	shalt  }
0x82: {  	_ =	shalt  }
0x83: {  	_ =	shalt  }
0x84: {  	_ =	shalt  }
0x85: {  	_ =	shalt  }
0x86: {  	_ =	shalt  }
0x87: {  	_ =	shalt  }
.Lfunc_end0:
.L_simem_size_0:
called_computation_lowered:
.L_overlay_start_0:
0x88: {  	s2 =	sld [smem:$0x3FD9]  }
0x89: {  	s3 =	sld [smem:$0x3FFE];
	_ =	sdelay $0x1  }
0x8a: {  	s1 =	srdreg.scid  }
0x8b: {  	s0 =	sand.u32 $0x1, s1  }
0x8c: {  	s17 =	sshll.u32 s0, $0xA;
	s2 =	sadd.s32 s3, s2  }
0x8d: {  	s2 =	sadd.s32 s2, s17  }
0x8e: {  	[smem:$0x3FAB] =	sst s2  }
0x8f: {  	_ = 	snop  }
0x90: {  	s2 =	sld [smem:$0x3FC5]  }
0x91: {  	s18 =	sld [smem:$0x3FD0];
	(tm) =	ssettm $0x1  }
0x92: {  	s4 =	sld [smem:$0x3FFB];
	_ =	sdelay $0x3  }
0x93: {  	_ =	strace s4  }
0x94: {  	s4 =	sld [smem:$0x3FFC];
	_ =	sdelay $0x3  }
0x95: {  	_ =	strace s4  }
0x96: {  	s4 =	sld [smem:$0x3FFD];
	_ =	sdelay $0x3  }
0x97: {  	_ =	strace s4  }
0x98: {  	_ =	strace $0x8FFFFFFF  }
0x99: {  	s19 =	sld [smem:$0x3FDB];
	_ =	sdelay $0x1  }
0x9a: {  	s5 =	simm.s32 $_scs_section_size  }
0x9b: {  	s6 =	simm.s32 $_size__tile_overlayer_lowered;
	s7 =	simm.s32 $_tile_overlayer_lowered  }
0x9c: {  	s22 =	simm.s32 $0x1BFF;
	s21 =	sshll.u32 s7, $0x1;
	s4 =	sadd.s32 s5, s19  }
0x9d: {  	s8 =	simm.s32 $0x0;
	s20 =	sshll.u32 s6, $0x1;
	s6 =	sadd.s32 s21, s4  }
0x9e: {  	[timem:s8], [sflag:s22] =	dma.local [hbm:s6], s20  }
0x9f: {  	_ =	swait.ge [sflag:s22], s20  }
0xa0: {  	s5 =	ssub.s32 $0x0, s20;
	[sflag:s22] =	ssyncset.done $0x0  }
0xa1: {  	[sflag:s22] =	ssyncadd.s32 s5;
	_ =	sdelay $0x1  }
0xa2: {  	s23 =	simm.s32 $0x1B8B  }
0xa3: {  	_ =	swait.ge [sflag:s23], $0x1  }
0xa4: {  	[sflag:s23] =	ssyncset.done $0x0  }
0xa5: {  	s25 =	simm.s32 $0x1B8E;
	s24 =	sld [smem:$0x3FFE];
	[sflag:s23] =	ssyncadd.s32 $0xFFFFFFFF  }
0xa6: {  	s26 =	simm.s32 $execute0_lowered;
	[smem:$0x3FD2] =	sst s25  }
0xa7: {  	s6 =	sshll.u32 s26, $0x1;
	_ =	strace $0x80000046;
	[dreg:$0x1] =	wrdreg $0xFFFFFFFF  }
0xa8: {  	s28 =	simm.s32 $_size_execute0_lowered;
	s4 =	sadd.s32 s4, s6;
	[dreg:$0x0] =	wrdreg $0x0  }
0xa9: {  	s6 =	sshll.u32 s28, $0x1;
	[dreg:$0x2] =	wrdreg s4  }
0xaa: {  	[dreg:$0x3] =	wrdreg s6  }
0xab: {  	[dreg:$0x4] =	wrdreg $0xC0  }
0xac: {  	_ =	task [dreg:s8], $0x5FFFF  }
0xad: {  	[dreg:$0x1] =	wrdreg $0xFFFFFFFF  }
0xae: {  	[dreg:$0x0] =	wrdreg $0x60  }
0xaf: {  	[dreg:$0x2] =	wrdreg s18  }
0xb0: {  	[dreg:$0x3] =	wrdreg s24  }
0xb1: {  	[dreg:$0x4] =	wrdreg s2  }
0xb2: {  	[dreg:$0x5] =	wrdreg $0x41800  }
0xb3: {  	[dreg:$0x6] =	wrdreg $0x9  }
0xb4: {  	_ =	task.clear_ibuf [dreg:s8], $0x7FFFF;
	_ =	strace $0x90000046  }
0xb5: {  	s29 =	simm.s32 $0x9;
	_ =	strace $0x80000048  }
0xb6: {  	_ =	swait.ge [sflag:s29], $0x1  }
0xb7: {  	[sflag:s29] =	ssyncadd.s32 $0xFFFFFFFF  }
0xb8: {  	_ =	strace $0x90000048  }
0xb9: {  	_ =	sfence  }
0xba: {  	s30 =	sld [smem:$0x0];
	_ =	sdelay $0x2  }
0xbb: {  	s31 =	sshll.u32 s1, $0xD;
	s1 =	sshrl.u32 s1, $0x2  }
0xbc: {  	s3 =	sand.u32 $0x4000, s31;
	s1 =	sadd.s32 s1, s30  }
0xbd: {  	s0 =	sor.u32 s3, s0;
	s1 =	sshll.u32 s1, $0x11  }
0xbe: {  	s0 =	sor.u32 s1, s0  }
0xbf: {  	s0 =	sadd.s32 $0x8F2B, s0  }
0xc0: {  	[sflag:s0] =	ssyncadd.remote.s32 $0x1  }
0xc1: {  	_ =	sfence.sel $0xFFFF  }
0xc2: {  	[dreg:$0x0] =	wrdreg $0xFFFFFFFF;
	(pc) =	sbr.abs _section_cstart, $3  }
0xc3: {  	[dreg:$0x1] =	wrdreg $0xFFFFFFFF  }
0xc4: {  	_ =	task.clear_ibuf [dreg:s8], $0x2FFFF;
	_ =	strace $0x9FFFFFFF  }
0xc5: {  	(tm) =	ssettm $0x7FFFFFFF  }
tec
execute0_lowered:
.L_overlay_start_1:
0x0: {  	(tag) =	ssettag $0x1  }
0x1: {  	s5 =	rddreg [dreg:$0x0]  }
0x2: {  	s2 =	rddreg [dreg:$0x1]  }
0x3: {  	s0 =	rddreg [dreg:$0x2]  }
0x4: {  	s1 =	rddreg [dreg:$0x3];
	s3 =	simm.s32 $0x0;
	s6 =	srdreg.scid  }
0x5: {  	s18 =	stileid.u32;
	s30 =	simm.s32 $0x180;
	s31 =	simm.s32 $0x4  }
0x6: {  	[smem:$0x7FF] =	sst s3;
	s4 =	sadd.s32 $0x8600, s2;
	s7 =	sadd.s32 $0x31E00, s2  }
0x7: {  	s6 =	sand.u32 $0x1, s6;
	s8 =	sshll.u32 s18, $0x1;
	s11 =	smul.u32 $0x13C00, s18  }
0x8: {  	s15 =	sadd.s32 $0x61E00, s2;
	s9 =	ssub.s32 $0x2, s6;
	s19 =	smul.u32 $0x13C000, s6  }
0x9: {  	s8 =	sor.u32 s6, s8;
	s6 =	smul.u32 $0x5100, s6;
	s10 =	sshrl.u32 s9, $0x1  }
0xa: {  	s12 =	smul.u32 $0x180, s8;
	s17 =	sadd.s32 $0x4000, s11;
	s24 =	sadd.s32 $0x8000, s11  }
0xb: {  	s25 =	sadd.s32 $0xC000, s11;
	s13 =	smul.u32 $0x1800, s8;
	s26 =	sadd.s32 $0x10000, s11  }
0xc: {  	s8 =	smul.u32 $0x5100, s8;
	s9 =	ssub.s32 s9, s10;
	s20 =	sadd.s32 s11, s19  }
0xd: {  	s11 =	sadd.s32 s19, s25;
	s25 =	sadd.s32 s25, s1;
	s21 =	sshrl.u32 s12, $0x3  }
0xe: {  	s22 =	sadd.s32 $0x80, s12;
	s13 =	sadd.s32 s7, s13;
	s12 =	sadd.s32 $0x100, s12  }
0xf: {  	s16 =	sshrl.u32 s8, $0x3;
	s28 =	smax.u32 s9, $0x1;
	s10 =	sadd.s32 s5, s21  }
0x10: {  	[dreg:$0x6] =	wrdreg s13;
	s23 =	sshrl.u32 s22, $0x3;
	s14 =	sshrl.u32 s12, $0x3  }
0x11: {  	s21 =	sadd.s32 s19, s17;
	[dreg:$0x5] =	wrdreg s10;
	s10 =	sshll.u32 s22, $0x4  }
0x12: {  	s13 =	sadd.s32 s5, s23;
	s5 =	sadd.s32 s5, s14;
	s14 =	sshll.u32 s12, $0x4  }
0x13: {  	s22 =	smul.u32 $0xA200, s18;
	s12 =	sshrl.u32 s11, $0x3;
	[dreg:$0x7] =	wrdreg s13  }
0x14: {  	s10 =	sadd.s32 s7, s10;
	[dreg:$0x9] =	wrdreg s5;
	s5 =	sadd.s32 s7, s14  }
0x15: {  	s7 =	sshrl.u32 s20, $0x3;
	s14 =	sadd.s32 s15, s12;
	[dreg:$0x8] =	wrdreg s10  }
0x16: {  	[dreg:$0xa] =	wrdreg s5;
	s10 =	sadd.s32 s4, s16;
	s5 =	sor.u32 $0x80, s8  }
0x17: {  	s8 =	sshrl.u32 s21, $0x3;
	s7 =	sadd.s32 s15, s7;
	s6 =	sadd.s32 s6, s22  }
0x18: {  	s16 =	sadd.s32 s19, s26;
	s21 =	smul.u32 $0x4F000, s18;
	s26 =	sadd.s32 s26, s1  }
0x19: {  	[dreg:$0xb] =	wrdreg s7;
	s23 =	sadd.s32 s15, s8;
	s8 =	sadd.s32 s19, s24  }
0x1a: {  	s19 =	sshrl.u32 s16, $0x3;
	s5 =	sshrl.u32 s5, $0x3;
	s20 =	sadd.s32 $0x200, s6  }
0x1b: {  	s6 =	sadd.s32 $0x180, s6;
	s24 =	sadd.s32 s24, s1;
	s11 =	smov.u32 s10  }
0x1c: {  	s29 =	sadd.s32 $0x20, s10;
	[dreg:$0xc] =	wrdreg s23;
	s7 =	sshrl.u32 s8, $0x3  }
0x1d: {  	s16 =	sadd.s32 s4, s5;
	s5 =	sshrl.u32 s20, $0x3;
	s22 =	sshrl.u32 s6, $0x3  }
0x1e: {  	s23 =	sshrl.u32 s21, $0x2;
	s20 =	sadd.s32 $0x30E00, s2;
	s21 =	sadd.s32 $0x31600, s2  }
.Ltmp0:
0x1f: {  	s2 =	simm.s32 $0x80;
	s6 =	simm.s32 $0x2;
	(pc) =	sbr.rel .LBB2_1-.Ltmp0, $4  }
0x20: {  	s8 =	simm.s32 $0x0;
	s13 =	sadd.s32 s15, s7;
	s15 =	sadd.s32 s15, s19  }
0x21: {  	s18 =	sadd.s32 s5, s4;
	s19 =	sadd.s32 s22, s4;
	_ =	strace $0x80000047  }
0x22: {  	s22 =	sadd.s32 s23, s1;
	s23 =	sadd.s32 s17, s1;
	s17 =	simm.s32 $0x100  }
0x23: {  	s4 =	simm.s32 $0x1;
	s5 =	simm.s32 $0x5;
	s7 =	simm.s32 $0x3  }
.LBB2_4:
0x24: {  	_ =	swait.ge [sflag:s7], $0x4000  }
0x25: {  	[sflag:s7] =	ssyncset.done $0x0  }
0x26: {  	s9 =	stileid.u32;
	[sflag:s7] =	ssyncadd.s32 $0xFFFFC000  }
0x27: {  	s9 =	sshll.u32 s9, $0x6;
	[bflag:$0x0] =	sbarrier.arrive $0xFFFF  }
0x28: {  	s10 =	sshrl.u32 s22, $0x3;
	s9 =	sor.u32 $0x1C04, s9;
	s12 =	rddreg [dreg:$0xb]  }
0x29: {  	[hbm:s12], [sflag:s9] =	dma.local [spmem:s10], $0x800  }
0x2a: {  	_ =	swait.ge [sflag:s31], $0x800  }
0x2b: {  	[sflag:s31] =	ssyncset.done $0x0  }
0x2c: {  	s10 =	sshrl.u32 s23, $0x3;
	s12 =	rddreg [dreg:$0xc];
	[sflag:s31] =	ssyncadd.s32 $0xFFFFF800  }
0x2d: {  	[hbm:s12], [sflag:s9] =	dma.local [spmem:s10], $0x800  }
0x2e: {  	_ =	swait.ge [sflag:s31], $0x800  }
0x2f: {  	[sflag:s31] =	ssyncset.done $0x0  }
0x30: {  	s12 =	sshrl.u32 s24, $0x3;
	[sflag:s31] =	ssyncadd.s32 $0xFFFFF800  }
0x31: {  	[hbm:s13], [sflag:s9] =	dma.local [spmem:s12], $0x800  }
0x32: {  	_ =	swait.ge [sflag:s31], $0x800  }
0x33: {  	[sflag:s31] =	ssyncset.done $0x0  }
0x34: {  	s12 =	sshrl.u32 s25, $0x3;
	[sflag:s31] =	ssyncadd.s32 $0xFFFFF800  }
0x35: {  	[hbm:s14], [sflag:s9] =	dma.local [spmem:s12], $0x800  }
0x36: {  	s8 =	sadd.s32 $0x1, s8;
	_ =	swait.ge [sflag:s31], $0x800  }
0x37: {  	p0 =	sne.s32 s8, s28;
	[sflag:s31] =	ssyncset.done $0x0  }
.Ltmp1:
0x38: {  	s12 =	sshrl.u32 s26, $0x3;
	[sflag:s31] =	ssyncadd.s32 $0xFFFFF800;
	(pc) =	sbr.rel @!p0 .LBB2_5-.Ltmp1, $4  }
0x39: {  	[hbm:s15], [sflag:s9] =	dma.local [spmem:s12], $0x780  }
0x3a: {  	_ =	swait.ge [sflag:s31], $0x780  }
0x3b: {  	[sflag:s31] =	ssyncset.done $0x0  }
0x3c: {  	[sflag:s31] =	ssyncadd.s32 $0xFFFFF880  }
.LBB2_1:
0x3d: {  	[tilespmem:s30], [sflag:$0x4] =	stream.linear.gather [hbm4b:s21+s3], $0x4000, $0x38;
	[tilespmem:$0x17D80] =	vst v63  }
0x3e: {  	_ =	swait.ge [sflag:s31], $0x4000  }
0x3f: {  	[sflag:s31] =	ssyncset.done $0x0  }
0x40: {  	[sflag:s31] =	ssyncadd.s32 $0xFFFFC000  }
0x41: {  	[spmem:s22] =	stream.linear.scatter [tilespmem:s30], [sflag:$0x4], $0x4000, $0x38;
	[tilespmem:$0x17D80] =	vst v63  }
0x42: {  	_ =	swait.ge [sflag:s31], $0x4000  }
0x43: {  	[sflag:s31] =	ssyncset.done $0x0  }
0x44: {  	[sflag:s31] =	ssyncadd.s32 $0xFFFFC000  }
0x45: {  	[spmem:s23] =	stream.linear.scatter [tilespmem:s30], [sflag:$0x4], $0x4000, $0x38;
	[tilespmem:$0x17D80] =	vst v63  }
0x46: {  	_ =	swait.ge [sflag:s31], $0x4000  }
0x47: {  	[sflag:s31] =	ssyncset.done $0x0  }
0x48: {  	[sflag:s31] =	ssyncadd.s32 $0xFFFFC000  }
0x49: {  	[spmem:s24] =	stream.linear.scatter [tilespmem:s30], [sflag:$0x4], $0x4000, $0x38;
	[tilespmem:$0x17D80] =	vst v63  }
0x4a: {  	_ =	swait.ge [sflag:s31], $0x4000  }
0x4b: {  	[sflag:s31] =	ssyncset.done $0x0  }
0x4c: {  	[sflag:s31] =	ssyncadd.s32 $0xFFFFC000  }
0x4d: {  	[spmem:s25] =	stream.linear.scatter [tilespmem:s30], [sflag:$0x4], $0x4000, $0x38;
	[tilespmem:$0x17D80] =	vst v63  }
0x4e: {  	_ =	swait.ge [sflag:s31], $0x4000  }
0x4f: {  	[sflag:s31] =	ssyncset.done $0x0  }
0x50: {  	[sflag:s31] =	ssyncadd.s32 $0xFFFFC000  }
0x51: {  	[spmem:s26] =	stream.linear.scatter [tilespmem:s30], [sflag:$0x4], $0x3C00, $0x38;
	[tilespmem:$0x17D80] =	vst v63  }
0x52: {  	_ =	swait.ge [sflag:s31], $0x3C00  }
0x53: {  	[sflag:s31] =	ssyncset.done $0x0  }
0x54: {  	s9 =	rddreg [dreg:$0x5];
	[sflag:s31] =	ssyncadd.s32 $0xFFFFC400  }
0x55: {  	[tilespmem:s17], [sflag:$0x4] =	stream.linear.gather [hbm4b:s9+s3], $0x80, $0x38;
	[tilespmem:$0x17D80] =	vst v63  }
0x56: {  	_ =	swait.ge [sflag:s31], $0x80  }
0x57: {  	[sflag:s31] =	ssyncset.done $0x0  }
0x58: {  	[sflag:s31] =	ssyncadd.s32 $0xFFFFFF80  }
0x59: {  	[tilespmem:s30], [sflag:$0x1] =	stream.indirect.gather [hbm4b:s0+s2], $0x80, s17, s2, $0xb8;
	[tilespmem:$0x17D80] =	vst v63  }
0x5a: {  	_ =	swait.ge [sflag:s4], $0x4000  }
0x5b: {  	[sflag:s4] =	ssyncset.done $0x0  }
0x5c: {  	s12 =	rddreg [dreg:$0x6];
	[sflag:s4] =	ssyncadd.s32 $0xFFFFC000  }
0x5d: {  	[hbm4b:s12+s3] =	stream.linear.scatter [tilespmem:s30], [sflag:$0x4], $0x4000, $0x38;
	[tilespmem:$0x17D80] =	vst v63  }
0x5e: {  	_ =	swait.ge [sflag:s31], $0x4000  }
0x5f: {  	[sflag:s31] =	ssyncset.done $0x0  }
0x60: {  	s10 =	rddreg [dreg:$0x7];
	[sflag:s31] =	ssyncadd.s32 $0xFFFFC000  }
0x61: {  	[tilespmem:s17], [sflag:$0x4] =	stream.linear.gather [hbm4b:s10+s3], $0x80, $0x38;
	[tilespmem:$0x17D80] =	vst v63  }
0x62: {  	_ =	swait.ge [sflag:s31], $0x80  }
0x63: {  	[sflag:s31] =	ssyncset.done $0x0  }
0x64: {  	[sflag:s31] =	ssyncadd.s32 $0xFFFFFF80  }
0x65: {  	[tilespmem:s30], [sflag:$0x1] =	stream.indirect.gather [hbm4b:s0+s2], $0x80, s17, s2, $0xb8;
	[tilespmem:$0x17D80] =	vst v63  }
0x66: {  	_ =	swait.ge [sflag:s4], $0x4000  }
0x67: {  	[sflag:s4] =	ssyncset.done $0x0  }
0x68: {  	s12 =	rddreg [dreg:$0x8];
	[sflag:s4] =	ssyncadd.s32 $0xFFFFC000  }
0x69: {  	[hbm4b:s12+s3] =	stream.linear.scatter [tilespmem:s30], [sflag:$0x4], $0x4000, $0x38;
	[tilespmem:$0x17D80] =	vst v63  }
0x6a: {  	_ =	swait.ge [sflag:s31], $0x4000  }
0x6b: {  	[sflag:s31] =	ssyncset.done $0x0  }
0x6c: {  	s10 =	rddreg [dreg:$0x9];
	[sflag:s31] =	ssyncadd.s32 $0xFFFFC000  }
0x6d: {  	[tilespmem:s17], [sflag:$0x4] =	stream.linear.gather [hbm4b:s10+s3], $0x80, $0x38;
	[tilespmem:$0x17D80] =	vst v63  }
0x6e: {  	_ =	swait.ge [sflag:s31], $0x80  }
0x6f: {  	[sflag:s31] =	ssyncset.done $0x0  }
0x70: {  	[sflag:s31] =	ssyncadd.s32 $0xFFFFFF80  }
0x71: {  	[tilespmem:s30], [sflag:$0x1] =	stream.indirect.gather [hbm4b:s0+s2], $0x80, s17, s2, $0xb8;
	[tilespmem:$0x17D80] =	vst v63  }
0x72: {  	_ =	swait.ge [sflag:s4], $0x4000  }
0x73: {  	[sflag:s4] =	ssyncset.done $0x0  }
0x74: {  	s12 =	rddreg [dreg:$0xa];
	[sflag:s4] =	ssyncadd.s32 $0xFFFFC000  }
0x75: {  	[hbm4b:s12+s3] =	stream.linear.scatter [tilespmem:s30], [sflag:$0x4], $0x4000, $0x38;
	[tilespmem:$0x17D80] =	vst v63  }
0x76: {  	_ =	swait.ge [sflag:s31], $0x4000  }
0x77: {  	[sflag:s31] =	ssyncset.done $0x0  }
0x78: {  	[sflag:s31] =	ssyncadd.s32 $0xFFFFC000  }
0x79: {  	[tilespmem:s30], [sflag:$0x4] =	stream.linear.gather [hbm4b:s20+s3], $0x4000, $0x38;
	[tilespmem:$0x17D80] =	vst v63  }
0x7a: {  	_ =	swait.ge [sflag:s31], $0x4000  }
0x7b: {  	[sflag:s31] =	ssyncset.done $0x0  }
0x7c: {  	[sflag:s31] =	ssyncadd.s32 $0xFFFFC000  }
0x7d: {  	[bflag:$0x0] =	sbarrier.arrive $0xFFFF  }
0x7e: {  	[tilespmem:s3], [sflag:$0x4] =	stream.linear.gather [hbm4b:s11+s3], $0x80, $0x38;
	[tilespmem:$0x17D80] =	vst v63  }
0x7f: {  	_ =	swait.ge [sflag:s31], $0x80  }
0x80: {  	[sflag:s31] =	ssyncset.done $0x0  }
0x81: {  	[sflag:s31] =	ssyncadd.s32 $0xFFFFFF80  }
0x82: {  	[spmem:s1] =	stream.indirect.scatter.add.f32 [tilespmem:s30], [sflag:$0x2], $0x80, s3, s2, $0xb8;
	[tilespmem:$0x17D80] =	vst v63  }
0x83: {  	_ = 	snop  }
0x84: {  	[tilespmem:s2], [sflag:$0x5] =	stream.linear.gather [hbm4b:s16+s3], $0x80, $0x38;
	[tilespmem:$0x17D80] =	vst v63  }
0x85: {  	_ =	swait.ge [sflag:s5], $0x80  }
0x86: {  	[sflag:s5] =	ssyncset.done $0x0  }
0x87: {  	[sflag:s5] =	ssyncadd.s32 $0xFFFFFF80  }
0x88: {  	[spmem:s1] =	stream.indirect.scatter.add.f32 [tilespmem:s30], [sflag:$0x3], $0x80, s2, s2, $0xb8;
	[tilespmem:$0x17D80] =	vst v63  }
0x89: {  	_ =	swait.ge [sflag:s6], $0x4000  }
0x8a: {  	[sflag:s6] =	ssyncset.done $0x0  }
0x8b: {  	[sflag:s6] =	ssyncadd.s32 $0xFFFFC000  }
0x8c: {  	[tilespmem:s3], [sflag:$0x4] =	stream.linear.gather [hbm4b:s29+s3], $0x80, $0x38;
	[tilespmem:$0x17D80] =	vst v63  }
0x8d: {  	_ =	swait.ge [sflag:s31], $0x80  }
0x8e: {  	[sflag:s31] =	ssyncset.done $0x0  }
0x8f: {  	s9 =	simm.s32 $0x0;
	[sflag:s31] =	ssyncadd.s32 $0xFFFFFF80  }
.LBB2_2:
0x90: {  	[spmem:s1] =	stream.indirect.scatter.add.f32 [tilespmem:s30], [sflag:$0x2], $0x80, s3, s2, $0xb8;
	[tilespmem:$0x17D80] =	vst v63  }
0x91: {  	_ =	swait.ge [sflag:s7], $0x4000  }
0x92: {  	[sflag:s7] =	ssyncset.done $0x0  }
0x93: {  	s10 =	sadd.s32 s9, s19;
	[sflag:s7] =	ssyncadd.s32 $0xFFFFC000  }
0x94: {  	[tilespmem:s2], [sflag:$0x5] =	stream.linear.gather [hbm4b:s10+s3], $0x80, $0x38;
	[tilespmem:$0x17D80] =	vst v63  }
0x95: {  	_ =	swait.ge [sflag:s5], $0x80  }
0x96: {  	p0 =	seq.s32 s9, $0x9E0;
	[sflag:s5] =	ssyncset.done $0x0  }
.Ltmp2:
0x97: {  	[sflag:s5] =	ssyncadd.s32 $0xFFFFFF80;
	(pc) =	sbr.rel @p0 .LBB2_4-.Ltmp2, $4  }
0x98: {  	[spmem:s1] =	stream.indirect.scatter.add.f32 [tilespmem:s30], [sflag:$0x3], $0x80, s2, s2, $0xb8;
	[tilespmem:$0x17D80] =	vst v63  }
0x99: {  	_ =	swait.ge [sflag:s6], $0x4000  }
0x9a: {  	[sflag:s6] =	ssyncset.done $0x0  }
0x9b: {  	[sflag:s6] =	ssyncadd.s32 $0xFFFFC000  }
.Ltmp3:
0x9c: {  	s10 =	sadd.s32 s9, s18;
	(pc) =	sbr.rel .LBB2_2-.Ltmp3, $4  }
0x9d: {  	[tilespmem:s3], [sflag:$0x4] =	stream.linear.gather [hbm4b:s10+s3], $0x80, $0x38;
	[tilespmem:$0x17D80] =	vst v63  }
0x9e: {  	_ =	swait.ge [sflag:s31], $0x80  }
0x9f: {  	[sflag:s31] =	ssyncset.done $0x0  }
0xa0: {  	s9 =	sadd.s32 $0x20, s9;
	[sflag:s31] =	ssyncadd.s32 $0xFFFFFF80  }
.LBB2_5:
0xa1: {  	_ =	sfence.sel $0x180000  }
0xa2: {  	[bflag:$0x0] =	sbarrier.arrive $0xFFFF  }
0xa3: {  	_ =	strace $0x90000047  }
0xa4: {  	s0 =	stileid.u32;
	[bflag:$0x2] =	sbarrier.arrive $0xFFFF  }
0xa5: {  	p0 =	sne.s32 s0, $0x0;
	s0 =	rddreg [dreg:$0x4]  }
0xa6: {  	s0 =	sadd.s32 @!p0 $0x100000, s0  }
0xa7: {  	[sflag:s0] =	ssyncadd.tile.s32 @!p0 $0x1;
	_ =	shalt  }
.Lfunc_end2:
_tile_overlayer_lowered:
.L_overlay_start_2:
0xa8: {  	(tag) =	ssettag $0x2  }
0xa9: {  	s0 =	rddreg [dreg:$0x0];
	s2 =	stileid.u32  }
0xaa: {  	s1 =	rddreg [dreg:$0x1];
	p0 =	sne.s32 s2, $0x0  }
0xab: {  	s3 =	rddreg [dreg:$0x2];
	[bflag:$0x3] =	sbarrier.arrive $0xFFFF;
	s2 =	simm.s32 @!p0 $0x1C04  }
0xac: {  	[timem:s3], [sflag:s2] =	dma.local @!p0 [hbm:s0], s1  }
0xad: {  	s0 =	simm.s32 @!p0 $0x4  }
0xae: {  	_ =	swait.ge @!p0 [sflag:s0], s1  }
0xaf: {  	s1 =	ssub.s32 @!p0 $0x0, s1;
	[sflag:s0] =	ssyncset.done @!p0 $0x0  }
0xb0: {  	[sflag:s0] =	ssyncadd.s32 @!p0 s1  }
0xb1: {  	[bflag:$0x3] =	sbarrier.arrive $0xFFFF  }
0xb2: {  	_ =	shalt  }

// kernel: kernel.14.cloned.1.call-start
scs
__scs_entry_jumppad:
0x0: {  	(pc) =	sbr.rel $0x88, $3  }
0x1: {  	(tag) =	ssettag $0x0;
	lr =	simm.s32 $0x1  }
0x2: {  	[smem:$0x3F84] =	sst lr;
	_ =	strace $0xD0000000  }
0x3: {  	_ = 	snop  }
0x4: {  	_ = 	snop  }
0x5: {  	_ = 	snop  }
0x6: {  	_ = 	snop  }
0x7: {  	_ = 	snop  }
__scs_overlays_trampoline_lowered:
0x8: {  	[smem:$0x3F93] =	sst s0  }
0x9: {  	[smem:$0x3F94] =	sst s1  }
0xa: {  	[smem:$0x3F95] =	sst s2  }
0xb: {  	[smem:$0x3F96] =	sst s3  }
0xc: {  	[smem:$0x3F97] =	sst s4  }
0xd: {  	[smem:$0x3F98] =	sst s5  }
0xe: {  	[smem:$0x3F99] =	sst s6  }
0xf: {  	[smem:$0x3F9A] =	sst s7  }
0x10: {  	[smem:$0x3F9B] =	sst s8  }
0x11: {  	[smem:$0x3F9C] =	sst s9;
	s0 =	simm.s32 @!p0 $0x0  }
0x12: {  	s1 =	sld [smem:$0x3F82];
	s0 =	simm.s32 @p0 $0x1  }
0x13: {  	[smem:$0x3F9D] =	sst s0;
	s0 =	simm.s32 @!p1 $0x0  }
0x14: {  	s2 =	sld [smem:$0x3F81];
	s0 =	simm.s32 @p1 $0x1  }
0x15: {  	[smem:$0x3F9E] =	sst s0;
	s0 =	simm.s32 @!p2 $0x0  }
0x16: {  	s3 =	sld [smem:$0x3FDB];
	s0 =	simm.s32 @p2 $0x1  }
0x17: {  	s4 =	simm.s32 $0x1BF5;
	[smem:$0x3FA0] =	sst s0  }
0x18: {  	s0 =	sld [smem:$0x3F83];
	_ =	swait.ge [sflag:s4], $0x0  }
0x19: {  	s7 =	sld [smem:$0x3F84]  }
0x1a: {  	s8 =	sadd.s32 $0xFFFFE003, lr  }
0x1b: {  	s9 =	sadd.s32 $0xFFFFFEF7, lr;
	s5 =	simm.s32 $0xFFFFFFFF;
	p2 =	slt.u32 s8, $0xFFFFF086  }
0x1c: {  	p1 =	slt.u32 s9, $0xF7A;
	s5 =	simm.s32 @!p2 $0x0  }
0x1d: {  	s5 =	simm.s32 @p1 $0x1;
	p0 =	seq.s32 s7, s2  }
0x1e: {  	s7 =	smul.u32 @!p0 $0xF7A, s2;
	p2 =	seq.s32 @!p0 s5, $0x0  }
0x1f: {  	s9 =	smul.u32 $0xF7A, s1;
	s8 =	simm.s32 @!p0 $0x1BF5;
	p2 =	por !p2, p0  }
0x20: {  	[sflag:s8] =	ssyncset.s32 @!p0 $0xFFFFF086;
	s6 =	sadd.s32 @!p0 s3, s7;
	s7 =	simm.s32 @!p0 $0x108  }
0x21: {  	s3 =	sadd.s32 s3, s9;
	s6 =	sadd.s32 @!p0 $0x88, s6;
	s7 =	simm.s32 @p2 $0x1082  }
0x22: {  	[simem:s7], [sflag:s8] =	dma.local @!p0 [hbm:s6], $0xF7A  }
0x23: {  	s9 =	sor.u32 $0xD0000000, s2;
	s6 =	simm.s32 $0x108;
	_ =	swait.ge @!p0 [sflag:s8], $0x0  }
0x24: {  	s3 =	sadd.s32 $0x88, s3;
	s6 =	simm.s32 @!p1 $0x1082;
	[sflag:s4] =	ssyncset.s32 $0xFFFFF086  }
0x25: {  	[simem:s6], [sflag:s4] =	dma.local [hbm:s3], $0xF7A  }
0x26: {  	[smem:$0x3F84] =	sst s1;
	(tag) =	ssettag s2;
	_ =	strace s9  }
0x27: {  	s1 =	sld [smem:$0x3F94]  }
0x28: {  	s2 =	sld [smem:$0x3F95]  }
0x29: {  	s4 =	sld [smem:$0x3F97]  }
0x2a: {  	p0 =	seq.s32 s5, $0x0;
	s5 =	sld [smem:$0x3F98]  }
0x2b: {  	s6 =	sld [smem:$0x3F99]  }
0x2c: {  	s7 =	sld [smem:$0x3F9A]  }
0x2d: {  	s3 =	simm.s32 $0x108;
	s8 =	sld [smem:$0x3F9B]  }
0x2e: {  	s3 =	simm.s32 @!p0 $0x1082;
	s9 =	sld [smem:$0x3F9C]  }
0x2f: {  	lr =	sadd.s32 s0, s3;
	s0 =	sld [smem:$0x3F93]  }
0x30: {  	s3 =	sld [smem:$0x3F96]  }
0x31: {  	[smem:$0x3F9F] =	sst s10  }
0x32: {  	s10 =	sld [smem:$0x3F9D];
	_ =	sdelay $0x3  }
0x33: {  	p0 =	seq.s32 s10, $0x1;
	s10 =	sld [smem:$0x3F9F];
	_ =	sdelay $0x3  }
0x34: {  	[smem:$0x3F9F] =	sst s10  }
0x35: {  	s10 =	sld [smem:$0x3F9E];
	_ =	sdelay $0x3  }
0x36: {  	p1 =	seq.s32 s10, $0x1;
	s10 =	sld [smem:$0x3F9F];
	_ =	sdelay $0x3  }
0x37: {  	[smem:$0x3F9F] =	sst s10  }
0x38: {  	s10 =	sld [smem:$0x3FA0]  }
0x39: {  	_ = 	snop;
	(pc) =	sbr.ind lr, $3  }
0x3a: {  	_ = 	snop  }
0x3b: {  	_ = 	snop  }
0x3c: {  	p2 =	seq.s32 s10, $0x1;
	s10 =	sld [smem:$0x3F9F]  }
0x3d: {  	_ =	shalt  }
0x3e: {  	_ =	shalt  }
0x3f: {  	_ =	shalt  }
0x40: {  	_ =	shalt  }
0x41: {  	_ =	shalt  }
0x42: {  	_ =	shalt  }
0x43: {  	_ =	shalt  }
0x44: {  	_ =	shalt  }
0x45: {  	_ =	shalt  }
0x46: {  	_ =	shalt  }
0x47: {  	_ =	shalt  }
0x48: {  	_ =	shalt  }
0x49: {  	_ =	shalt  }
0x4a: {  	_ =	shalt  }
0x4b: {  	_ =	shalt  }
0x4c: {  	_ =	shalt  }
0x4d: {  	_ =	shalt  }
0x4e: {  	_ =	shalt  }
0x4f: {  	_ =	shalt  }
0x50: {  	_ =	shalt  }
0x51: {  	_ =	shalt  }
0x52: {  	_ =	shalt  }
0x53: {  	_ =	shalt  }
0x54: {  	_ =	shalt  }
0x55: {  	_ =	shalt  }
0x56: {  	_ =	shalt  }
0x57: {  	_ =	shalt  }
0x58: {  	_ =	shalt  }
0x59: {  	_ =	shalt  }
0x5a: {  	_ =	shalt  }
0x5b: {  	_ =	shalt  }
0x5c: {  	_ =	shalt  }
0x5d: {  	_ =	shalt  }
0x5e: {  	_ =	shalt  }
0x5f: {  	_ =	shalt  }
0x60: {  	_ =	shalt  }
0x61: {  	_ =	shalt  }
0x62: {  	_ =	shalt  }
0x63: {  	_ =	shalt  }
0x64: {  	_ =	shalt  }
0x65: {  	_ =	shalt  }
0x66: {  	_ =	shalt  }
0x67: {  	_ =	shalt  }
0x68: {  	_ =	shalt  }
0x69: {  	_ =	shalt  }
0x6a: {  	_ =	shalt  }
0x6b: {  	_ =	shalt  }
0x6c: {  	_ =	shalt  }
0x6d: {  	_ =	shalt  }
0x6e: {  	_ =	shalt  }
0x6f: {  	_ =	shalt  }
0x70: {  	_ =	shalt  }
0x71: {  	_ =	shalt  }
0x72: {  	_ =	shalt  }
0x73: {  	_ =	shalt  }
0x74: {  	_ =	shalt  }
0x75: {  	_ =	shalt  }
0x76: {  	_ =	shalt  }
0x77: {  	_ =	shalt  }
0x78: {  	_ =	shalt  }
0x79: {  	_ =	shalt  }
0x7a: {  	_ =	shalt  }
0x7b: {  	_ =	shalt  }
0x7c: {  	_ =	shalt  }
0x7d: {  	_ =	shalt  }
0x7e: {  	_ =	shalt  }
0x7f: {  	_ =	shalt  }
0x80: {  	_ =	shalt  }
0x81: {  	_ =	shalt  }
0x82: {  	_ =	shalt  }
0x83: {  	_ =	shalt  }
0x84: {  	_ =	shalt  }
0x85: {  	_ =	shalt  }
0x86: {  	_ =	shalt  }
0x87: {  	_ =	shalt  }
.Lfunc_end0:
.L_simem_size_0:
called_computation.1_lowered:
.L_overlay_start_0:
0x88: {  	s2 =	sld [smem:$0x3FD9]  }
0x89: {  	s3 =	sld [smem:$0x3FFE];
	_ =	sdelay $0x1  }
0x8a: {  	s1 =	srdreg.scid  }
0x8b: {  	s0 =	sand.u32 $0x1, s1  }
0x8c: {  	s16 =	sshll.u32 s0, $0xA;
	s2 =	sadd.s32 s3, s2  }
0x8d: {  	s2 =	sadd.s32 s2, s16  }
0x8e: {  	[smem:$0x3FAB] =	sst s2  }
0x8f: {  	_ = 	snop  }
0x90: {  	(tm) =	ssettm $0x1  }
0x91: {  	s17 =	sld [smem:$0x3FFB];
	_ =	sdelay $0x3  }
0x92: {  	_ =	strace s17  }
0x93: {  	s2 =	sld [smem:$0x3FFC];
	_ =	sdelay $0x3  }
0x94: {  	_ =	strace s2  }
0x95: {  	s2 =	sld [smem:$0x3FFD];
	_ =	sdelay $0x3  }
0x96: {  	_ =	strace s2  }
0x97: {  	_ =	strace $0x8FFFFFFF  }
0x98: {  	s18 =	sld [smem:$0x3FDB];
	_ =	sdelay $0x1  }
0x99: {  	s19 =	simm.s32 $_scs_section_size  }
0x9a: {  	s4 =	simm.s32 $_size__tile_overlayer_lowered;
	s5 =	simm.s32 $_tile_overlayer_lowered  }
0x9b: {  	s22 =	simm.s32 $0x1BFF;
	s21 =	sshll.u32 s5, $0x1;
	s2 =	sadd.s32 s19, s18  }
0x9c: {  	s6 =	simm.s32 $0x0;
	s20 =	sshll.u32 s4, $0x1;
	s4 =	sadd.s32 s21, s2  }
0x9d: {  	[timem:s6], [sflag:s22] =	dma.local [hbm:s4], s20  }
0x9e: {  	_ =	swait.ge [sflag:s22], s20  }
0x9f: {  	s3 =	ssub.s32 $0x0, s20;
	[sflag:s22] =	ssyncset.done $0x0  }
0xa0: {  	[sflag:s22] =	ssyncadd.s32 s3;
	_ =	sdelay $0x1  }
0xa1: {  	s23 =	simm.s32 $0x1B8B  }
0xa2: {  	_ =	swait.ge [sflag:s23], $0x1  }
0xa3: {  	[sflag:s23] =	ssyncset.done $0x0  }
0xa4: {  	s25 =	simm.s32 $0x1B8E;
	s24 =	sld [smem:$0x3FFE];
	[sflag:s23] =	ssyncadd.s32 $0xFFFFFFFF  }
0xa5: {  	s26 =	simm.s32 $execute0_lowered;
	[smem:$0x3FD2] =	sst s25  }
0xa6: {  	s4 =	sshll.u32 s26, $0x1;
	_ =	strace $0x80000049;
	[dreg:$0x1] =	wrdreg $0xFFFFFFFF  }
0xa7: {  	s28 =	simm.s32 $_size_execute0_lowered;
	s2 =	sadd.s32 s2, s4;
	[dreg:$0x0] =	wrdreg $0x0  }
0xa8: {  	s4 =	sshll.u32 s28, $0x1;
	[dreg:$0x2] =	wrdreg s2  }
0xa9: {  	[dreg:$0x3] =	wrdreg s4  }
0xaa: {  	[dreg:$0x4] =	wrdreg $0xC0  }
0xab: {  	_ =	task [dreg:s6], $0x5FFFF  }
0xac: {  	[dreg:$0x1] =	wrdreg $0xFFFFFFFF  }
0xad: {  	[dreg:$0x0] =	wrdreg $0x60  }
0xae: {  	[dreg:$0x2] =	wrdreg s24  }
0xaf: {  	[dreg:$0x3] =	wrdreg $0xC3000  }
0xb0: {  	[dreg:$0x4] =	wrdreg $0x9  }
0xb1: {  	_ =	task.clear_ibuf [dreg:s6], $0x5FFFF;
	_ =	strace $0x90000049  }
0xb2: {  	s29 =	simm.s32 $0x9;
	_ =	strace $0x8000004B  }
0xb3: {  	_ =	swait.ge [sflag:s29], $0x1  }
0xb4: {  	[sflag:s29] =	ssyncadd.s32 $0xFFFFFFFF  }
0xb5: {  	_ =	strace $0x9000004B  }
0xb6: {  	_ =	sfence  }
0xb7: {  	s30 =	sld [smem:$0x0];
	_ =	sdelay $0x2  }
0xb8: {  	s31 =	sshll.u32 s1, $0xD;
	s1 =	sshrl.u32 s1, $0x2  }
0xb9: {  	s3 =	sand.u32 $0x4000, s31;
	s1 =	sadd.s32 s1, s30  }
0xba: {  	s0 =	sor.u32 s3, s0;
	s1 =	sshll.u32 s1, $0x11  }
0xbb: {  	s0 =	sor.u32 s1, s0  }
0xbc: {  	s0 =	sadd.s32 $0x8F2B, s0  }
0xbd: {  	[sflag:s0] =	ssyncadd.remote.s32 $0x1  }
0xbe: {  	_ =	sfence.sel $0xFFFF  }
0xbf: {  	[dreg:$0x0] =	wrdreg $0xFFFFFFFF;
	(pc) =	sbr.abs _section_cstart, $3  }
0xc0: {  	[dreg:$0x1] =	wrdreg $0xFFFFFFFF  }
0xc1: {  	_ =	task.clear_ibuf [dreg:s6], $0x2FFFF;
	_ =	strace $0x9FFFFFFF  }
0xc2: {  	(tm) =	ssettm $0x7FFFFFFF  }
0xc3: {  	_ =	shalt  }
tec
execute0_lowered:
.L_overlay_start_1:
0x0: {  	(tag) =	ssettag $0x1  }
0x1: {  	s0 =	rddreg [dreg:$0x0]  }
0x2: {  	s1 =	rddreg [dreg:$0x1];
	s2 =	simm.s32 $0x0  }
0x3: {  	s3 =	srdreg.scid;
	s4 =	stileid.u32;
	s29 =	simm.s32 $0x300  }
0x4: {  	s31 =	simm.s32 $0x180;
	[smem:$0x7FF] =	sst s2;
	s16 =	sadd.s32 $0x1CA00, s0  }
0x5: {  	s5 =	sadd.s32 $0x8600, s0;
	s3 =	sand.u32 $0x1, s3;
	s6 =	sadd.s32 $0x31600, s0  }
0x6: {  	s8 =	smul.u32 $0x4F000, s4;
	s7 =	sadd.s32 $0x59000, s0;
	s0 =	sadd.s32 $0x80200, s0  }
0x7: {  	s10 =	sshll.u32 s4, $0x1;
	s11 =	smul.u32 $0x13C00, s4;
	_ =	strace $0x8000004A  }
0x8: {  	[dreg:$0x3] =	wrdreg s6;
	s20 =	ssub.s32 $0x2, s3;
	s15 =	smul.u32 $0x13C000, s3  }
0x9: {  	s21 =	sor.u32 s3, s10;
	s3 =	smul.u32 $0x5100, s3;
	s9 =	sshrl.u32 s20, $0x1  }
0xa: {  	s8 =	sshrl.u32 s8, $0x2;
	s22 =	sadd.s32 $0x4000, s11;
	s23 =	sadd.s32 $0x8000, s11  }
0xb: {  	s25 =	sadd.s32 $0xC000, s11;
	s26 =	sadd.s32 $0x10000, s11;
	s6 =	ssub.s32 s20, s9  }
0xc: {  	s30 =	sadd.s32 s8, s1;
	s9 =	smul.u32 $0x5100, s21;
	s12 =	sadd.s32 s22, s1  }
0xd: {  	s24 =	sadd.s32 s23, s1;
	s13 =	sadd.s32 s25, s1;
	s14 =	sadd.s32 s26, s1  }
0xe: {  	s20 =	sadd.s32 s11, s15;
	s8 =	sadd.s32 s15, s22;
	[dreg:$0x5] =	wrdreg s12  }
0xf: {  	s10 =	sadd.s32 s15, s23;
	s21 =	sadd.s32 s15, s25;
	[dreg:$0x6] =	wrdreg s24  }
0x10: {  	s22 =	sadd.s32 s15, s26;
	s23 =	smul.u32 $0xA200, s4;
	[dreg:$0x7] =	wrdreg s13  }
0x11: {  	s11 =	simm.s32 $0xD;
	[dreg:$0x8] =	wrdreg s14;
	s8 =	sshrl.u32 s8, $0x3  }
0x12: {  	s26 =	sshrl.u32 s10, $0x3;
	s14 =	sshrl.u32 s21, $0x3;
	s15 =	sshrl.u32 s22, $0x3  }
0x13: {  	s13 =	simm.s32 $0x200;
	s12 =	simm.s32 $0x0;
	[dreg:$0x4] =	wrdreg s30  }
0x14: {  	s9 =	sshrl.u32 s9, $0x3;
	s8 =	sadd.s32 s0, s8;
	s10 =	sadd.s32 s0, s26  }
0x15: {  	s3 =	sadd.s32 s3, s23;
	s17 =	sor.u32 $0x10, s9;
	[dreg:$0xe] =	wrdreg s8  }
0x16: {  	s18 =	sadd.s32 s16, s9;
	s9 =	sadd.s32 s5, s9;
	[dreg:$0xf] =	wrdreg s10  }
0x17: {  	s22 =	sadd.s32 $0x100, s3;
	s23 =	sadd.s32 $0x180, s3;
	[dreg:$0x9] =	wrdreg s18  }
0x18: {  	s8 =	simm.s32 $0x9;
	s10 =	simm.s32 $0xB;
	[dreg:$0xa] =	wrdreg s9  }
0x19: {  	s19 =	sadd.s32 s16, s17;
	s24 =	sadd.s32 s5, s17;
	s9 =	sshrl.u32 s20, $0x3  }
0x1a: {  	s17 =	sadd.s32 $0x200, s3;
	s18 =	sadd.s32 s0, s14;
	[dreg:$0x14] =	wrdreg s23  }
0x1b: {  	s20 =	smax.u32 s6, $0x1;
	s23 =	smov.u32 s5;
	[dreg:$0xb] =	wrdreg s19  }
0x1c: {  	s3 =	simm.s32 $0x4;
	s6 =	simm.s32 $0x80;
	[dreg:$0xc] =	wrdreg s24  }
0x1d: {  	s14 =	simm.s32 $0x2;
	s25 =	sadd.s32 s0, s9;
	[dreg:$0x10] =	wrdreg s18  }
0x1e: {  	s0 =	sadd.s32 s0, s15;
	s19 =	sshrl.u32 s17, $0x3;
	[dreg:$0x12] =	wrdreg s20  }
0x1f: {  	s15 =	simm.s32 $0x5;
	s17 =	simm.s32 $0x7;
	s18 =	simm.s32 $0x100  }
0x20: {  	s20 =	simm.s32 $0x3;
	s9 =	simm.s32 $0xA;
	[dreg:$0xd] =	wrdreg s25  }
.Ltmp0:
0x21: {  	[dreg:$0x11] =	wrdreg s0;
	s21 =	sadd.s32 s19, s5;
	(pc) =	sbr.rel .LBB2_1-.Ltmp0, $4  }
0x22: {  	s24 =	sadd.s32 s19, s16;
	s25 =	sshrl.u32 s22, $0x3;
	s0 =	simm.s32 $0x1  }
0x23: {  	s19 =	simm.s32 $0x280;
	s22 =	simm.s32 $0x8300;
	[dreg:$0x13] =	wrdreg s21  }
0x24: {  	s26 =	sadd.s32 s25, s5;
	s5 =	smov.u32 s16;
	s28 =	sadd.s32 s25, s16  }
0x25: {  	s16 =	simm.s32 $0x4300;
	s21 =	simm.s32 $0x6;
	s25 =	simm.s32 $0x8  }
.LBB2_4:
0x26: {  	_ =	swait.ge [sflag:s8], $0x4000  }
0x27: {  	[sflag:s8] =	ssyncset.done $0x0  }
0x28: {  	[sflag:s8] =	ssyncadd.s32 $0xFFFFC000  }
0x29: {  	[spmem:s1] =	stream.indirect.scatter.add.f32 [tilespmem:s22], [sflag:$0xC], $0x80, s19, s6, $0xb8;
	[tilespmem:$0x1FF00] =	vst v63  }
0x2a: {  	_ =	swait.ge [sflag:s9], $0x4000  }
0x2b: {  	[sflag:s9] =	ssyncset.done $0x0  }
0x2c: {  	[sflag:s9] =	ssyncadd.s32 $0xFFFFC000  }
0x2d: {  	_ =	swait.ge [sflag:s10], $0x4000  }
0x2e: {  	[sflag:s10] =	ssyncset.done $0x0  }
0x2f: {  	s4 =	simm.s32 $0xC;
	[sflag:s10] =	ssyncadd.s32 $0xFFFFC000  }
0x30: {  	_ =	swait.ge [sflag:s4], $0x4000  }
0x31: {  	[sflag:s4] =	ssyncset.done $0x0  }
0x32: {  	[sflag:s4] =	ssyncadd.s32 $0xFFFFC000  }
0x33: {  	s11 =	stileid.u32;
	[bflag:$0x0] =	sbarrier.arrive $0xFFFF  }
0x34: {  	s4 =	sshll.u32 s11, $0x6;
	s11 =	rddreg [dreg:$0x4]  }
0x35: {  	s4 =	sor.u32 $0x1C0D, s4;
	s12 =	rddreg [dreg:$0xd];
	s11 =	sshrl.u32 s11, $0x3  }
0x36: {  	[hbm:s12], [sflag:s4] =	dma.local [spmem:s11], $0x800  }
0x37: {  	s12 =	simm.s32 $0xD  }
0x38: {  	_ =	swait.ge [sflag:s12], $0x800  }
0x39: {  	[sflag:s12] =	ssyncset.done $0x0;
	s11 =	rddreg [dreg:$0x5]  }
0x3a: {  	s30 =	rddreg [dreg:$0xe];
	[sflag:s12] =	ssyncadd.s32 $0xFFFFF800;
	s11 =	sshrl.u32 s11, $0x3  }
0x3b: {  	[hbm:s30], [sflag:s4] =	dma.local [spmem:s11], $0x800  }
0x3c: {  	_ =	swait.ge [sflag:s12], $0x800  }
0x3d: {  	[sflag:s12] =	ssyncset.done $0x0;
	s11 =	rddreg [dreg:$0x6]  }
0x3e: {  	s30 =	rddreg [dreg:$0xf];
	[sflag:s12] =	ssyncadd.s32 $0xFFFFF800;
	s11 =	sshrl.u32 s11, $0x3  }
0x3f: {  	[hbm:s30], [sflag:s4] =	dma.local [spmem:s11], $0x800  }
0x40: {  	_ =	swait.ge [sflag:s12], $0x800  }
0x41: {  	[sflag:s12] =	ssyncset.done $0x0;
	s11 =	rddreg [dreg:$0x7]  }
0x42: {  	s30 =	rddreg [dreg:$0x10];
	[sflag:s12] =	ssyncadd.s32 $0xFFFFF800;
	s11 =	sshrl.u32 s11, $0x3  }
0x43: {  	[hbm:s30], [sflag:s4] =	dma.local [spmem:s11], $0x800  }
0x44: {  	_ =	swait.ge [sflag:s12], $0x800  }
0x45: {  	[sflag:s12] =	ssyncset.done $0x0  }
0x46: {  	[sflag:s12] =	ssyncadd.s32 $0xFFFFF800;
	s12 =	rddreg [dreg:$0x8]  }
0x47: {  	s30 =	rddreg [dreg:$0x11];
	s11 =	sshrl.u32 s12, $0x3  }
0x48: {  	[hbm:s30], [sflag:s4] =	dma.local [spmem:s11], $0x780  }
0x49: {  	s11 =	simm.s32 $0xD  }
0x4a: {  	s30 =	rddreg [dreg:$0x4];
	_ =	swait.ge [sflag:s11], $0x780  }
0x4b: {  	s4 =	rddreg [dreg:$0x15]  }
0x4c: {  	s12 =	sadd.s32 $0x1, s4;
	s4 =	rddreg [dreg:$0x12]  }
0x4d: {  	p0 =	sne.s32 s12, s4  }
.Ltmp1:
0x4e: {  	_ = 	snop;
	(pc) =	sbr.rel @!p0 .LBB2_5-.Ltmp1, $3  }
0x4f: {  	_ =	sdelay $0x1  }
0x50: {  	[sflag:s11] =	ssyncset.done $0x0  }
0x51: {  	[sflag:s11] =	ssyncadd.s32 $0xFFFFF880  }
.LBB2_1:
0x52: {  	[dreg:$0x15] =	wrdreg s12  }
0x53: {  	s4 =	rddreg [dreg:$0x3]  }
0x54: {  	[tilespmem:s29], [sflag:$0xD] =	stream.linear.gather [hbm4b:s4+s2], $0x4000, $0x38;
	[tilespmem:$0x1FF00] =	vst v63  }
0x55: {  	_ =	swait.ge [sflag:s11], $0x4000  }
0x56: {  	[sflag:s11] =	ssyncset.done $0x0  }
0x57: {  	[sflag:s11] =	ssyncadd.s32 $0xFFFFC000  }
0x58: {  	[spmem:s30] =	stream.linear.scatter [tilespmem:s29], [sflag:$0xD], $0x4000, $0x38;
	[tilespmem:$0x1FF00] =	vst v63  }
0x59: {  	_ =	swait.ge [sflag:s11], $0x4000  }
0x5a: {  	[sflag:s11] =	ssyncset.done $0x0  }
0x5b: {  	s30 =	rddreg [dreg:$0x5];
	[sflag:s11] =	ssyncadd.s32 $0xFFFFC000  }
0x5c: {  	[spmem:s30] =	stream.linear.scatter [tilespmem:s29], [sflag:$0xD], $0x4000, $0x38;
	[tilespmem:$0x1FF00] =	vst v63  }
0x5d: {  	_ =	swait.ge [sflag:s11], $0x4000  }
0x5e: {  	[sflag:s11] =	ssyncset.done $0x0  }
0x5f: {  	s12 =	rddreg [dreg:$0x6];
	[sflag:s11] =	ssyncadd.s32 $0xFFFFC000  }
0x60: {  	[spmem:s12] =	stream.linear.scatter [tilespmem:s29], [sflag:$0xD], $0x4000, $0x38;
	[tilespmem:$0x1FF00] =	vst v63  }
0x61: {  	_ =	swait.ge [sflag:s11], $0x4000  }
0x62: {  	[sflag:s11] =	ssyncset.done $0x0  }
0x63: {  	s30 =	rddreg [dreg:$0x7];
	[sflag:s11] =	ssyncadd.s32 $0xFFFFC000  }
0x64: {  	[spmem:s30] =	stream.linear.scatter [tilespmem:s29], [sflag:$0xD], $0x4000, $0x38;
	[tilespmem:$0x1FF00] =	vst v63  }
0x65: {  	_ =	swait.ge [sflag:s11], $0x4000  }
0x66: {  	[sflag:s11] =	ssyncset.done $0x0  }
0x67: {  	s12 =	rddreg [dreg:$0x8];
	[sflag:s11] =	ssyncadd.s32 $0xFFFFC000  }
0x68: {  	[spmem:s12] =	stream.linear.scatter [tilespmem:s29], [sflag:$0xD], $0x3C00, $0x38;
	[tilespmem:$0x1FF00] =	vst v63  }
0x69: {  	_ =	swait.ge [sflag:s11], $0x3C00  }
0x6a: {  	[sflag:s11] =	ssyncset.done $0x0  }
0x6b: {  	[sflag:s11] =	ssyncadd.s32 $0xFFFFC400  }
0x6c: {  	[bflag:$0x0] =	sbarrier.arrive $0xFFFF  }
0x6d: {  	s30 =	rddreg [dreg:$0x9]  }
0x6e: {  	[tilespmem:s2], [sflag:$0x1] =	stream.linear.gather [hbm4b:s30+s2], $0x80, $0x38;
	[tilespmem:$0x1FF00] =	vst v63  }
0x6f: {  	s11 =	rddreg [dreg:$0xa]  }
0x70: {  	[tilespmem:s31], [sflag:$0x4] =	stream.linear.gather [hbm4b:s11+s2], $0x80, $0x38;
	[tilespmem:$0x1FF00] =	vst v63  }
0x71: {  	_ =	swait.ge [sflag:s0], $0x80  }
0x72: {  	[sflag:s0] =	ssyncset.done $0x0  }
0x73: {  	[sflag:s0] =	ssyncadd.s32 $0xFFFFFF80  }
0x74: {  	_ =	swait.ge [sflag:s3], $0x80  }
0x75: {  	[sflag:s3] =	ssyncset.done $0x0  }
0x76: {  	[sflag:s3] =	ssyncadd.s32 $0xFFFFFF80  }
0x77: {  	[tilespmem:s29], [sflag:$0x7] =	stream.indirect.gather [hbm4b:s7+s6], $0x80, s2, s6, $0xb8;
	[tilespmem:$0x1FF00] =	vst v63  }
0x78: {  	s12 =	rddreg [dreg:$0xb]  }
0x79: {  	[tilespmem:s6], [sflag:$0x2] =	stream.linear.gather [hbm4b:s12+s2], $0x80, $0x38;
	[tilespmem:$0x1FF00] =	vst v63  }
0x7a: {  	s30 =	rddreg [dreg:$0xc]  }
0x7b: {  	[tilespmem:s13], [sflag:$0x5] =	stream.linear.gather [hbm4b:s30+s2], $0x80, $0x38;
	[tilespmem:$0x1FF00] =	vst v63  }
0x7c: {  	_ =	swait.ge [sflag:s14], $0x80  }
0x7d: {  	[sflag:s14] =	ssyncset.done $0x0  }
0x7e: {  	[sflag:s14] =	ssyncadd.s32 $0xFFFFFF80  }
0x7f: {  	_ =	swait.ge [sflag:s15], $0x80  }
0x80: {  	[sflag:s15] =	ssyncset.done $0x0  }
0x81: {  	s11 =	simm.s32 $0x0;
	s12 =	rddreg [dreg:$0x14];
	[sflag:s15] =	ssyncadd.s32 $0xFFFFFF80  }
0x82: {  	[tilespmem:s16], [sflag:$0x8] =	stream.indirect.gather [hbm4b:s7+s6], $0x80, s6, s6, $0xb8;
	[tilespmem:$0x1FF00] =	vst v63  }
.LBB2_2:
0x83: {  	_ =	swait.ge [sflag:s17], $0x4000  }
0x84: {  	p0 =	seq.s32 s11, $0x0;
	[sflag:s17] =	ssyncset.done $0x0  }
0x85: {  	s30 =	simm.s32 @!p0 $0xC;
	[sflag:s17] =	ssyncadd.s32 $0xFFFFC000  }
0x86: {  	[spmem:s1] =	stream.indirect.scatter.add.f32 [tilespmem:s29], [sflag:$0xA], $0x80, s31, s6, $0xb8;
	[tilespmem:$0x1FF00] =	vst v63  }
0x87: {  	_ =	swait.ge @!p0 [sflag:s30], $0x4000  }
0x88: {  	[sflag:s30] =	ssyncset.done @!p0 $0x0  }
0x89: {  	s4 =	sadd.s32 s11, s28;
	[sflag:s30] =	ssyncadd.s32 @!p0 $0xFFFFC000  }
0x8a: {  	[tilespmem:s18], [sflag:$0x3] =	stream.linear.gather [hbm4b:s4+s2], $0x80, $0x38;
	[tilespmem:$0x1FF00] =	vst v63  }
0x8b: {  	s4 =	sadd.s32 s11, s26  }
0x8c: {  	[tilespmem:s19], [sflag:$0x6] =	stream.linear.gather [hbm4b:s4+s2], $0x80, $0x38;
	[tilespmem:$0x1FF00] =	vst v63  }
0x8d: {  	_ =	swait.ge [sflag:s20], $0x80  }
0x8e: {  	[sflag:s20] =	ssyncset.done $0x0  }
0x8f: {  	[sflag:s20] =	ssyncadd.s32 $0xFFFFFF80  }
0x90: {  	_ =	swait.ge [sflag:s21], $0x80  }
0x91: {  	[sflag:s21] =	ssyncset.done $0x0  }
0x92: {  	p0 =	seq.s32 s11, $0x9F0;
	[sflag:s21] =	ssyncadd.s32 $0xFFFFFF80  }
0x93: {  	[tilespmem:s22], [sflag:$0x9] =	stream.indirect.gather [hbm4b:s7+s6], $0x80, s18, s6, $0xb8;
	[tilespmem:$0x1FF00] =	vst v63  }
.Ltmp2:
0x94: {  	_ = 	snop;
	(pc) =	sbr.rel @p0 .LBB2_4-.Ltmp2, $4  }
0x95: {  	_ =	swait.ge [sflag:s25], $0x4000  }
0x96: {  	[sflag:s25] =	ssyncset.done $0x0  }
0x97: {  	[sflag:s25] =	ssyncadd.s32 $0xFFFFC000  }
0x98: {  	[spmem:s1] =	stream.indirect.scatter.add.f32 [tilespmem:s16], [sflag:$0xB], $0x80, s13, s6, $0xb8;
	[tilespmem:$0x1FF00] =	vst v63  }
0x99: {  	_ =	swait.ge [sflag:s9], $0x4000  }
0x9a: {  	s30 =	sshrl.u32 s12, $0x3;
	[sflag:s9] =	ssyncset.done $0x0  }
0x9b: {  	s4 =	sadd.s32 s5, s30;
	[sflag:s9] =	ssyncadd.s32 $0xFFFFC000  }
0x9c: {  	[tilespmem:s2], [sflag:$0x1] =	stream.linear.gather [hbm4b:s4+s2], $0x80, $0x38;
	[tilespmem:$0x1FF00] =	vst v63  }
0x9d: {  	s30 =	sadd.s32 s23, s30  }
0x9e: {  	[tilespmem:s31], [sflag:$0x4] =	stream.linear.gather [hbm4b:s30+s2], $0x80, $0x38;
	[tilespmem:$0x1FF00] =	vst v63  }
0x9f: {  	_ =	swait.ge [sflag:s0], $0x80  }
0xa0: {  	[sflag:s0] =	ssyncset.done $0x0  }
0xa1: {  	[sflag:s0] =	ssyncadd.s32 $0xFFFFFF80  }
0xa2: {  	_ =	swait.ge [sflag:s3], $0x80  }
0xa3: {  	[sflag:s3] =	ssyncset.done $0x0  }
0xa4: {  	[sflag:s3] =	ssyncadd.s32 $0xFFFFFF80  }
0xa5: {  	[tilespmem:s29], [sflag:$0x7] =	stream.indirect.gather [hbm4b:s7+s6], $0x80, s2, s6, $0xb8;
	[tilespmem:$0x1FF00] =	vst v63  }
0xa6: {  	_ =	swait.ge [sflag:s8], $0x4000  }
0xa7: {  	[sflag:s8] =	ssyncset.done $0x0  }
0xa8: {  	[sflag:s8] =	ssyncadd.s32 $0xFFFFC000  }
0xa9: {  	[spmem:s1] =	stream.indirect.scatter.add.f32 [tilespmem:s22], [sflag:$0xC], $0x80, s19, s6, $0xb8;
	[tilespmem:$0x1FF00] =	vst v63  }
0xaa: {  	_ =	swait.ge [sflag:s10], $0x4000  }
0xab: {  	[sflag:s10] =	ssyncset.done $0x0  }
0xac: {  	s30 =	sadd.s32 s11, s24;
	[sflag:s10] =	ssyncadd.s32 $0xFFFFC000  }
0xad: {  	[tilespmem:s6], [sflag:$0x2] =	stream.linear.gather [hbm4b:s30+s2], $0x80, $0x38;
	[tilespmem:$0x1FF00] =	vst v63  }
0xae: {  	s30 =	rddreg [dreg:$0x13]  }
0xaf: {  	s4 =	sadd.s32 s11, s30  }
0xb0: {  	[tilespmem:s13], [sflag:$0x5] =	stream.linear.gather [hbm4b:s4+s2], $0x80, $0x38;
	[tilespmem:$0x1FF00] =	vst v63  }
0xb1: {  	_ =	swait.ge [sflag:s14], $0x80  }
0xb2: {  	[sflag:s14] =	ssyncset.done $0x0  }
.Ltmp3:
0xb3: {  	[sflag:s14] =	ssyncadd.s32 $0xFFFFFF80;
	(pc) =	sbr.rel .LBB2_2-.Ltmp3, $4  }
0xb4: {  	_ =	swait.ge [sflag:s15], $0x80  }
0xb5: {  	[sflag:s15] =	ssyncset.done $0x0  }
0xb6: {  	s12 =	sadd.s32 $0x180, s12;
	s11 =	sadd.s32 $0x30, s11;
	[sflag:s15] =	ssyncadd.s32 $0xFFFFFF80  }
0xb7: {  	[tilespmem:s16], [sflag:$0x8] =	stream.indirect.gather [hbm4b:s7+s6], $0x80, s6, s6, $0xb8;
	[tilespmem:$0x1FF00] =	vst v63  }
.LBB2_5:
0xb8: {  	_ =	sfence.sel $0x180000  }
0xb9: {  	[bflag:$0x0] =	sbarrier.arrive $0xFFFF  }
0xba: {  	_ =	strace $0x9000004A  }
0xbb: {  	s0 =	stileid.u32;
	[bflag:$0x2] =	sbarrier.arrive $0xFFFF  }
0xbc: {  	p0 =	sne.s32 s0, $0x0;
	s0 =	rddreg [dreg:$0x2]  }
0xbd: {  	s0 =	sadd.s32 @!p0 $0x100000, s0  }
0xbe: {  	[sflag:s0] =	ssyncadd.tile.s32 @!p0 $0x1;
	_ =	shalt  }
.Lfunc_end2:
_tile_overlayer_lowered:
.L_overlay_start_2:
0xbf: {  	(tag) =	ssettag $0x2  }
0xc0: {  	s0 =	rddreg [dreg:$0x0];
	s2 =	stileid.u32  }
0xc1: {  	s1 =	rddreg [dreg:$0x1];
	p0 =	sne.s32 s2, $0x0  }
0xc2: {  	s3 =	rddreg [dreg:$0x2];
	[bflag:$0x3] =	sbarrier.arrive $0xFFFF;
	s2 =	simm.s32 @!p0 $0x1C0D  }
0xc3: {  	[timem:s3], [sflag:s2] =	dma.local @!p0 [hbm:s0], s1  }
0xc4: {  	s0 =	simm.s32 @!p0 $0xD  }
0xc5: {  	_ =	swait.ge @!p0 [sflag:s0], s1  }
0xc6: {  	s1 =	ssub.s32 @!p0 $0x0, s1;
	[sflag:s0] =	ssyncset.done @!p0 $0x0  }
0xc7: {  	[sflag:s0] =	ssyncadd.s32 @!p0 s1  }
0xc8: {  	[bflag:$0x3] =	sbarrier.arrive $0xFFFF  }
0xc9: {  	_ =	shalt  }

// kernel: kernel.17.cloned.1.call-start
scs
__scs_entry_jumppad:
0x0: {  	(pc) =	sbr.rel $0x88, $3  }
0x1: {  	(tag) =	ssettag $0x0;
	lr =	simm.s32 $0x1  }
0x2: {  	[smem:$0x3F84] =	sst lr;
	_ =	strace $0xD0000000  }
0x3: {  	_ = 	snop  }
0x4: {  	_ = 	snop  }
0x5: {  	_ = 	snop  }
0x6: {  	_ = 	snop  }
0x7: {  	_ = 	snop  }
__scs_overlays_trampoline_lowered:
0x8: {  	[smem:$0x3F93] =	sst s0  }
0x9: {  	[smem:$0x3F94] =	sst s1  }
0xa: {  	[smem:$0x3F95] =	sst s2  }
0xb: {  	[smem:$0x3F96] =	sst s3  }
0xc: {  	[smem:$0x3F97] =	sst s4  }
0xd: {  	[smem:$0x3F98] =	sst s5  }
0xe: {  	[smem:$0x3F99] =	sst s6  }
0xf: {  	[smem:$0x3F9A] =	sst s7  }
0x10: {  	[smem:$0x3F9B] =	sst s8  }
0x11: {  	[smem:$0x3F9C] =	sst s9;
	s0 =	simm.s32 @!p0 $0x0  }
0x12: {  	s1 =	sld [smem:$0x3F82];
	s0 =	simm.s32 @p0 $0x1  }
0x13: {  	[smem:$0x3F9D] =	sst s0;
	s0 =	simm.s32 @!p1 $0x0  }
0x14: {  	s2 =	sld [smem:$0x3F81];
	s0 =	simm.s32 @p1 $0x1  }
0x15: {  	[smem:$0x3F9E] =	sst s0;
	s0 =	simm.s32 @!p2 $0x0  }
0x16: {  	s3 =	sld [smem:$0x3FDB];
	s0 =	simm.s32 @p2 $0x1  }
0x17: {  	s4 =	simm.s32 $0x1BF5;
	[smem:$0x3FA0] =	sst s0  }
0x18: {  	s0 =	sld [smem:$0x3F83];
	_ =	swait.ge [sflag:s4], $0x0  }
0x19: {  	s7 =	sld [smem:$0x3F84]  }
0x1a: {  	s8 =	sadd.s32 $0xFFFFE003, lr  }
0x1b: {  	s9 =	sadd.s32 $0xFFFFFEF7, lr;
	s5 =	simm.s32 $0xFFFFFFFF;
	p2 =	slt.u32 s8, $0xFFFFF086  }
0x1c: {  	p1 =	slt.u32 s9, $0xF7A;
	s5 =	simm.s32 @!p2 $0x0  }
0x1d: {  	s5 =	simm.s32 @p1 $0x1;
	p0 =	seq.s32 s7, s2  }
0x1e: {  	s7 =	smul.u32 @!p0 $0xF7A, s2;
	p2 =	seq.s32 @!p0 s5, $0x0  }
0x1f: {  	s9 =	smul.u32 $0xF7A, s1;
	s8 =	simm.s32 @!p0 $0x1BF5;
	p2 =	por !p2, p0  }
0x20: {  	[sflag:s8] =	ssyncset.s32 @!p0 $0xFFFFF086;
	s6 =	sadd.s32 @!p0 s3, s7;
	s7 =	simm.s32 @!p0 $0x108  }
0x21: {  	s3 =	sadd.s32 s3, s9;
	s6 =	sadd.s32 @!p0 $0x88, s6;
	s7 =	simm.s32 @p2 $0x1082  }
0x22: {  	[simem:s7], [sflag:s8] =	dma.local @!p0 [hbm:s6], $0xF7A  }
0x23: {  	s9 =	sor.u32 $0xD0000000, s2;
	s6 =	simm.s32 $0x108;
	_ =	swait.ge @!p0 [sflag:s8], $0x0  }
0x24: {  	s3 =	sadd.s32 $0x88, s3;
	s6 =	simm.s32 @!p1 $0x1082;
	[sflag:s4] =	ssyncset.s32 $0xFFFFF086  }
0x25: {  	[simem:s6], [sflag:s4] =	dma.local [hbm:s3], $0xF7A  }
0x26: {  	[smem:$0x3F84] =	sst s1;
	(tag) =	ssettag s2;
	_ =	strace s9  }
0x27: {  	s1 =	sld [smem:$0x3F94]  }
0x28: {  	s2 =	sld [smem:$0x3F95]  }
0x29: {  	s4 =	sld [smem:$0x3F97]  }
0x2a: {  	p0 =	seq.s32 s5, $0x0;
	s5 =	sld [smem:$0x3F98]  }
0x2b: {  	s6 =	sld [smem:$0x3F99]  }
0x2c: {  	s7 =	sld [smem:$0x3F9A]  }
0x2d: {  	s3 =	simm.s32 $0x108;
	s8 =	sld [smem:$0x3F9B]  }
0x2e: {  	s3 =	simm.s32 @!p0 $0x1082;
	s9 =	sld [smem:$0x3F9C]  }
0x2f: {  	lr =	sadd.s32 s0, s3;
	s0 =	sld [smem:$0x3F93]  }
0x30: {  	s3 =	sld [smem:$0x3F96]  }
0x31: {  	[smem:$0x3F9F] =	sst s10  }
0x32: {  	s10 =	sld [smem:$0x3F9D];
	_ =	sdelay $0x3  }
0x33: {  	p0 =	seq.s32 s10, $0x1;
	s10 =	sld [smem:$0x3F9F];
	_ =	sdelay $0x3  }
0x34: {  	[smem:$0x3F9F] =	sst s10  }
0x35: {  	s10 =	sld [smem:$0x3F9E];
	_ =	sdelay $0x3  }
0x36: {  	p1 =	seq.s32 s10, $0x1;
	s10 =	sld [smem:$0x3F9F];
	_ =	sdelay $0x3  }
0x37: {  	[smem:$0x3F9F] =	sst s10  }
0x38: {  	s10 =	sld [smem:$0x3FA0]  }
0x39: {  	_ = 	snop;
	(pc) =	sbr.ind lr, $3  }
0x3a: {  	_ = 	snop  }
0x3b: {  	_ = 	snop  }
0x3c: {  	p2 =	seq.s32 s10, $0x1;
	s10 =	sld [smem:$0x3F9F]  }
0x3d: {  	_ =	shalt  }
0x3e: {  	_ =	shalt  }
0x3f: {  	_ =	shalt  }
0x40: {  	_ =	shalt  }
0x41: {  	_ =	shalt  }
0x42: {  	_ =	shalt  }
0x43: {  	_ =	shalt  }
0x44: {  	_ =	shalt  }
0x45: {  	_ =	shalt  }
0x46: {  	_ =	shalt  }
0x47: {  	_ =	shalt  }
0x48: {  	_ =	shalt  }
0x49: {  	_ =	shalt  }
0x4a: {  	_ =	shalt  }
0x4b: {  	_ =	shalt  }
0x4c: {  	_ =	shalt  }
0x4d: {  	_ =	shalt  }
0x4e: {  	_ =	shalt  }
0x4f: {  	_ =	shalt  }
0x50: {  	_ =	shalt  }
0x51: {  	_ =	shalt  }
0x52: {  	_ =	shalt  }
0x53: {  	_ =	shalt  }
0x54: {  	_ =	shalt  }
0x55: {  	_ =	shalt  }
0x56: {  	_ =	shalt  }
0x57: {  	_ =	shalt  }
0x58: {  	_ =	shalt  }
0x59: {  	_ =	shalt  }
0x5a: {  	_ =	shalt  }
0x5b: {  	_ =	shalt  }
0x5c: {  	_ =	shalt  }
0x5d: {  	_ =	shalt  }
0x5e: {  	_ =	shalt  }
0x5f: {  	_ =	shalt  }
0x60: {  	_ =	shalt  }
0x61: {  	_ =	shalt  }
0x62: {  	_ =	shalt  }
0x63: {  	_ =	shalt  }
0x64: {  	_ =	shalt  }
0x65: {  	_ =	shalt  }
0x66: {  	_ =	shalt  }
0x67: {  	_ =	shalt  }
0x68: {  	_ =	shalt  }
0x69: {  	_ =	shalt  }
0x6a: {  	_ =	shalt  }
0x6b: {  	_ =	shalt  }
0x6c: {  	_ =	shalt  }
0x6d: {  	_ =	shalt  }
0x6e: {  	_ =	shalt  }
0x6f: {  	_ =	shalt  }
0x70: {  	_ =	shalt  }
0x71: {  	_ =	shalt  }
0x72: {  	_ =	shalt  }
0x73: {  	_ =	shalt  }
0x74: {  	_ =	shalt  }
0x75: {  	_ =	shalt  }
0x76: {  	_ =	shalt  }
0x77: {  	_ =	shalt  }
0x78: {  	_ =	shalt  }
0x79: {  	_ =	shalt  }
0x7a: {  	_ =	shalt  }
0x7b: {  	_ =	shalt  }
0x7c: {  	_ =	shalt  }
0x7d: {  	_ =	shalt  }
0x7e: {  	_ =	shalt  }
0x7f: {  	_ =	shalt  }
0x80: {  	_ =	shalt  }
0x81: {  	_ =	shalt  }
0x82: {  	_ =	shalt  }
0x83: {  	_ =	shalt  }
0x84: {  	_ =	shalt  }
0x85: {  	_ =	shalt  }
0x86: {  	_ =	shalt  }
0x87: {  	_ =	shalt  }
.Lfunc_end0:
.L_simem_size_0:
called_computation.2_lowered:
.L_overlay_start_0:
0x88: {  	s2 =	sld [smem:$0x3FD9]  }
0x89: {  	s3 =	sld [smem:$0x3FFE];
	_ =	sdelay $0x1  }
0x8a: {  	s1 =	srdreg.scid  }
0x8b: {  	s0 =	sand.u32 $0x1, s1  }
0x8c: {  	s16 =	sshll.u32 s0, $0xA;
	s2 =	sadd.s32 s3, s2  }
0x8d: {  	s2 =	sadd.s32 s2, s16  }
0x8e: {  	[smem:$0x3FAB] =	sst s2  }
0x8f: {  	_ = 	snop  }
0x90: {  	(tm) =	ssettm $0x1  }
0x91: {  	s17 =	sld [smem:$0x3FFB];
	_ =	sdelay $0x3  }
0x92: {  	_ =	strace s17  }
0x93: {  	s2 =	sld [smem:$0x3FFC];
	_ =	sdelay $0x3  }
0x94: {  	_ =	strace s2  }
0x95: {  	s2 =	sld [smem:$0x3FFD];
	_ =	sdelay $0x3  }
0x96: {  	_ =	strace s2  }
0x97: {  	_ =	strace $0x8FFFFFFF  }
0x98: {  	s18 =	sld [smem:$0x3FDB];
	_ =	sdelay $0x1  }
0x99: {  	s19 =	simm.s32 $_scs_section_size  }
0x9a: {  	s4 =	simm.s32 $_size__tile_overlayer_lowered;
	s5 =	simm.s32 $_tile_overlayer_lowered  }
0x9b: {  	s22 =	simm.s32 $0x1BFF;
	s21 =	sshll.u32 s5, $0x1;
	s2 =	sadd.s32 s19, s18  }
0x9c: {  	s6 =	simm.s32 $0x0;
	s20 =	sshll.u32 s4, $0x1;
	s4 =	sadd.s32 s21, s2  }
0x9d: {  	[timem:s6], [sflag:s22] =	dma.local [hbm:s4], s20  }
0x9e: {  	_ =	swait.ge [sflag:s22], s20  }
0x9f: {  	s3 =	ssub.s32 $0x0, s20;
	[sflag:s22] =	ssyncset.done $0x0  }
0xa0: {  	[sflag:s22] =	ssyncadd.s32 s3;
	_ =	sdelay $0x1  }
0xa1: {  	s23 =	simm.s32 $0x1B8B  }
0xa2: {  	_ =	swait.ge [sflag:s23], $0x1  }
0xa3: {  	[sflag:s23] =	ssyncset.done $0x0  }
0xa4: {  	s25 =	simm.s32 $0x1B8E;
	s24 =	sld [smem:$0x3FFE];
	[sflag:s23] =	ssyncadd.s32 $0xFFFFFFFF  }
0xa5: {  	s26 =	simm.s32 $execute0_lowered;
	[smem:$0x3FD2] =	sst s25  }
0xa6: {  	s4 =	sshll.u32 s26, $0x1;
	_ =	strace $0x8000004C;
	[dreg:$0x1] =	wrdreg $0xFFFFFFFF  }
0xa7: {  	s28 =	simm.s32 $_size_execute0_lowered;
	s2 =	sadd.s32 s2, s4;
	[dreg:$0x0] =	wrdreg $0x0  }
0xa8: {  	s4 =	sshll.u32 s28, $0x1;
	[dreg:$0x2] =	wrdreg s2  }
0xa9: {  	[dreg:$0x3] =	wrdreg s4  }
0xaa: {  	[dreg:$0x4] =	wrdreg $0xC0  }
0xab: {  	_ =	task [dreg:s6], $0x5FFFF  }
0xac: {  	[dreg:$0x1] =	wrdreg $0xFFFFFFFF  }
0xad: {  	[dreg:$0x0] =	wrdreg $0x60  }
0xae: {  	[dreg:$0x2] =	wrdreg s24  }
0xaf: {  	[dreg:$0x3] =	wrdreg $0xC3000  }
0xb0: {  	[dreg:$0x4] =	wrdreg $0x9  }
0xb1: {  	_ =	task.clear_ibuf [dreg:s6], $0x5FFFF;
	_ =	strace $0x9000004C  }
0xb2: {  	s29 =	simm.s32 $0x9;
	_ =	strace $0x8000004E  }
0xb3: {  	_ =	swait.ge [sflag:s29], $0x1  }
0xb4: {  	[sflag:s29] =	ssyncadd.s32 $0xFFFFFFFF  }
0xb5: {  	_ =	strace $0x9000004E  }
0xb6: {  	_ =	sfence  }
0xb7: {  	s30 =	sld [smem:$0x0];
	_ =	sdelay $0x2  }
0xb8: {  	s31 =	sshll.u32 s1, $0xD;
	s1 =	sshrl.u32 s1, $0x2  }
0xb9: {  	s3 =	sand.u32 $0x4000, s31;
	s1 =	sadd.s32 s1, s30  }
0xba: {  	s0 =	sor.u32 s3, s0;
	s1 =	sshll.u32 s1, $0x11  }
0xbb: {  	s0 =	sor.u32 s1, s0  }
0xbc: {  	s0 =	sadd.s32 $0x8F2B, s0  }
0xbd: {  	[sflag:s0] =	ssyncadd.remote.s32 $0x1  }
0xbe: {  	_ =	sfence.sel $0xFFFF  }
0xbf: {  	[dreg:$0x0] =	wrdreg $0xFFFFFFFF;
	(pc) =	sbr.abs _section_cstart, $3  }
0xc0: {  	[dreg:$0x1] =	wrdreg $0xFFFFFFFF  }
0xc1: {  	_ =	task.clear_ibuf [dreg:s6], $0x2FFFF;
	_ =	strace $0x9FFFFFFF  }
0xc2: {  	(tm) =	ssettm $0x7FFFFFFF  }
0xc3: {  	_ =	shalt  }
tec
execute0_lowered:
.L_overlay_start_1:
0x0: {  	(tag) =	ssettag $0x1  }
0x1: {  	s0 =	rddreg [dreg:$0x0]  }
0x2: {  	s1 =	rddreg [dreg:$0x1];
	s2 =	simm.s32 $0x0  }
0x3: {  	s3 =	srdreg.scid;
	s4 =	stileid.u32;
	s29 =	simm.s32 $0x300  }
0x4: {  	s31 =	simm.s32 $0x180;
	[smem:$0x7FF] =	sst s2;
	s16 =	sadd.s32 $0x1CA00, s0  }
0x5: {  	s5 =	sadd.s32 $0x8600, s0;
	s3 =	sand.u32 $0x1, s3;
	s6 =	sadd.s32 $0x31600, s0  }
0x6: {  	s8 =	smul.u32 $0x4F000, s4;
	s7 =	sadd.s32 $0x59000, s0;
	s0 =	sadd.s32 $0x80200, s0  }
0x7: {  	s10 =	sshll.u32 s4, $0x1;
	s11 =	smul.u32 $0x13C00, s4;
	_ =	strace $0x8000004D  }
0x8: {  	[dreg:$0x3] =	wrdreg s6;
	s20 =	ssub.s32 $0x2, s3;
	s15 =	smul.u32 $0x13C000, s3  }
0x9: {  	s21 =	sor.u32 s3, s10;
	s3 =	smul.u32 $0x5100, s3;
	s9 =	sshrl.u32 s20, $0x1  }
0xa: {  	s8 =	sshrl.u32 s8, $0x2;
	s22 =	sadd.s32 $0x4000, s11;
	s23 =	sadd.s32 $0x8000, s11  }
0xb: {  	s25 =	sadd.s32 $0xC000, s11;
	s26 =	sadd.s32 $0x10000, s11;
	s6 =	ssub.s32 s20, s9  }
0xc: {  	s30 =	sadd.s32 s8, s1;
	s9 =	smul.u32 $0x5100, s21;
	s12 =	sadd.s32 s22, s1  }
0xd: {  	s24 =	sadd.s32 s23, s1;
	s13 =	sadd.s32 s25, s1;
	s14 =	sadd.s32 s26, s1  }
0xe: {  	s20 =	sadd.s32 s11, s15;
	s8 =	sadd.s32 s15, s22;
	[dreg:$0x5] =	wrdreg s12  }
0xf: {  	s10 =	sadd.s32 s15, s23;
	s21 =	sadd.s32 s15, s25;
	[dreg:$0x6] =	wrdreg s24  }
0x10: {  	s22 =	sadd.s32 s15, s26;
	s23 =	smul.u32 $0xA200, s4;
	[dreg:$0x7] =	wrdreg s13  }
0x11: {  	s11 =	simm.s32 $0xD;
	[dreg:$0x8] =	wrdreg s14;
	s8 =	sshrl.u32 s8, $0x3  }
0x12: {  	s26 =	sshrl.u32 s10, $0x3;
	s14 =	sshrl.u32 s21, $0x3;
	s15 =	sshrl.u32 s22, $0x3  }
0x13: {  	s13 =	simm.s32 $0x200;
	s12 =	simm.s32 $0x0;
	[dreg:$0x4] =	wrdreg s30  }
0x14: {  	s9 =	sshrl.u32 s9, $0x3;
	s8 =	sadd.s32 s0, s8;
	s10 =	sadd.s32 s0, s26  }
0x15: {  	s3 =	sadd.s32 s3, s23;
	s17 =	sor.u32 $0x10, s9;
	[dreg:$0xe] =	wrdreg s8  }
0x16: {  	s18 =	sadd.s32 s16, s9;
	s9 =	sadd.s32 s5, s9;
	[dreg:$0xf] =	wrdreg s10  }
0x17: {  	s22 =	sadd.s32 $0x100, s3;
	s23 =	sadd.s32 $0x180, s3;
	[dreg:$0x9] =	wrdreg s18  }
0x18: {  	s8 =	simm.s32 $0x9;
	s10 =	simm.s32 $0xB;
	[dreg:$0xa] =	wrdreg s9  }
0x19: {  	s19 =	sadd.s32 s16, s17;
	s24 =	sadd.s32 s5, s17;
	s9 =	sshrl.u32 s20, $0x3  }
0x1a: {  	s17 =	sadd.s32 $0x200, s3;
	s18 =	sadd.s32 s0, s14;
	[dreg:$0x14] =	wrdreg s23  }
0x1b: {  	s20 =	smax.u32 s6, $0x1;
	s23 =	smov.u32 s5;
	[dreg:$0xb] =	wrdreg s19  }
0x1c: {  	s3 =	simm.s32 $0x4;
	s6 =	simm.s32 $0x80;
	[dreg:$0xc] =	wrdreg s24  }
0x1d: {  	s14 =	simm.s32 $0x2;
	s25 =	sadd.s32 s0, s9;
	[dreg:$0x10] =	wrdreg s18  }
0x1e: {  	s0 =	sadd.s32 s0, s15;
	s19 =	sshrl.u32 s17, $0x3;
	[dreg:$0x12] =	wrdreg s20  }
0x1f: {  	s15 =	simm.s32 $0x5;
	s17 =	simm.s32 $0x7;
	s18 =	simm.s32 $0x100  }
0x20: {  	s20 =	simm.s32 $0x3;
	s9 =	simm.s32 $0xA;
	[dreg:$0xd] =	wrdreg s25  }
.Ltmp0:
0x21: {  	[dreg:$0x11] =	wrdreg s0;
	s21 =	sadd.s32 s19, s5;
	(pc) =	sbr.rel .LBB2_1-.Ltmp0, $4  }
0x22: {  	s24 =	sadd.s32 s19, s16;
	s25 =	sshrl.u32 s22, $0x3;
	s0 =	simm.s32 $0x1  }
0x23: {  	s19 =	simm.s32 $0x280;
	s22 =	simm.s32 $0x8300;
	[dreg:$0x13] =	wrdreg s21  }
0x24: {  	s26 =	sadd.s32 s25, s5;
	s5 =	smov.u32 s16;
	s28 =	sadd.s32 s25, s16  }
0x25: {  	s16 =	simm.s32 $0x4300;
	s21 =	simm.s32 $0x6;
	s25 =	simm.s32 $0x8  }
.LBB2_4:
0x26: {  	_ =	swait.ge [sflag:s8], $0x4000  }
0x27: {  	[sflag:s8] =	ssyncset.done $0x0  }
0x28: {  	[sflag:s8] =	ssyncadd.s32 $0xFFFFC000  }
0x29: {  	[spmem:s1] =	stream.indirect.scatter.add.f32 [tilespmem:s22], [sflag:$0xC], $0x80, s19, s6, $0xb8;
	[tilespmem:$0x1FF00] =	vst v63  }
0x2a: {  	_ =	swait.ge [sflag:s9], $0x4000  }
0x2b: {  	[sflag:s9] =	ssyncset.done $0x0  }
0x2c: {  	[sflag:s9] =	ssyncadd.s32 $0xFFFFC000  }
0x2d: {  	_ =	swait.ge [sflag:s10], $0x4000  }
0x2e: {  	[sflag:s10] =	ssyncset.done $0x0  }
0x2f: {  	s4 =	simm.s32 $0xC;
	[sflag:s10] =	ssyncadd.s32 $0xFFFFC000  }
0x30: {  	_ =	swait.ge [sflag:s4], $0x4000  }
0x31: {  	[sflag:s4] =	ssyncset.done $0x0  }
0x32: {  	[sflag:s4] =	ssyncadd.s32 $0xFFFFC000  }
0x33: {  	s11 =	stileid.u32;
	[bflag:$0x0] =	sbarrier.arrive $0xFFFF  }
0x34: {  	s4 =	sshll.u32 s11, $0x6;
	s11 =	rddreg [dreg:$0x4]  }
0x35: {  	s4 =	sor.u32 $0x1C0D, s4;
	s12 =	rddreg [dreg:$0xd];
	s11 =	sshrl.u32 s11, $0x3  }
0x36: {  	[hbm:s12], [sflag:s4] =	dma.local [spmem:s11], $0x800  }
0x37: {  	s12 =	simm.s32 $0xD  }
0x38: {  	_ =	swait.ge [sflag:s12], $0x800  }
0x39: {  	[sflag:s12] =	ssyncset.done $0x0;
	s11 =	rddreg [dreg:$0x5]  }
0x3a: {  	s30 =	rddreg [dreg:$0xe];
	[sflag:s12] =	ssyncadd.s32 $0xFFFFF800;
	s11 =	sshrl.u32 s11, $0x3  }
0x3b: {  	[hbm:s30], [sflag:s4] =	dma.local [spmem:s11], $0x800  }
0x3c: {  	_ =	swait.ge [sflag:s12], $0x800  }
0x3d: {  	[sflag:s12] =	ssyncset.done $0x0;
	s11 =	rddreg [dreg:$0x6]  }
0x3e: {  	s30 =	rddreg [dreg:$0xf];
	[sflag:s12] =	ssyncadd.s32 $0xFFFFF800;
	s11 =	sshrl.u32 s11, $0x3  }
0x3f: {  	[hbm:s30], [sflag:s4] =	dma.local [spmem:s11], $0x800  }
0x40: {  	_ =	swait.ge [sflag:s12], $0x800  }
0x41: {  	[sflag:s12] =	ssyncset.done $0x0;
	s11 =	rddreg [dreg:$0x7]  }
0x42: {  	s30 =	rddreg [dreg:$0x10];
	[sflag:s12] =	ssyncadd.s32 $0xFFFFF800;
	s11 =	sshrl.u32 s11, $0x3  }
0x43: {  	[hbm:s30], [sflag:s4] =	dma.local [spmem:s11], $0x800  }
0x44: {  	_ =	swait.ge [sflag:s12], $0x800  }
0x45: {  	[sflag:s12] =	ssyncset.done $0x0  }
0x46: {  	[sflag:s12] =	ssyncadd.s32 $0xFFFFF800;
	s12 =	rddreg [dreg:$0x8]  }
0x47: {  	s30 =	rddreg [dreg:$0x11];
	s11 =	sshrl.u32 s12, $0x3  }
0x48: {  	[hbm:s30], [sflag:s4] =	dma.local [spmem:s11], $0x780  }
0x49: {  	s11 =	simm.s32 $0xD  }
0x4a: {  	s30 =	rddreg [dreg:$0x4];
	_ =	swait.ge [sflag:s11], $0x780  }
0x4b: {  	s4 =	rddreg [dreg:$0x15]  }
0x4c: {  	s12 =	sadd.s32 $0x1, s4;
	s4 =	rddreg [dreg:$0x12]  }
0x4d: {  	p0 =	sne.s32 s12, s4  }
.Ltmp1:
0x4e: {  	_ = 	snop;
	(pc) =	sbr.rel @!p0 .LBB2_5-.Ltmp1, $3  }
0x4f: {  	_ =	sdelay $0x1  }
0x50: {  	[sflag:s11] =	ssyncset.done $0x0  }
0x51: {  	[sflag:s11] =	ssyncadd.s32 $0xFFFFF880  }
.LBB2_1:
0x52: {  	[dreg:$0x15] =	wrdreg s12  }
0x53: {  	s4 =	rddreg [dreg:$0x3]  }
0x54: {  	[tilespmem:s29], [sflag:$0xD] =	stream.linear.gather [hbm4b:s4+s2], $0x4000, $0x38;
	[tilespmem:$0x1FF00] =	vst v63  }
0x55: {  	_ =	swait.ge [sflag:s11], $0x4000  }
0x56: {  	[sflag:s11] =	ssyncset.done $0x0  }
0x57: {  	[sflag:s11] =	ssyncadd.s32 $0xFFFFC000  }
0x58: {  	[spmem:s30] =	stream.linear.scatter [tilespmem:s29], [sflag:$0xD], $0x4000, $0x38;
	[tilespmem:$0x1FF00] =	vst v63  }
0x59: {  	_ =	swait.ge [sflag:s11], $0x4000  }
0x5a: {  	[sflag:s11] =	ssyncset.done $0x0  }
0x5b: {  	s30 =	rddreg [dreg:$0x5];
	[sflag:s11] =	ssyncadd.s32 $0xFFFFC000  }
0x5c: {  	[spmem:s30] =	stream.linear.scatter [tilespmem:s29], [sflag:$0xD], $0x4000, $0x38;
	[tilespmem:$0x1FF00] =	vst v63  }
0x5d: {  	_ =	swait.ge [sflag:s11], $0x4000  }
0x5e: {  	[sflag:s11] =	ssyncset.done $0x0  }
0x5f: {  	s12 =	rddreg [dreg:$0x6];
	[sflag:s11] =	ssyncadd.s32 $0xFFFFC000  }
0x60: {  	[spmem:s12] =	stream.linear.scatter [tilespmem:s29], [sflag:$0xD], $0x4000, $0x38;
	[tilespmem:$0x1FF00] =	vst v63  }
0x61: {  	_ =	swait.ge [sflag:s11], $0x4000  }
0x62: {  	[sflag:s11] =	ssyncset.done $0x0  }
0x63: {  	s30 =	rddreg [dreg:$0x7];
	[sflag:s11] =	ssyncadd.s32 $0xFFFFC000  }
0x64: {  	[spmem:s30] =	stream.linear.scatter [tilespmem:s29], [sflag:$0xD], $0x4000, $0x38;
	[tilespmem:$0x1FF00] =	vst v63  }
0x65: {  	_ =	swait.ge [sflag:s11], $0x4000  }
0x66: {  	[sflag:s11] =	ssyncset.done $0x0  }
0x67: {  	s12 =	rddreg [dreg:$0x8];
	[sflag:s11] =	ssyncadd.s32 $0xFFFFC000  }
0x68: {  	[spmem:s12] =	stream.linear.scatter [tilespmem:s29], [sflag:$0xD], $0x3C00, $0x38;
	[tilespmem:$0x1FF00] =	vst v63  }
0x69: {  	_ =	swait.ge [sflag:s11], $0x3C00  }
0x6a: {  	[sflag:s11] =	ssyncset.done $0x0  }
0x6b: {  	[sflag:s11] =	ssyncadd.s32 $0xFFFFC400  }
0x6c: {  	[bflag:$0x0] =	sbarrier.arrive $0xFFFF  }
0x6d: {  	s30 =	rddreg [dreg:$0x9]  }
0x6e: {  	[tilespmem:s2], [sflag:$0x1] =	stream.linear.gather [hbm4b:s30+s2], $0x80, $0x38;
	[tilespmem:$0x1FF00] =	vst v63  }
0x6f: {  	s11 =	rddreg [dreg:$0xa]  }
0x70: {  	[tilespmem:s31], [sflag:$0x4] =	stream.linear.gather [hbm4b:s11+s2], $0x80, $0x38;
	[tilespmem:$0x1FF00] =	vst v63  }
0x71: {  	_ =	swait.ge [sflag:s0], $0x80  }
0x72: {  	[sflag:s0] =	ssyncset.done $0x0  }
0x73: {  	[sflag:s0] =	ssyncadd.s32 $0xFFFFFF80  }
0x74: {  	_ =	swait.ge [sflag:s3], $0x80  }
0x75: {  	[sflag:s3] =	ssyncset.done $0x0  }
0x76: {  	[sflag:s3] =	ssyncadd.s32 $0xFFFFFF80  }
0x77: {  	[tilespmem:s29], [sflag:$0x7] =	stream.indirect.gather [hbm4b:s7+s6], $0x80, s2, s6, $0xb8;
	[tilespmem:$0x1FF00] =	vst v63  }
0x78: {  	s12 =	rddreg [dreg:$0xb]  }
0x79: {  	[tilespmem:s6], [sflag:$0x2] =	stream.linear.gather [hbm4b:s12+s2], $0x80, $0x38;
	[tilespmem:$0x1FF00] =	vst v63  }
0x7a: {  	s30 =	rddreg [dreg:$0xc]  }
0x7b: {  	[tilespmem:s13], [sflag:$0x5] =	stream.linear.gather [hbm4b:s30+s2], $0x80, $0x38;
	[tilespmem:$0x1FF00] =	vst v63  }
0x7c: {  	_ =	swait.ge [sflag:s14], $0x80  }
0x7d: {  	[sflag:s14] =	ssyncset.done $0x0  }
0x7e: {  	[sflag:s14] =	ssyncadd.s32 $0xFFFFFF80  }
0x7f: {  	_ =	swait.ge [sflag:s15], $0x80  }
0x80: {  	[sflag:s15] =	ssyncset.done $0x0  }
0x81: {  	s11 =	simm.s32 $0x0;
	s12 =	rddreg [dreg:$0x14];
	[sflag:s15] =	ssyncadd.s32 $0xFFFFFF80  }
0x82: {  	[tilespmem:s16], [sflag:$0x8] =	stream.indirect.gather [hbm4b:s7+s6], $0x80, s6, s6, $0xb8;
	[tilespmem:$0x1FF00] =	vst v63  }
.LBB2_2:
0x83: {  	_ =	swait.ge [sflag:s17], $0x4000  }
0x84: {  	p0 =	seq.s32 s11, $0x0;
	[sflag:s17] =	ssyncset.done $0x0  }
0x85: {  	s30 =	simm.s32 @!p0 $0xC;
	[sflag:s17] =	ssyncadd.s32 $0xFFFFC000  }
0x86: {  	[spmem:s1] =	stream.indirect.scatter.add.f32 [tilespmem:s29], [sflag:$0xA], $0x80, s31, s6, $0xb8;
	[tilespmem:$0x1FF00] =	vst v63  }
0x87: {  	_ =	swait.ge @!p0 [sflag:s30], $0x4000  }
0x88: {  	[sflag:s30] =	ssyncset.done @!p0 $0x0  }
0x89: {  	s4 =	sadd.s32 s11, s28;
	[sflag:s30] =	ssyncadd.s32 @!p0 $0xFFFFC000  }
0x8a: {  	[tilespmem:s18], [sflag:$0x3] =	stream.linear.gather [hbm4b:s4+s2], $0x80, $0x38;
	[tilespmem:$0x1FF00] =	vst v63  }
0x8b: {  	s4 =	sadd.s32 s11, s26  }
0x8c: {  	[tilespmem:s19], [sflag:$0x6] =	stream.linear.gather [hbm4b:s4+s2], $0x80, $0x38;
	[tilespmem:$0x1FF00] =	vst v63  }
0x8d: {  	_ =	swait.ge [sflag:s20], $0x80  }
0x8e: {  	[sflag:s20] =	ssyncset.done $0x0  }
0x8f: {  	[sflag:s20] =	ssyncadd.s32 $0xFFFFFF80  }
0x90: {  	_ =	swait.ge [sflag:s21], $0x80  }
0x91: {  	[sflag:s21] =	ssyncset.done $0x0  }
0x92: {  	p0 =	seq.s32 s11, $0x9F0;
	[sflag:s21] =	ssyncadd.s32 $0xFFFFFF80  }
0x93: {  	[tilespmem:s22], [sflag:$0x9] =	stream.indirect.gather [hbm4b:s7+s6], $0x80, s18, s6, $0xb8;
	[tilespmem:$0x1FF00] =	vst v63  }
.Ltmp2:
0x94: {  	_ = 	snop;
	(pc) =	sbr.rel @p0 .LBB2_4-.Ltmp2, $4  }
0x95: {  	_ =	swait.ge [sflag:s25], $0x4000  }
0x96: {  	[sflag:s25] =	ssyncset.done $0x0  }
0x97: {  	[sflag:s25] =	ssyncadd.s32 $0xFFFFC000  }
0x98: {  	[spmem:s1] =	stream.indirect.scatter.add.f32 [tilespmem:s16], [sflag:$0xB], $0x80, s13, s6, $0xb8;
	[tilespmem:$0x1FF00] =	vst v63  }
0x99: {  	_ =	swait.ge [sflag:s9], $0x4000  }
0x9a: {  	s30 =	sshrl.u32 s12, $0x3;
	[sflag:s9] =	ssyncset.done $0x0  }
0x9b: {  	s4 =	sadd.s32 s5, s30;
	[sflag:s9] =	ssyncadd.s32 $0xFFFFC000  }
0x9c: {  	[tilespmem:s2], [sflag:$0x1] =	stream.linear.gather [hbm4b:s4+s2], $0x80, $0x38;
	[tilespmem:$0x1FF00] =	vst v63  }
0x9d: {  	s30 =	sadd.s32 s23, s30  }
0x9e: {  	[tilespmem:s31], [sflag:$0x4] =	stream.linear.gather [hbm4b:s30+s2], $0x80, $0x38;
	[tilespmem:$0x1FF00] =	vst v63  }
0x9f: {  	_ =	swait.ge [sflag:s0], $0x80  }
0xa0: {  	[sflag:s0] =	ssyncset.done $0x0  }
0xa1: {  	[sflag:s0] =	ssyncadd.s32 $0xFFFFFF80  }
0xa2: {  	_ =	swait.ge [sflag:s3], $0x80  }
0xa3: {  	[sflag:s3] =	ssyncset.done $0x0  }
0xa4: {  	[sflag:s3] =	ssyncadd.s32 $0xFFFFFF80  }
0xa5: {  	[tilespmem:s29], [sflag:$0x7] =	stream.indirect.gather [hbm4b:s7+s6], $0x80, s2, s6, $0xb8;
	[tilespmem:$0x1FF00] =	vst v63  }
0xa6: {  	_ =	swait.ge [sflag:s8], $0x4000  }
0xa7: {  	[sflag:s8] =	ssyncset.done $0x0  }
0xa8: {  	[sflag:s8] =	ssyncadd.s32 $0xFFFFC000  }
0xa9: {  	[spmem:s1] =	stream.indirect.scatter.add.f32 [tilespmem:s22], [sflag:$0xC], $0x80, s19, s6, $0xb8;
	[tilespmem:$0x1FF00] =	vst v63  }
0xaa: {  	_ =	swait.ge [sflag:s10], $0x4000  }
0xab: {  	[sflag:s10] =	ssyncset.done $0x0  }
0xac: {  	s30 =	sadd.s32 s11, s24;
	[sflag:s10] =	ssyncadd.s32 $0xFFFFC000  }
0xad: {  	[tilespmem:s6], [sflag:$0x2] =	stream.linear.gather [hbm4b:s30+s2], $0x80, $0x38;
	[tilespmem:$0x1FF00] =	vst v63  }
0xae: {  	s30 =	rddreg [dreg:$0x13]  }
0xaf: {  	s4 =	sadd.s32 s11, s30  }
0xb0: {  	[tilespmem:s13], [sflag:$0x5] =	stream.linear.gather [hbm4b:s4+s2], $0x80, $0x38;
	[tilespmem:$0x1FF00] =	vst v63  }
0xb1: {  	_ =	swait.ge [sflag:s14], $0x80  }
0xb2: {  	[sflag:s14] =	ssyncset.done $0x0  }
.Ltmp3:
0xb3: {  	[sflag:s14] =	ssyncadd.s32 $0xFFFFFF80;
	(pc) =	sbr.rel .LBB2_2-.Ltmp3, $4  }
0xb4: {  	_ =	swait.ge [sflag:s15], $0x80  }
0xb5: {  	[sflag:s15] =	ssyncset.done $0x0  }
0xb6: {  	s12 =	sadd.s32 $0x180, s12;
	s11 =	sadd.s32 $0x30, s11;
	[sflag:s15] =	ssyncadd.s32 $0xFFFFFF80  }
0xb7: {  	[tilespmem:s16], [sflag:$0x8] =	stream.indirect.gather [hbm4b:s7+s6], $0x80, s6, s6, $0xb8;
	[tilespmem:$0x1FF00] =	vst v63  }
.LBB2_5:
0xb8: {  	_ =	sfence.sel $0x180000  }
0xb9: {  	[bflag:$0x0] =	sbarrier.arrive $0xFFFF  }
0xba: {  	_ =	strace $0x9000004D  }
0xbb: {  	s0 =	stileid.u32;
	[bflag:$0x2] =	sbarrier.arrive $0xFFFF  }
0xbc: {  	p0 =	sne.s32 s0, $0x0;
	s0 =	rddreg [dreg:$0x2]  }
0xbd: {  	s0 =	sadd.s32 @!p0 $0x100000, s0  }
0xbe: {  	[sflag:s0] =	ssyncadd.tile.s32 @!p0 $0x1;
	_ =	shalt  }
.Lfunc_end2:
_tile_overlayer_lowered:
.L_overlay_start_2:
0xbf: {  	(tag) =	ssettag $0x2  }
0xc0: {  	s0 =	rddreg [dreg:$0x0];
	s2 =	stileid.u32  }
0xc1: {  	s1 =	rddreg [dreg:$0x1];
	p0 =	sne.s32 s2, $0x0  }
0xc2: {  	s3 =	rddreg [dreg:$0x2];
	[bflag:$0x3] =	sbarrier.arrive $0xFFFF;
	s2 =	simm.s32 @!p0 $0x1C0D  }
0xc3: {  	[timem:s3], [sflag:s2] =	dma.local @!p0 [hbm:s0], s1  }
0xc4: {  	s0 =	simm.s32 @!p0 $0xD  }
0xc5: {  	_ =	swait.ge @!p0 [sflag:s0], s1  }
0xc6: {  	s1 =	ssub.s32 @!p0 $0x0, s1;
	[sflag:s0] =	ssyncset.done @!p0 $0x0  }
0xc7: {  	[sflag:s0] =	ssyncadd.s32 @!p0 s1  }
0xc8: {  	[bflag:$0x3] =	sbarrier.arrive $0xFFFF  }
0xc9: {  	_ =	shalt  }

// kernel: kernel.20.cloned.1.call-start
scs
__scs_entry_jumppad:
0x0: {  	(pc) =	sbr.rel $0x88, $3  }
0x1: {  	(tag) =	ssettag $0x0;
	lr =	simm.s32 $0x1  }
0x2: {  	[smem:$0x3F84] =	sst lr;
	_ =	strace $0xD0000000  }
0x3: {  	_ = 	snop  }
0x4: {  	_ = 	snop  }
0x5: {  	_ = 	snop  }
0x6: {  	_ = 	snop  }
0x7: {  	_ = 	snop  }
__scs_overlays_trampoline_lowered:
0x8: {  	[smem:$0x3F93] =	sst s0  }
0x9: {  	[smem:$0x3F94] =	sst s1  }
0xa: {  	[smem:$0x3F95] =	sst s2  }
0xb: {  	[smem:$0x3F96] =	sst s3  }
0xc: {  	[smem:$0x3F97] =	sst s4  }
0xd: {  	[smem:$0x3F98] =	sst s5  }
0xe: {  	[smem:$0x3F99] =	sst s6  }
0xf: {  	[smem:$0x3F9A] =	sst s7  }
0x10: {  	[smem:$0x3F9B] =	sst s8  }
0x11: {  	[smem:$0x3F9C] =	sst s9;
	s0 =	simm.s32 @!p0 $0x0  }
0x12: {  	s1 =	sld [smem:$0x3F82];
	s0 =	simm.s32 @p0 $0x1  }
0x13: {  	[smem:$0x3F9D] =	sst s0;
	s0 =	simm.s32 @!p1 $0x0  }
0x14: {  	s2 =	sld [smem:$0x3F81];
	s0 =	simm.s32 @p1 $0x1  }
0x15: {  	[smem:$0x3F9E] =	sst s0;
	s0 =	simm.s32 @!p2 $0x0  }
0x16: {  	s3 =	sld [smem:$0x3FDB];
	s0 =	simm.s32 @p2 $0x1  }
0x17: {  	s4 =	simm.s32 $0x1BF5;
	[smem:$0x3FA0] =	sst s0  }
0x18: {  	s0 =	sld [smem:$0x3F83];
	_ =	swait.ge [sflag:s4], $0x0  }
0x19: {  	s7 =	sld [smem:$0x3F84]  }
0x1a: {  	s8 =	sadd.s32 $0xFFFFE003, lr  }
0x1b: {  	s9 =	sadd.s32 $0xFFFFFEF7, lr;
	s5 =	simm.s32 $0xFFFFFFFF;
	p2 =	slt.u32 s8, $0xFFFFF086  }
0x1c: {  	p1 =	slt.u32 s9, $0xF7A;
	s5 =	simm.s32 @!p2 $0x0  }
0x1d: {  	s5 =	simm.s32 @p1 $0x1;
	p0 =	seq.s32 s7, s2  }
0x1e: {  	s7 =	smul.u32 @!p0 $0xF7A, s2;
	p2 =	seq.s32 @!p0 s5, $0x0  }
0x1f: {  	s9 =	smul.u32 $0xF7A, s1;
	s8 =	simm.s32 @!p0 $0x1BF5;
	p2 =	por !p2, p0  }
0x20: {  	[sflag:s8] =	ssyncset.s32 @!p0 $0xFFFFF086;
	s6 =	sadd.s32 @!p0 s3, s7;
	s7 =	simm.s32 @!p0 $0x108  }
0x21: {  	s3 =	sadd.s32 s3, s9;
	s6 =	sadd.s32 @!p0 $0x88, s6;
	s7 =	simm.s32 @p2 $0x1082  }
0x22: {  	[simem:s7], [sflag:s8] =	dma.local @!p0 [hbm:s6], $0xF7A  }
0x23: {  	s9 =	sor.u32 $0xD0000000, s2;
	s6 =	simm.s32 $0x108;
	_ =	swait.ge @!p0 [sflag:s8], $0x0  }
0x24: {  	s3 =	sadd.s32 $0x88, s3;
	s6 =	simm.s32 @!p1 $0x1082;
	[sflag:s4] =	ssyncset.s32 $0xFFFFF086  }
0x25: {  	[simem:s6], [sflag:s4] =	dma.local [hbm:s3], $0xF7A  }
0x26: {  	[smem:$0x3F84] =	sst s1;
	(tag) =	ssettag s2;
	_ =	strace s9  }
0x27: {  	s1 =	sld [smem:$0x3F94]  }
0x28: {  	s2 =	sld [smem:$0x3F95]  }
0x29: {  	s4 =	sld [smem:$0x3F97]  }
0x2a: {  	p0 =	seq.s32 s5, $0x0;
	s5 =	sld [smem:$0x3F98]  }
0x2b: {  	s6 =	sld [smem:$0x3F99]  }
0x2c: {  	s7 =	sld [smem:$0x3F9A]  }
0x2d: {  	s3 =	simm.s32 $0x108;
	s8 =	sld [smem:$0x3F9B]  }
0x2e: {  	s3 =	simm.s32 @!p0 $0x1082;
	s9 =	sld [smem:$0x3F9C]  }
0x2f: {  	lr =	sadd.s32 s0, s3;
	s0 =	sld [smem:$0x3F93]  }
0x30: {  	s3 =	sld [smem:$0x3F96]  }
0x31: {  	[smem:$0x3F9F] =	sst s10  }
0x32: {  	s10 =	sld [smem:$0x3F9D];
	_ =	sdelay $0x3  }
0x33: {  	p0 =	seq.s32 s10, $0x1;
	s10 =	sld [smem:$0x3F9F];
	_ =	sdelay $0x3  }
0x34: {  	[smem:$0x3F9F] =	sst s10  }
0x35: {  	s10 =	sld [smem:$0x3F9E];
	_ =	sdelay $0x3  }
0x36: {  	p1 =	seq.s32 s10, $0x1;
	s10 =	sld [smem:$0x3F9F];
	_ =	sdelay $0x3  }
0x37: {  	[smem:$0x3F9F] =	sst s10  }
0x38: {  	s10 =	sld [smem:$0x3FA0]  }
0x39: {  	_ = 	snop;
	(pc) =	sbr.ind lr, $3  }
0x3a: {  	_ = 	snop  }
0x3b: {  	_ = 	snop  }
0x3c: {  	p2 =	seq.s32 s10, $0x1;
	s10 =	sld [smem:$0x3F9F]  }
0x3d: {  	_ =	shalt  }
0x3e: {  	_ =	shalt  }
0x3f: {  	_ =	shalt  }
0x40: {  	_ =	shalt  }
0x41: {  	_ =	shalt  }
0x42: {  	_ =	shalt  }
0x43: {  	_ =	shalt  }
0x44: {  	_ =	shalt  }
0x45: {  	_ =	shalt  }
0x46: {  	_ =	shalt  }
0x47: {  	_ =	shalt  }
0x48: {  	_ =	shalt  }
0x49: {  	_ =	shalt  }
0x4a: {  	_ =	shalt  }
0x4b: {  	_ =	shalt  }
0x4c: {  	_ =	shalt  }
0x4d: {  	_ =	shalt  }
0x4e: {  	_ =	shalt  }
0x4f: {  	_ =	shalt  }
0x50: {  	_ =	shalt  }
0x51: {  	_ =	shalt  }
0x52: {  	_ =	shalt  }
0x53: {  	_ =	shalt  }
0x54: {  	_ =	shalt  }
0x55: {  	_ =	shalt  }
0x56: {  	_ =	shalt  }
0x57: {  	_ =	shalt  }
0x58: {  	_ =	shalt  }
0x59: {  	_ =	shalt  }
0x5a: {  	_ =	shalt  }
0x5b: {  	_ =	shalt  }
0x5c: {  	_ =	shalt  }
0x5d: {  	_ =	shalt  }
0x5e: {  	_ =	shalt  }
0x5f: {  	_ =	shalt  }
0x60: {  	_ =	shalt  }
0x61: {  	_ =	shalt  }
0x62: {  	_ =	shalt  }
0x63: {  	_ =	shalt  }
0x64: {  	_ =	shalt  }
0x65: {  	_ =	shalt  }
0x66: {  	_ =	shalt  }
0x67: {  	_ =	shalt  }
0x68: {  	_ =	shalt  }
0x69: {  	_ =	shalt  }
0x6a: {  	_ =	shalt  }
0x6b: {  	_ =	shalt  }
0x6c: {  	_ =	shalt  }
0x6d: {  	_ =	shalt  }
0x6e: {  	_ =	shalt  }
0x6f: {  	_ =	shalt  }
0x70: {  	_ =	shalt  }
0x71: {  	_ =	shalt  }
0x72: {  	_ =	shalt  }
0x73: {  	_ =	shalt  }
0x74: {  	_ =	shalt  }
0x75: {  	_ =	shalt  }
0x76: {  	_ =	shalt  }
0x77: {  	_ =	shalt  }
0x78: {  	_ =	shalt  }
0x79: {  	_ =	shalt  }
0x7a: {  	_ =	shalt  }
0x7b: {  	_ =	shalt  }
0x7c: {  	_ =	shalt  }
0x7d: {  	_ =	shalt  }
0x7e: {  	_ =	shalt  }
0x7f: {  	_ =	shalt  }
0x80: {  	_ =	shalt  }
0x81: {  	_ =	shalt  }
0x82: {  	_ =	shalt  }
0x83: {  	_ =	shalt  }
0x84: {  	_ =	shalt  }
0x85: {  	_ =	shalt  }
0x86: {  	_ =	shalt  }
0x87: {  	_ =	shalt  }
.Lfunc_end0:
.L_simem_size_0:
called_computation.3_lowered:
.L_overlay_start_0:
0x88: {  	s2 =	sld [smem:$0x3FD9]  }
0x89: {  	s3 =	sld [smem:$0x3FFE];
	_ =	sdelay $0x1  }
0x8a: {  	s1 =	srdreg.scid  }
0x8b: {  	s0 =	sand.u32 $0x1, s1  }
0x8c: {  	s16 =	sshll.u32 s0, $0xA;
	s2 =	sadd.s32 s3, s2  }
0x8d: {  	s2 =	sadd.s32 s2, s16  }
0x8e: {  	[smem:$0x3FAB] =	sst s2  }
0x8f: {  	_ = 	snop  }
0x90: {  	(tm) =	ssettm $0x1  }
0x91: {  	s17 =	sld [smem:$0x3FFB];
	_ =	sdelay $0x3  }
0x92: {  	_ =	strace s17  }
0x93: {  	s2 =	sld [smem:$0x3FFC];
	_ =	sdelay $0x3  }
0x94: {  	_ =	strace s2  }
0x95: {  	s2 =	sld [smem:$0x3FFD];
	_ =	sdelay $0x3  }
0x96: {  	_ =	strace s2  }
0x97: {  	_ =	strace $0x8FFFFFFF  }
0x98: {  	s18 =	sld [smem:$0x3FDB];
	_ =	sdelay $0x1  }
0x99: {  	s19 =	simm.s32 $_scs_section_size  }
0x9a: {  	s4 =	simm.s32 $_size__tile_overlayer_lowered;
	s5 =	simm.s32 $_tile_overlayer_lowered  }
0x9b: {  	s22 =	simm.s32 $0x1BFF;
	s21 =	sshll.u32 s5, $0x1;
	s2 =	sadd.s32 s19, s18  }
0x9c: {  	s6 =	simm.s32 $0x0;
	s20 =	sshll.u32 s4, $0x1;
	s4 =	sadd.s32 s21, s2  }
0x9d: {  	[timem:s6], [sflag:s22] =	dma.local [hbm:s4], s20  }
0x9e: {  	_ =	swait.ge [sflag:s22], s20  }
0x9f: {  	s3 =	ssub.s32 $0x0, s20;
	[sflag:s22] =	ssyncset.done $0x0  }
0xa0: {  	[sflag:s22] =	ssyncadd.s32 s3;
	_ =	sdelay $0x1  }
0xa1: {  	s23 =	simm.s32 $0x1B8B  }
0xa2: {  	_ =	swait.ge [sflag:s23], $0x1  }
0xa3: {  	[sflag:s23] =	ssyncset.done $0x0  }
0xa4: {  	s25 =	simm.s32 $0x1B8E;
	s24 =	sld [smem:$0x3FFE];
	[sflag:s23] =	ssyncadd.s32 $0xFFFFFFFF  }
0xa5: {  	s26 =	simm.s32 $execute0_lowered;
	[smem:$0x3FD2] =	sst s25  }
0xa6: {  	s4 =	sshll.u32 s26, $0x1;
	_ =	strace $0x8000004F;
	[dreg:$0x1] =	wrdreg $0xFFFFFFFF  }
0xa7: {  	s28 =	simm.s32 $_size_execute0_lowered;
	s2 =	sadd.s32 s2, s4;
	[dreg:$0x0] =	wrdreg $0x0  }
0xa8: {  	s4 =	sshll.u32 s28, $0x1;
	[dreg:$0x2] =	wrdreg s2  }
0xa9: {  	[dreg:$0x3] =	wrdreg s4  }
0xaa: {  	[dreg:$0x4] =	wrdreg $0xC0  }
0xab: {  	_ =	task [dreg:s6], $0x5FFFF  }
0xac: {  	[dreg:$0x1] =	wrdreg $0xFFFFFFFF  }
0xad: {  	[dreg:$0x0] =	wrdreg $0x60  }
0xae: {  	[dreg:$0x2] =	wrdreg s24  }
0xaf: {  	[dreg:$0x3] =	wrdreg $0xC3000  }
0xb0: {  	[dreg:$0x4] =	wrdreg $0x9  }
0xb1: {  	_ =	task.clear_ibuf [dreg:s6], $0x5FFFF;
	_ =	strace $0x9000004F  }
0xb2: {  	s29 =	simm.s32 $0x9;
	_ =	strace $0x80000051  }
0xb3: {  	_ =	swait.ge [sflag:s29], $0x1  }
0xb4: {  	[sflag:s29] =	ssyncadd.s32 $0xFFFFFFFF  }
0xb5: {  	_ =	strace $0x90000051  }
0xb6: {  	_ =	sfence  }
0xb7: {  	s30 =	sld [smem:$0x0];
	_ =	sdelay $0x2  }
0xb8: {  	s31 =	sshll.u32 s1, $0xD;
	s1 =	sshrl.u32 s1, $0x2  }
0xb9: {  	s3 =	sand.u32 $0x4000, s31;
	s1 =	sadd.s32 s1, s30  }
0xba: {  	s0 =	sor.u32 s3, s0;
	s1 =	sshll.u32 s1, $0x11  }
0xbb: {  	s0 =	sor.u32 s1, s0  }
0xbc: {  	s0 =	sadd.s32 $0x8F2B, s0  }
0xbd: {  	[sflag:s0] =	ssyncadd.remote.s32 $0x1  }
0xbe: {  	_ =	sfence.sel $0xFFFF  }
0xbf: {  	[dreg:$0x0] =	wrdreg $0xFFFFFFFF;
	(pc) =	sbr.abs _section_cstart, $3  }
0xc0: {  	[dreg:$0x1] =	wrdreg $0xFFFFFFFF  }
0xc1: {  	_ =	task.clear_ibuf [dreg:s6], $0x2FFFF;
	_ =	strace $0x9FFFFFFF  }
0xc2: {  	(tm) =	ssettm $0x7FFFFFFF  }
0xc3: {  	_ =	shalt  }
tec
execute0_lowered:
.L_overlay_start_1:
0x0: {  	(tag) =	ssettag $0x1  }
0x1: {  	s0 =	rddreg [dreg:$0x0]  }
0x2: {  	s1 =	rddreg [dreg:$0x1];
	s2 =	simm.s32 $0x0  }
0x3: {  	s3 =	srdreg.scid;
	s4 =	stileid.u32;
	s29 =	simm.s32 $0x300  }
0x4: {  	s31 =	simm.s32 $0x180;
	[smem:$0x7FF] =	sst s2;
	s16 =	sadd.s32 $0x1CA00, s0  }
0x5: {  	s5 =	sadd.s32 $0x8600, s0;
	s3 =	sand.u32 $0x1, s3;
	s6 =	sadd.s32 $0x31600, s0  }
0x6: {  	s8 =	smul.u32 $0x4F000, s4;
	s7 =	sadd.s32 $0x59000, s0;
	s0 =	sadd.s32 $0x80200, s0  }
0x7: {  	s10 =	sshll.u32 s4, $0x1;
	s11 =	smul.u32 $0x13C00, s4;
	_ =	strace $0x80000050  }
0x8: {  	[dreg:$0x3] =	wrdreg s6;
	s20 =	ssub.s32 $0x2, s3;
	s15 =	smul.u32 $0x13C000, s3  }
0x9: {  	s21 =	sor.u32 s3, s10;
	s3 =	smul.u32 $0x5100, s3;
	s9 =	sshrl.u32 s20, $0x1  }
0xa: {  	s8 =	sshrl.u32 s8, $0x2;
	s22 =	sadd.s32 $0x4000, s11;
	s23 =	sadd.s32 $0x8000, s11  }
0xb: {  	s25 =	sadd.s32 $0xC000, s11;
	s26 =	sadd.s32 $0x10000, s11;
	s6 =	ssub.s32 s20, s9  }
0xc: {  	s30 =	sadd.s32 s8, s1;
	s9 =	smul.u32 $0x5100, s21;
	s12 =	sadd.s32 s22, s1  }
0xd: {  	s24 =	sadd.s32 s23, s1;
	s13 =	sadd.s32 s25, s1;
	s14 =	sadd.s32 s26, s1  }
0xe: {  	s20 =	sadd.s32 s11, s15;
	s8 =	sadd.s32 s15, s22;
	[dreg:$0x5] =	wrdreg s12  }
0xf: {  	s10 =	sadd.s32 s15, s23;
	s21 =	sadd.s32 s15, s25;
	[dreg:$0x6] =	wrdreg s24  }
0x10: {  	s22 =	sadd.s32 s15, s26;
	s23 =	smul.u32 $0xA200, s4;
	[dreg:$0x7] =	wrdreg s13  }
0x11: {  	s11 =	simm.s32 $0xD;
	[dreg:$0x8] =	wrdreg s14;
	s8 =	sshrl.u32 s8, $0x3  }
0x12: {  	s26 =	sshrl.u32 s10, $0x3;
	s14 =	sshrl.u32 s21, $0x3;
	s15 =	sshrl.u32 s22, $0x3  }
0x13: {  	s13 =	simm.s32 $0x200;
	s12 =	simm.s32 $0x0;
	[dreg:$0x4] =	wrdreg s30  }
0x14: {  	s9 =	sshrl.u32 s9, $0x3;
	s8 =	sadd.s32 s0, s8;
	s10 =	sadd.s32 s0, s26  }
0x15: {  	s3 =	sadd.s32 s3, s23;
	s17 =	sor.u32 $0x10, s9;
	[dreg:$0xe] =	wrdreg s8  }
0x16: {  	s18 =	sadd.s32 s16, s9;
	s9 =	sadd.s32 s5, s9;
	[dreg:$0xf] =	wrdreg s10  }
0x17: {  	s22 =	sadd.s32 $0x100, s3;
	s23 =	sadd.s32 $0x180, s3;
	[dreg:$0x9] =	wrdreg s18  }
0x18: {  	s8 =	simm.s32 $0x9;
	s10 =	simm.s32 $0xB;
	[dreg:$0xa] =	wrdreg s9  }
0x19: {  	s19 =	sadd.s32 s16, s17;
	s24 =	sadd.s32 s5, s17;
	s9 =	sshrl.u32 s20, $0x3  }
0x1a: {  	s17 =	sadd.s32 $0x200, s3;
	s18 =	sadd.s32 s0, s14;
	[dreg:$0x14] =	wrdreg s23  }
0x1b: {  	s20 =	smax.u32 s6, $0x1;
	s23 =	smov.u32 s5;
	[dreg:$0xb] =	wrdreg s19  }
0x1c: {  	s3 =	simm.s32 $0x4;
	s6 =	simm.s32 $0x80;
	[dreg:$0xc] =	wrdreg s24  }
0x1d: {  	s14 =	simm.s32 $0x2;
	s25 =	sadd.s32 s0, s9;
	[dreg:$0x10] =	wrdreg s18  }
0x1e: {  	s0 =	sadd.s32 s0, s15;
	s19 =	sshrl.u32 s17, $0x3;
	[dreg:$0x12] =	wrdreg s20  }
0x1f: {  	s15 =	simm.s32 $0x5;
	s17 =	simm.s32 $0x7;
	s18 =	simm.s32 $0x100  }
0x20: {  	s20 =	simm.s32 $0x3;
	s9 =	simm.s32 $0xA;
	[dreg:$0xd] =	wrdreg s25  }
.Ltmp0:
0x21: {  	[dreg:$0x11] =	wrdreg s0;
	s21 =	sadd.s32 s19, s5;
	(pc) =	sbr.rel .LBB2_1-.Ltmp0, $4  }
0x22: {  	s24 =	sadd.s32 s19, s16;
	s25 =	sshrl.u32 s22, $0x3;
	s0 =	simm.s32 $0x1  }
0x23: {  	s19 =	simm.s32 $0x280;
	s22 =	simm.s32 $0x8300;
	[dreg:$0x13] =	wrdreg s21  }
0x24: {  	s26 =	sadd.s32 s25, s5;
	s5 =	smov.u32 s16;
	s28 =	sadd.s32 s25, s16  }
0x25: {  	s16 =	simm.s32 $0x4300;
	s21 =	simm.s32 $0x6;
	s25 =	simm.s32 $0x8  }
.LBB2_4:
0x26: {  	_ =	swait.ge [sflag:s8], $0x4000  }
0x27: {  	[sflag:s8] =	ssyncset.done $0x0  }
0x28: {  	[sflag:s8] =	ssyncadd.s32 $0xFFFFC000  }
0x29: {  	[spmem:s1] =	stream.indirect.scatter.add.f32 [tilespmem:s22], [sflag:$0xC], $0x80, s19, s6, $0xb8;
	[tilespmem:$0x1FF00] =	vst v63  }
0x2a: {  	_ =	swait.ge [sflag:s9], $0x4000  }
0x2b: {  	[sflag:s9] =	ssyncset.done $0x0  }
0x2c: {  	[sflag:s9] =	ssyncadd.s32 $0xFFFFC000  }
0x2d: {  	_ =	swait.ge [sflag:s10], $0x4000  }
0x2e: {  	[sflag:s10] =	ssyncset.done $0x0  }
0x2f: {  	s4 =	simm.s32 $0xC;
	[sflag:s10] =	ssyncadd.s32 $0xFFFFC000  }
0x30: {  	_ =	swait.ge [sflag:s4], $0x4000  }
0x31: {  	[sflag:s4] =	ssyncset.done $0x0  }
0x32: {  	[sflag:s4] =	ssyncadd.s32 $0xFFFFC000  }
0x33: {  	s11 =	stileid.u32;
	[bflag:$0x0] =	sbarrier.arrive $0xFFFF  }
0x34: {  	s4 =	sshll.u32 s11, $0x6;
	s11 =	rddreg [dreg:$0x4]  }
0x35: {  	s4 =	sor.u32 $0x1C0D, s4;
	s12 =	rddreg [dreg:$0xd];
	s11 =	sshrl.u32 s11, $0x3  }
0x36: {  	[hbm:s12], [sflag:s4] =	dma.local [spmem:s11], $0x800  }
0x37: {  	s12 =	simm.s32 $0xD  }
0x38: {  	_ =	swait.ge [sflag:s12], $0x800  }
0x39: {  	[sflag:s12] =	ssyncset.done $0x0;
	s11 =	rddreg [dreg:$0x5]  }
0x3a: {  	s30 =	rddreg [dreg:$0xe];
	[sflag:s12] =	ssyncadd.s32 $0xFFFFF800;
	s11 =	sshrl.u32 s11, $0x3  }
0x3b: {  	[hbm:s30], [sflag:s4] =	dma.local [spmem:s11], $0x800  }
0x3c: {  	_ =	swait.ge [sflag:s12], $0x800  }
0x3d: {  	[sflag:s12] =	ssyncset.done $0x0;
	s11 =	rddreg [dreg:$0x6]  }
0x3e: {  	s30 =	rddreg [dreg:$0xf];
	[sflag:s12] =	ssyncadd.s32 $0xFFFFF800;
	s11 =	sshrl.u32 s11, $0x3  }
0x3f: {  	[hbm:s30], [sflag:s4] =	dma.local [spmem:s11], $0x800  }
0x40: {  	_ =	swait.ge [sflag:s12], $0x800  }
0x41: {  	[sflag:s12] =	ssyncset.done $0x0;
	s11 =	rddreg [dreg:$0x7]  }
0x42: {  	s30 =	rddreg [dreg:$0x10];
	[sflag:s12] =	ssyncadd.s32 $0xFFFFF800;
	s11 =	sshrl.u32 s11, $0x3  }
0x43: {  	[hbm:s30], [sflag:s4] =	dma.local [spmem:s11], $0x800  }
0x44: {  	_ =	swait.ge [sflag:s12], $0x800  }
0x45: {  	[sflag:s12] =	ssyncset.done $0x0  }
0x46: {  	[sflag:s12] =	ssyncadd.s32 $0xFFFFF800;
	s12 =	rddreg [dreg:$0x8]  }
0x47: {  	s30 =	rddreg [dreg:$0x11];
	s11 =	sshrl.u32 s12, $0x3  }
0x48: {  	[hbm:s30], [sflag:s4] =	dma.local [spmem:s11], $0x780  }
0x49: {  	s11 =	simm.s32 $0xD  }
0x4a: {  	s30 =	rddreg [dreg:$0x4];
	_ =	swait.ge [sflag:s11], $0x780  }
0x4b: {  	s4 =	rddreg [dreg:$0x15]  }
0x4c: {  	s12 =	sadd.s32 $0x1, s4;
	s4 =	rddreg [dreg:$0x12]  }
0x4d: {  	p0 =	sne.s32 s12, s4  }
.Ltmp1:
0x4e: {  	_ = 	snop;
	(pc) =	sbr.rel @!p0 .LBB2_5-.Ltmp1, $3  }
0x4f: {  	_ =	sdelay $0x1  }
0x50: {  	[sflag:s11] =	ssyncset.done $0x0  }
0x51: {  	[sflag:s11] =	ssyncadd.s32 $0xFFFFF880  }
.LBB2_1:
0x52: {  	[dreg:$0x15] =	wrdreg s12  }
0x53: {  	s4 =	rddreg [dreg:$0x3]  }
0x54: {  	[tilespmem:s29], [sflag:$0xD] =	stream.linear.gather [hbm4b:s4+s2], $0x4000, $0x38;
	[tilespmem:$0x1FF00] =	vst v63  }
0x55: {  	_ =	swait.ge [sflag:s11], $0x4000  }
0x56: {  	[sflag:s11] =	ssyncset.done $0x0  }
0x57: {  	[sflag:s11] =	ssyncadd.s32 $0xFFFFC000  }
0x58: {  	[spmem:s30] =	stream.linear.scatter [tilespmem:s29], [sflag:$0xD], $0x4000, $0x38;
	[tilespmem:$0x1FF00] =	vst v63  }
0x59: {  	_ =	swait.ge [sflag:s11], $0x4000  }
0x5a: {  	[sflag:s11] =	ssyncset.done $0x0  }
0x5b: {  	s30 =	rddreg [dreg:$0x5];
	[sflag:s11] =	ssyncadd.s32 $0xFFFFC000  }
0x5c: {  	[spmem:s30] =	stream.linear.scatter [tilespmem:s29], [sflag:$0xD], $0x4000, $0x38;
	[tilespmem:$0x1FF00] =	vst v63  }
0x5d: {  	_ =	swait.ge [sflag:s11], $0x4000  }
0x5e: {  	[sflag:s11] =	ssyncset.done $0x0  }
0x5f: {  	s12 =	rddreg [dreg:$0x6];
	[sflag:s11] =	ssyncadd.s32 $0xFFFFC000  }
0x60: {  	[spmem:s12] =	stream.linear.scatter [tilespmem:s29], [sflag:$0xD], $0x4000, $0x38;
	[tilespmem:$0x1FF00] =	vst v63  }
0x61: {  	_ =	swait.ge [sflag:s11], $0x4000  }
0x62: {  	[sflag:s11] =	ssyncset.done $0x0  }
0x63: {  	s30 =	rddreg [dreg:$0x7];
	[sflag:s11] =	ssyncadd.s32 $0xFFFFC000  }
0x64: {  	[spmem:s30] =	stream.linear.scatter [tilespmem:s29], [sflag:$0xD], $0x4000, $0x38;
	[tilespmem:$0x1FF00] =	vst v63  }
0x65: {  	_ =	swait.ge [sflag:s11], $0x4000  }
0x66: {  	[sflag:s11] =	ssyncset.done $0x0  }
0x67: {  	s12 =	rddreg [dreg:$0x8];
	[sflag:s11] =	ssyncadd.s32 $0xFFFFC000  }
0x68: {  	[spmem:s12] =	stream.linear.scatter [tilespmem:s29], [sflag:$0xD], $0x3C00, $0x38;
	[tilespmem:$0x1FF00] =	vst v63  }
0x69: {  	_ =	swait.ge [sflag:s11], $0x3C00  }
0x6a: {  	[sflag:s11] =	ssyncset.done $0x0  }
0x6b: {  	[sflag:s11] =	ssyncadd.s32 $0xFFFFC400  }
0x6c: {  	[bflag:$0x0] =	sbarrier.arrive $0xFFFF  }
0x6d: {  	s30 =	rddreg [dreg:$0x9]  }
0x6e: {  	[tilespmem:s2], [sflag:$0x1] =	stream.linear.gather [hbm4b:s30+s2], $0x80, $0x38;
	[tilespmem:$0x1FF00] =	vst v63  }
0x6f: {  	s11 =	rddreg [dreg:$0xa]  }
0x70: {  	[tilespmem:s31], [sflag:$0x4] =	stream.linear.gather [hbm4b:s11+s2], $0x80, $0x38;
	[tilespmem:$0x1FF00] =	vst v63  }
0x71: {  	_ =	swait.ge [sflag:s0], $0x80  }
0x72: {  	[sflag:s0] =	ssyncset.done $0x0  }
0x73: {  	[sflag:s0] =	ssyncadd.s32 $0xFFFFFF80  }
0x74: {  	_ =	swait.ge [sflag:s3], $0x80  }
0x75: {  	[sflag:s3] =	ssyncset.done $0x0  }
0x76: {  	[sflag:s3] =	ssyncadd.s32 $0xFFFFFF80  }
0x77: {  	[tilespmem:s29], [sflag:$0x7] =	stream.indirect.gather [hbm4b:s7+s6], $0x80, s2, s6, $0xb8;
	[tilespmem:$0x1FF00] =	vst v63  }
0x78: {  	s12 =	rddreg [dreg:$0xb]  }
0x79: {  	[tilespmem:s6], [sflag:$0x2] =	stream.linear.gather [hbm4b:s12+s2], $0x80, $0x38;
	[tilespmem:$0x1FF00] =	vst v63  }
0x7a: {  	s30 =	rddreg [dreg:$0xc]  }
0x7b: {  	[tilespmem:s13], [sflag:$0x5] =	stream.linear.gather [hbm4b:s30+s2], $0x80, $0x38;
	[tilespmem:$0x1FF00] =	vst v63  }
0x7c: {  	_ =	swait.ge [sflag:s14], $0x80  }
0x7d: {  	[sflag:s14] =	ssyncset.done $0x0  }
0x7e: {  	[sflag:s14] =	ssyncadd.s32 $0xFFFFFF80  }
0x7f: {  	_ =	swait.ge [sflag:s15], $0x80  }
0x80: {  	[sflag:s15] =	ssyncset.done $0x0  }
0x81: {  	s11 =	simm.s32 $0x0;
	s12 =	rddreg [dreg:$0x14];
	[sflag:s15] =	ssyncadd.s32 $0xFFFFFF80  }
0x82: {  	[tilespmem:s16], [sflag:$0x8] =	stream.indirect.gather [hbm4b:s7+s6], $0x80, s6, s6, $0xb8;
	[tilespmem:$0x1FF00] =	vst v63  }
.LBB2_2:
0x83: {  	_ =	swait.ge [sflag:s17], $0x4000  }
0x84: {  	p0 =	seq.s32 s11, $0x0;
	[sflag:s17] =	ssyncset.done $0x0  }
0x85: {  	s30 =	simm.s32 @!p0 $0xC;
	[sflag:s17] =	ssyncadd.s32 $0xFFFFC000  }
0x86: {  	[spmem:s1] =	stream.indirect.scatter.add.f32 [tilespmem:s29], [sflag:$0xA], $0x80, s31, s6, $0xb8;
	[tilespmem:$0x1FF00] =	vst v63  }
0x87: {  	_ =	swait.ge @!p0 [sflag:s30], $0x4000  }
0x88: {  	[sflag:s30] =	ssyncset.done @!p0 $0x0  }
0x89: {  	s4 =	sadd.s32 s11, s28;
	[sflag:s30] =	ssyncadd.s32 @!p0 $0xFFFFC000  }
0x8a: {  	[tilespmem:s18], [sflag:$0x3] =	stream.linear.gather [hbm4b:s4+s2], $0x80, $0x38;
	[tilespmem:$0x1FF00] =	vst v63  }
0x8b: {  	s4 =	sadd.s32 s11, s26  }
0x8c: {  	[tilespmem:s19], [sflag:$0x6] =	stream.linear.gather [hbm4b:s4+s2], $0x80, $0x38;
	[tilespmem:$0x1FF00] =	vst v63  }
0x8d: {  	_ =	swait.ge [sflag:s20], $0x80  }
0x8e: {  	[sflag:s20] =	ssyncset.done $0x0  }
0x8f: {  	[sflag:s20] =	ssyncadd.s32 $0xFFFFFF80  }
0x90: {  	_ =	swait.ge [sflag:s21], $0x80  }
0x91: {  	[sflag:s21] =	ssyncset.done $0x0  }
0x92: {  	p0 =	seq.s32 s11, $0x9F0;
	[sflag:s21] =	ssyncadd.s32 $0xFFFFFF80  }
0x93: {  	[tilespmem:s22], [sflag:$0x9] =	stream.indirect.gather [hbm4b:s7+s6], $0x80, s18, s6, $0xb8;
	[tilespmem:$0x1FF00] =	vst v63  }
.Ltmp2:
0x94: {  	_ = 	snop;
	(pc) =	sbr.rel @p0 .LBB2_4-.Ltmp2, $4  }
0x95: {  	_ =	swait.ge [sflag:s25], $0x4000  }
0x96: {  	[sflag:s25] =	ssyncset.done $0x0  }
0x97: {  	[sflag:s25] =	ssyncadd.s32 $0xFFFFC000  }
0x98: {  	[spmem:s1] =	stream.indirect.scatter.add.f32 [tilespmem:s16], [sflag:$0xB], $0x80, s13, s6, $0xb8;
	[tilespmem:$0x1FF00] =	vst v63  }
0x99: {  	_ =	swait.ge [sflag:s9], $0x4000  }
0x9a: {  	s30 =	sshrl.u32 s12, $0x3;
	[sflag:s9] =	ssyncset.done $0x0  }
0x9b: {  	s4 =	sadd.s32 s5, s30;
	[sflag:s9] =	ssyncadd.s32 $0xFFFFC000  }
0x9c: {  	[tilespmem:s2], [sflag:$0x1] =	stream.linear.gather [hbm4b:s4+s2], $0x80, $0x38;
	[tilespmem:$0x1FF00] =	vst v63  }
0x9d: {  	s30 =	sadd.s32 s23, s30  }
0x9e: {  	[tilespmem:s31], [sflag:$0x4] =	stream.linear.gather [hbm4b:s30+s2], $0x80, $0x38;
	[tilespmem:$0x1FF00] =	vst v63  }
0x9f: {  	_ =	swait.ge [sflag:s0], $0x80  }
0xa0: {  	[sflag:s0] =	ssyncset.done $0x0  }
0xa1: {  	[sflag:s0] =	ssyncadd.s32 $0xFFFFFF80  }
0xa2: {  	_ =	swait.ge [sflag:s3], $0x80  }
0xa3: {  	[sflag:s3] =	ssyncset.done $0x0  }
0xa4: {  	[sflag:s3] =	ssyncadd.s32 $0xFFFFFF80  }
0xa5: {  	[tilespmem:s29], [sflag:$0x7] =	stream.indirect.gather [hbm4b:s7+s6], $0x80, s2, s6, $0xb8;
	[tilespmem:$0x1FF00] =	vst v63  }
0xa6: {  	_ =	swait.ge [sflag:s8], $0x4000  }
0xa7: {  	[sflag:s8] =	ssyncset.done $0x0  }
0xa8: {  	[sflag:s8] =	ssyncadd.s32 $0xFFFFC000  }
0xa9: {  	[spmem:s1] =	stream.indirect.scatter.add.f32 [tilespmem:s22], [sflag:$0xC], $0x80, s19, s6, $0xb8;
	[tilespmem:$0x1FF00] =	vst v63  }
0xaa: {  	_ =	swait.ge [sflag:s10], $0x4000  }
0xab: {  	[sflag:s10] =	ssyncset.done $0x0  }
0xac: {  	s30 =	sadd.s32 s11, s24;
	[sflag:s10] =	ssyncadd.s32 $0xFFFFC000  }
0xad: {  	[tilespmem:s6], [sflag:$0x2] =	stream.linear.gather [hbm4b:s30+s2], $0x80, $0x38;
	[tilespmem:$0x1FF00] =	vst v63  }
0xae: {  	s30 =	rddreg [dreg:$0x13]  }
0xaf: {  	s4 =	sadd.s32 s11, s30  }
0xb0: {  	[tilespmem:s13], [sflag:$0x5] =	stream.linear.gather [hbm4b:s4+s2], $0x80, $0x38;
	[tilespmem:$0x1FF00] =	vst v63  }
0xb1: {  	_ =	swait.ge [sflag:s14], $0x80  }
0xb2: {  	[sflag:s14] =	ssyncset.done $0x0  }
.Ltmp3:
0xb3: {  	[sflag:s14] =	ssyncadd.s32 $0xFFFFFF80;
	(pc) =	sbr.rel .LBB2_2-.Ltmp3, $4  }
0xb4: {  	_ =	swait.ge [sflag:s15], $0x80  }
0xb5: {  	[sflag:s15] =	ssyncset.done $0x0  }
0xb6: {  	s12 =	sadd.s32 $0x180, s12;
	s11 =	sadd.s32 $0x30, s11;
	[sflag:s15] =	ssyncadd.s32 $0xFFFFFF80  }
0xb7: {  	[tilespmem:s16], [sflag:$0x8] =	stream.indirect.gather [hbm4b:s7+s6], $0x80, s6, s6, $0xb8;
	[tilespmem:$0x1FF00] =	vst v63  }
.LBB2_5:
0xb8: {  	_ =	sfence.sel $0x180000  }
0xb9: {  	[bflag:$0x0] =	sbarrier.arrive $0xFFFF  }
0xba: {  	_ =	strace $0x90000050  }
0xbb: {  	s0 =	stileid.u32;
	[bflag:$0x2] =	sbarrier.arrive $0xFFFF  }
0xbc: {  	p0 =	sne.s32 s0, $0x0;
	s0 =	rddreg [dreg:$0x2]  }
0xbd: {  	s0 =	sadd.s32 @!p0 $0x100000, s0  }
0xbe: {  	[sflag:s0] =	ssyncadd.tile.s32 @!p0 $0x1;
	_ =	shalt  }
.Lfunc_end2:
_tile_overlayer_lowered:
.L_overlay_start_2:
0xbf: {  	(tag) =	ssettag $0x2  }
0xc0: {  	s0 =	rddreg [dreg:$0x0];
	s2 =	stileid.u32  }
0xc1: {  	s1 =	rddreg [dreg:$0x1];
	p0 =	sne.s32 s2, $0x0  }
0xc2: {  	s3 =	rddreg [dreg:$0x2];
	[bflag:$0x3] =	sbarrier.arrive $0xFFFF;
	s2 =	simm.s32 @!p0 $0x1C0D  }
0xc3: {  	[timem:s3], [sflag:s2] =	dma.local @!p0 [hbm:s0], s1  }
0xc4: {  	s0 =	simm.s32 @!p0 $0xD  }
0xc5: {  	_ =	swait.ge @!p0 [sflag:s0], s1  }
0xc6: {  	s1 =	ssub.s32 @!p0 $0x0, s1;
	[sflag:s0] =	ssyncset.done @!p0 $0x0  }
0xc7: {  	[sflag:s0] =	ssyncadd.s32 @!p0 s1  }
0xc8: {  	[bflag:$0x3] =	sbarrier.arrive $0xFFFF  }
0xc9: {  	_ =	shalt  }

</sc_bundles>
